<compile_context>
chip_gen: v7x
topology: tpu7x:2x2x1
jax: 0.10.2.dev20260603
libtpu: 0.0.44.dev20260713+nightly
codegen_flags: <defaults>
</compile_context>

<pallas_src>
import functools

import jax
import jax.numpy as jnp
from jax import lax
from jax.experimental import pallas as pl
from jax.experimental.pallas import tpu as pltpu
from jax.experimental.pallas import tpu_sc as plsc

N = 10000
E = 320000
EPS = 1e-05

NC = 2
NS = 16
NW = NC * NS
CH = 80

_MESH = plsc.VectorSubcoreMesh(core_axis_name="c", subcore_axis_name="s")



NCHB = (E // NS) // CH


@functools.partial(
    pl.kernel,
    out_type=(
        jax.ShapeDtypeStruct((N,), jnp.int32),
        jax.ShapeDtypeStruct((N,), jnp.int32),
    ),
    mesh=_MESH,
    scratch_types=[
        pltpu.VMEM((NCHB, CH), jnp.int32),
        pltpu.VMEM((CH,), jnp.int32),
        pltpu.VMEM_SHARED((N,), jnp.int32),
        pltpu.SemaphoreType.DMA((2,)),
    ],
)
def _sc_bincount(src_hbm, dst_hbm, zeros_hbm, outs_hbm, outd_hbm,
                 idx2, ones, acc, sem):
    c = lax.axis_index("c")
    s = lax.axis_index("s")

    for j in range(CH // 16):
        ones[pl.ds(j * 16, 16)] = jnp.ones((16,), jnp.int32)

    @pl.when(c == 0)
    def _stage_src():
        pltpu.sync_copy(src_hbm.at[s], idx2)

    @pl.when(c == 1)
    def _stage_dst():
        pltpu.sync_copy(dst_hbm.at[s], idx2)

    @pl.when(s == 0)
    def _init():
        pltpu.sync_copy(zeros_hbm, acc)

    plsc.subcore_barrier()

    for b in range(2):
        pltpu.async_copy(ones, acc.at[idx2.at[b]], sem.at[b], add=True)

    def body(k, carry):
        for b in range(2):
            i = 2 * k + b
            pltpu.make_async_copy(ones, acc.at[idx2.at[i]],
                                  sem.at[b]).wait()

            @pl.when(k < NCHB // 2 - 1)
            def _next():
                pltpu.async_copy(ones, acc.at[idx2.at[i + 2]],
                                 sem.at[b], add=True)
        return carry

    lax.fori_loop(0, NCHB // 2, body, 0)
    plsc.subcore_barrier()

    @pl.when(s == 0)
    def _writeout():
        @pl.when(c == 0)
        def _ws():
            pltpu.sync_copy(acc, outs_hbm)

        @pl.when(c == 1)
        def _wd():
            pltpu.sync_copy(acc, outd_hbm)



NBUF = 5
NCH = (E // NW) // CH
assert NCH % NBUF == 0


def _make_sc_gather(d):
    @functools.partial(
        pl.kernel,
        out_type=jax.ShapeDtypeStruct((E, d), jnp.float32),
        mesh=_MESH,
        scratch_types=[
            pltpu.VMEM((NCH, CH), jnp.int32),
            pltpu.VMEM((NBUF, CH, d), jnp.float32),
            pltpu.SemaphoreType.DMA((NBUF,)),
        ],
    )
    def _gather(x_hbm, idx2_hbm, out_hbm, idx2, rows, sem):
        c = lax.axis_index("c")
        s = lax.axis_index("s")
        wid = s * NC + c
        ew = E // NW

        pltpu.sync_copy(idx2_hbm.at[wid], idx2)
        for b in range(NBUF):
            pltpu.async_copy(x_hbm.at[idx2.at[b]], rows.at[b], sem.at[b])

        def outer(k, carry):
            for b in range(NBUF):
                i = k * NBUF + b
                pltpu.make_async_copy(x_hbm.at[idx2.at[i]], rows.at[b],
                                      sem.at[b]).wait()
                pltpu.sync_copy(rows.at[b],
                                out_hbm.at[pl.ds(wid * ew + i * CH, CH)])

                @pl.when(k < NCH // NBUF - 1)
                def _next():
                    pltpu.async_copy(x_hbm.at[idx2.at[i + NBUF]],
                                     rows.at[b], sem.at[b])
            return carry

        lax.fori_loop(0, NCH // NBUF, outer, 0)

    return _gather


_sc_gather_128 = _make_sc_gather(128)
_sc_gather_256 = _make_sc_gather(256)



def _leaky(x):
    return jnp.where(x >= 0, x, 0.01 * x)


def _graph_norm(x, alpha, gamma, beta):
    mean = jnp.mean(x, axis=0, keepdims=True)
    sub = x - alpha[None, :] * mean
    var = jnp.mean(sub * sub, axis=0, keepdims=True)
    return gamma[None, :] * sub / jnp.sqrt(var + EPS) + beta[None, :]


def kernel(features, edge_index, W1, W2, gn1_alpha, gn1_gamma, gn1_beta,
           gn2_alpha, gn2_gamma, gn2_beta, Wl, bl, Wc):
    src, dst = edge_index[0], edge_index[1]
    zeros_i = jnp.zeros((N,), jnp.int32)

    cnt_src, cnt_dst = _sc_bincount(src.reshape(NS, NCHB, CH),
                                    dst.reshape(NS, NCHB, CH), zeros_i)
    deg_out = jnp.clip(cnt_src, 1, None).astype(jnp.float32)
    deg_in = jnp.clip(cnt_dst, 1, None).astype(jnp.float32)
    dos = (deg_out ** -0.5)[:, None]
    dis = (deg_in ** -0.5)[:, None]

    src2 = src.reshape(NW, NCH, CH)

    h = features * dos
    msg = _sc_gather_128(h, src2)
    agg = jnp.zeros((N, 128), jnp.float32).at[dst].add(msg)
    h = (agg * dis) @ W1
    h = _leaky(h)
    h = _graph_norm(h, gn1_alpha, gn1_gamma, gn1_beta)

    h = h * dos
    msg = _sc_gather_256(h, src2)
    agg = jnp.zeros((N, 256), jnp.float32).at[dst].add(msg)
    h = (agg * dis) @ W2
    h = _leaky(h)
    h = _graph_norm(h, gn2_alpha, gn2_gamma, gn2_beta)

    pooled = jnp.mean(h, axis=0, keepdims=True)
    y = pooled @ Wl.T + bl[None, :]
    y = _leaky(y)
    m = jnp.mean(y, axis=-1, keepdims=True)
    v = jnp.mean((y - m) ** 2, axis=-1, keepdims=True)
    y = (y - m) / jnp.sqrt(v + EPS)
    return y @ Wc.T

# --- scband reference (transcript-rebuilt; emitter-appended) ---
"""Pipeline reference for scband-graph-mesh-reader2-conv-layer-20590073217158 (READ-ONLY COPY).

The authoritative reference and input builder live on the scoring server;
editing this copy changes nothing except your own understanding.
"""

import jax, jax.numpy as jnp
import numpy as np

N, E, D, H, OUT = 10000, 320000, 128, 256, 10
EPS = 1e-05

def leaky_relu(x):
    return jnp.where(x >= 0, x, 0.01 * x)

def graph_conv(x, W, src, dst):
    # DGL GraphConv norm='both', bias=False:
    # h_i = sum_{(j->i) in E} (d_out(j) d_in(i))^{-1/2} x_j, then h @ W
    deg_out = jnp.clip(jnp.bincount(src, length=N), 1, None).astype(x.dtype)
    deg_in = jnp.clip(jnp.bincount(dst, length=N), 1, None).astype(x.dtype)
    h = x * (deg_out ** -0.5)[:, None]
    msg = jnp.take(h, src, axis=0)
    agg = jnp.zeros((N, x.shape[1]), x.dtype).at[dst].add(msg)
    agg = agg * (deg_in ** -0.5)[:, None]
    return agg @ W

def graph_norm(x, alpha, gamma, beta):
    # GraphNorm over a single graph: per-channel stats over all nodes
    mean = jnp.mean(x, axis=0, keepdims=True)
    sub = x - alpha[None, :] * mean
    var = jnp.mean(sub * sub, axis=0, keepdims=True)
    return gamma[None, :] * sub / jnp.sqrt(var + EPS) + beta[None, :]

def setup_inputs(seed: int = 0):
    key = jax.random.key(seed)
    ks = jax.random.split(key, 16)
    features = jax.random.normal(ks[0], (N, D), dtype=jnp.float32)
    edge_index = jax.random.randint(ks[1], (2, E), 0, N, dtype=jnp.int32)
    # conv weights (kaiming-ish scale)
    W1 = jax.random.normal(ks[2], (D, H), dtype=jnp.float32) * (2.0 / D) ** 0.5
    W2 = jax.random.normal(ks[3], (H, H // 2), dtype=jnp.float32) * (2.0 / H) ** 0.5
    gn1_alpha = jnp.ones((H,), jnp.float32)
    gn1_gamma = jnp.ones((H,), jnp.float32)
    gn1_beta = jnp.zeros((H,), jnp.float32)
    gn2_alpha = jnp.ones((H // 2,), jnp.float32)
    gn2_gamma = jnp.ones((H // 2,), jnp.float32)
    gn2_beta = jnp.zeros((H // 2,), jnp.float32)
    Wl = jax.random.normal(ks[4], (H // 4, H // 2), dtype=jnp.float32) * (1.0 / (H // 2)) ** 0.5
    bl = jnp.zeros((H // 4,), jnp.float32)
    Wc = jax.random.normal(ks[5], (OUT, H // 4), dtype=jnp.float32) * (1.0 / (H // 4)) ** 0.5
    return {"features": features, "edge_index": edge_index, "W1": W1, "W2": W2,
            "gn1_alpha": gn1_alpha, "gn1_gamma": gn1_gamma, "gn1_beta": gn1_beta,
            "gn2_alpha": gn2_alpha, "gn2_gamma": gn2_gamma, "gn2_beta": gn2_beta,
            "Wl": Wl, "bl": bl, "Wc": Wc}

def reference(features, edge_index, W1, W2, gn1_alpha, gn1_gamma, gn1_beta,
              gn2_alpha, gn2_gamma, gn2_beta, Wl, bl, Wc):
    src, dst = edge_index[0], edge_index[1]
    h = graph_conv(features, W1, src, dst)
    h = leaky_relu(h)
    h = graph_norm(h, gn1_alpha, gn1_gamma, gn1_beta)
    h = graph_conv(h, W2, src, dst)
    h = leaky_relu(h)
    h = graph_norm(h, gn2_alpha, gn2_gamma, gn2_beta)
    # dgl.mean_nodes over single graph -> [1, H//2]
    pooled = jnp.mean(h, axis=0, keepdims=True)
    y = pooled @ Wl.T + bl[None, :]
    y = leaky_relu(y)
    # InstanceNorm1d(1), affine=False, eval uses batch stats over L (last dim)
    m = jnp.mean(y, axis=-1, keepdims=True)
    v = jnp.mean((y - m) ** 2, axis=-1, keepdims=True)
    y = (y - m) / jnp.sqrt(v + EPS)
    # dropout is identity in eval mode
    return y @ Wc.T

if __name__ == "__main__":
    import jax
    _d = setup_inputs()
    print(jax.jit(kernel)(*tuple(_d.values())))

</pallas_src>

<mosaic_0001>
#map = affine_map<(d0, d1) -> (0, 0, 0)>
#map1 = affine_map<(d0, d1) -> (0)>
module attributes {stable_mosaic.version = 14 : i64} {
  func.func @_sc_bincount(%arg0: i32, %arg1: i32, %arg2: memref<16x250x80xi32, #tpu.memory_space<hbm>>, %arg3: memref<16x250x80xi32, #tpu.memory_space<hbm>>, %arg4: memref<10000xi32, #tpu.memory_space<hbm>>, %arg5: memref<10000xi32, #tpu.memory_space<hbm>>, %arg6: memref<10000xi32, #tpu.memory_space<hbm>>, %arg7: memref<250x80xi32, #tpu.memory_space<vmem>>, %arg8: memref<80xi32, #tpu.memory_space<vmem>>, %arg9: memref<10000xi32, #tpu.memory_space<vmem_shared>>, %arg10: memref<2x!tpu.dma_semaphore, #tpu.memory_space<semaphore_mem>>) attributes {dimension_semantics = [#tpu.dimension_semantics<core_parallel>, #tpu.dimension_semantics<subcore_parallel>], iteration_bounds = array<i64: 2, 16>, scalar_prefetch = 0 : i64, scratch_operands = 4 : i64, tpu.core_type = #tpu.core_type<sc_vector_subcore>, window_params = [{transform_indices = #map}, {transform_indices = #map}, {transform_indices = #map1}, {transform_indices = #map1}, {transform_indices = #map1}]} {
    %broadcast_in_dim3A = arith.constant 1 : i32
    %broadcast_in_dim3A_0 = vector.broadcast %broadcast_in_dim3A : i32 to vector<16xi32>
    %swap3A = arith.constant 0 : index
    %swap3A_1 = tpu.vector_load %arg8[%swap3A] {strides = array<i32>} : memref<80xi32, #tpu.memory_space<vmem>>, vector<16xi32>,
    %swap3A_2 = vector.shape_cast %swap3A_1 : vector<16xi32> to vector<16xi32>
    %swap3A_3 = vector.shape_cast %broadcast_in_dim3A_0 : vector<16xi32> to vector<16xi32>
    tpu.vector_store %arg8[%swap3A], %swap3A_3 {strides = array<i32>} : memref<80xi32, #tpu.memory_space<vmem>>, vector<16xi32>,
    %broadcast_in_dim3A_4 = arith.constant 1 : i32
    %broadcast_in_dim3A_5 = vector.broadcast %broadcast_in_dim3A_4 : i32 to vector<16xi32>
    %swap3A_6 = arith.constant 16 : index
    %swap3A_7 = tpu.vector_load %arg8[%swap3A_6] {strides = array<i32>} : memref<80xi32, #tpu.memory_space<vmem>>, vector<16xi32>,
    %swap3A_8 = vector.shape_cast %swap3A_7 : vector<16xi32> to vector<16xi32>
    %swap3A_9 = vector.shape_cast %broadcast_in_dim3A_5 : vector<16xi32> to vector<16xi32>
    tpu.vector_store %arg8[%swap3A_6], %swap3A_9 {strides = array<i32>} : memref<80xi32, #tpu.memory_space<vmem>>, vector<16xi32>,
    %broadcast_in_dim3A_10 = arith.constant 1 : i32
    %broadcast_in_dim3A_11 = vector.broadcast %broadcast_in_dim3A_10 : i32 to vector<16xi32>
    %swap3A_12 = arith.constant 32 : index
    %swap3A_13 = tpu.vector_load %arg8[%swap3A_12] {strides = array<i32>} : memref<80xi32, #tpu.memory_space<vmem>>, vector<16xi32>,
    %swap3A_14 = vector.shape_cast %swap3A_13 : vector<16xi32> to vector<16xi32>
    %swap3A_15 = vector.shape_cast %broadcast_in_dim3A_11 : vector<16xi32> to vector<16xi32>
    tpu.vector_store %arg8[%swap3A_12], %swap3A_15 {strides = array<i32>} : memref<80xi32, #tpu.memory_space<vmem>>, vector<16xi32>,
    %broadcast_in_dim3A_16 = arith.constant 1 : i32
    %broadcast_in_dim3A_17 = vector.broadcast %broadcast_in_dim3A_16 : i32 to vector<16xi32>
    %swap3A_18 = arith.constant 48 : index
    %swap3A_19 = tpu.vector_load %arg8[%swap3A_18] {strides = array<i32>} : memref<80xi32, #tpu.memory_space<vmem>>, vector<16xi32>,
    %swap3A_20 = vector.shape_cast %swap3A_19 : vector<16xi32> to vector<16xi32>
    %swap3A_21 = vector.shape_cast %broadcast_in_dim3A_17 : vector<16xi32> to vector<16xi32>
    tpu.vector_store %arg8[%swap3A_18], %swap3A_21 {strides = array<i32>} : memref<80xi32, #tpu.memory_space<vmem>>, vector<16xi32>,
    %broadcast_in_dim3A_22 = arith.constant 1 : i32
    %broadcast_in_dim3A_23 = vector.broadcast %broadcast_in_dim3A_22 : i32 to vector<16xi32>
    %swap3A_24 = arith.constant 64 : index
    %swap3A_25 = tpu.vector_load %arg8[%swap3A_24] {strides = array<i32>} : memref<80xi32, #tpu.memory_space<vmem>>, vector<16xi32>,
    %swap3A_26 = vector.shape_cast %swap3A_25 : vector<16xi32> to vector<16xi32>
    %swap3A_27 = vector.shape_cast %broadcast_in_dim3A_23 : vector<16xi32> to vector<16xi32>
    tpu.vector_store %arg8[%swap3A_24], %swap3A_27 {strides = array<i32>} : memref<80xi32, #tpu.memory_space<vmem>>, vector<16xi32>,
    %eq3A = arith.constant 0 : i32
    %eq3A_28 = arith.cmpi eq, %arg0, %eq3A : i32
    %convert_element_type3A = arith.extui %eq3A_28 : i1 to i32
    %cond3A = arith.constant 0 : i32
    %cond3A_29 = arith.cmpi ne, %convert_element_type3A, %cond3A : i32
    scf.if %cond3A_29 {
      "tpu.region"() ({
        %run_scoped3A = tpu.sem_alloc : memref<!tpu.dma_semaphore, #tpu.memory_space<semaphore_mem>>
        %dma_start3A_68 = arith.constant 0 : i32
        %dma_start3A_69 = arith.constant 0 : i32
        %dma_start3A_70 = tpu.memref_slice %arg2[%arg1, %dma_start3A_68, %dma_start3A_69] : memref<16x250x80xi32, #tpu.memory_space<hbm>> -> memref<1x250x80xi32, #tpu.memory_space<hbm>>
        %dma_start3A_71 = tpu.memref_squeeze %dma_start3A_70 : memref<1x250x80xi32, #tpu.memory_space<hbm>> -> memref<250x80xi32, #tpu.memory_space<hbm>>
        %dma_start3A_72 = arith.constant 0 : i32
        %dma_start3A_73 = arith.constant 0 : i32
        %dma_start3A_74 = tpu.memref_slice %arg2[%arg1, %dma_start3A_72, %dma_start3A_73] : memref<16x250x80xi32, #tpu.memory_space<hbm>> -> memref<1x250x80xi32, #tpu.memory_space<hbm>>
        %dma_start3A_75 = tpu.memref_squeeze %dma_start3A_74 : memref<1x250x80xi32, #tpu.memory_space<hbm>> -> memref<250x80xi32, #tpu.memory_space<hbm>>
        tpu.enqueue_dma source(%dma_start3A_75 : memref<250x80xi32, #tpu.memory_space<hbm>>) target(%arg7 : memref<250x80xi32, #tpu.memory_space<vmem>>) target_semaphore(%run_scoped3A : memref<!tpu.dma_semaphore, #tpu.memory_space<semaphore_mem>>)
        %dma_wait3A = arith.constant 0 : i32
        %dma_wait3A_76 = arith.constant 0 : i32
        %dma_wait3A_77 = tpu.memref_slice %arg2[%arg1, %dma_wait3A, %dma_wait3A_76] : memref<16x250x80xi32, #tpu.memory_space<hbm>> -> memref<1x250x80xi32, #tpu.memory_space<hbm>>
        %dma_wait3A_78 = tpu.memref_squeeze %dma_wait3A_77 : memref<1x250x80xi32, #tpu.memory_space<hbm>> -> memref<250x80xi32, #tpu.memory_space<hbm>>
        %dma_wait3A_79 = arith.constant 0 : i32
        %dma_wait3A_80 = arith.constant 0 : i32
        %dma_wait3A_81 = tpu.memref_slice %arg2[%arg1, %dma_wait3A_79, %dma_wait3A_80] : memref<16x250x80xi32, #tpu.memory_space<hbm>> -> memref<1x250x80xi32, #tpu.memory_space<hbm>>
        %dma_wait3A_82 = tpu.memref_squeeze %dma_wait3A_81 : memref<1x250x80xi32, #tpu.memory_space<hbm>> -> memref<250x80xi32, #tpu.memory_space<hbm>>
        tpu.wait_dma2 semaphore(%run_scoped3A : memref<!tpu.dma_semaphore, #tpu.memory_space<semaphore_mem>>) src(%dma_wait3A_82 : memref<250x80xi32, #tpu.memory_space<hbm>>) dst(%arg7 : memref<250x80xi32, #tpu.memory_space<vmem>>)
        tpu.yield
      }) : () -> ()
    } else {
    }
    %eq3A_30 = arith.constant 1 : i32
    %eq3A_31 = arith.cmpi eq, %arg0, %eq3A_30 : i32
    %convert_element_type3A_32 = arith.extui %eq3A_31 : i1 to i32
    %cond3A_33 = arith.constant 0 : i32
    %cond3A_34 = arith.cmpi ne, %convert_element_type3A_32, %cond3A_33 : i32
    scf.if %cond3A_34 {
      "tpu.region"() ({
        %run_scoped3A = tpu.sem_alloc : memref<!tpu.dma_semaphore, #tpu.memory_space<semaphore_mem>>
        %dma_start3A_68 = arith.constant 0 : i32
        %dma_start3A_69 = arith.constant 0 : i32
        %dma_start3A_70 = tpu.memref_slice %arg3[%arg1, %dma_start3A_68, %dma_start3A_69] : memref<16x250x80xi32, #tpu.memory_space<hbm>> -> memref<1x250x80xi32, #tpu.memory_space<hbm>>
        %dma_start3A_71 = tpu.memref_squeeze %dma_start3A_70 : memref<1x250x80xi32, #tpu.memory_space<hbm>> -> memref<250x80xi32, #tpu.memory_space<hbm>>
        %dma_start3A_72 = arith.constant 0 : i32
        %dma_start3A_73 = arith.constant 0 : i32
        %dma_start3A_74 = tpu.memref_slice %arg3[%arg1, %dma_start3A_72, %dma_start3A_73] : memref<16x250x80xi32, #tpu.memory_space<hbm>> -> memref<1x250x80xi32, #tpu.memory_space<hbm>>
        %dma_start3A_75 = tpu.memref_squeeze %dma_start3A_74 : memref<1x250x80xi32, #tpu.memory_space<hbm>> -> memref<250x80xi32, #tpu.memory_space<hbm>>
        tpu.enqueue_dma source(%dma_start3A_75 : memref<250x80xi32, #tpu.memory_space<hbm>>) target(%arg7 : memref<250x80xi32, #tpu.memory_space<vmem>>) target_semaphore(%run_scoped3A : memref<!tpu.dma_semaphore, #tpu.memory_space<semaphore_mem>>)
        %dma_wait3A = arith.constant 0 : i32
        %dma_wait3A_76 = arith.constant 0 : i32
        %dma_wait3A_77 = tpu.memref_slice %arg3[%arg1, %dma_wait3A, %dma_wait3A_76] : memref<16x250x80xi32, #tpu.memory_space<hbm>> -> memref<1x250x80xi32, #tpu.memory_space<hbm>>
        %dma_wait3A_78 = tpu.memref_squeeze %dma_wait3A_77 : memref<1x250x80xi32, #tpu.memory_space<hbm>> -> memref<250x80xi32, #tpu.memory_space<hbm>>
        %dma_wait3A_79 = arith.constant 0 : i32
        %dma_wait3A_80 = arith.constant 0 : i32
        %dma_wait3A_81 = tpu.memref_slice %arg3[%arg1, %dma_wait3A_79, %dma_wait3A_80] : memref<16x250x80xi32, #tpu.memory_space<hbm>> -> memref<1x250x80xi32, #tpu.memory_space<hbm>>
        %dma_wait3A_82 = tpu.memref_squeeze %dma_wait3A_81 : memref<1x250x80xi32, #tpu.memory_space<hbm>> -> memref<250x80xi32, #tpu.memory_space<hbm>>
        tpu.wait_dma2 semaphore(%run_scoped3A : memref<!tpu.dma_semaphore, #tpu.memory_space<semaphore_mem>>) src(%dma_wait3A_82 : memref<250x80xi32, #tpu.memory_space<hbm>>) dst(%arg7 : memref<250x80xi32, #tpu.memory_space<vmem>>)
        tpu.yield
      }) : () -> ()
    } else {
    }
    %eq3A_35 = arith.constant 0 : i32
    %eq3A_36 = arith.cmpi eq, %arg1, %eq3A_35 : i32
    %convert_element_type3A_37 = arith.extui %eq3A_36 : i1 to i32
    %cond3A_38 = arith.constant 0 : i32
    %cond3A_39 = arith.cmpi ne, %convert_element_type3A_37, %cond3A_38 : i32
    scf.if %cond3A_39 {
      "tpu.region"() ({
        %run_scoped3A = tpu.sem_alloc : memref<!tpu.dma_semaphore, #tpu.memory_space<semaphore_mem>>
        tpu.enqueue_dma source(%arg4 : memref<10000xi32, #tpu.memory_space<hbm>>) target(%arg9 : memref<10000xi32, #tpu.memory_space<vmem_shared>>) target_semaphore(%run_scoped3A : memref<!tpu.dma_semaphore, #tpu.memory_space<semaphore_mem>>)
        tpu.wait_dma2 semaphore(%run_scoped3A : memref<!tpu.dma_semaphore, #tpu.memory_space<semaphore_mem>>) src(%arg4 : memref<10000xi32, #tpu.memory_space<hbm>>) dst(%arg9 : memref<10000xi32, #tpu.memory_space<vmem_shared>>)
        tpu.yield
      }) : () -> ()
    } else {
    }
    %barrier3A = arith.constant 0 : index
    tpu.barrier barrier_id(%barrier3A)
    %dma_start3A = arith.constant 0 : i32
    %dma_start3A_40 = arith.constant 0 : i32
    %dma_start3A_41 = arith.constant 0 : i32
    %dma_start3A_42 = tpu.memref_slice %arg7[%dma_start3A, %dma_start3A_41] : memref<250x80xi32, #tpu.memory_space<vmem>> -> memref<1x80xi32, #tpu.memory_space<vmem>>
    %dma_start3A_43 = tpu.memref_squeeze %dma_start3A_42 : memref<1x80xi32, #tpu.memory_space<vmem>> -> memref<80xi32, #tpu.memory_space<vmem>>
    %dma_start3A_44 = arith.constant 0 : i32
    %dma_start3A_45 = tpu.memref_slice %arg9[%dma_start3A_44] : memref<10000xi32, #tpu.memory_space<vmem_shared>> -> memref<10000xi32, #tpu.memory_space<vmem_shared>>
    %dma_start3A_46 = tpu.memref_slice %arg10[%dma_start3A_40] : memref<2x!tpu.dma_semaphore, #tpu.memory_space<semaphore_mem>> -> memref<1x!tpu.dma_semaphore, #tpu.memory_space<semaphore_mem>>
    %dma_start3A_47 = tpu.memref_squeeze %dma_start3A_46 : memref<1x!tpu.dma_semaphore, #tpu.memory_space<semaphore_mem>> -> memref<!tpu.dma_semaphore, #tpu.memory_space<semaphore_mem>>
    tpu.enqueue_indirect_dma source(%arg8 : memref<80xi32, #tpu.memory_space<vmem>>) target(%dma_start3A_45 : memref<10000xi32, #tpu.memory_space<vmem_shared>>) offsets(%dma_start3A_43 : memref<80xi32, #tpu.memory_space<vmem>>) semaphore(%dma_start3A_47 : memref<!tpu.dma_semaphore, #tpu.memory_space<semaphore_mem>>) {add = true}
    %dma_start3A_48 = arith.constant 1 : i32
    %dma_start3A_49 = arith.constant 1 : i32
    %dma_start3A_50 = arith.constant 0 : i32
    %dma_start3A_51 = tpu.memref_slice %arg7[%dma_start3A_48, %dma_start3A_50] : memref<250x80xi32, #tpu.memory_space<vmem>> -> memref<1x80xi32, #tpu.memory_space<vmem>>
    %dma_start3A_52 = tpu.memref_squeeze %dma_start3A_51 : memref<1x80xi32, #tpu.memory_space<vmem>> -> memref<80xi32, #tpu.memory_space<vmem>>
    %dma_start3A_53 = arith.constant 0 : i32
    %dma_start3A_54 = tpu.memref_slice %arg9[%dma_start3A_53] : memref<10000xi32, #tpu.memory_space<vmem_shared>> -> memref<10000xi32, #tpu.memory_space<vmem_shared>>
    %dma_start3A_55 = tpu.memref_slice %arg10[%dma_start3A_49] : memref<2x!tpu.dma_semaphore, #tpu.memory_space<semaphore_mem>> -> memref<1x!tpu.dma_semaphore, #tpu.memory_space<semaphore_mem>>
    %dma_start3A_56 = tpu.memref_squeeze %dma_start3A_55 : memref<1x!tpu.dma_semaphore, #tpu.memory_space<semaphore_mem>> -> memref<!tpu.dma_semaphore, #tpu.memory_space<semaphore_mem>>
    tpu.enqueue_indirect_dma source(%arg8 : memref<80xi32, #tpu.memory_space<vmem>>) target(%dma_start3A_54 : memref<10000xi32, #tpu.memory_space<vmem_shared>>) offsets(%dma_start3A_52 : memref<80xi32, #tpu.memory_space<vmem>>) semaphore(%dma_start3A_56 : memref<!tpu.dma_semaphore, #tpu.memory_space<semaphore_mem>>) {add = true}
    %scan3A = arith.constant 0 : i32
    %scan3A_57 = arith.constant 0 : i32
    %scan3A_58 = arith.constant 125 : i32
    %scan3A_59 = arith.addi %scan3A_57, %scan3A_58 : i32
    %scan3A_60 = arith.constant 1 : i32
    scf.for %scan3A_68 = %scan3A_57 to %scan3A_59 step %scan3A_60  : i32 {
      %mul3A = arith.constant 2 : i32
      %mul3A_69 = arith.muli %mul3A, %scan3A_68 : i32
      %add3A = arith.constant 0 : i32
      %add3A_70 = arith.addi %mul3A_69, %add3A : i32
      %dma_wait3A = arith.constant 0 : i32
      %dma_wait3A_71 = arith.constant 0 : i32
      %dma_wait3A_72 = tpu.memref_slice %arg7[%add3A_70, %dma_wait3A_71] : memref<250x80xi32, #tpu.memory_space<vmem>> -> memref<1x80xi32, #tpu.memory_space<vmem>>
      %dma_wait3A_73 = tpu.memref_squeeze %dma_wait3A_72 : memref<1x80xi32, #tpu.memory_space<vmem>> -> memref<80xi32, #tpu.memory_space<vmem>>
      %dma_wait3A_74 = arith.constant 0 : i32
      %dma_wait3A_75 = tpu.memref_slice %arg9[%dma_wait3A_74] : memref<10000xi32, #tpu.memory_space<vmem_shared>> -> memref<10000xi32, #tpu.memory_space<vmem_shared>>
      %dma_wait3A_76 = tpu.memref_slice %arg10[%dma_wait3A] : memref<2x!tpu.dma_semaphore, #tpu.memory_space<semaphore_mem>> -> memref<1x!tpu.dma_semaphore, #tpu.memory_space<semaphore_mem>>
      %dma_wait3A_77 = tpu.memref_squeeze %dma_wait3A_76 : memref<1x!tpu.dma_semaphore, #tpu.memory_space<semaphore_mem>> -> memref<!tpu.dma_semaphore, #tpu.memory_space<semaphore_mem>>
      tpu.wait_indirect_dma semaphore(%dma_wait3A_77 : memref<!tpu.dma_semaphore, #tpu.memory_space<semaphore_mem>>) src(%arg8 : memref<80xi32, #tpu.memory_space<vmem>>) dst(%dma_wait3A_75 : memref<10000xi32, #tpu.memory_space<vmem_shared>>)
      %lt3A = arith.constant 124 : i32
      %lt3A_78 = arith.cmpi slt, %scan3A_68, %lt3A : i32
      %convert_element_type3A_79 = arith.extui %lt3A_78 : i1 to i32
      %cond3A_80 = arith.constant 0 : i32
      %cond3A_81 = arith.cmpi ne, %convert_element_type3A_79, %cond3A_80 : i32
      scf.if %cond3A_81 {
        %add3A_99 = arith.constant 2 : i32
        %add3A_100 = arith.addi %add3A_70, %add3A_99 : i32
        %dma_start3A_101 = arith.constant 0 : i32
        %dma_start3A_102 = arith.constant 0 : i32
        %dma_start3A_103 = tpu.memref_slice %arg7[%add3A_100, %dma_start3A_102] : memref<250x80xi32, #tpu.memory_space<vmem>> -> memref<1x80xi32, #tpu.memory_space<vmem>>
        %dma_start3A_104 = tpu.memref_squeeze %dma_start3A_103 : memref<1x80xi32, #tpu.memory_space<vmem>> -> memref<80xi32, #tpu.memory_space<vmem>>
        %dma_start3A_105 = arith.constant 0 : i32
        %dma_start3A_106 = tpu.memref_slice %arg9[%dma_start3A_105] : memref<10000xi32, #tpu.memory_space<vmem_shared>> -> memref<10000xi32, #tpu.memory_space<vmem_shared>>
        %dma_start3A_107 = tpu.memref_slice %arg10[%dma_start3A_101] : memref<2x!tpu.dma_semaphore, #tpu.memory_space<semaphore_mem>> -> memref<1x!tpu.dma_semaphore, #tpu.memory_space<semaphore_mem>>
        %dma_start3A_108 = tpu.memref_squeeze %dma_start3A_107 : memref<1x!tpu.dma_semaphore, #tpu.memory_space<semaphore_mem>> -> memref<!tpu.dma_semaphore, #tpu.memory_space<semaphore_mem>>
        tpu.enqueue_indirect_dma source(%arg8 : memref<80xi32, #tpu.memory_space<vmem>>) target(%dma_start3A_106 : memref<10000xi32, #tpu.memory_space<vmem_shared>>) offsets(%dma_start3A_104 : memref<80xi32, #tpu.memory_space<vmem>>) semaphore(%dma_start3A_108 : memref<!tpu.dma_semaphore, #tpu.memory_space<semaphore_mem>>) {add = true}
      } else {
      }
      %mul3A_82 = arith.constant 2 : i32
      %mul3A_83 = arith.muli %mul3A_82, %scan3A_68 : i32
      %add3A_84 = arith.constant 1 : i32
      %add3A_85 = arith.addi %mul3A_83, %add3A_84 : i32
      %dma_wait3A_86 = arith.constant 1 : i32
      %dma_wait3A_87 = arith.constant 0 : i32
      %dma_wait3A_88 = tpu.memref_slice %arg7[%add3A_85, %dma_wait3A_87] : memref<250x80xi32, #tpu.memory_space<vmem>> -> memref<1x80xi32, #tpu.memory_space<vmem>>
      %dma_wait3A_89 = tpu.memref_squeeze %dma_wait3A_88 : memref<1x80xi32, #tpu.memory_space<vmem>> -> memref<80xi32, #tpu.memory_space<vmem>>
      %dma_wait3A_90 = arith.constant 0 : i32
      %dma_wait3A_91 = tpu.memref_slice %arg9[%dma_wait3A_90] : memref<10000xi32, #tpu.memory_space<vmem_shared>> -> memref<10000xi32, #tpu.memory_space<vmem_shared>>
      %dma_wait3A_92 = tpu.memref_slice %arg10[%dma_wait3A_86] : memref<2x!tpu.dma_semaphore, #tpu.memory_space<semaphore_mem>> -> memref<1x!tpu.dma_semaphore, #tpu.memory_space<semaphore_mem>>
      %dma_wait3A_93 = tpu.memref_squeeze %dma_wait3A_92 : memref<1x!tpu.dma_semaphore, #tpu.memory_space<semaphore_mem>> -> memref<!tpu.dma_semaphore, #tpu.memory_space<semaphore_mem>>
      tpu.wait_indirect_dma semaphore(%dma_wait3A_93 : memref<!tpu.dma_semaphore, #tpu.memory_space<semaphore_mem>>) src(%arg8 : memref<80xi32, #tpu.memory_space<vmem>>) dst(%dma_wait3A_91 : memref<10000xi32, #tpu.memory_space<vmem_shared>>)
      %lt3A_94 = arith.constant 124 : i32
      %lt3A_95 = arith.cmpi slt, %scan3A_68, %lt3A_94 : i32
      %convert_element_type3A_96 = arith.extui %lt3A_95 : i1 to i32
      %cond3A_97 = arith.constant 0 : i32
      %cond3A_98 = arith.cmpi ne, %convert_element_type3A_96, %cond3A_97 : i32
      scf.if %cond3A_98 {
        %add3A_99 = arith.constant 2 : i32
        %add3A_100 = arith.addi %add3A_85, %add3A_99 : i32
        %dma_start3A_101 = arith.constant 1 : i32
        %dma_start3A_102 = arith.constant 0 : i32
        %dma_start3A_103 = tpu.memref_slice %arg7[%add3A_100, %dma_start3A_102] : memref<250x80xi32, #tpu.memory_space<vmem>> -> memref<1x80xi32, #tpu.memory_space<vmem>>
        %dma_start3A_104 = tpu.memref_squeeze %dma_start3A_103 : memref<1x80xi32, #tpu.memory_space<vmem>> -> memref<80xi32, #tpu.memory_space<vmem>>
        %dma_start3A_105 = arith.constant 0 : i32
        %dma_start3A_106 = tpu.memref_slice %arg9[%dma_start3A_105] : memref<10000xi32, #tpu.memory_space<vmem_shared>> -> memref<10000xi32, #tpu.memory_space<vmem_shared>>
        %dma_start3A_107 = tpu.memref_slice %arg10[%dma_start3A_101] : memref<2x!tpu.dma_semaphore, #tpu.memory_space<semaphore_mem>> -> memref<1x!tpu.dma_semaphore, #tpu.memory_space<semaphore_mem>>
        %dma_start3A_108 = tpu.memref_squeeze %dma_start3A_107 : memref<1x!tpu.dma_semaphore, #tpu.memory_space<semaphore_mem>> -> memref<!tpu.dma_semaphore, #tpu.memory_space<semaphore_mem>>
        tpu.enqueue_indirect_dma source(%arg8 : memref<80xi32, #tpu.memory_space<vmem>>) target(%dma_start3A_106 : memref<10000xi32, #tpu.memory_space<vmem_shared>>) offsets(%dma_start3A_104 : memref<80xi32, #tpu.memory_space<vmem>>) semaphore(%dma_start3A_108 : memref<!tpu.dma_semaphore, #tpu.memory_space<semaphore_mem>>) {add = true}
      } else {
      }
    }
    %scan3A_61 = arith.constant 125 : i32
    %barrier3A_62 = arith.constant 0 : index
    tpu.barrier barrier_id(%barrier3A_62)
    %eq3A_63 = arith.constant 0 : i32
    %eq3A_64 = arith.cmpi eq, %arg1, %eq3A_63 : i32
    %convert_element_type3A_65 = arith.extui %eq3A_64 : i1 to i32
    %cond3A_66 = arith.constant 0 : i32
    %cond3A_67 = arith.cmpi ne, %convert_element_type3A_65, %cond3A_66 : i32
    scf.if %cond3A_67 {
      %eq3A_68 = arith.constant 0 : i32
      %eq3A_69 = arith.cmpi eq, %arg0, %eq3A_68 : i32
      %convert_element_type3A_70 = arith.extui %eq3A_69 : i1 to i32
      %cond3A_71 = arith.constant 0 : i32
      %cond3A_72 = arith.cmpi ne, %convert_element_type3A_70, %cond3A_71 : i32
      scf.if %cond3A_72 {
        "tpu.region"() ({
          %run_scoped3A = tpu.sem_alloc : memref<!tpu.dma_semaphore, #tpu.memory_space<semaphore_mem>>
          tpu.enqueue_dma source(%arg9 : memref<10000xi32, #tpu.memory_space<vmem_shared>>) target(%arg5 : memref<10000xi32, #tpu.memory_space<hbm>>) target_semaphore(%run_scoped3A : memref<!tpu.dma_semaphore, #tpu.memory_space<semaphore_mem>>)
          tpu.wait_dma2 semaphore(%run_scoped3A : memref<!tpu.dma_semaphore, #tpu.memory_space<semaphore_mem>>) src(%arg9 : memref<10000xi32, #tpu.memory_space<vmem_shared>>) dst(%arg5 : memref<10000xi32, #tpu.memory_space<hbm>>)
          tpu.yield
        }) : () -> ()
      } else {
      }
      %eq3A_73 = arith.constant 1 : i32
      %eq3A_74 = arith.cmpi eq, %arg0, %eq3A_73 : i32
      %convert_element_type3A_75 = arith.extui %eq3A_74 : i1 to i32
      %cond3A_76 = arith.constant 0 : i32
      %cond3A_77 = arith.cmpi ne, %convert_element_type3A_75, %cond3A_76 : i32
      scf.if %cond3A_77 {
        "tpu.region"() ({
          %run_scoped3A = tpu.sem_alloc : memref<!tpu.dma_semaphore, #tpu.memory_space<semaphore_mem>>
          tpu.enqueue_dma source(%arg9 : memref<10000xi32, #tpu.memory_space<vmem_shared>>) target(%arg6 : memref<10000xi32, #tpu.memory_space<hbm>>) target_semaphore(%run_scoped3A : memref<!tpu.dma_semaphore, #tpu.memory_space<semaphore_mem>>)
          tpu.wait_dma2 semaphore(%run_scoped3A : memref<!tpu.dma_semaphore, #tpu.memory_space<semaphore_mem>>) src(%arg9 : memref<10000xi32, #tpu.memory_space<vmem_shared>>) dst(%arg6 : memref<10000xi32, #tpu.memory_space<hbm>>)
          tpu.yield
        }) : () -> ()
      } else {
      }
    } else {
    }
    return
  }
}

#map = affine_map<(d0, d1) -> (0, 0)>
#map1 = affine_map<(d0, d1) -> (0, 0, 0)>
module attributes {stable_mosaic.version = 14 : i64} {
  func.func @_gather(%arg0: i32, %arg1: i32, %arg2: memref<10000x128xf32, #tpu.memory_space<hbm>>, %arg3: memref<32x125x80xi32, #tpu.memory_space<hbm>>, %arg4: memref<320000x128xf32, #tpu.memory_space<hbm>>, %arg5: memref<125x80xi32, #tpu.memory_space<vmem>>, %arg6: memref<5x80x128xf32, #tpu.memory_space<vmem>>, %arg7: memref<5x!tpu.dma_semaphore, #tpu.memory_space<semaphore_mem>>) attributes {dimension_semantics = [#tpu.dimension_semantics<core_parallel>, #tpu.dimension_semantics<subcore_parallel>], iteration_bounds = array<i64: 2, 16>, scalar_prefetch = 0 : i64, scratch_operands = 3 : i64, tpu.core_type = #tpu.core_type<sc_vector_subcore>, window_params = [{transform_indices = #map}, {transform_indices = #map1}, {transform_indices = #map}]} {
    %mul3A = arith.constant 2 : i32
    %mul3A_0 = arith.muli %arg1, %mul3A : i32
    %add3A = arith.addi %mul3A_0, %arg0 : i32
    "tpu.region"() ({
      %run_scoped3A = tpu.sem_alloc : memref<!tpu.dma_semaphore, #tpu.memory_space<semaphore_mem>>
      %dma_start3A_80 = arith.constant 0 : i32
      %dma_start3A_81 = arith.constant 0 : i32
      %dma_start3A_82 = tpu.memref_slice %arg3[%add3A, %dma_start3A_80, %dma_start3A_81] : memref<32x125x80xi32, #tpu.memory_space<hbm>> -> memref<1x125x80xi32, #tpu.memory_space<hbm>>
      %dma_start3A_83 = tpu.memref_squeeze %dma_start3A_82 : memref<1x125x80xi32, #tpu.memory_space<hbm>> -> memref<125x80xi32, #tpu.memory_space<hbm>>
      %dma_start3A_84 = arith.constant 0 : i32
      %dma_start3A_85 = arith.constant 0 : i32
      %dma_start3A_86 = tpu.memref_slice %arg3[%add3A, %dma_start3A_84, %dma_start3A_85] : memref<32x125x80xi32, #tpu.memory_space<hbm>> -> memref<1x125x80xi32, #tpu.memory_space<hbm>>
      %dma_start3A_87 = tpu.memref_squeeze %dma_start3A_86 : memref<1x125x80xi32, #tpu.memory_space<hbm>> -> memref<125x80xi32, #tpu.memory_space<hbm>>
      tpu.enqueue_dma source(%dma_start3A_87 : memref<125x80xi32, #tpu.memory_space<hbm>>) target(%arg5 : memref<125x80xi32, #tpu.memory_space<vmem>>) target_semaphore(%run_scoped3A : memref<!tpu.dma_semaphore, #tpu.memory_space<semaphore_mem>>)
      %dma_wait3A = arith.constant 0 : i32
      %dma_wait3A_88 = arith.constant 0 : i32
      %dma_wait3A_89 = tpu.memref_slice %arg3[%add3A, %dma_wait3A, %dma_wait3A_88] : memref<32x125x80xi32, #tpu.memory_space<hbm>> -> memref<1x125x80xi32, #tpu.memory_space<hbm>>
      %dma_wait3A_90 = tpu.memref_squeeze %dma_wait3A_89 : memref<1x125x80xi32, #tpu.memory_space<hbm>> -> memref<125x80xi32, #tpu.memory_space<hbm>>
      %dma_wait3A_91 = arith.constant 0 : i32
      %dma_wait3A_92 = arith.constant 0 : i32
      %dma_wait3A_93 = tpu.memref_slice %arg3[%add3A, %dma_wait3A_91, %dma_wait3A_92] : memref<32x125x80xi32, #tpu.memory_space<hbm>> -> memref<1x125x80xi32, #tpu.memory_space<hbm>>
      %dma_wait3A_94 = tpu.memref_squeeze %dma_wait3A_93 : memref<1x125x80xi32, #tpu.memory_space<hbm>> -> memref<125x80xi32, #tpu.memory_space<hbm>>
      tpu.wait_dma2 semaphore(%run_scoped3A : memref<!tpu.dma_semaphore, #tpu.memory_space<semaphore_mem>>) src(%dma_wait3A_94 : memref<125x80xi32, #tpu.memory_space<hbm>>) dst(%arg5 : memref<125x80xi32, #tpu.memory_space<vmem>>)
      tpu.yield
    }) : () -> ()
    %dma_start3A = arith.constant 0 : i32
    %dma_start3A_1 = arith.constant 0 : i32
    %dma_start3A_2 = arith.constant 0 : i32
    %dma_start3A_3 = arith.constant 0 : i32
    %dma_start3A_4 = arith.constant 0 : i32
    %dma_start3A_5 = tpu.memref_slice %arg6[%dma_start3A_1, %dma_start3A_3, %dma_start3A_4] : memref<5x80x128xf32, #tpu.memory_space<vmem>> -> memref<1x80x128xf32, #tpu.memory_space<vmem>>
    %dma_start3A_6 = tpu.memref_squeeze %dma_start3A_5 : memref<1x80x128xf32, #tpu.memory_space<vmem>> -> memref<80x128xf32, #tpu.memory_space<vmem>>
    %dma_start3A_7 = arith.constant 0 : i32
    %dma_start3A_8 = tpu.memref_slice %arg5[%dma_start3A, %dma_start3A_7] : memref<125x80xi32, #tpu.memory_space<vmem>> -> memref<1x80xi32, #tpu.memory_space<vmem>>
    %dma_start3A_9 = tpu.memref_squeeze %dma_start3A_8 : memref<1x80xi32, #tpu.memory_space<vmem>> -> memref<80xi32, #tpu.memory_space<vmem>>
    %dma_start3A_10 = arith.constant 0 : i32
    %dma_start3A_11 = arith.constant 0 : i32
    %dma_start3A_12 = tpu.memref_slice %arg2[%dma_start3A_10, %dma_start3A_11] : memref<10000x128xf32, #tpu.memory_space<hbm>> -> memref<10000x128xf32, #tpu.memory_space<hbm>>
    %dma_start3A_13 = tpu.memref_slice %arg7[%dma_start3A_2] : memref<5x!tpu.dma_semaphore, #tpu.memory_space<semaphore_mem>> -> memref<1x!tpu.dma_semaphore, #tpu.memory_space<semaphore_mem>>
    %dma_start3A_14 = tpu.memref_squeeze %dma_start3A_13 : memref<1x!tpu.dma_semaphore, #tpu.memory_space<semaphore_mem>> -> memref<!tpu.dma_semaphore, #tpu.memory_space<semaphore_mem>>
    tpu.enqueue_indirect_dma source(%dma_start3A_12 : memref<10000x128xf32, #tpu.memory_space<hbm>>) target(%dma_start3A_6 : memref<80x128xf32, #tpu.memory_space<vmem>>) offsets(%dma_start3A_9 : memref<80xi32, #tpu.memory_space<vmem>>) semaphore(%dma_start3A_14 : memref<!tpu.dma_semaphore, #tpu.memory_space<semaphore_mem>>)
    %dma_start3A_15 = arith.constant 1 : i32
    %dma_start3A_16 = arith.constant 1 : i32
    %dma_start3A_17 = arith.constant 1 : i32
    %dma_start3A_18 = arith.constant 0 : i32
    %dma_start3A_19 = arith.constant 0 : i32
    %dma_start3A_20 = tpu.memref_slice %arg6[%dma_start3A_16, %dma_start3A_18, %dma_start3A_19] : memref<5x80x128xf32, #tpu.memory_space<vmem>> -> memref<1x80x128xf32, #tpu.memory_space<vmem>>
    %dma_start3A_21 = tpu.memref_squeeze %dma_start3A_20 : memref<1x80x128xf32, #tpu.memory_space<vmem>> -> memref<80x128xf32, #tpu.memory_space<vmem>>
    %dma_start3A_22 = arith.constant 0 : i32
    %dma_start3A_23 = tpu.memref_slice %arg5[%dma_start3A_15, %dma_start3A_22] : memref<125x80xi32, #tpu.memory_space<vmem>> -> memref<1x80xi32, #tpu.memory_space<vmem>>
    %dma_start3A_24 = tpu.memref_squeeze %dma_start3A_23 : memref<1x80xi32, #tpu.memory_space<vmem>> -> memref<80xi32, #tpu.memory_space<vmem>>
    %dma_start3A_25 = arith.constant 0 : i32
    %dma_start3A_26 = arith.constant 0 : i32
    %dma_start3A_27 = tpu.memref_slice %arg2[%dma_start3A_25, %dma_start3A_26] : memref<10000x128xf32, #tpu.memory_space<hbm>> -> memref<10000x128xf32, #tpu.memory_space<hbm>>
    %dma_start3A_28 = tpu.memref_slice %arg7[%dma_start3A_17] : memref<5x!tpu.dma_semaphore, #tpu.memory_space<semaphore_mem>> -> memref<1x!tpu.dma_semaphore, #tpu.memory_space<semaphore_mem>>
    %dma_start3A_29 = tpu.memref_squeeze %dma_start3A_28 : memref<1x!tpu.dma_semaphore, #tpu.memory_space<semaphore_mem>> -> memref<!tpu.dma_semaphore, #tpu.memory_space<semaphore_mem>>
    tpu.enqueue_indirect_dma source(%dma_start3A_27 : memref<10000x128xf32, #tpu.memory_space<hbm>>) target(%dma_start3A_21 : memref<80x128xf32, #tpu.memory_space<vmem>>) offsets(%dma_start3A_24 : memref<80xi32, #tpu.memory_space<vmem>>) semaphore(%dma_start3A_29 : memref<!tpu.dma_semaphore, #tpu.memory_space<semaphore_mem>>)
    %dma_start3A_30 = arith.constant 2 : i32
    %dma_start3A_31 = arith.constant 2 : i32
    %dma_start3A_32 = arith.constant 2 : i32
    %dma_start3A_33 = arith.constant 0 : i32
    %dma_start3A_34 = arith.constant 0 : i32
    %dma_start3A_35 = tpu.memref_slice %arg6[%dma_start3A_31, %dma_start3A_33, %dma_start3A_34] : memref<5x80x128xf32, #tpu.memory_space<vmem>> -> memref<1x80x128xf32, #tpu.memory_space<vmem>>
    %dma_start3A_36 = tpu.memref_squeeze %dma_start3A_35 : memref<1x80x128xf32, #tpu.memory_space<vmem>> -> memref<80x128xf32, #tpu.memory_space<vmem>>
    %dma_start3A_37 = arith.constant 0 : i32
    %dma_start3A_38 = tpu.memref_slice %arg5[%dma_start3A_30, %dma_start3A_37] : memref<125x80xi32, #tpu.memory_space<vmem>> -> memref<1x80xi32, #tpu.memory_space<vmem>>
    %dma_start3A_39 = tpu.memref_squeeze %dma_start3A_38 : memref<1x80xi32, #tpu.memory_space<vmem>> -> memref<80xi32, #tpu.memory_space<vmem>>
    %dma_start3A_40 = arith.constant 0 : i32
    %dma_start3A_41 = arith.constant 0 : i32
    %dma_start3A_42 = tpu.memref_slice %arg2[%dma_start3A_40, %dma_start3A_41] : memref<10000x128xf32, #tpu.memory_space<hbm>> -> memref<10000x128xf32, #tpu.memory_space<hbm>>
    %dma_start3A_43 = tpu.memref_slice %arg7[%dma_start3A_32] : memref<5x!tpu.dma_semaphore, #tpu.memory_space<semaphore_mem>> -> memref<1x!tpu.dma_semaphore, #tpu.memory_space<semaphore_mem>>
    %dma_start3A_44 = tpu.memref_squeeze %dma_start3A_43 : memref<1x!tpu.dma_semaphore, #tpu.memory_space<semaphore_mem>> -> memref<!tpu.dma_semaphore, #tpu.memory_space<semaphore_mem>>
    tpu.enqueue_indirect_dma source(%dma_start3A_42 : memref<10000x128xf32, #tpu.memory_space<hbm>>) target(%dma_start3A_36 : memref<80x128xf32, #tpu.memory_space<vmem>>) offsets(%dma_start3A_39 : memref<80xi32, #tpu.memory_space<vmem>>) semaphore(%dma_start3A_44 : memref<!tpu.dma_semaphore, #tpu.memory_space<semaphore_mem>>)
    %dma_start3A_45 = arith.constant 3 : i32
    %dma_start3A_46 = arith.constant 3 : i32
    %dma_start3A_47 = arith.constant 3 : i32
    %dma_start3A_48 = arith.constant 0 : i32
    %dma_start3A_49 = arith.constant 0 : i32
    %dma_start3A_50 = tpu.memref_slice %arg6[%dma_start3A_46, %dma_start3A_48, %dma_start3A_49] : memref<5x80x128xf32, #tpu.memory_space<vmem>> -> memref<1x80x128xf32, #tpu.memory_space<vmem>>
    %dma_start3A_51 = tpu.memref_squeeze %dma_start3A_50 : memref<1x80x128xf32, #tpu.memory_space<vmem>> -> memref<80x128xf32, #tpu.memory_space<vmem>>
    %dma_start3A_52 = arith.constant 0 : i32
    %dma_start3A_53 = tpu.memref_slice %arg5[%dma_start3A_45, %dma_start3A_52] : memref<125x80xi32, #tpu.memory_space<vmem>> -> memref<1x80xi32, #tpu.memory_space<vmem>>
    %dma_start3A_54 = tpu.memref_squeeze %dma_start3A_53 : memref<1x80xi32, #tpu.memory_space<vmem>> -> memref<80xi32, #tpu.memory_space<vmem>>
    %dma_start3A_55 = arith.constant 0 : i32
    %dma_start3A_56 = arith.constant 0 : i32
    %dma_start3A_57 = tpu.memref_slice %arg2[%dma_start3A_55, %dma_start3A_56] : memref<10000x128xf32, #tpu.memory_space<hbm>> -> memref<10000x128xf32, #tpu.memory_space<hbm>>
    %dma_start3A_58 = tpu.memref_slice %arg7[%dma_start3A_47] : memref<5x!tpu.dma_semaphore, #tpu.memory_space<semaphore_mem>> -> memref<1x!tpu.dma_semaphore, #tpu.memory_space<semaphore_mem>>
    %dma_start3A_59 = tpu.memref_squeeze %dma_start3A_58 : memref<1x!tpu.dma_semaphore, #tpu.memory_space<semaphore_mem>> -> memref<!tpu.dma_semaphore, #tpu.memory_space<semaphore_mem>>
    tpu.enqueue_indirect_dma source(%dma_start3A_57 : memref<10000x128xf32, #tpu.memory_space<hbm>>) target(%dma_start3A_51 : memref<80x128xf32, #tpu.memory_space<vmem>>) offsets(%dma_start3A_54 : memref<80xi32, #tpu.memory_space<vmem>>) semaphore(%dma_start3A_59 : memref<!tpu.dma_semaphore, #tpu.memory_space<semaphore_mem>>)
    %dma_start3A_60 = arith.constant 4 : i32
    %dma_start3A_61 = arith.constant 4 : i32
    %dma_start3A_62 = arith.constant 4 : i32
    %dma_start3A_63 = arith.constant 0 : i32
    %dma_start3A_64 = arith.constant 0 : i32
    %dma_start3A_65 = tpu.memref_slice %arg6[%dma_start3A_61, %dma_start3A_63, %dma_start3A_64] : memref<5x80x128xf32, #tpu.memory_space<vmem>> -> memref<1x80x128xf32, #tpu.memory_space<vmem>>
    %dma_start3A_66 = tpu.memref_squeeze %dma_start3A_65 : memref<1x80x128xf32, #tpu.memory_space<vmem>> -> memref<80x128xf32, #tpu.memory_space<vmem>>
    %dma_start3A_67 = arith.constant 0 : i32
    %dma_start3A_68 = tpu.memref_slice %arg5[%dma_start3A_60, %dma_start3A_67] : memref<125x80xi32, #tpu.memory_space<vmem>> -> memref<1x80xi32, #tpu.memory_space<vmem>>
    %dma_start3A_69 = tpu.memref_squeeze %dma_start3A_68 : memref<1x80xi32, #tpu.memory_space<vmem>> -> memref<80xi32, #tpu.memory_space<vmem>>
    %dma_start3A_70 = arith.constant 0 : i32
    %dma_start3A_71 = arith.constant 0 : i32
    %dma_start3A_72 = tpu.memref_slice %arg2[%dma_start3A_70, %dma_start3A_71] : memref<10000x128xf32, #tpu.memory_space<hbm>> -> memref<10000x128xf32, #tpu.memory_space<hbm>>
    %dma_start3A_73 = tpu.memref_slice %arg7[%dma_start3A_62] : memref<5x!tpu.dma_semaphore, #tpu.memory_space<semaphore_mem>> -> memref<1x!tpu.dma_semaphore, #tpu.memory_space<semaphore_mem>>
    %dma_start3A_74 = tpu.memref_squeeze %dma_start3A_73 : memref<1x!tpu.dma_semaphore, #tpu.memory_space<semaphore_mem>> -> memref<!tpu.dma_semaphore, #tpu.memory_space<semaphore_mem>>
    tpu.enqueue_indirect_dma source(%dma_start3A_72 : memref<10000x128xf32, #tpu.memory_space<hbm>>) target(%dma_start3A_66 : memref<80x128xf32, #tpu.memory_space<vmem>>) offsets(%dma_start3A_69 : memref<80xi32, #tpu.memory_space<vmem>>) semaphore(%dma_start3A_74 : memref<!tpu.dma_semaphore, #tpu.memory_space<semaphore_mem>>)
    %scan3A = arith.constant 0 : i32
    %scan3A_75 = arith.constant 0 : i32
    %scan3A_76 = arith.constant 25 : i32
    %scan3A_77 = arith.addi %scan3A_75, %scan3A_76 : i32
    %scan3A_78 = arith.constant 1 : i32
    scf.for %scan3A_80 = %scan3A_75 to %scan3A_77 step %scan3A_78  : i32 {
      %mul3A_81 = arith.constant 5 : i32
      %mul3A_82 = arith.muli %scan3A_80, %mul3A_81 : i32
      %add3A_83 = arith.constant 0 : i32
      %add3A_84 = arith.addi %mul3A_82, %add3A_83 : i32
      %dma_wait3A = arith.constant 0 : i32
      %dma_wait3A_85 = arith.constant 0 : i32
      %dma_wait3A_86 = arith.constant 0 : i32
      %dma_wait3A_87 = arith.constant 0 : i32
      %dma_wait3A_88 = tpu.memref_slice %arg6[%dma_wait3A, %dma_wait3A_86, %dma_wait3A_87] : memref<5x80x128xf32, #tpu.memory_space<vmem>> -> memref<1x80x128xf32, #tpu.memory_space<vmem>>
      %dma_wait3A_89 = tpu.memref_squeeze %dma_wait3A_88 : memref<1x80x128xf32, #tpu.memory_space<vmem>> -> memref<80x128xf32, #tpu.memory_space<vmem>>
      %dma_wait3A_90 = arith.constant 0 : i32
      %dma_wait3A_91 = tpu.memref_slice %arg5[%add3A_84, %dma_wait3A_90] : memref<125x80xi32, #tpu.memory_space<vmem>> -> memref<1x80xi32, #tpu.memory_space<vmem>>
      %dma_wait3A_92 = tpu.memref_squeeze %dma_wait3A_91 : memref<1x80xi32, #tpu.memory_space<vmem>> -> memref<80xi32, #tpu.memory_space<vmem>>
      %dma_wait3A_93 = arith.constant 0 : i32
      %dma_wait3A_94 = arith.constant 0 : i32
      %dma_wait3A_95 = tpu.memref_slice %arg2[%dma_wait3A_93, %dma_wait3A_94] : memref<10000x128xf32, #tpu.memory_space<hbm>> -> memref<10000x128xf32, #tpu.memory_space<hbm>>
      %dma_wait3A_96 = tpu.memref_slice %arg7[%dma_wait3A_85] : memref<5x!tpu.dma_semaphore, #tpu.memory_space<semaphore_mem>> -> memref<1x!tpu.dma_semaphore, #tpu.memory_space<semaphore_mem>>
      %dma_wait3A_97 = tpu.memref_squeeze %dma_wait3A_96 : memref<1x!tpu.dma_semaphore, #tpu.memory_space<semaphore_mem>> -> memref<!tpu.dma_semaphore, #tpu.memory_space<semaphore_mem>>
      tpu.wait_indirect_dma semaphore(%dma_wait3A_97 : memref<!tpu.dma_semaphore, #tpu.memory_space<semaphore_mem>>) src(%dma_wait3A_95 : memref<10000x128xf32, #tpu.memory_space<hbm>>) dst(%dma_wait3A_89 : memref<80x128xf32, #tpu.memory_space<vmem>>)
      %mul3A_98 = arith.constant 10000 : i32
      %mul3A_99 = arith.muli %add3A, %mul3A_98 : i32
      %mul3A_100 = arith.constant 80 : i32
      %mul3A_101 = arith.muli %add3A_84, %mul3A_100 : i32
      %add3A_102 = arith.addi %mul3A_99, %mul3A_101 : i32
      %run_scoped3A = arith.constant 0 : i32
      "tpu.region"() ({
        %run_scoped3A_221 = tpu.sem_alloc : memref<!tpu.dma_semaphore, #tpu.memory_space<semaphore_mem>>
        %dma_start3A_222 = arith.constant 0 : i32
        %dma_start3A_223 = arith.constant 0 : i32
        %dma_start3A_224 = tpu.memref_slice %arg6[%run_scoped3A, %dma_start3A_222, %dma_start3A_223] : memref<5x80x128xf32, #tpu.memory_space<vmem>> -> memref<1x80x128xf32, #tpu.memory_space<vmem>>
        %dma_start3A_225 = tpu.memref_squeeze %dma_start3A_224 : memref<1x80x128xf32, #tpu.memory_space<vmem>> -> memref<80x128xf32, #tpu.memory_space<vmem>>
        %dma_start3A_226 = arith.constant 0 : i32
        %dma_start3A_227 = tpu.memref_slice %arg4[%add3A_102, %dma_start3A_226] : memref<320000x128xf32, #tpu.memory_space<hbm>> -> memref<80x128xf32, #tpu.memory_space<hbm>>
        %dma_start3A_228 = arith.constant 0 : i32
        %dma_start3A_229 = tpu.memref_slice %arg4[%add3A_102, %dma_start3A_228] : memref<320000x128xf32, #tpu.memory_space<hbm>> -> memref<80x128xf32, #tpu.memory_space<hbm>>
        %dma_start3A_230 = arith.constant 0 : i32
        %dma_start3A_231 = arith.constant 0 : i32
        %dma_start3A_232 = tpu.memref_slice %arg6[%run_scoped3A, %dma_start3A_230, %dma_start3A_231] : memref<5x80x128xf32, #tpu.memory_space<vmem>> -> memref<1x80x128xf32, #tpu.memory_space<vmem>>
        %dma_start3A_233 = tpu.memref_squeeze %dma_start3A_232 : memref<1x80x128xf32, #tpu.memory_space<vmem>> -> memref<80x128xf32, #tpu.memory_space<vmem>>
        tpu.enqueue_dma source(%dma_start3A_233 : memref<80x128xf32, #tpu.memory_space<vmem>>) target(%dma_start3A_229 : memref<80x128xf32, #tpu.memory_space<hbm>>) target_semaphore(%run_scoped3A_221 : memref<!tpu.dma_semaphore, #tpu.memory_space<semaphore_mem>>)
        %dma_wait3A_234 = arith.constant 0 : i32
        %dma_wait3A_235 = arith.constant 0 : i32
        %dma_wait3A_236 = tpu.memref_slice %arg6[%run_scoped3A, %dma_wait3A_234, %dma_wait3A_235] : memref<5x80x128xf32, #tpu.memory_space<vmem>> -> memref<1x80x128xf32, #tpu.memory_space<vmem>>
        %dma_wait3A_237 = tpu.memref_squeeze %dma_wait3A_236 : memref<1x80x128xf32, #tpu.memory_space<vmem>> -> memref<80x128xf32, #tpu.memory_space<vmem>>
        %dma_wait3A_238 = arith.constant 0 : i32
        %dma_wait3A_239 = tpu.memref_slice %arg4[%add3A_102, %dma_wait3A_238] : memref<320000x128xf32, #tpu.memory_space<hbm>> -> memref<80x128xf32, #tpu.memory_space<hbm>>
        %dma_wait3A_240 = arith.constant 0 : i32
        %dma_wait3A_241 = tpu.memref_slice %arg4[%add3A_102, %dma_wait3A_240] : memref<320000x128xf32, #tpu.memory_space<hbm>> -> memref<80x128xf32, #tpu.memory_space<hbm>>
        %dma_wait3A_242 = arith.constant 0 : i32
        %dma_wait3A_243 = arith.constant 0 : i32
        %dma_wait3A_244 = tpu.memref_slice %arg6[%run_scoped3A, %dma_wait3A_242, %dma_wait3A_243] : memref<5x80x128xf32, #tpu.memory_space<vmem>> -> memref<1x80x128xf32, #tpu.memory_space<vmem>>
        %dma_wait3A_245 = tpu.memref_squeeze %dma_wait3A_244 : memref<1x80x128xf32, #tpu.memory_space<vmem>> -> memref<80x128xf32, #tpu.memory_space<vmem>>
        tpu.wait_dma2 semaphore(%run_scoped3A_221 : memref<!tpu.dma_semaphore, #tpu.memory_space<semaphore_mem>>) src(%dma_wait3A_245 : memref<80x128xf32, #tpu.memory_space<vmem>>) dst(%dma_wait3A_241 : memref<80x128xf32, #tpu.memory_space<hbm>>)
        tpu.yield
      }) : () -> ()
      %lt3A = arith.constant 24 : i32
      %lt3A_103 = arith.cmpi slt, %scan3A_80, %lt3A : i32
      %convert_element_type3A = arith.extui %lt3A_103 : i1 to i32
      %cond3A = arith.constant 0 : i32
      %cond3A_104 = arith.cmpi ne, %convert_element_type3A, %cond3A : i32
      scf.if %cond3A_104 {
        %add3A_221 = arith.constant 5 : i32
        %add3A_222 = arith.addi %add3A_84, %add3A_221 : i32
        %dma_start3A_223 = arith.constant 0 : i32
        %dma_start3A_224 = arith.constant 0 : i32
        %dma_start3A_225 = arith.constant 0 : i32
        %dma_start3A_226 = arith.constant 0 : i32
        %dma_start3A_227 = tpu.memref_slice %arg6[%dma_start3A_223, %dma_start3A_225, %dma_start3A_226] : memref<5x80x128xf32, #tpu.memory_space<vmem>> -> memref<1x80x128xf32, #tpu.memory_space<vmem>>
        %dma_start3A_228 = tpu.memref_squeeze %dma_start3A_227 : memref<1x80x128xf32, #tpu.memory_space<vmem>> -> memref<80x128xf32, #tpu.memory_space<vmem>>
        %dma_start3A_229 = arith.constant 0 : i32
        %dma_start3A_230 = tpu.memref_slice %arg5[%add3A_222, %dma_start3A_229] : memref<125x80xi32, #tpu.memory_space<vmem>> -> memref<1x80xi32, #tpu.memory_space<vmem>>
        %dma_start3A_231 = tpu.memref_squeeze %dma_start3A_230 : memref<1x80xi32, #tpu.memory_space<vmem>> -> memref<80xi32, #tpu.memory_space<vmem>>
        %dma_start3A_232 = arith.constant 0 : i32
        %dma_start3A_233 = arith.constant 0 : i32
        %dma_start3A_234 = tpu.memref_slice %arg2[%dma_start3A_232, %dma_start3A_233] : memref<10000x128xf32, #tpu.memory_space<hbm>> -> memref<10000x128xf32, #tpu.memory_space<hbm>>
        %dma_start3A_235 = tpu.memref_slice %arg7[%dma_start3A_224] : memref<5x!tpu.dma_semaphore, #tpu.memory_space<semaphore_mem>> -> memref<1x!tpu.dma_semaphore, #tpu.memory_space<semaphore_mem>>
        %dma_start3A_236 = tpu.memref_squeeze %dma_start3A_235 : memref<1x!tpu.dma_semaphore, #tpu.memory_space<semaphore_mem>> -> memref<!tpu.dma_semaphore, #tpu.memory_space<semaphore_mem>>
        tpu.enqueue_indirect_dma source(%dma_start3A_234 : memref<10000x128xf32, #tpu.memory_space<hbm>>) target(%dma_start3A_228 : memref<80x128xf32, #tpu.memory_space<vmem>>) offsets(%dma_start3A_231 : memref<80xi32, #tpu.memory_space<vmem>>) semaphore(%dma_start3A_236 : memref<!tpu.dma_semaphore, #tpu.memory_space<semaphore_mem>>)
      } else {
      }
      %mul3A_105 = arith.constant 5 : i32
      %mul3A_106 = arith.muli %scan3A_80, %mul3A_105 : i32
      %add3A_107 = arith.constant 1 : i32
      %add3A_108 = arith.addi %mul3A_106, %add3A_107 : i32
      %dma_wait3A_109 = arith.constant 1 : i32
      %dma_wait3A_110 = arith.constant 1 : i32
      %dma_wait3A_111 = arith.constant 0 : i32
      %dma_wait3A_112 = arith.constant 0 : i32
      %dma_wait3A_113 = tpu.memref_slice %arg6[%dma_wait3A_109, %dma_wait3A_111, %dma_wait3A_112] : memref<5x80x128xf32, #tpu.memory_space<vmem>> -> memref<1x80x128xf32, #tpu.memory_space<vmem>>
      %dma_wait3A_114 = tpu.memref_squeeze %dma_wait3A_113 : memref<1x80x128xf32, #tpu.memory_space<vmem>> -> memref<80x128xf32, #tpu.memory_space<vmem>>
      %dma_wait3A_115 = arith.constant 0 : i32
      %dma_wait3A_116 = tpu.memref_slice %arg5[%add3A_108, %dma_wait3A_115] : memref<125x80xi32, #tpu.memory_space<vmem>> -> memref<1x80xi32, #tpu.memory_space<vmem>>
      %dma_wait3A_117 = tpu.memref_squeeze %dma_wait3A_116 : memref<1x80xi32, #tpu.memory_space<vmem>> -> memref<80xi32, #tpu.memory_space<vmem>>
      %dma_wait3A_118 = arith.constant 0 : i32
      %dma_wait3A_119 = arith.constant 0 : i32
      %dma_wait3A_120 = tpu.memref_slice %arg2[%dma_wait3A_118, %dma_wait3A_119] : memref<10000x128xf32, #tpu.memory_space<hbm>> -> memref<10000x128xf32, #tpu.memory_space<hbm>>
      %dma_wait3A_121 = tpu.memref_slice %arg7[%dma_wait3A_110] : memref<5x!tpu.dma_semaphore, #tpu.memory_space<semaphore_mem>> -> memref<1x!tpu.dma_semaphore, #tpu.memory_space<semaphore_mem>>
      %dma_wait3A_122 = tpu.memref_squeeze %dma_wait3A_121 : memref<1x!tpu.dma_semaphore, #tpu.memory_space<semaphore_mem>> -> memref<!tpu.dma_semaphore, #tpu.memory_space<semaphore_mem>>
      tpu.wait_indirect_dma semaphore(%dma_wait3A_122 : memref<!tpu.dma_semaphore, #tpu.memory_space<semaphore_mem>>) src(%dma_wait3A_120 : memref<10000x128xf32, #tpu.memory_space<hbm>>) dst(%dma_wait3A_114 : memref<80x128xf32, #tpu.memory_space<vmem>>)
      %mul3A_123 = arith.constant 10000 : i32
      %mul3A_124 = arith.muli %add3A, %mul3A_123 : i32
      %mul3A_125 = arith.constant 80 : i32
      %mul3A_126 = arith.muli %add3A_108, %mul3A_125 : i32
      %add3A_127 = arith.addi %mul3A_124, %mul3A_126 : i32
      %run_scoped3A_128 = arith.constant 1 : i32
      "tpu.region"() ({
        %run_scoped3A_221 = tpu.sem_alloc : memref<!tpu.dma_semaphore, #tpu.memory_space<semaphore_mem>>
        %dma_start3A_222 = arith.constant 0 : i32
        %dma_start3A_223 = arith.constant 0 : i32
        %dma_start3A_224 = tpu.memref_slice %arg6[%run_scoped3A_128, %dma_start3A_222, %dma_start3A_223] : memref<5x80x128xf32, #tpu.memory_space<vmem>> -> memref<1x80x128xf32, #tpu.memory_space<vmem>>
        %dma_start3A_225 = tpu.memref_squeeze %dma_start3A_224 : memref<1x80x128xf32, #tpu.memory_space<vmem>> -> memref<80x128xf32, #tpu.memory_space<vmem>>
        %dma_start3A_226 = arith.constant 0 : i32
        %dma_start3A_227 = tpu.memref_slice %arg4[%add3A_127, %dma_start3A_226] : memref<320000x128xf32, #tpu.memory_space<hbm>> -> memref<80x128xf32, #tpu.memory_space<hbm>>
        %dma_start3A_228 = arith.constant 0 : i32
        %dma_start3A_229 = tpu.memref_slice %arg4[%add3A_127, %dma_start3A_228] : memref<320000x128xf32, #tpu.memory_space<hbm>> -> memref<80x128xf32, #tpu.memory_space<hbm>>
        %dma_start3A_230 = arith.constant 0 : i32
        %dma_start3A_231 = arith.constant 0 : i32
        %dma_start3A_232 = tpu.memref_slice %arg6[%run_scoped3A_128, %dma_start3A_230, %dma_start3A_231] : memref<5x80x128xf32, #tpu.memory_space<vmem>> -> memref<1x80x128xf32, #tpu.memory_space<vmem>>
        %dma_start3A_233 = tpu.memref_squeeze %dma_start3A_232 : memref<1x80x128xf32, #tpu.memory_space<vmem>> -> memref<80x128xf32, #tpu.memory_space<vmem>>
        tpu.enqueue_dma source(%dma_start3A_233 : memref<80x128xf32, #tpu.memory_space<vmem>>) target(%dma_start3A_229 : memref<80x128xf32, #tpu.memory_space<hbm>>) target_semaphore(%run_scoped3A_221 : memref<!tpu.dma_semaphore, #tpu.memory_space<semaphore_mem>>)
        %dma_wait3A_234 = arith.constant 0 : i32
        %dma_wait3A_235 = arith.constant 0 : i32
        %dma_wait3A_236 = tpu.memref_slice %arg6[%run_scoped3A_128, %dma_wait3A_234, %dma_wait3A_235] : memref<5x80x128xf32, #tpu.memory_space<vmem>> -> memref<1x80x128xf32, #tpu.memory_space<vmem>>
        %dma_wait3A_237 = tpu.memref_squeeze %dma_wait3A_236 : memref<1x80x128xf32, #tpu.memory_space<vmem>> -> memref<80x128xf32, #tpu.memory_space<vmem>>
        %dma_wait3A_238 = arith.constant 0 : i32
        %dma_wait3A_239 = tpu.memref_slice %arg4[%add3A_127, %dma_wait3A_238] : memref<320000x128xf32, #tpu.memory_space<hbm>> -> memref<80x128xf32, #tpu.memory_space<hbm>>
        %dma_wait3A_240 = arith.constant 0 : i32
        %dma_wait3A_241 = tpu.memref_slice %arg4[%add3A_127, %dma_wait3A_240] : memref<320000x128xf32, #tpu.memory_space<hbm>> -> memref<80x128xf32, #tpu.memory_space<hbm>>
        %dma_wait3A_242 = arith.constant 0 : i32
        %dma_wait3A_243 = arith.constant 0 : i32
        %dma_wait3A_244 = tpu.memref_slice %arg6[%run_scoped3A_128, %dma_wait3A_242, %dma_wait3A_243] : memref<5x80x128xf32, #tpu.memory_space<vmem>> -> memref<1x80x128xf32, #tpu.memory_space<vmem>>
        %dma_wait3A_245 = tpu.memref_squeeze %dma_wait3A_244 : memref<1x80x128xf32, #tpu.memory_space<vmem>> -> memref<80x128xf32, #tpu.memory_space<vmem>>
        tpu.wait_dma2 semaphore(%run_scoped3A_221 : memref<!tpu.dma_semaphore, #tpu.memory_space<semaphore_mem>>) src(%dma_wait3A_245 : memref<80x128xf32, #tpu.memory_space<vmem>>) dst(%dma_wait3A_241 : memref<80x128xf32, #tpu.memory_space<hbm>>)
        tpu.yield
      }) : () -> ()
      %lt3A_129 = arith.constant 24 : i32
      %lt3A_130 = arith.cmpi slt, %scan3A_80, %lt3A_129 : i32
      %convert_element_type3A_131 = arith.extui %lt3A_130 : i1 to i32
      %cond3A_132 = arith.constant 0 : i32
      %cond3A_133 = arith.cmpi ne, %convert_element_type3A_131, %cond3A_132 : i32
      scf.if %cond3A_133 {
        %add3A_221 = arith.constant 5 : i32
        %add3A_222 = arith.addi %add3A_108, %add3A_221 : i32
        %dma_start3A_223 = arith.constant 1 : i32
        %dma_start3A_224 = arith.constant 1 : i32
        %dma_start3A_225 = arith.constant 0 : i32
        %dma_start3A_226 = arith.constant 0 : i32
        %dma_start3A_227 = tpu.memref_slice %arg6[%dma_start3A_223, %dma_start3A_225, %dma_start3A_226] : memref<5x80x128xf32, #tpu.memory_space<vmem>> -> memref<1x80x128xf32, #tpu.memory_space<vmem>>
        %dma_start3A_228 = tpu.memref_squeeze %dma_start3A_227 : memref<1x80x128xf32, #tpu.memory_space<vmem>> -> memref<80x128xf32, #tpu.memory_space<vmem>>
        %dma_start3A_229 = arith.constant 0 : i32
        %dma_start3A_230 = tpu.memref_slice %arg5[%add3A_222, %dma_start3A_229] : memref<125x80xi32, #tpu.memory_space<vmem>> -> memref<1x80xi32, #tpu.memory_space<vmem>>
        %dma_start3A_231 = tpu.memref_squeeze %dma_start3A_230 : memref<1x80xi32, #tpu.memory_space<vmem>> -> memref<80xi32, #tpu.memory_space<vmem>>
        %dma_start3A_232 = arith.constant 0 : i32
        %dma_start3A_233 = arith.constant 0 : i32
        %dma_start3A_234 = tpu.memref_slice %arg2[%dma_start3A_232, %dma_start3A_233] : memref<10000x128xf32, #tpu.memory_space<hbm>> -> memref<10000x128xf32, #tpu.memory_space<hbm>>
        %dma_start3A_235 = tpu.memref_slice %arg7[%dma_start3A_224] : memref<5x!tpu.dma_semaphore, #tpu.memory_space<semaphore_mem>> -> memref<1x!tpu.dma_semaphore, #tpu.memory_space<semaphore_mem>>
        %dma_start3A_236 = tpu.memref_squeeze %dma_start3A_235 : memref<1x!tpu.dma_semaphore, #tpu.memory_space<semaphore_mem>> -> memref<!tpu.dma_semaphore, #tpu.memory_space<semaphore_mem>>
        tpu.enqueue_indirect_dma source(%dma_start3A_234 : memref<10000x128xf32, #tpu.memory_space<hbm>>) target(%dma_start3A_228 : memref<80x128xf32, #tpu.memory_space<vmem>>) offsets(%dma_start3A_231 : memref<80xi32, #tpu.memory_space<vmem>>) semaphore(%dma_start3A_236 : memref<!tpu.dma_semaphore, #tpu.memory_space<semaphore_mem>>)
      } else {
      }
      %mul3A_134 = arith.constant 5 : i32
      %mul3A_135 = arith.muli %scan3A_80, %mul3A_134 : i32
      %add3A_136 = arith.constant 2 : i32
      %add3A_137 = arith.addi %mul3A_135, %add3A_136 : i32
      %dma_wait3A_138 = arith.constant 2 : i32
      %dma_wait3A_139 = arith.constant 2 : i32
      %dma_wait3A_140 = arith.constant 0 : i32
      %dma_wait3A_141 = arith.constant 0 : i32
      %dma_wait3A_142 = tpu.memref_slice %arg6[%dma_wait3A_138, %dma_wait3A_140, %dma_wait3A_141] : memref<5x80x128xf32, #tpu.memory_space<vmem>> -> memref<1x80x128xf32, #tpu.memory_space<vmem>>
      %dma_wait3A_143 = tpu.memref_squeeze %dma_wait3A_142 : memref<1x80x128xf32, #tpu.memory_space<vmem>> -> memref<80x128xf32, #tpu.memory_space<vmem>>
      %dma_wait3A_144 = arith.constant 0 : i32
      %dma_wait3A_145 = tpu.memref_slice %arg5[%add3A_137, %dma_wait3A_144] : memref<125x80xi32, #tpu.memory_space<vmem>> -> memref<1x80xi32, #tpu.memory_space<vmem>>
      %dma_wait3A_146 = tpu.memref_squeeze %dma_wait3A_145 : memref<1x80xi32, #tpu.memory_space<vmem>> -> memref<80xi32, #tpu.memory_space<vmem>>
      %dma_wait3A_147 = arith.constant 0 : i32
      %dma_wait3A_148 = arith.constant 0 : i32
      %dma_wait3A_149 = tpu.memref_slice %arg2[%dma_wait3A_147, %dma_wait3A_148] : memref<10000x128xf32, #tpu.memory_space<hbm>> -> memref<10000x128xf32, #tpu.memory_space<hbm>>
      %dma_wait3A_150 = tpu.memref_slice %arg7[%dma_wait3A_139] : memref<5x!tpu.dma_semaphore, #tpu.memory_space<semaphore_mem>> -> memref<1x!tpu.dma_semaphore, #tpu.memory_space<semaphore_mem>>
      %dma_wait3A_151 = tpu.memref_squeeze %dma_wait3A_150 : memref<1x!tpu.dma_semaphore, #tpu.memory_space<semaphore_mem>> -> memref<!tpu.dma_semaphore, #tpu.memory_space<semaphore_mem>>
      tpu.wait_indirect_dma semaphore(%dma_wait3A_151 : memref<!tpu.dma_semaphore, #tpu.memory_space<semaphore_mem>>) src(%dma_wait3A_149 : memref<10000x128xf32, #tpu.memory_space<hbm>>) dst(%dma_wait3A_143 : memref<80x128xf32, #tpu.memory_space<vmem>>)
      %mul3A_152 = arith.constant 10000 : i32
      %mul3A_153 = arith.muli %add3A, %mul3A_152 : i32
      %mul3A_154 = arith.constant 80 : i32
      %mul3A_155 = arith.muli %add3A_137, %mul3A_154 : i32
      %add3A_156 = arith.addi %mul3A_153, %mul3A_155 : i32
      %run_scoped3A_157 = arith.constant 2 : i32
      "tpu.region"() ({
        %run_scoped3A_221 = tpu.sem_alloc : memref<!tpu.dma_semaphore, #tpu.memory_space<semaphore_mem>>
        %dma_start3A_222 = arith.constant 0 : i32
        %dma_start3A_223 = arith.constant 0 : i32
        %dma_start3A_224 = tpu.memref_slice %arg6[%run_scoped3A_157, %dma_start3A_222, %dma_start3A_223] : memref<5x80x128xf32, #tpu.memory_space<vmem>> -> memref<1x80x128xf32, #tpu.memory_space<vmem>>
        %dma_start3A_225 = tpu.memref_squeeze %dma_start3A_224 : memref<1x80x128xf32, #tpu.memory_space<vmem>> -> memref<80x128xf32, #tpu.memory_space<vmem>>
        %dma_start3A_226 = arith.constant 0 : i32
        %dma_start3A_227 = tpu.memref_slice %arg4[%add3A_156, %dma_start3A_226] : memref<320000x128xf32, #tpu.memory_space<hbm>> -> memref<80x128xf32, #tpu.memory_space<hbm>>
        %dma_start3A_228 = arith.constant 0 : i32
        %dma_start3A_229 = tpu.memref_slice %arg4[%add3A_156, %dma_start3A_228] : memref<320000x128xf32, #tpu.memory_space<hbm>> -> memref<80x128xf32, #tpu.memory_space<hbm>>
        %dma_start3A_230 = arith.constant 0 : i32
        %dma_start3A_231 = arith.constant 0 : i32
        %dma_start3A_232 = tpu.memref_slice %arg6[%run_scoped3A_157, %dma_start3A_230, %dma_start3A_231] : memref<5x80x128xf32, #tpu.memory_space<vmem>> -> memref<1x80x128xf32, #tpu.memory_space<vmem>>
        %dma_start3A_233 = tpu.memref_squeeze %dma_start3A_232 : memref<1x80x128xf32, #tpu.memory_space<vmem>> -> memref<80x128xf32, #tpu.memory_space<vmem>>
        tpu.enqueue_dma source(%dma_start3A_233 : memref<80x128xf32, #tpu.memory_space<vmem>>) target(%dma_start3A_229 : memref<80x128xf32, #tpu.memory_space<hbm>>) target_semaphore(%run_scoped3A_221 : memref<!tpu.dma_semaphore, #tpu.memory_space<semaphore_mem>>)
        %dma_wait3A_234 = arith.constant 0 : i32
        %dma_wait3A_235 = arith.constant 0 : i32
        %dma_wait3A_236 = tpu.memref_slice %arg6[%run_scoped3A_157, %dma_wait3A_234, %dma_wait3A_235] : memref<5x80x128xf32, #tpu.memory_space<vmem>> -> memref<1x80x128xf32, #tpu.memory_space<vmem>>
        %dma_wait3A_237 = tpu.memref_squeeze %dma_wait3A_236 : memref<1x80x128xf32, #tpu.memory_space<vmem>> -> memref<80x128xf32, #tpu.memory_space<vmem>>
        %dma_wait3A_238 = arith.constant 0 : i32
        %dma_wait3A_239 = tpu.memref_slice %arg4[%add3A_156, %dma_wait3A_238] : memref<320000x128xf32, #tpu.memory_space<hbm>> -> memref<80x128xf32, #tpu.memory_space<hbm>>
        %dma_wait3A_240 = arith.constant 0 : i32
        %dma_wait3A_241 = tpu.memref_slice %arg4[%add3A_156, %dma_wait3A_240] : memref<320000x128xf32, #tpu.memory_space<hbm>> -> memref<80x128xf32, #tpu.memory_space<hbm>>
        %dma_wait3A_242 = arith.constant 0 : i32
        %dma_wait3A_243 = arith.constant 0 : i32
        %dma_wait3A_244 = tpu.memref_slice %arg6[%run_scoped3A_157, %dma_wait3A_242, %dma_wait3A_243] : memref<5x80x128xf32, #tpu.memory_space<vmem>> -> memref<1x80x128xf32, #tpu.memory_space<vmem>>
        %dma_wait3A_245 = tpu.memref_squeeze %dma_wait3A_244 : memref<1x80x128xf32, #tpu.memory_space<vmem>> -> memref<80x128xf32, #tpu.memory_space<vmem>>
        tpu.wait_dma2 semaphore(%run_scoped3A_221 : memref<!tpu.dma_semaphore, #tpu.memory_space<semaphore_mem>>) src(%dma_wait3A_245 : memref<80x128xf32, #tpu.memory_space<vmem>>) dst(%dma_wait3A_241 : memref<80x128xf32, #tpu.memory_space<hbm>>)
        tpu.yield
      }) : () -> ()
      %lt3A_158 = arith.constant 24 : i32
      %lt3A_159 = arith.cmpi slt, %scan3A_80, %lt3A_158 : i32
      %convert_element_type3A_160 = arith.extui %lt3A_159 : i1 to i32
      %cond3A_161 = arith.constant 0 : i32
      %cond3A_162 = arith.cmpi ne, %convert_element_type3A_160, %cond3A_161 : i32
      scf.if %cond3A_162 {
        %add3A_221 = arith.constant 5 : i32
        %add3A_222 = arith.addi %add3A_137, %add3A_221 : i32
        %dma_start3A_223 = arith.constant 2 : i32
        %dma_start3A_224 = arith.constant 2 : i32
        %dma_start3A_225 = arith.constant 0 : i32
        %dma_start3A_226 = arith.constant 0 : i32
        %dma_start3A_227 = tpu.memref_slice %arg6[%dma_start3A_223, %dma_start3A_225, %dma_start3A_226] : memref<5x80x128xf32, #tpu.memory_space<vmem>> -> memref<1x80x128xf32, #tpu.memory_space<vmem>>
        %dma_start3A_228 = tpu.memref_squeeze %dma_start3A_227 : memref<1x80x128xf32, #tpu.memory_space<vmem>> -> memref<80x128xf32, #tpu.memory_space<vmem>>
        %dma_start3A_229 = arith.constant 0 : i32
        %dma_start3A_230 = tpu.memref_slice %arg5[%add3A_222, %dma_start3A_229] : memref<125x80xi32, #tpu.memory_space<vmem>> -> memref<1x80xi32, #tpu.memory_space<vmem>>
        %dma_start3A_231 = tpu.memref_squeeze %dma_start3A_230 : memref<1x80xi32, #tpu.memory_space<vmem>> -> memref<80xi32, #tpu.memory_space<vmem>>
        %dma_start3A_232 = arith.constant 0 : i32
        %dma_start3A_233 = arith.constant 0 : i32
        %dma_start3A_234 = tpu.memref_slice %arg2[%dma_start3A_232, %dma_start3A_233] : memref<10000x128xf32, #tpu.memory_space<hbm>> -> memref<10000x128xf32, #tpu.memory_space<hbm>>
        %dma_start3A_235 = tpu.memref_slice %arg7[%dma_start3A_224] : memref<5x!tpu.dma_semaphore, #tpu.memory_space<semaphore_mem>> -> memref<1x!tpu.dma_semaphore, #tpu.memory_space<semaphore_mem>>
        %dma_start3A_236 = tpu.memref_squeeze %dma_start3A_235 : memref<1x!tpu.dma_semaphore, #tpu.memory_space<semaphore_mem>> -> memref<!tpu.dma_semaphore, #tpu.memory_space<semaphore_mem>>
        tpu.enqueue_indirect_dma source(%dma_start3A_234 : memref<10000x128xf32, #tpu.memory_space<hbm>>) target(%dma_start3A_228 : memref<80x128xf32, #tpu.memory_space<vmem>>) offsets(%dma_start3A_231 : memref<80xi32, #tpu.memory_space<vmem>>) semaphore(%dma_start3A_236 : memref<!tpu.dma_semaphore, #tpu.memory_space<semaphore_mem>>)
      } else {
      }
      %mul3A_163 = arith.constant 5 : i32
      %mul3A_164 = arith.muli %scan3A_80, %mul3A_163 : i32
      %add3A_165 = arith.constant 3 : i32
      %add3A_166 = arith.addi %mul3A_164, %add3A_165 : i32
      %dma_wait3A_167 = arith.constant 3 : i32
      %dma_wait3A_168 = arith.constant 3 : i32
      %dma_wait3A_169 = arith.constant 0 : i32
      %dma_wait3A_170 = arith.constant 0 : i32
      %dma_wait3A_171 = tpu.memref_slice %arg6[%dma_wait3A_167, %dma_wait3A_169, %dma_wait3A_170] : memref<5x80x128xf32, #tpu.memory_space<vmem>> -> memref<1x80x128xf32, #tpu.memory_space<vmem>>
      %dma_wait3A_172 = tpu.memref_squeeze %dma_wait3A_171 : memref<1x80x128xf32, #tpu.memory_space<vmem>> -> memref<80x128xf32, #tpu.memory_space<vmem>>
      %dma_wait3A_173 = arith.constant 0 : i32
      %dma_wait3A_174 = tpu.memref_slice %arg5[%add3A_166, %dma_wait3A_173] : memref<125x80xi32, #tpu.memory_space<vmem>> -> memref<1x80xi32, #tpu.memory_space<vmem>>
      %dma_wait3A_175 = tpu.memref_squeeze %dma_wait3A_174 : memref<1x80xi32, #tpu.memory_space<vmem>> -> memref<80xi32, #tpu.memory_space<vmem>>
      %dma_wait3A_176 = arith.constant 0 : i32
      %dma_wait3A_177 = arith.constant 0 : i32
      %dma_wait3A_178 = tpu.memref_slice %arg2[%dma_wait3A_176, %dma_wait3A_177] : memref<10000x128xf32, #tpu.memory_space<hbm>> -> memref<10000x128xf32, #tpu.memory_space<hbm>>
      %dma_wait3A_179 = tpu.memref_slice %arg7[%dma_wait3A_168] : memref<5x!tpu.dma_semaphore, #tpu.memory_space<semaphore_mem>> -> memref<1x!tpu.dma_semaphore, #tpu.memory_space<semaphore_mem>>
      %dma_wait3A_180 = tpu.memref_squeeze %dma_wait3A_179 : memref<1x!tpu.dma_semaphore, #tpu.memory_space<semaphore_mem>> -> memref<!tpu.dma_semaphore, #tpu.memory_space<semaphore_mem>>
      tpu.wait_indirect_dma semaphore(%dma_wait3A_180 : memref<!tpu.dma_semaphore, #tpu.memory_space<semaphore_mem>>) src(%dma_wait3A_178 : memref<10000x128xf32, #tpu.memory_space<hbm>>) dst(%dma_wait3A_172 : memref<80x128xf32, #tpu.memory_space<vmem>>)
      %mul3A_181 = arith.constant 10000 : i32
      %mul3A_182 = arith.muli %add3A, %mul3A_181 : i32
      %mul3A_183 = arith.constant 80 : i32
      %mul3A_184 = arith.muli %add3A_166, %mul3A_183 : i32
      %add3A_185 = arith.addi %mul3A_182, %mul3A_184 : i32
      %run_scoped3A_186 = arith.constant 3 : i32
      "tpu.region"() ({
        %run_scoped3A_221 = tpu.sem_alloc : memref<!tpu.dma_semaphore, #tpu.memory_space<semaphore_mem>>
        %dma_start3A_222 = arith.constant 0 : i32
        %dma_start3A_223 = arith.constant 0 : i32
        %dma_start3A_224 = tpu.memref_slice %arg6[%run_scoped3A_186, %dma_start3A_222, %dma_start3A_223] : memref<5x80x128xf32, #tpu.memory_space<vmem>> -> memref<1x80x128xf32, #tpu.memory_space<vmem>>
        %dma_start3A_225 = tpu.memref_squeeze %dma_start3A_224 : memref<1x80x128xf32, #tpu.memory_space<vmem>> -> memref<80x128xf32, #tpu.memory_space<vmem>>
        %dma_start3A_226 = arith.constant 0 : i32
        %dma_start3A_227 = tpu.memref_slice %arg4[%add3A_185, %dma_start3A_226] : memref<320000x128xf32, #tpu.memory_space<hbm>> -> memref<80x128xf32, #tpu.memory_space<hbm>>
        %dma_start3A_228 = arith.constant 0 : i32
        %dma_start3A_229 = tpu.memref_slice %arg4[%add3A_185, %dma_start3A_228] : memref<320000x128xf32, #tpu.memory_space<hbm>> -> memref<80x128xf32, #tpu.memory_space<hbm>>
        %dma_start3A_230 = arith.constant 0 : i32
        %dma_start3A_231 = arith.constant 0 : i32
        %dma_start3A_232 = tpu.memref_slice %arg6[%run_scoped3A_186, %dma_start3A_230, %dma_start3A_231] : memref<5x80x128xf32, #tpu.memory_space<vmem>> -> memref<1x80x128xf32, #tpu.memory_space<vmem>>
        %dma_start3A_233 = tpu.memref_squeeze %dma_start3A_232 : memref<1x80x128xf32, #tpu.memory_space<vmem>> -> memref<80x128xf32, #tpu.memory_space<vmem>>
        tpu.enqueue_dma source(%dma_start3A_233 : memref<80x128xf32, #tpu.memory_space<vmem>>) target(%dma_start3A_229 : memref<80x128xf32, #tpu.memory_space<hbm>>) target_semaphore(%run_scoped3A_221 : memref<!tpu.dma_semaphore, #tpu.memory_space<semaphore_mem>>)
        %dma_wait3A_234 = arith.constant 0 : i32
        %dma_wait3A_235 = arith.constant 0 : i32
        %dma_wait3A_236 = tpu.memref_slice %arg6[%run_scoped3A_186, %dma_wait3A_234, %dma_wait3A_235] : memref<5x80x128xf32, #tpu.memory_space<vmem>> -> memref<1x80x128xf32, #tpu.memory_space<vmem>>
        %dma_wait3A_237 = tpu.memref_squeeze %dma_wait3A_236 : memref<1x80x128xf32, #tpu.memory_space<vmem>> -> memref<80x128xf32, #tpu.memory_space<vmem>>
        %dma_wait3A_238 = arith.constant 0 : i32
        %dma_wait3A_239 = tpu.memref_slice %arg4[%add3A_185, %dma_wait3A_238] : memref<320000x128xf32, #tpu.memory_space<hbm>> -> memref<80x128xf32, #tpu.memory_space<hbm>>
        %dma_wait3A_240 = arith.constant 0 : i32
        %dma_wait3A_241 = tpu.memref_slice %arg4[%add3A_185, %dma_wait3A_240] : memref<320000x128xf32, #tpu.memory_space<hbm>> -> memref<80x128xf32, #tpu.memory_space<hbm>>
        %dma_wait3A_242 = arith.constant 0 : i32
        %dma_wait3A_243 = arith.constant 0 : i32
        %dma_wait3A_244 = tpu.memref_slice %arg6[%run_scoped3A_186, %dma_wait3A_242, %dma_wait3A_243] : memref<5x80x128xf32, #tpu.memory_space<vmem>> -> memref<1x80x128xf32, #tpu.memory_space<vmem>>
        %dma_wait3A_245 = tpu.memref_squeeze %dma_wait3A_244 : memref<1x80x128xf32, #tpu.memory_space<vmem>> -> memref<80x128xf32, #tpu.memory_space<vmem>>
        tpu.wait_dma2 semaphore(%run_scoped3A_221 : memref<!tpu.dma_semaphore, #tpu.memory_space<semaphore_mem>>) src(%dma_wait3A_245 : memref<80x128xf32, #tpu.memory_space<vmem>>) dst(%dma_wait3A_241 : memref<80x128xf32, #tpu.memory_space<hbm>>)
        tpu.yield
      }) : () -> ()
      %lt3A_187 = arith.constant 24 : i32
      %lt3A_188 = arith.cmpi slt, %scan3A_80, %lt3A_187 : i32
      %convert_element_type3A_189 = arith.extui %lt3A_188 : i1 to i32
      %cond3A_190 = arith.constant 0 : i32
      %cond3A_191 = arith.cmpi ne, %convert_element_type3A_189, %cond3A_190 : i32
      scf.if %cond3A_191 {
        %add3A_221 = arith.constant 5 : i32
        %add3A_222 = arith.addi %add3A_166, %add3A_221 : i32
        %dma_start3A_223 = arith.constant 3 : i32
        %dma_start3A_224 = arith.constant 3 : i32
        %dma_start3A_225 = arith.constant 0 : i32
        %dma_start3A_226 = arith.constant 0 : i32
        %dma_start3A_227 = tpu.memref_slice %arg6[%dma_start3A_223, %dma_start3A_225, %dma_start3A_226] : memref<5x80x128xf32, #tpu.memory_space<vmem>> -> memref<1x80x128xf32, #tpu.memory_space<vmem>>
        %dma_start3A_228 = tpu.memref_squeeze %dma_start3A_227 : memref<1x80x128xf32, #tpu.memory_space<vmem>> -> memref<80x128xf32, #tpu.memory_space<vmem>>
        %dma_start3A_229 = arith.constant 0 : i32
        %dma_start3A_230 = tpu.memref_slice %arg5[%add3A_222, %dma_start3A_229] : memref<125x80xi32, #tpu.memory_space<vmem>> -> memref<1x80xi32, #tpu.memory_space<vmem>>
        %dma_start3A_231 = tpu.memref_squeeze %dma_start3A_230 : memref<1x80xi32, #tpu.memory_space<vmem>> -> memref<80xi32, #tpu.memory_space<vmem>>
        %dma_start3A_232 = arith.constant 0 : i32
        %dma_start3A_233 = arith.constant 0 : i32
        %dma_start3A_234 = tpu.memref_slice %arg2[%dma_start3A_232, %dma_start3A_233] : memref<10000x128xf32, #tpu.memory_space<hbm>> -> memref<10000x128xf32, #tpu.memory_space<hbm>>
        %dma_start3A_235 = tpu.memref_slice %arg7[%dma_start3A_224] : memref<5x!tpu.dma_semaphore, #tpu.memory_space<semaphore_mem>> -> memref<1x!tpu.dma_semaphore, #tpu.memory_space<semaphore_mem>>
        %dma_start3A_236 = tpu.memref_squeeze %dma_start3A_235 : memref<1x!tpu.dma_semaphore, #tpu.memory_space<semaphore_mem>> -> memref<!tpu.dma_semaphore, #tpu.memory_space<semaphore_mem>>
        tpu.enqueue_indirect_dma source(%dma_start3A_234 : memref<10000x128xf32, #tpu.memory_space<hbm>>) target(%dma_start3A_228 : memref<80x128xf32, #tpu.memory_space<vmem>>) offsets(%dma_start3A_231 : memref<80xi32, #tpu.memory_space<vmem>>) semaphore(%dma_start3A_236 : memref<!tpu.dma_semaphore, #tpu.memory_space<semaphore_mem>>)
      } else {
      }
      %mul3A_192 = arith.constant 5 : i32
      %mul3A_193 = arith.muli %scan3A_80, %mul3A_192 : i32
      %add3A_194 = arith.constant 4 : i32
      %add3A_195 = arith.addi %mul3A_193, %add3A_194 : i32
      %dma_wait3A_196 = arith.constant 4 : i32
      %dma_wait3A_197 = arith.constant 4 : i32
      %dma_wait3A_198 = arith.constant 0 : i32
      %dma_wait3A_199 = arith.constant 0 : i32
      %dma_wait3A_200 = tpu.memref_slice %arg6[%dma_wait3A_196, %dma_wait3A_198, %dma_wait3A_199] : memref<5x80x128xf32, #tpu.memory_space<vmem>> -> memref<1x80x128xf32, #tpu.memory_space<vmem>>
      %dma_wait3A_201 = tpu.memref_squeeze %dma_wait3A_200 : memref<1x80x128xf32, #tpu.memory_space<vmem>> -> memref<80x128xf32, #tpu.memory_space<vmem>>
      %dma_wait3A_202 = arith.constant 0 : i32
      %dma_wait3A_203 = tpu.memref_slice %arg5[%add3A_195, %dma_wait3A_202] : memref<125x80xi32, #tpu.memory_space<vmem>> -> memref<1x80xi32, #tpu.memory_space<vmem>>
      %dma_wait3A_204 = tpu.memref_squeeze %dma_wait3A_203 : memref<1x80xi32, #tpu.memory_space<vmem>> -> memref<80xi32, #tpu.memory_space<vmem>>
      %dma_wait3A_205 = arith.constant 0 : i32
      %dma_wait3A_206 = arith.constant 0 : i32
      %dma_wait3A_207 = tpu.memref_slice %arg2[%dma_wait3A_205, %dma_wait3A_206] : memref<10000x128xf32, #tpu.memory_space<hbm>> -> memref<10000x128xf32, #tpu.memory_space<hbm>>
      %dma_wait3A_208 = tpu.memref_slice %arg7[%dma_wait3A_197] : memref<5x!tpu.dma_semaphore, #tpu.memory_space<semaphore_mem>> -> memref<1x!tpu.dma_semaphore, #tpu.memory_space<semaphore_mem>>
      %dma_wait3A_209 = tpu.memref_squeeze %dma_wait3A_208 : memref<1x!tpu.dma_semaphore, #tpu.memory_space<semaphore_mem>> -> memref<!tpu.dma_semaphore, #tpu.memory_space<semaphore_mem>>
      tpu.wait_indirect_dma semaphore(%dma_wait3A_209 : memref<!tpu.dma_semaphore, #tpu.memory_space<semaphore_mem>>) src(%dma_wait3A_207 : memref<10000x128xf32, #tpu.memory_space<hbm>>) dst(%dma_wait3A_201 : memref<80x128xf32, #tpu.memory_space<vmem>>)
      %mul3A_210 = arith.constant 10000 : i32
      %mul3A_211 = arith.muli %add3A, %mul3A_210 : i32
      %mul3A_212 = arith.constant 80 : i32
      %mul3A_213 = arith.muli %add3A_195, %mul3A_212 : i32
      %add3A_214 = arith.addi %mul3A_211, %mul3A_213 : i32
      %run_scoped3A_215 = arith.constant 4 : i32
      "tpu.region"() ({
        %run_scoped3A_221 = tpu.sem_alloc : memref<!tpu.dma_semaphore, #tpu.memory_space<semaphore_mem>>
        %dma_start3A_222 = arith.constant 0 : i32
        %dma_start3A_223 = arith.constant 0 : i32
        %dma_start3A_224 = tpu.memref_slice %arg6[%run_scoped3A_215, %dma_start3A_222, %dma_start3A_223] : memref<5x80x128xf32, #tpu.memory_space<vmem>> -> memref<1x80x128xf32, #tpu.memory_space<vmem>>
        %dma_start3A_225 = tpu.memref_squeeze %dma_start3A_224 : memref<1x80x128xf32, #tpu.memory_space<vmem>> -> memref<80x128xf32, #tpu.memory_space<vmem>>
        %dma_start3A_226 = arith.constant 0 : i32
        %dma_start3A_227 = tpu.memref_slice %arg4[%add3A_214, %dma_start3A_226] : memref<320000x128xf32, #tpu.memory_space<hbm>> -> memref<80x128xf32, #tpu.memory_space<hbm>>
        %dma_start3A_228 = arith.constant 0 : i32
        %dma_start3A_229 = tpu.memref_slice %arg4[%add3A_214, %dma_start3A_228] : memref<320000x128xf32, #tpu.memory_space<hbm>> -> memref<80x128xf32, #tpu.memory_space<hbm>>
        %dma_start3A_230 = arith.constant 0 : i32
        %dma_start3A_231 = arith.constant 0 : i32
        %dma_start3A_232 = tpu.memref_slice %arg6[%run_scoped3A_215, %dma_start3A_230, %dma_start3A_231] : memref<5x80x128xf32, #tpu.memory_space<vmem>> -> memref<1x80x128xf32, #tpu.memory_space<vmem>>
        %dma_start3A_233 = tpu.memref_squeeze %dma_start3A_232 : memref<1x80x128xf32, #tpu.memory_space<vmem>> -> memref<80x128xf32, #tpu.memory_space<vmem>>
        tpu.enqueue_dma source(%dma_start3A_233 : memref<80x128xf32, #tpu.memory_space<vmem>>) target(%dma_start3A_229 : memref<80x128xf32, #tpu.memory_space<hbm>>) target_semaphore(%run_scoped3A_221 : memref<!tpu.dma_semaphore, #tpu.memory_space<semaphore_mem>>)
        %dma_wait3A_234 = arith.constant 0 : i32
        %dma_wait3A_235 = arith.constant 0 : i32
        %dma_wait3A_236 = tpu.memref_slice %arg6[%run_scoped3A_215, %dma_wait3A_234, %dma_wait3A_235] : memref<5x80x128xf32, #tpu.memory_space<vmem>> -> memref<1x80x128xf32, #tpu.memory_space<vmem>>
        %dma_wait3A_237 = tpu.memref_squeeze %dma_wait3A_236 : memref<1x80x128xf32, #tpu.memory_space<vmem>> -> memref<80x128xf32, #tpu.memory_space<vmem>>
        %dma_wait3A_238 = arith.constant 0 : i32
        %dma_wait3A_239 = tpu.memref_slice %arg4[%add3A_214, %dma_wait3A_238] : memref<320000x128xf32, #tpu.memory_space<hbm>> -> memref<80x128xf32, #tpu.memory_space<hbm>>
        %dma_wait3A_240 = arith.constant 0 : i32
        %dma_wait3A_241 = tpu.memref_slice %arg4[%add3A_214, %dma_wait3A_240] : memref<320000x128xf32, #tpu.memory_space<hbm>> -> memref<80x128xf32, #tpu.memory_space<hbm>>
        %dma_wait3A_242 = arith.constant 0 : i32
        %dma_wait3A_243 = arith.constant 0 : i32
        %dma_wait3A_244 = tpu.memref_slice %arg6[%run_scoped3A_215, %dma_wait3A_242, %dma_wait3A_243] : memref<5x80x128xf32, #tpu.memory_space<vmem>> -> memref<1x80x128xf32, #tpu.memory_space<vmem>>
        %dma_wait3A_245 = tpu.memref_squeeze %dma_wait3A_244 : memref<1x80x128xf32, #tpu.memory_space<vmem>> -> memref<80x128xf32, #tpu.memory_space<vmem>>
        tpu.wait_dma2 semaphore(%run_scoped3A_221 : memref<!tpu.dma_semaphore, #tpu.memory_space<semaphore_mem>>) src(%dma_wait3A_245 : memref<80x128xf32, #tpu.memory_space<vmem>>) dst(%dma_wait3A_241 : memref<80x128xf32, #tpu.memory_space<hbm>>)
        tpu.yield
      }) : () -> ()
      %lt3A_216 = arith.constant 24 : i32
      %lt3A_217 = arith.cmpi slt, %scan3A_80, %lt3A_216 : i32
      %convert_element_type3A_218 = arith.extui %lt3A_217 : i1 to i32
      %cond3A_219 = arith.constant 0 : i32
      %cond3A_220 = arith.cmpi ne, %convert_element_type3A_218, %cond3A_219 : i32
      scf.if %cond3A_220 {
        %add3A_221 = arith.constant 5 : i32
        %add3A_222 = arith.addi %add3A_195, %add3A_221 : i32
        %dma_start3A_223 = arith.constant 4 : i32
        %dma_start3A_224 = arith.constant 4 : i32
        %dma_start3A_225 = arith.constant 0 : i32
        %dma_start3A_226 = arith.constant 0 : i32
        %dma_start3A_227 = tpu.memref_slice %arg6[%dma_start3A_223, %dma_start3A_225, %dma_start3A_226] : memref<5x80x128xf32, #tpu.memory_space<vmem>> -> memref<1x80x128xf32, #tpu.memory_space<vmem>>
        %dma_start3A_228 = tpu.memref_squeeze %dma_start3A_227 : memref<1x80x128xf32, #tpu.memory_space<vmem>> -> memref<80x128xf32, #tpu.memory_space<vmem>>
        %dma_start3A_229 = arith.constant 0 : i32
        %dma_start3A_230 = tpu.memref_slice %arg5[%add3A_222, %dma_start3A_229] : memref<125x80xi32, #tpu.memory_space<vmem>> -> memref<1x80xi32, #tpu.memory_space<vmem>>
        %dma_start3A_231 = tpu.memref_squeeze %dma_start3A_230 : memref<1x80xi32, #tpu.memory_space<vmem>> -> memref<80xi32, #tpu.memory_space<vmem>>
        %dma_start3A_232 = arith.constant 0 : i32
        %dma_start3A_233 = arith.constant 0 : i32
        %dma_start3A_234 = tpu.memref_slice %arg2[%dma_start3A_232, %dma_start3A_233] : memref<10000x128xf32, #tpu.memory_space<hbm>> -> memref<10000x128xf32, #tpu.memory_space<hbm>>
        %dma_start3A_235 = tpu.memref_slice %arg7[%dma_start3A_224] : memref<5x!tpu.dma_semaphore, #tpu.memory_space<semaphore_mem>> -> memref<1x!tpu.dma_semaphore, #tpu.memory_space<semaphore_mem>>
        %dma_start3A_236 = tpu.memref_squeeze %dma_start3A_235 : memref<1x!tpu.dma_semaphore, #tpu.memory_space<semaphore_mem>> -> memref<!tpu.dma_semaphore, #tpu.memory_space<semaphore_mem>>
        tpu.enqueue_indirect_dma source(%dma_start3A_234 : memref<10000x128xf32, #tpu.memory_space<hbm>>) target(%dma_start3A_228 : memref<80x128xf32, #tpu.memory_space<vmem>>) offsets(%dma_start3A_231 : memref<80xi32, #tpu.memory_space<vmem>>) semaphore(%dma_start3A_236 : memref<!tpu.dma_semaphore, #tpu.memory_space<semaphore_mem>>)
      } else {
      }
    }
    %scan3A_79 = arith.constant 25 : i32
    return
  }
}

#map = affine_map<(d0, d1) -> (0, 0)>
#map1 = affine_map<(d0, d1) -> (0, 0, 0)>
module attributes {stable_mosaic.version = 14 : i64} {
  func.func @_gather(%arg0: i32, %arg1: i32, %arg2: memref<10000x256xf32, #tpu.memory_space<hbm>>, %arg3: memref<32x125x80xi32, #tpu.memory_space<hbm>>, %arg4: memref<320000x256xf32, #tpu.memory_space<hbm>>, %arg5: memref<125x80xi32, #tpu.memory_space<vmem>>, %arg6: memref<5x80x256xf32, #tpu.memory_space<vmem>>, %arg7: memref<5x!tpu.dma_semaphore, #tpu.memory_space<semaphore_mem>>) attributes {dimension_semantics = [#tpu.dimension_semantics<core_parallel>, #tpu.dimension_semantics<subcore_parallel>], iteration_bounds = array<i64: 2, 16>, scalar_prefetch = 0 : i64, scratch_operands = 3 : i64, tpu.core_type = #tpu.core_type<sc_vector_subcore>, window_params = [{transform_indices = #map}, {transform_indices = #map1}, {transform_indices = #map}]} {
    %mul3A = arith.constant 2 : i32
    %mul3A_0 = arith.muli %arg1, %mul3A : i32
    %add3A = arith.addi %mul3A_0, %arg0 : i32
    "tpu.region"() ({
      %run_scoped3A = tpu.sem_alloc : memref<!tpu.dma_semaphore, #tpu.memory_space<semaphore_mem>>
      %dma_start3A_80 = arith.constant 0 : i32
      %dma_start3A_81 = arith.constant 0 : i32
      %dma_start3A_82 = tpu.memref_slice %arg3[%add3A, %dma_start3A_80, %dma_start3A_81] : memref<32x125x80xi32, #tpu.memory_space<hbm>> -> memref<1x125x80xi32, #tpu.memory_space<hbm>>
      %dma_start3A_83 = tpu.memref_squeeze %dma_start3A_82 : memref<1x125x80xi32, #tpu.memory_space<hbm>> -> memref<125x80xi32, #tpu.memory_space<hbm>>
      %dma_start3A_84 = arith.constant 0 : i32
      %dma_start3A_85 = arith.constant 0 : i32
      %dma_start3A_86 = tpu.memref_slice %arg3[%add3A, %dma_start3A_84, %dma_start3A_85] : memref<32x125x80xi32, #tpu.memory_space<hbm>> -> memref<1x125x80xi32, #tpu.memory_space<hbm>>
      %dma_start3A_87 = tpu.memref_squeeze %dma_start3A_86 : memref<1x125x80xi32, #tpu.memory_space<hbm>> -> memref<125x80xi32, #tpu.memory_space<hbm>>
      tpu.enqueue_dma source(%dma_start3A_87 : memref<125x80xi32, #tpu.memory_space<hbm>>) target(%arg5 : memref<125x80xi32, #tpu.memory_space<vmem>>) target_semaphore(%run_scoped3A : memref<!tpu.dma_semaphore, #tpu.memory_space<semaphore_mem>>)
      %dma_wait3A = arith.constant 0 : i32
      %dma_wait3A_88 = arith.constant 0 : i32
      %dma_wait3A_89 = tpu.memref_slice %arg3[%add3A, %dma_wait3A, %dma_wait3A_88] : memref<32x125x80xi32, #tpu.memory_space<hbm>> -> memref<1x125x80xi32, #tpu.memory_space<hbm>>
      %dma_wait3A_90 = tpu.memref_squeeze %dma_wait3A_89 : memref<1x125x80xi32, #tpu.memory_space<hbm>> -> memref<125x80xi32, #tpu.memory_space<hbm>>
      %dma_wait3A_91 = arith.constant 0 : i32
      %dma_wait3A_92 = arith.constant 0 : i32
      %dma_wait3A_93 = tpu.memref_slice %arg3[%add3A, %dma_wait3A_91, %dma_wait3A_92] : memref<32x125x80xi32, #tpu.memory_space<hbm>> -> memref<1x125x80xi32, #tpu.memory_space<hbm>>
      %dma_wait3A_94 = tpu.memref_squeeze %dma_wait3A_93 : memref<1x125x80xi32, #tpu.memory_space<hbm>> -> memref<125x80xi32, #tpu.memory_space<hbm>>
      tpu.wait_dma2 semaphore(%run_scoped3A : memref<!tpu.dma_semaphore, #tpu.memory_space<semaphore_mem>>) src(%dma_wait3A_94 : memref<125x80xi32, #tpu.memory_space<hbm>>) dst(%arg5 : memref<125x80xi32, #tpu.memory_space<vmem>>)
      tpu.yield
    }) : () -> ()
    %dma_start3A = arith.constant 0 : i32
    %dma_start3A_1 = arith.constant 0 : i32
    %dma_start3A_2 = arith.constant 0 : i32
    %dma_start3A_3 = arith.constant 0 : i32
    %dma_start3A_4 = arith.constant 0 : i32
    %dma_start3A_5 = tpu.memref_slice %arg6[%dma_start3A_1, %dma_start3A_3, %dma_start3A_4] : memref<5x80x256xf32, #tpu.memory_space<vmem>> -> memref<1x80x256xf32, #tpu.memory_space<vmem>>
    %dma_start3A_6 = tpu.memref_squeeze %dma_start3A_5 : memref<1x80x256xf32, #tpu.memory_space<vmem>> -> memref<80x256xf32, #tpu.memory_space<vmem>>
    %dma_start3A_7 = arith.constant 0 : i32
    %dma_start3A_8 = tpu.memref_slice %arg5[%dma_start3A, %dma_start3A_7] : memref<125x80xi32, #tpu.memory_space<vmem>> -> memref<1x80xi32, #tpu.memory_space<vmem>>
    %dma_start3A_9 = tpu.memref_squeeze %dma_start3A_8 : memref<1x80xi32, #tpu.memory_space<vmem>> -> memref<80xi32, #tpu.memory_space<vmem>>
    %dma_start3A_10 = arith.constant 0 : i32
    %dma_start3A_11 = arith.constant 0 : i32
    %dma_start3A_12 = tpu.memref_slice %arg2[%dma_start3A_10, %dma_start3A_11] : memref<10000x256xf32, #tpu.memory_space<hbm>> -> memref<10000x256xf32, #tpu.memory_space<hbm>>
    %dma_start3A_13 = tpu.memref_slice %arg7[%dma_start3A_2] : memref<5x!tpu.dma_semaphore, #tpu.memory_space<semaphore_mem>> -> memref<1x!tpu.dma_semaphore, #tpu.memory_space<semaphore_mem>>
    %dma_start3A_14 = tpu.memref_squeeze %dma_start3A_13 : memref<1x!tpu.dma_semaphore, #tpu.memory_space<semaphore_mem>> -> memref<!tpu.dma_semaphore, #tpu.memory_space<semaphore_mem>>
    tpu.enqueue_indirect_dma source(%dma_start3A_12 : memref<10000x256xf32, #tpu.memory_space<hbm>>) target(%dma_start3A_6 : memref<80x256xf32, #tpu.memory_space<vmem>>) offsets(%dma_start3A_9 : memref<80xi32, #tpu.memory_space<vmem>>) semaphore(%dma_start3A_14 : memref<!tpu.dma_semaphore, #tpu.memory_space<semaphore_mem>>)
    %dma_start3A_15 = arith.constant 1 : i32
    %dma_start3A_16 = arith.constant 1 : i32
    %dma_start3A_17 = arith.constant 1 : i32
    %dma_start3A_18 = arith.constant 0 : i32
    %dma_start3A_19 = arith.constant 0 : i32
    %dma_start3A_20 = tpu.memref_slice %arg6[%dma_start3A_16, %dma_start3A_18, %dma_start3A_19] : memref<5x80x256xf32, #tpu.memory_space<vmem>> -> memref<1x80x256xf32, #tpu.memory_space<vmem>>
    %dma_start3A_21 = tpu.memref_squeeze %dma_start3A_20 : memref<1x80x256xf32, #tpu.memory_space<vmem>> -> memref<80x256xf32, #tpu.memory_space<vmem>>
    %dma_start3A_22 = arith.constant 0 : i32
    %dma_start3A_23 = tpu.memref_slice %arg5[%dma_start3A_15, %dma_start3A_22] : memref<125x80xi32, #tpu.memory_space<vmem>> -> memref<1x80xi32, #tpu.memory_space<vmem>>
    %dma_start3A_24 = tpu.memref_squeeze %dma_start3A_23 : memref<1x80xi32, #tpu.memory_space<vmem>> -> memref<80xi32, #tpu.memory_space<vmem>>
    %dma_start3A_25 = arith.constant 0 : i32
    %dma_start3A_26 = arith.constant 0 : i32
    %dma_start3A_27 = tpu.memref_slice %arg2[%dma_start3A_25, %dma_start3A_26] : memref<10000x256xf32, #tpu.memory_space<hbm>> -> memref<10000x256xf32, #tpu.memory_space<hbm>>
    %dma_start3A_28 = tpu.memref_slice %arg7[%dma_start3A_17] : memref<5x!tpu.dma_semaphore, #tpu.memory_space<semaphore_mem>> -> memref<1x!tpu.dma_semaphore, #tpu.memory_space<semaphore_mem>>
    %dma_start3A_29 = tpu.memref_squeeze %dma_start3A_28 : memref<1x!tpu.dma_semaphore, #tpu.memory_space<semaphore_mem>> -> memref<!tpu.dma_semaphore, #tpu.memory_space<semaphore_mem>>
    tpu.enqueue_indirect_dma source(%dma_start3A_27 : memref<10000x256xf32, #tpu.memory_space<hbm>>) target(%dma_start3A_21 : memref<80x256xf32, #tpu.memory_space<vmem>>) offsets(%dma_start3A_24 : memref<80xi32, #tpu.memory_space<vmem>>) semaphore(%dma_start3A_29 : memref<!tpu.dma_semaphore, #tpu.memory_space<semaphore_mem>>)
    %dma_start3A_30 = arith.constant 2 : i32
    %dma_start3A_31 = arith.constant 2 : i32
    %dma_start3A_32 = arith.constant 2 : i32
    %dma_start3A_33 = arith.constant 0 : i32
    %dma_start3A_34 = arith.constant 0 : i32
    %dma_start3A_35 = tpu.memref_slice %arg6[%dma_start3A_31, %dma_start3A_33, %dma_start3A_34] : memref<5x80x256xf32, #tpu.memory_space<vmem>> -> memref<1x80x256xf32, #tpu.memory_space<vmem>>
    %dma_start3A_36 = tpu.memref_squeeze %dma_start3A_35 : memref<1x80x256xf32, #tpu.memory_space<vmem>> -> memref<80x256xf32, #tpu.memory_space<vmem>>
    %dma_start3A_37 = arith.constant 0 : i32
    %dma_start3A_38 = tpu.memref_slice %arg5[%dma_start3A_30, %dma_start3A_37] : memref<125x80xi32, #tpu.memory_space<vmem>> -> memref<1x80xi32, #tpu.memory_space<vmem>>
    %dma_start3A_39 = tpu.memref_squeeze %dma_start3A_38 : memref<1x80xi32, #tpu.memory_space<vmem>> -> memref<80xi32, #tpu.memory_space<vmem>>
    %dma_start3A_40 = arith.constant 0 : i32
    %dma_start3A_41 = arith.constant 0 : i32
    %dma_start3A_42 = tpu.memref_slice %arg2[%dma_start3A_40, %dma_start3A_41] : memref<10000x256xf32, #tpu.memory_space<hbm>> -> memref<10000x256xf32, #tpu.memory_space<hbm>>
    %dma_start3A_43 = tpu.memref_slice %arg7[%dma_start3A_32] : memref<5x!tpu.dma_semaphore, #tpu.memory_space<semaphore_mem>> -> memref<1x!tpu.dma_semaphore, #tpu.memory_space<semaphore_mem>>
    %dma_start3A_44 = tpu.memref_squeeze %dma_start3A_43 : memref<1x!tpu.dma_semaphore, #tpu.memory_space<semaphore_mem>> -> memref<!tpu.dma_semaphore, #tpu.memory_space<semaphore_mem>>
    tpu.enqueue_indirect_dma source(%dma_start3A_42 : memref<10000x256xf32, #tpu.memory_space<hbm>>) target(%dma_start3A_36 : memref<80x256xf32, #tpu.memory_space<vmem>>) offsets(%dma_start3A_39 : memref<80xi32, #tpu.memory_space<vmem>>) semaphore(%dma_start3A_44 : memref<!tpu.dma_semaphore, #tpu.memory_space<semaphore_mem>>)
    %dma_start3A_45 = arith.constant 3 : i32
    %dma_start3A_46 = arith.constant 3 : i32
    %dma_start3A_47 = arith.constant 3 : i32
    %dma_start3A_48 = arith.constant 0 : i32
    %dma_start3A_49 = arith.constant 0 : i32
    %dma_start3A_50 = tpu.memref_slice %arg6[%dma_start3A_46, %dma_start3A_48, %dma_start3A_49] : memref<5x80x256xf32, #tpu.memory_space<vmem>> -> memref<1x80x256xf32, #tpu.memory_space<vmem>>
    %dma_start3A_51 = tpu.memref_squeeze %dma_start3A_50 : memref<1x80x256xf32, #tpu.memory_space<vmem>> -> memref<80x256xf32, #tpu.memory_space<vmem>>
    %dma_start3A_52 = arith.constant 0 : i32
    %dma_start3A_53 = tpu.memref_slice %arg5[%dma_start3A_45, %dma_start3A_52] : memref<125x80xi32, #tpu.memory_space<vmem>> -> memref<1x80xi32, #tpu.memory_space<vmem>>
    %dma_start3A_54 = tpu.memref_squeeze %dma_start3A_53 : memref<1x80xi32, #tpu.memory_space<vmem>> -> memref<80xi32, #tpu.memory_space<vmem>>
    %dma_start3A_55 = arith.constant 0 : i32
    %dma_start3A_56 = arith.constant 0 : i32
    %dma_start3A_57 = tpu.memref_slice %arg2[%dma_start3A_55, %dma_start3A_56] : memref<10000x256xf32, #tpu.memory_space<hbm>> -> memref<10000x256xf32, #tpu.memory_space<hbm>>
    %dma_start3A_58 = tpu.memref_slice %arg7[%dma_start3A_47] : memref<5x!tpu.dma_semaphore, #tpu.memory_space<semaphore_mem>> -> memref<1x!tpu.dma_semaphore, #tpu.memory_space<semaphore_mem>>
    %dma_start3A_59 = tpu.memref_squeeze %dma_start3A_58 : memref<1x!tpu.dma_semaphore, #tpu.memory_space<semaphore_mem>> -> memref<!tpu.dma_semaphore, #tpu.memory_space<semaphore_mem>>
    tpu.enqueue_indirect_dma source(%dma_start3A_57 : memref<10000x256xf32, #tpu.memory_space<hbm>>) target(%dma_start3A_51 : memref<80x256xf32, #tpu.memory_space<vmem>>) offsets(%dma_start3A_54 : memref<80xi32, #tpu.memory_space<vmem>>) semaphore(%dma_start3A_59 : memref<!tpu.dma_semaphore, #tpu.memory_space<semaphore_mem>>)
    %dma_start3A_60 = arith.constant 4 : i32
    %dma_start3A_61 = arith.constant 4 : i32
    %dma_start3A_62 = arith.constant 4 : i32
    %dma_start3A_63 = arith.constant 0 : i32
    %dma_start3A_64 = arith.constant 0 : i32
    %dma_start3A_65 = tpu.memref_slice %arg6[%dma_start3A_61, %dma_start3A_63, %dma_start3A_64] : memref<5x80x256xf32, #tpu.memory_space<vmem>> -> memref<1x80x256xf32, #tpu.memory_space<vmem>>
    %dma_start3A_66 = tpu.memref_squeeze %dma_start3A_65 : memref<1x80x256xf32, #tpu.memory_space<vmem>> -> memref<80x256xf32, #tpu.memory_space<vmem>>
    %dma_start3A_67 = arith.constant 0 : i32
    %dma_start3A_68 = tpu.memref_slice %arg5[%dma_start3A_60, %dma_start3A_67] : memref<125x80xi32, #tpu.memory_space<vmem>> -> memref<1x80xi32, #tpu.memory_space<vmem>>
    %dma_start3A_69 = tpu.memref_squeeze %dma_start3A_68 : memref<1x80xi32, #tpu.memory_space<vmem>> -> memref<80xi32, #tpu.memory_space<vmem>>
    %dma_start3A_70 = arith.constant 0 : i32
    %dma_start3A_71 = arith.constant 0 : i32
    %dma_start3A_72 = tpu.memref_slice %arg2[%dma_start3A_70, %dma_start3A_71] : memref<10000x256xf32, #tpu.memory_space<hbm>> -> memref<10000x256xf32, #tpu.memory_space<hbm>>
    %dma_start3A_73 = tpu.memref_slice %arg7[%dma_start3A_62] : memref<5x!tpu.dma_semaphore, #tpu.memory_space<semaphore_mem>> -> memref<1x!tpu.dma_semaphore, #tpu.memory_space<semaphore_mem>>
    %dma_start3A_74 = tpu.memref_squeeze %dma_start3A_73 : memref<1x!tpu.dma_semaphore, #tpu.memory_space<semaphore_mem>> -> memref<!tpu.dma_semaphore, #tpu.memory_space<semaphore_mem>>
    tpu.enqueue_indirect_dma source(%dma_start3A_72 : memref<10000x256xf32, #tpu.memory_space<hbm>>) target(%dma_start3A_66 : memref<80x256xf32, #tpu.memory_space<vmem>>) offsets(%dma_start3A_69 : memref<80xi32, #tpu.memory_space<vmem>>) semaphore(%dma_start3A_74 : memref<!tpu.dma_semaphore, #tpu.memory_space<semaphore_mem>>)
    %scan3A = arith.constant 0 : i32
    %scan3A_75 = arith.constant 0 : i32
    %scan3A_76 = arith.constant 25 : i32
    %scan3A_77 = arith.addi %scan3A_75, %scan3A_76 : i32
    %scan3A_78 = arith.constant 1 : i32
    scf.for %scan3A_80 = %scan3A_75 to %scan3A_77 step %scan3A_78  : i32 {
      %mul3A_81 = arith.constant 5 : i32
      %mul3A_82 = arith.muli %scan3A_80, %mul3A_81 : i32
      %add3A_83 = arith.constant 0 : i32
      %add3A_84 = arith.addi %mul3A_82, %add3A_83 : i32
      %dma_wait3A = arith.constant 0 : i32
      %dma_wait3A_85 = arith.constant 0 : i32
      %dma_wait3A_86 = arith.constant 0 : i32
      %dma_wait3A_87 = arith.constant 0 : i32
      %dma_wait3A_88 = tpu.memref_slice %arg6[%dma_wait3A, %dma_wait3A_86, %dma_wait3A_87] : memref<5x80x256xf32, #tpu.memory_space<vmem>> -> memref<1x80x256xf32, #tpu.memory_space<vmem>>
      %dma_wait3A_89 = tpu.memref_squeeze %dma_wait3A_88 : memref<1x80x256xf32, #tpu.memory_space<vmem>> -> memref<80x256xf32, #tpu.memory_space<vmem>>
      %dma_wait3A_90 = arith.constant 0 : i32
      %dma_wait3A_91 = tpu.memref_slice %arg5[%add3A_84, %dma_wait3A_90] : memref<125x80xi32, #tpu.memory_space<vmem>> -> memref<1x80xi32, #tpu.memory_space<vmem>>
      %dma_wait3A_92 = tpu.memref_squeeze %dma_wait3A_91 : memref<1x80xi32, #tpu.memory_space<vmem>> -> memref<80xi32, #tpu.memory_space<vmem>>
      %dma_wait3A_93 = arith.constant 0 : i32
      %dma_wait3A_94 = arith.constant 0 : i32
      %dma_wait3A_95 = tpu.memref_slice %arg2[%dma_wait3A_93, %dma_wait3A_94] : memref<10000x256xf32, #tpu.memory_space<hbm>> -> memref<10000x256xf32, #tpu.memory_space<hbm>>
      %dma_wait3A_96 = tpu.memref_slice %arg7[%dma_wait3A_85] : memref<5x!tpu.dma_semaphore, #tpu.memory_space<semaphore_mem>> -> memref<1x!tpu.dma_semaphore, #tpu.memory_space<semaphore_mem>>
      %dma_wait3A_97 = tpu.memref_squeeze %dma_wait3A_96 : memref<1x!tpu.dma_semaphore, #tpu.memory_space<semaphore_mem>> -> memref<!tpu.dma_semaphore, #tpu.memory_space<semaphore_mem>>
      tpu.wait_indirect_dma semaphore(%dma_wait3A_97 : memref<!tpu.dma_semaphore, #tpu.memory_space<semaphore_mem>>) src(%dma_wait3A_95 : memref<10000x256xf32, #tpu.memory_space<hbm>>) dst(%dma_wait3A_89 : memref<80x256xf32, #tpu.memory_space<vmem>>)
      %mul3A_98 = arith.constant 10000 : i32
      %mul3A_99 = arith.muli %add3A, %mul3A_98 : i32
      %mul3A_100 = arith.constant 80 : i32
      %mul3A_101 = arith.muli %add3A_84, %mul3A_100 : i32
      %add3A_102 = arith.addi %mul3A_99, %mul3A_101 : i32
      %run_scoped3A = arith.constant 0 : i32
      "tpu.region"() ({
        %run_scoped3A_221 = tpu.sem_alloc : memref<!tpu.dma_semaphore, #tpu.memory_space<semaphore_mem>>
        %dma_start3A_222 = arith.constant 0 : i32
        %dma_start3A_223 = arith.constant 0 : i32
        %dma_start3A_224 = tpu.memref_slice %arg6[%run_scoped3A, %dma_start3A_222, %dma_start3A_223] : memref<5x80x256xf32, #tpu.memory_space<vmem>> -> memref<1x80x256xf32, #tpu.memory_space<vmem>>
        %dma_start3A_225 = tpu.memref_squeeze %dma_start3A_224 : memref<1x80x256xf32, #tpu.memory_space<vmem>> -> memref<80x256xf32, #tpu.memory_space<vmem>>
        %dma_start3A_226 = arith.constant 0 : i32
        %dma_start3A_227 = tpu.memref_slice %arg4[%add3A_102, %dma_start3A_226] : memref<320000x256xf32, #tpu.memory_space<hbm>> -> memref<80x256xf32, #tpu.memory_space<hbm>>
        %dma_start3A_228 = arith.constant 0 : i32
        %dma_start3A_229 = tpu.memref_slice %arg4[%add3A_102, %dma_start3A_228] : memref<320000x256xf32, #tpu.memory_space<hbm>> -> memref<80x256xf32, #tpu.memory_space<hbm>>
        %dma_start3A_230 = arith.constant 0 : i32
        %dma_start3A_231 = arith.constant 0 : i32
        %dma_start3A_232 = tpu.memref_slice %arg6[%run_scoped3A, %dma_start3A_230, %dma_start3A_231] : memref<5x80x256xf32, #tpu.memory_space<vmem>> -> memref<1x80x256xf32, #tpu.memory_space<vmem>>
        %dma_start3A_233 = tpu.memref_squeeze %dma_start3A_232 : memref<1x80x256xf32, #tpu.memory_space<vmem>> -> memref<80x256xf32, #tpu.memory_space<vmem>>
        tpu.enqueue_dma source(%dma_start3A_233 : memref<80x256xf32, #tpu.memory_space<vmem>>) target(%dma_start3A_229 : memref<80x256xf32, #tpu.memory_space<hbm>>) target_semaphore(%run_scoped3A_221 : memref<!tpu.dma_semaphore, #tpu.memory_space<semaphore_mem>>)
        %dma_wait3A_234 = arith.constant 0 : i32
        %dma_wait3A_235 = arith.constant 0 : i32
        %dma_wait3A_236 = tpu.memref_slice %arg6[%run_scoped3A, %dma_wait3A_234, %dma_wait3A_235] : memref<5x80x256xf32, #tpu.memory_space<vmem>> -> memref<1x80x256xf32, #tpu.memory_space<vmem>>
        %dma_wait3A_237 = tpu.memref_squeeze %dma_wait3A_236 : memref<1x80x256xf32, #tpu.memory_space<vmem>> -> memref<80x256xf32, #tpu.memory_space<vmem>>
        %dma_wait3A_238 = arith.constant 0 : i32
        %dma_wait3A_239 = tpu.memref_slice %arg4[%add3A_102, %dma_wait3A_238] : memref<320000x256xf32, #tpu.memory_space<hbm>> -> memref<80x256xf32, #tpu.memory_space<hbm>>
        %dma_wait3A_240 = arith.constant 0 : i32
        %dma_wait3A_241 = tpu.memref_slice %arg4[%add3A_102, %dma_wait3A_240] : memref<320000x256xf32, #tpu.memory_space<hbm>> -> memref<80x256xf32, #tpu.memory_space<hbm>>
        %dma_wait3A_242 = arith.constant 0 : i32
        %dma_wait3A_243 = arith.constant 0 : i32
        %dma_wait3A_244 = tpu.memref_slice %arg6[%run_scoped3A, %dma_wait3A_242, %dma_wait3A_243] : memref<5x80x256xf32, #tpu.memory_space<vmem>> -> memref<1x80x256xf32, #tpu.memory_space<vmem>>
        %dma_wait3A_245 = tpu.memref_squeeze %dma_wait3A_244 : memref<1x80x256xf32, #tpu.memory_space<vmem>> -> memref<80x256xf32, #tpu.memory_space<vmem>>
        tpu.wait_dma2 semaphore(%run_scoped3A_221 : memref<!tpu.dma_semaphore, #tpu.memory_space<semaphore_mem>>) src(%dma_wait3A_245 : memref<80x256xf32, #tpu.memory_space<vmem>>) dst(%dma_wait3A_241 : memref<80x256xf32, #tpu.memory_space<hbm>>)
        tpu.yield
      }) : () -> ()
      %lt3A = arith.constant 24 : i32
      %lt3A_103 = arith.cmpi slt, %scan3A_80, %lt3A : i32
      %convert_element_type3A = arith.extui %lt3A_103 : i1 to i32
      %cond3A = arith.constant 0 : i32
      %cond3A_104 = arith.cmpi ne, %convert_element_type3A, %cond3A : i32
      scf.if %cond3A_104 {
        %add3A_221 = arith.constant 5 : i32
        %add3A_222 = arith.addi %add3A_84, %add3A_221 : i32
        %dma_start3A_223 = arith.constant 0 : i32
        %dma_start3A_224 = arith.constant 0 : i32
        %dma_start3A_225 = arith.constant 0 : i32
        %dma_start3A_226 = arith.constant 0 : i32
        %dma_start3A_227 = tpu.memref_slice %arg6[%dma_start3A_223, %dma_start3A_225, %dma_start3A_226] : memref<5x80x256xf32, #tpu.memory_space<vmem>> -> memref<1x80x256xf32, #tpu.memory_space<vmem>>
        %dma_start3A_228 = tpu.memref_squeeze %dma_start3A_227 : memref<1x80x256xf32, #tpu.memory_space<vmem>> -> memref<80x256xf32, #tpu.memory_space<vmem>>
        %dma_start3A_229 = arith.constant 0 : i32
        %dma_start3A_230 = tpu.memref_slice %arg5[%add3A_222, %dma_start3A_229] : memref<125x80xi32, #tpu.memory_space<vmem>> -> memref<1x80xi32, #tpu.memory_space<vmem>>
        %dma_start3A_231 = tpu.memref_squeeze %dma_start3A_230 : memref<1x80xi32, #tpu.memory_space<vmem>> -> memref<80xi32, #tpu.memory_space<vmem>>
        %dma_start3A_232 = arith.constant 0 : i32
        %dma_start3A_233 = arith.constant 0 : i32
        %dma_start3A_234 = tpu.memref_slice %arg2[%dma_start3A_232, %dma_start3A_233] : memref<10000x256xf32, #tpu.memory_space<hbm>> -> memref<10000x256xf32, #tpu.memory_space<hbm>>
        %dma_start3A_235 = tpu.memref_slice %arg7[%dma_start3A_224] : memref<5x!tpu.dma_semaphore, #tpu.memory_space<semaphore_mem>> -> memref<1x!tpu.dma_semaphore, #tpu.memory_space<semaphore_mem>>
        %dma_start3A_236 = tpu.memref_squeeze %dma_start3A_235 : memref<1x!tpu.dma_semaphore, #tpu.memory_space<semaphore_mem>> -> memref<!tpu.dma_semaphore, #tpu.memory_space<semaphore_mem>>
        tpu.enqueue_indirect_dma source(%dma_start3A_234 : memref<10000x256xf32, #tpu.memory_space<hbm>>) target(%dma_start3A_228 : memref<80x256xf32, #tpu.memory_space<vmem>>) offsets(%dma_start3A_231 : memref<80xi32, #tpu.memory_space<vmem>>) semaphore(%dma_start3A_236 : memref<!tpu.dma_semaphore, #tpu.memory_space<semaphore_mem>>)
      } else {
      }
      %mul3A_105 = arith.constant 5 : i32
      %mul3A_106 = arith.muli %scan3A_80, %mul3A_105 : i32
      %add3A_107 = arith.constant 1 : i32
      %add3A_108 = arith.addi %mul3A_106, %add3A_107 : i32
      %dma_wait3A_109 = arith.constant 1 : i32
      %dma_wait3A_110 = arith.constant 1 : i32
      %dma_wait3A_111 = arith.constant 0 : i32
      %dma_wait3A_112 = arith.constant 0 : i32
      %dma_wait3A_113 = tpu.memref_slice %arg6[%dma_wait3A_109, %dma_wait3A_111, %dma_wait3A_112] : memref<5x80x256xf32, #tpu.memory_space<vmem>> -> memref<1x80x256xf32, #tpu.memory_space<vmem>>
      %dma_wait3A_114 = tpu.memref_squeeze %dma_wait3A_113 : memref<1x80x256xf32, #tpu.memory_space<vmem>> -> memref<80x256xf32, #tpu.memory_space<vmem>>
      %dma_wait3A_115 = arith.constant 0 : i32
      %dma_wait3A_116 = tpu.memref_slice %arg5[%add3A_108, %dma_wait3A_115] : memref<125x80xi32, #tpu.memory_space<vmem>> -> memref<1x80xi32, #tpu.memory_space<vmem>>
      %dma_wait3A_117 = tpu.memref_squeeze %dma_wait3A_116 : memref<1x80xi32, #tpu.memory_space<vmem>> -> memref<80xi32, #tpu.memory_space<vmem>>
      %dma_wait3A_118 = arith.constant 0 : i32
      %dma_wait3A_119 = arith.constant 0 : i32
      %dma_wait3A_120 = tpu.memref_slice %arg2[%dma_wait3A_118, %dma_wait3A_119] : memref<10000x256xf32, #tpu.memory_space<hbm>> -> memref<10000x256xf32, #tpu.memory_space<hbm>>
      %dma_wait3A_121 = tpu.memref_slice %arg7[%dma_wait3A_110] : memref<5x!tpu.dma_semaphore, #tpu.memory_space<semaphore_mem>> -> memref<1x!tpu.dma_semaphore, #tpu.memory_space<semaphore_mem>>
      %dma_wait3A_122 = tpu.memref_squeeze %dma_wait3A_121 : memref<1x!tpu.dma_semaphore, #tpu.memory_space<semaphore_mem>> -> memref<!tpu.dma_semaphore, #tpu.memory_space<semaphore_mem>>
      tpu.wait_indirect_dma semaphore(%dma_wait3A_122 : memref<!tpu.dma_semaphore, #tpu.memory_space<semaphore_mem>>) src(%dma_wait3A_120 : memref<10000x256xf32, #tpu.memory_space<hbm>>) dst(%dma_wait3A_114 : memref<80x256xf32, #tpu.memory_space<vmem>>)
      %mul3A_123 = arith.constant 10000 : i32
      %mul3A_124 = arith.muli %add3A, %mul3A_123 : i32
      %mul3A_125 = arith.constant 80 : i32
      %mul3A_126 = arith.muli %add3A_108, %mul3A_125 : i32
      %add3A_127 = arith.addi %mul3A_124, %mul3A_126 : i32
      %run_scoped3A_128 = arith.constant 1 : i32
      "tpu.region"() ({
        %run_scoped3A_221 = tpu.sem_alloc : memref<!tpu.dma_semaphore, #tpu.memory_space<semaphore_mem>>
        %dma_start3A_222 = arith.constant 0 : i32
        %dma_start3A_223 = arith.constant 0 : i32
        %dma_start3A_224 = tpu.memref_slice %arg6[%run_scoped3A_128, %dma_start3A_222, %dma_start3A_223] : memref<5x80x256xf32, #tpu.memory_space<vmem>> -> memref<1x80x256xf32, #tpu.memory_space<vmem>>
        %dma_start3A_225 = tpu.memref_squeeze %dma_start3A_224 : memref<1x80x256xf32, #tpu.memory_space<vmem>> -> memref<80x256xf32, #tpu.memory_space<vmem>>
        %dma_start3A_226 = arith.constant 0 : i32
        %dma_start3A_227 = tpu.memref_slice %arg4[%add3A_127, %dma_start3A_226] : memref<320000x256xf32, #tpu.memory_space<hbm>> -> memref<80x256xf32, #tpu.memory_space<hbm>>
        %dma_start3A_228 = arith.constant 0 : i32
        %dma_start3A_229 = tpu.memref_slice %arg4[%add3A_127, %dma_start3A_228] : memref<320000x256xf32, #tpu.memory_space<hbm>> -> memref<80x256xf32, #tpu.memory_space<hbm>>
        %dma_start3A_230 = arith.constant 0 : i32
        %dma_start3A_231 = arith.constant 0 : i32
        %dma_start3A_232 = tpu.memref_slice %arg6[%run_scoped3A_128, %dma_start3A_230, %dma_start3A_231] : memref<5x80x256xf32, #tpu.memory_space<vmem>> -> memref<1x80x256xf32, #tpu.memory_space<vmem>>
        %dma_start3A_233 = tpu.memref_squeeze %dma_start3A_232 : memref<1x80x256xf32, #tpu.memory_space<vmem>> -> memref<80x256xf32, #tpu.memory_space<vmem>>
        tpu.enqueue_dma source(%dma_start3A_233 : memref<80x256xf32, #tpu.memory_space<vmem>>) target(%dma_start3A_229 : memref<80x256xf32, #tpu.memory_space<hbm>>) target_semaphore(%run_scoped3A_221 : memref<!tpu.dma_semaphore, #tpu.memory_space<semaphore_mem>>)
        %dma_wait3A_234 = arith.constant 0 : i32
        %dma_wait3A_235 = arith.constant 0 : i32
        %dma_wait3A_236 = tpu.memref_slice %arg6[%run_scoped3A_128, %dma_wait3A_234, %dma_wait3A_235] : memref<5x80x256xf32, #tpu.memory_space<vmem>> -> memref<1x80x256xf32, #tpu.memory_space<vmem>>
        %dma_wait3A_237 = tpu.memref_squeeze %dma_wait3A_236 : memref<1x80x256xf32, #tpu.memory_space<vmem>> -> memref<80x256xf32, #tpu.memory_space<vmem>>
        %dma_wait3A_238 = arith.constant 0 : i32
        %dma_wait3A_239 = tpu.memref_slice %arg4[%add3A_127, %dma_wait3A_238] : memref<320000x256xf32, #tpu.memory_space<hbm>> -> memref<80x256xf32, #tpu.memory_space<hbm>>
        %dma_wait3A_240 = arith.constant 0 : i32
        %dma_wait3A_241 = tpu.memref_slice %arg4[%add3A_127, %dma_wait3A_240] : memref<320000x256xf32, #tpu.memory_space<hbm>> -> memref<80x256xf32, #tpu.memory_space<hbm>>
        %dma_wait3A_242 = arith.constant 0 : i32
        %dma_wait3A_243 = arith.constant 0 : i32
        %dma_wait3A_244 = tpu.memref_slice %arg6[%run_scoped3A_128, %dma_wait3A_242, %dma_wait3A_243] : memref<5x80x256xf32, #tpu.memory_space<vmem>> -> memref<1x80x256xf32, #tpu.memory_space<vmem>>
        %dma_wait3A_245 = tpu.memref_squeeze %dma_wait3A_244 : memref<1x80x256xf32, #tpu.memory_space<vmem>> -> memref<80x256xf32, #tpu.memory_space<vmem>>
        tpu.wait_dma2 semaphore(%run_scoped3A_221 : memref<!tpu.dma_semaphore, #tpu.memory_space<semaphore_mem>>) src(%dma_wait3A_245 : memref<80x256xf32, #tpu.memory_space<vmem>>) dst(%dma_wait3A_241 : memref<80x256xf32, #tpu.memory_space<hbm>>)
        tpu.yield
      }) : () -> ()
      %lt3A_129 = arith.constant 24 : i32
      %lt3A_130 = arith.cmpi slt, %scan3A_80, %lt3A_129 : i32
      %convert_element_type3A_131 = arith.extui %lt3A_130 : i1 to i32
      %cond3A_132 = arith.constant 0 : i32
      %cond3A_133 = arith.cmpi ne, %convert_element_type3A_131, %cond3A_132 : i32
      scf.if %cond3A_133 {
        %add3A_221 = arith.constant 5 : i32
        %add3A_222 = arith.addi %add3A_108, %add3A_221 : i32
        %dma_start3A_223 = arith.constant 1 : i32
        %dma_start3A_224 = arith.constant 1 : i32
        %dma_start3A_225 = arith.constant 0 : i32
        %dma_start3A_226 = arith.constant 0 : i32
        %dma_start3A_227 = tpu.memref_slice %arg6[%dma_start3A_223, %dma_start3A_225, %dma_start3A_226] : memref<5x80x256xf32, #tpu.memory_space<vmem>> -> memref<1x80x256xf32, #tpu.memory_space<vmem>>
        %dma_start3A_228 = tpu.memref_squeeze %dma_start3A_227 : memref<1x80x256xf32, #tpu.memory_space<vmem>> -> memref<80x256xf32, #tpu.memory_space<vmem>>
        %dma_start3A_229 = arith.constant 0 : i32
        %dma_start3A_230 = tpu.memref_slice %arg5[%add3A_222, %dma_start3A_229] : memref<125x80xi32, #tpu.memory_space<vmem>> -> memref<1x80xi32, #tpu.memory_space<vmem>>
        %dma_start3A_231 = tpu.memref_squeeze %dma_start3A_230 : memref<1x80xi32, #tpu.memory_space<vmem>> -> memref<80xi32, #tpu.memory_space<vmem>>
        %dma_start3A_232 = arith.constant 0 : i32
        %dma_start3A_233 = arith.constant 0 : i32
        %dma_start3A_234 = tpu.memref_slice %arg2[%dma_start3A_232, %dma_start3A_233] : memref<10000x256xf32, #tpu.memory_space<hbm>> -> memref<10000x256xf32, #tpu.memory_space<hbm>>
        %dma_start3A_235 = tpu.memref_slice %arg7[%dma_start3A_224] : memref<5x!tpu.dma_semaphore, #tpu.memory_space<semaphore_mem>> -> memref<1x!tpu.dma_semaphore, #tpu.memory_space<semaphore_mem>>
        %dma_start3A_236 = tpu.memref_squeeze %dma_start3A_235 : memref<1x!tpu.dma_semaphore, #tpu.memory_space<semaphore_mem>> -> memref<!tpu.dma_semaphore, #tpu.memory_space<semaphore_mem>>
        tpu.enqueue_indirect_dma source(%dma_start3A_234 : memref<10000x256xf32, #tpu.memory_space<hbm>>) target(%dma_start3A_228 : memref<80x256xf32, #tpu.memory_space<vmem>>) offsets(%dma_start3A_231 : memref<80xi32, #tpu.memory_space<vmem>>) semaphore(%dma_start3A_236 : memref<!tpu.dma_semaphore, #tpu.memory_space<semaphore_mem>>)
      } else {
      }
      %mul3A_134 = arith.constant 5 : i32
      %mul3A_135 = arith.muli %scan3A_80, %mul3A_134 : i32
      %add3A_136 = arith.constant 2 : i32
      %add3A_137 = arith.addi %mul3A_135, %add3A_136 : i32
      %dma_wait3A_138 = arith.constant 2 : i32
      %dma_wait3A_139 = arith.constant 2 : i32
      %dma_wait3A_140 = arith.constant 0 : i32
      %dma_wait3A_141 = arith.constant 0 : i32
      %dma_wait3A_142 = tpu.memref_slice %arg6[%dma_wait3A_138, %dma_wait3A_140, %dma_wait3A_141] : memref<5x80x256xf32, #tpu.memory_space<vmem>> -> memref<1x80x256xf32, #tpu.memory_space<vmem>>
      %dma_wait3A_143 = tpu.memref_squeeze %dma_wait3A_142 : memref<1x80x256xf32, #tpu.memory_space<vmem>> -> memref<80x256xf32, #tpu.memory_space<vmem>>
      %dma_wait3A_144 = arith.constant 0 : i32
      %dma_wait3A_145 = tpu.memref_slice %arg5[%add3A_137, %dma_wait3A_144] : memref<125x80xi32, #tpu.memory_space<vmem>> -> memref<1x80xi32, #tpu.memory_space<vmem>>
      %dma_wait3A_146 = tpu.memref_squeeze %dma_wait3A_145 : memref<1x80xi32, #tpu.memory_space<vmem>> -> memref<80xi32, #tpu.memory_space<vmem>>
      %dma_wait3A_147 = arith.constant 0 : i32
      %dma_wait3A_148 = arith.constant 0 : i32
      %dma_wait3A_149 = tpu.memref_slice %arg2[%dma_wait3A_147, %dma_wait3A_148] : memref<10000x256xf32, #tpu.memory_space<hbm>> -> memref<10000x256xf32, #tpu.memory_space<hbm>>
      %dma_wait3A_150 = tpu.memref_slice %arg7[%dma_wait3A_139] : memref<5x!tpu.dma_semaphore, #tpu.memory_space<semaphore_mem>> -> memref<1x!tpu.dma_semaphore, #tpu.memory_space<semaphore_mem>>
      %dma_wait3A_151 = tpu.memref_squeeze %dma_wait3A_150 : memref<1x!tpu.dma_semaphore, #tpu.memory_space<semaphore_mem>> -> memref<!tpu.dma_semaphore, #tpu.memory_space<semaphore_mem>>
      tpu.wait_indirect_dma semaphore(%dma_wait3A_151 : memref<!tpu.dma_semaphore, #tpu.memory_space<semaphore_mem>>) src(%dma_wait3A_149 : memref<10000x256xf32, #tpu.memory_space<hbm>>) dst(%dma_wait3A_143 : memref<80x256xf32, #tpu.memory_space<vmem>>)
      %mul3A_152 = arith.constant 10000 : i32
      %mul3A_153 = arith.muli %add3A, %mul3A_152 : i32
      %mul3A_154 = arith.constant 80 : i32
      %mul3A_155 = arith.muli %add3A_137, %mul3A_154 : i32
      %add3A_156 = arith.addi %mul3A_153, %mul3A_155 : i32
      %run_scoped3A_157 = arith.constant 2 : i32
      "tpu.region"() ({
        %run_scoped3A_221 = tpu.sem_alloc : memref<!tpu.dma_semaphore, #tpu.memory_space<semaphore_mem>>
        %dma_start3A_222 = arith.constant 0 : i32
        %dma_start3A_223 = arith.constant 0 : i32
        %dma_start3A_224 = tpu.memref_slice %arg6[%run_scoped3A_157, %dma_start3A_222, %dma_start3A_223] : memref<5x80x256xf32, #tpu.memory_space<vmem>> -> memref<1x80x256xf32, #tpu.memory_space<vmem>>
        %dma_start3A_225 = tpu.memref_squeeze %dma_start3A_224 : memref<1x80x256xf32, #tpu.memory_space<vmem>> -> memref<80x256xf32, #tpu.memory_space<vmem>>
        %dma_start3A_226 = arith.constant 0 : i32
        %dma_start3A_227 = tpu.memref_slice %arg4[%add3A_156, %dma_start3A_226] : memref<320000x256xf32, #tpu.memory_space<hbm>> -> memref<80x256xf32, #tpu.memory_space<hbm>>
        %dma_start3A_228 = arith.constant 0 : i32
        %dma_start3A_229 = tpu.memref_slice %arg4[%add3A_156, %dma_start3A_228] : memref<320000x256xf32, #tpu.memory_space<hbm>> -> memref<80x256xf32, #tpu.memory_space<hbm>>
        %dma_start3A_230 = arith.constant 0 : i32
        %dma_start3A_231 = arith.constant 0 : i32
        %dma_start3A_232 = tpu.memref_slice %arg6[%run_scoped3A_157, %dma_start3A_230, %dma_start3A_231] : memref<5x80x256xf32, #tpu.memory_space<vmem>> -> memref<1x80x256xf32, #tpu.memory_space<vmem>>
        %dma_start3A_233 = tpu.memref_squeeze %dma_start3A_232 : memref<1x80x256xf32, #tpu.memory_space<vmem>> -> memref<80x256xf32, #tpu.memory_space<vmem>>
        tpu.enqueue_dma source(%dma_start3A_233 : memref<80x256xf32, #tpu.memory_space<vmem>>) target(%dma_start3A_229 : memref<80x256xf32, #tpu.memory_space<hbm>>) target_semaphore(%run_scoped3A_221 : memref<!tpu.dma_semaphore, #tpu.memory_space<semaphore_mem>>)
        %dma_wait3A_234 = arith.constant 0 : i32
        %dma_wait3A_235 = arith.constant 0 : i32
        %dma_wait3A_236 = tpu.memref_slice %arg6[%run_scoped3A_157, %dma_wait3A_234, %dma_wait3A_235] : memref<5x80x256xf32, #tpu.memory_space<vmem>> -> memref<1x80x256xf32, #tpu.memory_space<vmem>>
        %dma_wait3A_237 = tpu.memref_squeeze %dma_wait3A_236 : memref<1x80x256xf32, #tpu.memory_space<vmem>> -> memref<80x256xf32, #tpu.memory_space<vmem>>
        %dma_wait3A_238 = arith.constant 0 : i32
        %dma_wait3A_239 = tpu.memref_slice %arg4[%add3A_156, %dma_wait3A_238] : memref<320000x256xf32, #tpu.memory_space<hbm>> -> memref<80x256xf32, #tpu.memory_space<hbm>>
        %dma_wait3A_240 = arith.constant 0 : i32
        %dma_wait3A_241 = tpu.memref_slice %arg4[%add3A_156, %dma_wait3A_240] : memref<320000x256xf32, #tpu.memory_space<hbm>> -> memref<80x256xf32, #tpu.memory_space<hbm>>
        %dma_wait3A_242 = arith.constant 0 : i32
        %dma_wait3A_243 = arith.constant 0 : i32
        %dma_wait3A_244 = tpu.memref_slice %arg6[%run_scoped3A_157, %dma_wait3A_242, %dma_wait3A_243] : memref<5x80x256xf32, #tpu.memory_space<vmem>> -> memref<1x80x256xf32, #tpu.memory_space<vmem>>
        %dma_wait3A_245 = tpu.memref_squeeze %dma_wait3A_244 : memref<1x80x256xf32, #tpu.memory_space<vmem>> -> memref<80x256xf32, #tpu.memory_space<vmem>>
        tpu.wait_dma2 semaphore(%run_scoped3A_221 : memref<!tpu.dma_semaphore, #tpu.memory_space<semaphore_mem>>) src(%dma_wait3A_245 : memref<80x256xf32, #tpu.memory_space<vmem>>) dst(%dma_wait3A_241 : memref<80x256xf32, #tpu.memory_space<hbm>>)
        tpu.yield
      }) : () -> ()
      %lt3A_158 = arith.constant 24 : i32
      %lt3A_159 = arith.cmpi slt, %scan3A_80, %lt3A_158 : i32
      %convert_element_type3A_160 = arith.extui %lt3A_159 : i1 to i32
      %cond3A_161 = arith.constant 0 : i32
      %cond3A_162 = arith.cmpi ne, %convert_element_type3A_160, %cond3A_161 : i32
      scf.if %cond3A_162 {
        %add3A_221 = arith.constant 5 : i32
        %add3A_222 = arith.addi %add3A_137, %add3A_221 : i32
        %dma_start3A_223 = arith.constant 2 : i32
        %dma_start3A_224 = arith.constant 2 : i32
        %dma_start3A_225 = arith.constant 0 : i32
        %dma_start3A_226 = arith.constant 0 : i32
        %dma_start3A_227 = tpu.memref_slice %arg6[%dma_start3A_223, %dma_start3A_225, %dma_start3A_226] : memref<5x80x256xf32, #tpu.memory_space<vmem>> -> memref<1x80x256xf32, #tpu.memory_space<vmem>>
        %dma_start3A_228 = tpu.memref_squeeze %dma_start3A_227 : memref<1x80x256xf32, #tpu.memory_space<vmem>> -> memref<80x256xf32, #tpu.memory_space<vmem>>
        %dma_start3A_229 = arith.constant 0 : i32
        %dma_start3A_230 = tpu.memref_slice %arg5[%add3A_222, %dma_start3A_229] : memref<125x80xi32, #tpu.memory_space<vmem>> -> memref<1x80xi32, #tpu.memory_space<vmem>>
        %dma_start3A_231 = tpu.memref_squeeze %dma_start3A_230 : memref<1x80xi32, #tpu.memory_space<vmem>> -> memref<80xi32, #tpu.memory_space<vmem>>
        %dma_start3A_232 = arith.constant 0 : i32
        %dma_start3A_233 = arith.constant 0 : i32
        %dma_start3A_234 = tpu.memref_slice %arg2[%dma_start3A_232, %dma_start3A_233] : memref<10000x256xf32, #tpu.memory_space<hbm>> -> memref<10000x256xf32, #tpu.memory_space<hbm>>
        %dma_start3A_235 = tpu.memref_slice %arg7[%dma_start3A_224] : memref<5x!tpu.dma_semaphore, #tpu.memory_space<semaphore_mem>> -> memref<1x!tpu.dma_semaphore, #tpu.memory_space<semaphore_mem>>
        %dma_start3A_236 = tpu.memref_squeeze %dma_start3A_235 : memref<1x!tpu.dma_semaphore, #tpu.memory_space<semaphore_mem>> -> memref<!tpu.dma_semaphore, #tpu.memory_space<semaphore_mem>>
        tpu.enqueue_indirect_dma source(%dma_start3A_234 : memref<10000x256xf32, #tpu.memory_space<hbm>>) target(%dma_start3A_228 : memref<80x256xf32, #tpu.memory_space<vmem>>) offsets(%dma_start3A_231 : memref<80xi32, #tpu.memory_space<vmem>>) semaphore(%dma_start3A_236 : memref<!tpu.dma_semaphore, #tpu.memory_space<semaphore_mem>>)
      } else {
      }
      %mul3A_163 = arith.constant 5 : i32
      %mul3A_164 = arith.muli %scan3A_80, %mul3A_163 : i32
      %add3A_165 = arith.constant 3 : i32
      %add3A_166 = arith.addi %mul3A_164, %add3A_165 : i32
      %dma_wait3A_167 = arith.constant 3 : i32
      %dma_wait3A_168 = arith.constant 3 : i32
      %dma_wait3A_169 = arith.constant 0 : i32
      %dma_wait3A_170 = arith.constant 0 : i32
      %dma_wait3A_171 = tpu.memref_slice %arg6[%dma_wait3A_167, %dma_wait3A_169, %dma_wait3A_170] : memref<5x80x256xf32, #tpu.memory_space<vmem>> -> memref<1x80x256xf32, #tpu.memory_space<vmem>>
      %dma_wait3A_172 = tpu.memref_squeeze %dma_wait3A_171 : memref<1x80x256xf32, #tpu.memory_space<vmem>> -> memref<80x256xf32, #tpu.memory_space<vmem>>
      %dma_wait3A_173 = arith.constant 0 : i32
      %dma_wait3A_174 = tpu.memref_slice %arg5[%add3A_166, %dma_wait3A_173] : memref<125x80xi32, #tpu.memory_space<vmem>> -> memref<1x80xi32, #tpu.memory_space<vmem>>
      %dma_wait3A_175 = tpu.memref_squeeze %dma_wait3A_174 : memref<1x80xi32, #tpu.memory_space<vmem>> -> memref<80xi32, #tpu.memory_space<vmem>>
      %dma_wait3A_176 = arith.constant 0 : i32
      %dma_wait3A_177 = arith.constant 0 : i32
      %dma_wait3A_178 = tpu.memref_slice %arg2[%dma_wait3A_176, %dma_wait3A_177] : memref<10000x256xf32, #tpu.memory_space<hbm>> -> memref<10000x256xf32, #tpu.memory_space<hbm>>
      %dma_wait3A_179 = tpu.memref_slice %arg7[%dma_wait3A_168] : memref<5x!tpu.dma_semaphore, #tpu.memory_space<semaphore_mem>> -> memref<1x!tpu.dma_semaphore, #tpu.memory_space<semaphore_mem>>
      %dma_wait3A_180 = tpu.memref_squeeze %dma_wait3A_179 : memref<1x!tpu.dma_semaphore, #tpu.memory_space<semaphore_mem>> -> memref<!tpu.dma_semaphore, #tpu.memory_space<semaphore_mem>>
      tpu.wait_indirect_dma semaphore(%dma_wait3A_180 : memref<!tpu.dma_semaphore, #tpu.memory_space<semaphore_mem>>) src(%dma_wait3A_178 : memref<10000x256xf32, #tpu.memory_space<hbm>>) dst(%dma_wait3A_172 : memref<80x256xf32, #tpu.memory_space<vmem>>)
      %mul3A_181 = arith.constant 10000 : i32
      %mul3A_182 = arith.muli %add3A, %mul3A_181 : i32
      %mul3A_183 = arith.constant 80 : i32
      %mul3A_184 = arith.muli %add3A_166, %mul3A_183 : i32
      %add3A_185 = arith.addi %mul3A_182, %mul3A_184 : i32
      %run_scoped3A_186 = arith.constant 3 : i32
      "tpu.region"() ({
        %run_scoped3A_221 = tpu.sem_alloc : memref<!tpu.dma_semaphore, #tpu.memory_space<semaphore_mem>>
        %dma_start3A_222 = arith.constant 0 : i32
        %dma_start3A_223 = arith.constant 0 : i32
        %dma_start3A_224 = tpu.memref_slice %arg6[%run_scoped3A_186, %dma_start3A_222, %dma_start3A_223] : memref<5x80x256xf32, #tpu.memory_space<vmem>> -> memref<1x80x256xf32, #tpu.memory_space<vmem>>
        %dma_start3A_225 = tpu.memref_squeeze %dma_start3A_224 : memref<1x80x256xf32, #tpu.memory_space<vmem>> -> memref<80x256xf32, #tpu.memory_space<vmem>>
        %dma_start3A_226 = arith.constant 0 : i32
        %dma_start3A_227 = tpu.memref_slice %arg4[%add3A_185, %dma_start3A_226] : memref<320000x256xf32, #tpu.memory_space<hbm>> -> memref<80x256xf32, #tpu.memory_space<hbm>>
        %dma_start3A_228 = arith.constant 0 : i32
        %dma_start3A_229 = tpu.memref_slice %arg4[%add3A_185, %dma_start3A_228] : memref<320000x256xf32, #tpu.memory_space<hbm>> -> memref<80x256xf32, #tpu.memory_space<hbm>>
        %dma_start3A_230 = arith.constant 0 : i32
        %dma_start3A_231 = arith.constant 0 : i32
        %dma_start3A_232 = tpu.memref_slice %arg6[%run_scoped3A_186, %dma_start3A_230, %dma_start3A_231] : memref<5x80x256xf32, #tpu.memory_space<vmem>> -> memref<1x80x256xf32, #tpu.memory_space<vmem>>
        %dma_start3A_233 = tpu.memref_squeeze %dma_start3A_232 : memref<1x80x256xf32, #tpu.memory_space<vmem>> -> memref<80x256xf32, #tpu.memory_space<vmem>>
        tpu.enqueue_dma source(%dma_start3A_233 : memref<80x256xf32, #tpu.memory_space<vmem>>) target(%dma_start3A_229 : memref<80x256xf32, #tpu.memory_space<hbm>>) target_semaphore(%run_scoped3A_221 : memref<!tpu.dma_semaphore, #tpu.memory_space<semaphore_mem>>)
        %dma_wait3A_234 = arith.constant 0 : i32
        %dma_wait3A_235 = arith.constant 0 : i32
        %dma_wait3A_236 = tpu.memref_slice %arg6[%run_scoped3A_186, %dma_wait3A_234, %dma_wait3A_235] : memref<5x80x256xf32, #tpu.memory_space<vmem>> -> memref<1x80x256xf32, #tpu.memory_space<vmem>>
        %dma_wait3A_237 = tpu.memref_squeeze %dma_wait3A_236 : memref<1x80x256xf32, #tpu.memory_space<vmem>> -> memref<80x256xf32, #tpu.memory_space<vmem>>
        %dma_wait3A_238 = arith.constant 0 : i32
        %dma_wait3A_239 = tpu.memref_slice %arg4[%add3A_185, %dma_wait3A_238] : memref<320000x256xf32, #tpu.memory_space<hbm>> -> memref<80x256xf32, #tpu.memory_space<hbm>>
        %dma_wait3A_240 = arith.constant 0 : i32
        %dma_wait3A_241 = tpu.memref_slice %arg4[%add3A_185, %dma_wait3A_240] : memref<320000x256xf32, #tpu.memory_space<hbm>> -> memref<80x256xf32, #tpu.memory_space<hbm>>
        %dma_wait3A_242 = arith.constant 0 : i32
        %dma_wait3A_243 = arith.constant 0 : i32
        %dma_wait3A_244 = tpu.memref_slice %arg6[%run_scoped3A_186, %dma_wait3A_242, %dma_wait3A_243] : memref<5x80x256xf32, #tpu.memory_space<vmem>> -> memref<1x80x256xf32, #tpu.memory_space<vmem>>
        %dma_wait3A_245 = tpu.memref_squeeze %dma_wait3A_244 : memref<1x80x256xf32, #tpu.memory_space<vmem>> -> memref<80x256xf32, #tpu.memory_space<vmem>>
        tpu.wait_dma2 semaphore(%run_scoped3A_221 : memref<!tpu.dma_semaphore, #tpu.memory_space<semaphore_mem>>) src(%dma_wait3A_245 : memref<80x256xf32, #tpu.memory_space<vmem>>) dst(%dma_wait3A_241 : memref<80x256xf32, #tpu.memory_space<hbm>>)
        tpu.yield
      }) : () -> ()
      %lt3A_187 = arith.constant 24 : i32
      %lt3A_188 = arith.cmpi slt, %scan3A_80, %lt3A_187 : i32
      %convert_element_type3A_189 = arith.extui %lt3A_188 : i1 to i32
      %cond3A_190 = arith.constant 0 : i32
      %cond3A_191 = arith.cmpi ne, %convert_element_type3A_189, %cond3A_190 : i32
      scf.if %cond3A_191 {
        %add3A_221 = arith.constant 5 : i32
        %add3A_222 = arith.addi %add3A_166, %add3A_221 : i32
        %dma_start3A_223 = arith.constant 3 : i32
        %dma_start3A_224 = arith.constant 3 : i32
        %dma_start3A_225 = arith.constant 0 : i32
        %dma_start3A_226 = arith.constant 0 : i32
        %dma_start3A_227 = tpu.memref_slice %arg6[%dma_start3A_223, %dma_start3A_225, %dma_start3A_226] : memref<5x80x256xf32, #tpu.memory_space<vmem>> -> memref<1x80x256xf32, #tpu.memory_space<vmem>>
        %dma_start3A_228 = tpu.memref_squeeze %dma_start3A_227 : memref<1x80x256xf32, #tpu.memory_space<vmem>> -> memref<80x256xf32, #tpu.memory_space<vmem>>
        %dma_start3A_229 = arith.constant 0 : i32
        %dma_start3A_230 = tpu.memref_slice %arg5[%add3A_222, %dma_start3A_229] : memref<125x80xi32, #tpu.memory_space<vmem>> -> memref<1x80xi32, #tpu.memory_space<vmem>>
        %dma_start3A_231 = tpu.memref_squeeze %dma_start3A_230 : memref<1x80xi32, #tpu.memory_space<vmem>> -> memref<80xi32, #tpu.memory_space<vmem>>
        %dma_start3A_232 = arith.constant 0 : i32
        %dma_start3A_233 = arith.constant 0 : i32
        %dma_start3A_234 = tpu.memref_slice %arg2[%dma_start3A_232, %dma_start3A_233] : memref<10000x256xf32, #tpu.memory_space<hbm>> -> memref<10000x256xf32, #tpu.memory_space<hbm>>
        %dma_start3A_235 = tpu.memref_slice %arg7[%dma_start3A_224] : memref<5x!tpu.dma_semaphore, #tpu.memory_space<semaphore_mem>> -> memref<1x!tpu.dma_semaphore, #tpu.memory_space<semaphore_mem>>
        %dma_start3A_236 = tpu.memref_squeeze %dma_start3A_235 : memref<1x!tpu.dma_semaphore, #tpu.memory_space<semaphore_mem>> -> memref<!tpu.dma_semaphore, #tpu.memory_space<semaphore_mem>>
        tpu.enqueue_indirect_dma source(%dma_start3A_234 : memref<10000x256xf32, #tpu.memory_space<hbm>>) target(%dma_start3A_228 : memref<80x256xf32, #tpu.memory_space<vmem>>) offsets(%dma_start3A_231 : memref<80xi32, #tpu.memory_space<vmem>>) semaphore(%dma_start3A_236 : memref<!tpu.dma_semaphore, #tpu.memory_space<semaphore_mem>>)
      } else {
      }
      %mul3A_192 = arith.constant 5 : i32
      %mul3A_193 = arith.muli %scan3A_80, %mul3A_192 : i32
      %add3A_194 = arith.constant 4 : i32
      %add3A_195 = arith.addi %mul3A_193, %add3A_194 : i32
      %dma_wait3A_196 = arith.constant 4 : i32
      %dma_wait3A_197 = arith.constant 4 : i32
      %dma_wait3A_198 = arith.constant 0 : i32
      %dma_wait3A_199 = arith.constant 0 : i32
      %dma_wait3A_200 = tpu.memref_slice %arg6[%dma_wait3A_196, %dma_wait3A_198, %dma_wait3A_199] : memref<5x80x256xf32, #tpu.memory_space<vmem>> -> memref<1x80x256xf32, #tpu.memory_space<vmem>>
      %dma_wait3A_201 = tpu.memref_squeeze %dma_wait3A_200 : memref<1x80x256xf32, #tpu.memory_space<vmem>> -> memref<80x256xf32, #tpu.memory_space<vmem>>
      %dma_wait3A_202 = arith.constant 0 : i32
      %dma_wait3A_203 = tpu.memref_slice %arg5[%add3A_195, %dma_wait3A_202] : memref<125x80xi32, #tpu.memory_space<vmem>> -> memref<1x80xi32, #tpu.memory_space<vmem>>
      %dma_wait3A_204 = tpu.memref_squeeze %dma_wait3A_203 : memref<1x80xi32, #tpu.memory_space<vmem>> -> memref<80xi32, #tpu.memory_space<vmem>>
      %dma_wait3A_205 = arith.constant 0 : i32
      %dma_wait3A_206 = arith.constant 0 : i32
      %dma_wait3A_207 = tpu.memref_slice %arg2[%dma_wait3A_205, %dma_wait3A_206] : memref<10000x256xf32, #tpu.memory_space<hbm>> -> memref<10000x256xf32, #tpu.memory_space<hbm>>
      %dma_wait3A_208 = tpu.memref_slice %arg7[%dma_wait3A_197] : memref<5x!tpu.dma_semaphore, #tpu.memory_space<semaphore_mem>> -> memref<1x!tpu.dma_semaphore, #tpu.memory_space<semaphore_mem>>
      %dma_wait3A_209 = tpu.memref_squeeze %dma_wait3A_208 : memref<1x!tpu.dma_semaphore, #tpu.memory_space<semaphore_mem>> -> memref<!tpu.dma_semaphore, #tpu.memory_space<semaphore_mem>>
      tpu.wait_indirect_dma semaphore(%dma_wait3A_209 : memref<!tpu.dma_semaphore, #tpu.memory_space<semaphore_mem>>) src(%dma_wait3A_207 : memref<10000x256xf32, #tpu.memory_space<hbm>>) dst(%dma_wait3A_201 : memref<80x256xf32, #tpu.memory_space<vmem>>)
      %mul3A_210 = arith.constant 10000 : i32
      %mul3A_211 = arith.muli %add3A, %mul3A_210 : i32
      %mul3A_212 = arith.constant 80 : i32
      %mul3A_213 = arith.muli %add3A_195, %mul3A_212 : i32
      %add3A_214 = arith.addi %mul3A_211, %mul3A_213 : i32
      %run_scoped3A_215 = arith.constant 4 : i32
      "tpu.region"() ({
        %run_scoped3A_221 = tpu.sem_alloc : memref<!tpu.dma_semaphore, #tpu.memory_space<semaphore_mem>>
        %dma_start3A_222 = arith.constant 0 : i32
        %dma_start3A_223 = arith.constant 0 : i32
        %dma_start3A_224 = tpu.memref_slice %arg6[%run_scoped3A_215, %dma_start3A_222, %dma_start3A_223] : memref<5x80x256xf32, #tpu.memory_space<vmem>> -> memref<1x80x256xf32, #tpu.memory_space<vmem>>
        %dma_start3A_225 = tpu.memref_squeeze %dma_start3A_224 : memref<1x80x256xf32, #tpu.memory_space<vmem>> -> memref<80x256xf32, #tpu.memory_space<vmem>>
        %dma_start3A_226 = arith.constant 0 : i32
        %dma_start3A_227 = tpu.memref_slice %arg4[%add3A_214, %dma_start3A_226] : memref<320000x256xf32, #tpu.memory_space<hbm>> -> memref<80x256xf32, #tpu.memory_space<hbm>>
        %dma_start3A_228 = arith.constant 0 : i32
        %dma_start3A_229 = tpu.memref_slice %arg4[%add3A_214, %dma_start3A_228] : memref<320000x256xf32, #tpu.memory_space<hbm>> -> memref<80x256xf32, #tpu.memory_space<hbm>>
        %dma_start3A_230 = arith.constant 0 : i32
        %dma_start3A_231 = arith.constant 0 : i32
        %dma_start3A_232 = tpu.memref_slice %arg6[%run_scoped3A_215, %dma_start3A_230, %dma_start3A_231] : memref<5x80x256xf32, #tpu.memory_space<vmem>> -> memref<1x80x256xf32, #tpu.memory_space<vmem>>
        %dma_start3A_233 = tpu.memref_squeeze %dma_start3A_232 : memref<1x80x256xf32, #tpu.memory_space<vmem>> -> memref<80x256xf32, #tpu.memory_space<vmem>>
        tpu.enqueue_dma source(%dma_start3A_233 : memref<80x256xf32, #tpu.memory_space<vmem>>) target(%dma_start3A_229 : memref<80x256xf32, #tpu.memory_space<hbm>>) target_semaphore(%run_scoped3A_221 : memref<!tpu.dma_semaphore, #tpu.memory_space<semaphore_mem>>)
        %dma_wait3A_234 = arith.constant 0 : i32
        %dma_wait3A_235 = arith.constant 0 : i32
        %dma_wait3A_236 = tpu.memref_slice %arg6[%run_scoped3A_215, %dma_wait3A_234, %dma_wait3A_235] : memref<5x80x256xf32, #tpu.memory_space<vmem>> -> memref<1x80x256xf32, #tpu.memory_space<vmem>>
        %dma_wait3A_237 = tpu.memref_squeeze %dma_wait3A_236 : memref<1x80x256xf32, #tpu.memory_space<vmem>> -> memref<80x256xf32, #tpu.memory_space<vmem>>
        %dma_wait3A_238 = arith.constant 0 : i32
        %dma_wait3A_239 = tpu.memref_slice %arg4[%add3A_214, %dma_wait3A_238] : memref<320000x256xf32, #tpu.memory_space<hbm>> -> memref<80x256xf32, #tpu.memory_space<hbm>>
        %dma_wait3A_240 = arith.constant 0 : i32
        %dma_wait3A_241 = tpu.memref_slice %arg4[%add3A_214, %dma_wait3A_240] : memref<320000x256xf32, #tpu.memory_space<hbm>> -> memref<80x256xf32, #tpu.memory_space<hbm>>
        %dma_wait3A_242 = arith.constant 0 : i32
        %dma_wait3A_243 = arith.constant 0 : i32
        %dma_wait3A_244 = tpu.memref_slice %arg6[%run_scoped3A_215, %dma_wait3A_242, %dma_wait3A_243] : memref<5x80x256xf32, #tpu.memory_space<vmem>> -> memref<1x80x256xf32, #tpu.memory_space<vmem>>
        %dma_wait3A_245 = tpu.memref_squeeze %dma_wait3A_244 : memref<1x80x256xf32, #tpu.memory_space<vmem>> -> memref<80x256xf32, #tpu.memory_space<vmem>>
        tpu.wait_dma2 semaphore(%run_scoped3A_221 : memref<!tpu.dma_semaphore, #tpu.memory_space<semaphore_mem>>) src(%dma_wait3A_245 : memref<80x256xf32, #tpu.memory_space<vmem>>) dst(%dma_wait3A_241 : memref<80x256xf32, #tpu.memory_space<hbm>>)
        tpu.yield
      }) : () -> ()
      %lt3A_216 = arith.constant 24 : i32
      %lt3A_217 = arith.cmpi slt, %scan3A_80, %lt3A_216 : i32
      %convert_element_type3A_218 = arith.extui %lt3A_217 : i1 to i32
      %cond3A_219 = arith.constant 0 : i32
      %cond3A_220 = arith.cmpi ne, %convert_element_type3A_218, %cond3A_219 : i32
      scf.if %cond3A_220 {
        %add3A_221 = arith.constant 5 : i32
        %add3A_222 = arith.addi %add3A_195, %add3A_221 : i32
        %dma_start3A_223 = arith.constant 4 : i32
        %dma_start3A_224 = arith.constant 4 : i32
        %dma_start3A_225 = arith.constant 0 : i32
        %dma_start3A_226 = arith.constant 0 : i32
        %dma_start3A_227 = tpu.memref_slice %arg6[%dma_start3A_223, %dma_start3A_225, %dma_start3A_226] : memref<5x80x256xf32, #tpu.memory_space<vmem>> -> memref<1x80x256xf32, #tpu.memory_space<vmem>>
        %dma_start3A_228 = tpu.memref_squeeze %dma_start3A_227 : memref<1x80x256xf32, #tpu.memory_space<vmem>> -> memref<80x256xf32, #tpu.memory_space<vmem>>
        %dma_start3A_229 = arith.constant 0 : i32
        %dma_start3A_230 = tpu.memref_slice %arg5[%add3A_222, %dma_start3A_229] : memref<125x80xi32, #tpu.memory_space<vmem>> -> memref<1x80xi32, #tpu.memory_space<vmem>>
        %dma_start3A_231 = tpu.memref_squeeze %dma_start3A_230 : memref<1x80xi32, #tpu.memory_space<vmem>> -> memref<80xi32, #tpu.memory_space<vmem>>
        %dma_start3A_232 = arith.constant 0 : i32
        %dma_start3A_233 = arith.constant 0 : i32
        %dma_start3A_234 = tpu.memref_slice %arg2[%dma_start3A_232, %dma_start3A_233] : memref<10000x256xf32, #tpu.memory_space<hbm>> -> memref<10000x256xf32, #tpu.memory_space<hbm>>
        %dma_start3A_235 = tpu.memref_slice %arg7[%dma_start3A_224] : memref<5x!tpu.dma_semaphore, #tpu.memory_space<semaphore_mem>> -> memref<1x!tpu.dma_semaphore, #tpu.memory_space<semaphore_mem>>
        %dma_start3A_236 = tpu.memref_squeeze %dma_start3A_235 : memref<1x!tpu.dma_semaphore, #tpu.memory_space<semaphore_mem>> -> memref<!tpu.dma_semaphore, #tpu.memory_space<semaphore_mem>>
        tpu.enqueue_indirect_dma source(%dma_start3A_234 : memref<10000x256xf32, #tpu.memory_space<hbm>>) target(%dma_start3A_228 : memref<80x256xf32, #tpu.memory_space<vmem>>) offsets(%dma_start3A_231 : memref<80xi32, #tpu.memory_space<vmem>>) semaphore(%dma_start3A_236 : memref<!tpu.dma_semaphore, #tpu.memory_space<semaphore_mem>>)
      } else {
      }
    }
    %scan3A_79 = arith.constant 25 : i32
    return
  }
}

</mosaic_0001>

<sc_bundles>
// kernel: kernel.11.cloned.1.call-start
scs
__scs_entry_jumppad:
0x0: {  	(pc) =	sbr.rel $0x88, $3  }
0x1: {  	(tag) =	ssettag $0x0;
	lr =	simm.s32 $0x1  }
0x2: {  	[smem:$0x3F94] =	sst lr;
	_ =	strace $0xD0000000  }
0x3: {  	_ = 	snop  }
0x4: {  	_ = 	snop  }
0x5: {  	_ = 	snop  }
0x6: {  	_ = 	snop  }
0x7: {  	_ = 	snop  }
__scs_overlays_trampoline_lowered:
0x8: {  	[smem:$0x3FA3] =	sst s0  }
0x9: {  	[smem:$0x3FA4] =	sst s1  }
0xa: {  	[smem:$0x3FA5] =	sst s2  }
0xb: {  	[smem:$0x3FA6] =	sst s3  }
0xc: {  	[smem:$0x3FA7] =	sst s4  }
0xd: {  	[smem:$0x3FA8] =	sst s5  }
0xe: {  	[smem:$0x3FA9] =	sst s6  }
0xf: {  	[smem:$0x3FAA] =	sst s7  }
0x10: {  	[smem:$0x3FAB] =	sst s8  }
0x11: {  	[smem:$0x3FAC] =	sst s9;
	s0 =	simm.s32 @!p0 $0x0  }
0x12: {  	s1 =	sld [smem:$0x3F92];
	s0 =	simm.s32 @p0 $0x1  }
0x13: {  	[smem:$0x3FAD] =	sst s0;
	s0 =	simm.s32 @!p1 $0x0  }
0x14: {  	s2 =	sld [smem:$0x3F91];
	s0 =	simm.s32 @p1 $0x1  }
0x15: {  	[smem:$0x3FAE] =	sst s0;
	s0 =	simm.s32 @!p2 $0x0  }
0x16: {  	s3 =	sld [smem:$0x3FDB];
	s0 =	simm.s32 @p2 $0x1  }
0x17: {  	s4 =	simm.s32 $0x1BF5;
	[smem:$0x3FB0] =	sst s0  }
0x18: {  	s0 =	sld [smem:$0x3F93];
	_ =	swait.ge [sflag:s4], $0x0  }
0x19: {  	s7 =	sld [smem:$0x3F94]  }
0x1a: {  	s8 =	sadd.s32 $0xFFFFE003, lr  }
0x1b: {  	s9 =	sadd.s32 $0xFFFFFEF7, lr;
	s5 =	simm.s32 $0xFFFFFFFF;
	p2 =	slt.u32 s8, $0xFFFFF086  }
0x1c: {  	p1 =	slt.u32 s9, $0xF7A;
	s5 =	simm.s32 @!p2 $0x0  }
0x1d: {  	s5 =	simm.s32 @p1 $0x1;
	p0 =	seq.s32 s7, s2  }
0x1e: {  	s7 =	smul.u32 @!p0 $0xF7A, s2;
	p2 =	seq.s32 @!p0 s5, $0x0  }
0x1f: {  	s9 =	smul.u32 $0xF7A, s1;
	s8 =	simm.s32 @!p0 $0x1BF5;
	p2 =	por !p2, p0  }
0x20: {  	[sflag:s8] =	ssyncset.s32 @!p0 $0xFFFFF086;
	s6 =	sadd.s32 @!p0 s3, s7;
	s7 =	simm.s32 @!p0 $0x108  }
0x21: {  	s3 =	sadd.s32 s3, s9;
	s6 =	sadd.s32 @!p0 $0x88, s6;
	s7 =	simm.s32 @p2 $0x1082  }
0x22: {  	[simem:s7], [sflag:s8] =	dma.local @!p0 [hbm:s6], $0xF7A  }
0x23: {  	s9 =	sor.u32 $0xD0000000, s2;
	s6 =	simm.s32 $0x108;
	_ =	swait.ge @!p0 [sflag:s8], $0x0  }
0x24: {  	s3 =	sadd.s32 $0x88, s3;
	s6 =	simm.s32 @!p1 $0x1082;
	[sflag:s4] =	ssyncset.s32 $0xFFFFF086  }
0x25: {  	[simem:s6], [sflag:s4] =	dma.local [hbm:s3], $0xF7A  }
0x26: {  	[smem:$0x3F94] =	sst s1;
	(tag) =	ssettag s2;
	_ =	strace s9  }
0x27: {  	s1 =	sld [smem:$0x3FA4]  }
0x28: {  	s2 =	sld [smem:$0x3FA5]  }
0x29: {  	s4 =	sld [smem:$0x3FA7]  }
0x2a: {  	p0 =	seq.s32 s5, $0x0;
	s5 =	sld [smem:$0x3FA8]  }
0x2b: {  	s6 =	sld [smem:$0x3FA9]  }
0x2c: {  	s7 =	sld [smem:$0x3FAA]  }
0x2d: {  	s3 =	simm.s32 $0x108;
	s8 =	sld [smem:$0x3FAB]  }
0x2e: {  	s3 =	simm.s32 @!p0 $0x1082;
	s9 =	sld [smem:$0x3FAC]  }
0x2f: {  	lr =	sadd.s32 s0, s3;
	s0 =	sld [smem:$0x3FA3]  }
0x30: {  	s3 =	sld [smem:$0x3FA6]  }
0x31: {  	[smem:$0x3FAF] =	sst s10  }
0x32: {  	s10 =	sld [smem:$0x3FAD];
	_ =	sdelay $0x3  }
0x33: {  	p0 =	seq.s32 s10, $0x1;
	s10 =	sld [smem:$0x3FAF];
	_ =	sdelay $0x3  }
0x34: {  	[smem:$0x3FAF] =	sst s10  }
0x35: {  	s10 =	sld [smem:$0x3FAE];
	_ =	sdelay $0x3  }
0x36: {  	p1 =	seq.s32 s10, $0x1;
	s10 =	sld [smem:$0x3FAF];
	_ =	sdelay $0x3  }
0x37: {  	[smem:$0x3FAF] =	sst s10  }
0x38: {  	s10 =	sld [smem:$0x3FB0]  }
0x39: {  	_ = 	snop;
	(pc) =	sbr.ind lr, $3  }
0x3a: {  	_ = 	snop  }
0x3b: {  	_ = 	snop  }
0x3c: {  	p2 =	seq.s32 s10, $0x1;
	s10 =	sld [smem:$0x3FAF]  }
0x3d: {  	_ =	shalt  }
0x3e: {  	_ =	shalt  }
0x3f: {  	_ =	shalt  }
0x40: {  	_ =	shalt  }
0x41: {  	_ =	shalt  }
0x42: {  	_ =	shalt  }
0x43: {  	_ =	shalt  }
0x44: {  	_ =	shalt  }
0x45: {  	_ =	shalt  }
0x46: {  	_ =	shalt  }
0x47: {  	_ =	shalt  }
0x48: {  	_ =	shalt  }
0x49: {  	_ =	shalt  }
0x4a: {  	_ =	shalt  }
0x4b: {  	_ =	shalt  }
0x4c: {  	_ =	shalt  }
0x4d: {  	_ =	shalt  }
0x4e: {  	_ =	shalt  }
0x4f: {  	_ =	shalt  }
0x50: {  	_ =	shalt  }
0x51: {  	_ =	shalt  }
0x52: {  	_ =	shalt  }
0x53: {  	_ =	shalt  }
0x54: {  	_ =	shalt  }
0x55: {  	_ =	shalt  }
0x56: {  	_ =	shalt  }
0x57: {  	_ =	shalt  }
0x58: {  	_ =	shalt  }
0x59: {  	_ =	shalt  }
0x5a: {  	_ =	shalt  }
0x5b: {  	_ =	shalt  }
0x5c: {  	_ =	shalt  }
0x5d: {  	_ =	shalt  }
0x5e: {  	_ =	shalt  }
0x5f: {  	_ =	shalt  }
0x60: {  	_ =	shalt  }
0x61: {  	_ =	shalt  }
0x62: {  	_ =	shalt  }
0x63: {  	_ =	shalt  }
0x64: {  	_ =	shalt  }
0x65: {  	_ =	shalt  }
0x66: {  	_ =	shalt  }
0x67: {  	_ =	shalt  }
0x68: {  	_ =	shalt  }
0x69: {  	_ =	shalt  }
0x6a: {  	_ =	shalt  }
0x6b: {  	_ =	shalt  }
0x6c: {  	_ =	shalt  }
0x6d: {  	_ =	shalt  }
0x6e: {  	_ =	shalt  }
0x6f: {  	_ =	shalt  }
0x70: {  	_ =	shalt  }
0x71: {  	_ =	shalt  }
0x72: {  	_ =	shalt  }
0x73: {  	_ =	shalt  }
0x74: {  	_ =	shalt  }
0x75: {  	_ =	shalt  }
0x76: {  	_ =	shalt  }
0x77: {  	_ =	shalt  }
0x78: {  	_ =	shalt  }
0x79: {  	_ =	shalt  }
0x7a: {  	_ =	shalt  }
0x7b: {  	_ =	shalt  }
0x7c: {  	_ =	shalt  }
0x7d: {  	_ =	shalt  }
0x7e: {  	_ =	shalt  }
0x7f: {  	_ =	shalt  }
0x80: {  	_ =	shalt  }
0x81: {  	_ =	shalt  }
0x82: {  	_ =	shalt  }
0x83: {  	_ =	shalt  }
0x84: {  	_ =	shalt  }
0x85: {  	_ =	shalt  }
0x86: {  	_ =	shalt  }
0x87: {  	_ =	shalt  }
.Lfunc_end0:
.L_simem_size_0:
called_computation.4_lowered:
.L_overlay_start_0:
0x88: {  	s2 =	sld [smem:$0x3FD9]  }
0x89: {  	s3 =	sld [smem:$0x3FFE];
	_ =	sdelay $0x1  }
0x8a: {  	s1 =	srdreg.scid  }
0x8b: {  	s0 =	sand.u32 $0x1, s1  }
0x8c: {  	s16 =	sshll.u32 s0, $0xA;
	s2 =	sadd.s32 s3, s2  }
0x8d: {  	s2 =	sadd.s32 s2, s16  }
0x8e: {  	[smem:$0x3FBB] =	sst s2  }
0x8f: {  	_ = 	snop  }
0x90: {  	(tm) =	ssettm $0x1  }
0x91: {  	s17 =	sld [smem:$0x3FFB];
	_ =	sdelay $0x3  }
0x92: {  	_ =	strace s17  }
0x93: {  	s2 =	sld [smem:$0x3FFC];
	_ =	sdelay $0x3  }
0x94: {  	_ =	strace s2  }
0x95: {  	s2 =	sld [smem:$0x3FFD];
	_ =	sdelay $0x3  }
0x96: {  	_ =	strace s2  }
0x97: {  	_ =	strace $0x8FFFFFFF  }
0x98: {  	s18 =	sld [smem:$0x3FDB];
	_ =	sdelay $0x1  }
0x99: {  	s19 =	simm.s32 $_scs_section_size  }
0x9a: {  	s4 =	simm.s32 $_size__tile_overlayer_lowered;
	s5 =	simm.s32 $_tile_overlayer_lowered  }
0x9b: {  	s22 =	simm.s32 $0x1BFF;
	s21 =	sshll.u32 s5, $0x1;
	s2 =	sadd.s32 s19, s18  }
0x9c: {  	s6 =	simm.s32 $0x0;
	s20 =	sshll.u32 s4, $0x1;
	s4 =	sadd.s32 s21, s2  }
0x9d: {  	[timem:s6], [sflag:s22] =	dma.local [hbm:s4], s20  }
0x9e: {  	_ =	swait.ge [sflag:s22], s20  }
0x9f: {  	s3 =	ssub.s32 $0x0, s20;
	[sflag:s22] =	ssyncset.done $0x0  }
0xa0: {  	[sflag:s22] =	ssyncadd.s32 s3;
	_ =	sdelay $0x1  }
0xa1: {  	s23 =	simm.s32 $0x1B8B  }
0xa2: {  	_ =	swait.ge [sflag:s23], $0x1  }
0xa3: {  	[sflag:s23] =	ssyncset.done $0x0  }
0xa4: {  	s25 =	simm.s32 $0x1B8E;
	s24 =	sld [smem:$0x3FFE];
	[sflag:s23] =	ssyncadd.s32 $0xFFFFFFFF  }
0xa5: {  	s26 =	simm.s32 $execute0_lowered;
	[smem:$0x3FD2] =	sst s25  }
0xa6: {  	s4 =	sshll.u32 s26, $0x1;
	_ =	strace $0x8000004F;
	[dreg:$0x1] =	wrdreg $0xFFFFFFFF  }
0xa7: {  	s28 =	simm.s32 $_size_execute0_lowered;
	s2 =	sadd.s32 s2, s4;
	[dreg:$0x0] =	wrdreg $0x0  }
0xa8: {  	s4 =	sshll.u32 s28, $0x1;
	[dreg:$0x2] =	wrdreg s2  }
0xa9: {  	[dreg:$0x3] =	wrdreg s4  }
0xaa: {  	[dreg:$0x4] =	wrdreg $0xC0  }
0xab: {  	_ =	task [dreg:s6], $0x5FFFF  }
0xac: {  	[dreg:$0x1] =	wrdreg $0xFFFFFFFF  }
0xad: {  	[dreg:$0x0] =	wrdreg $0x60  }
0xae: {  	[dreg:$0x2] =	wrdreg s24  }
0xaf: {  	[dreg:$0x3] =	wrdreg $0x9  }
0xb0: {  	_ =	task.clear_ibuf [dreg:s6], $0x4FFFF;
	_ =	strace $0x9000004F  }
0xb1: {  	s29 =	simm.s32 $0x9;
	_ =	strace $0x80000051  }
0xb2: {  	_ =	swait.ge [sflag:s29], $0x1  }
0xb3: {  	[sflag:s29] =	ssyncadd.s32 $0xFFFFFFFF  }
0xb4: {  	_ =	strace $0x90000051  }
0xb5: {  	_ =	sfence  }
0xb6: {  	s30 =	sld [smem:$0x0];
	_ =	sdelay $0x2  }
0xb7: {  	s31 =	sshll.u32 s1, $0xD;
	s1 =	sshrl.u32 s1, $0x2  }
0xb8: {  	s3 =	sand.u32 $0x4000, s31;
	s1 =	sadd.s32 s1, s30  }
0xb9: {  	s0 =	sor.u32 s3, s0;
	s1 =	sshll.u32 s1, $0x11  }
0xba: {  	s0 =	sor.u32 s1, s0  }
0xbb: {  	s0 =	sadd.s32 $0x8F2B, s0  }
0xbc: {  	[sflag:s0] =	ssyncadd.remote.s32 $0x1  }
0xbd: {  	_ =	sfence.sel $0xFFFF  }
0xbe: {  	[dreg:$0x0] =	wrdreg $0xFFFFFFFF;
	(pc) =	sbr.abs _section_cstart, $3  }
0xbf: {  	[dreg:$0x1] =	wrdreg $0xFFFFFFFF  }
0xc0: {  	_ =	task.clear_ibuf [dreg:s6], $0x2FFFF;
	_ =	strace $0x9FFFFFFF  }
0xc1: {  	(tm) =	ssettm $0x7FFFFFFF  }
tec
execute0_lowered:
.L_overlay_start_1:
0x0: {  	(tag) =	ssettag $0x1  }
0x1: {  	s0 =	rddreg [dreg:$0x0];
	s1 =	simm.s32 $0x0  }
0x2: {  	s2 =	srdreg.scid;
	s5 =	stileid.u32;
	s8 =	simm.s32 $0x4000  }
0x3: {  	s18 =	simm.s32 $0x9000;
	s29 =	simm.s32 $0xE000;
	s12 =	simm.s32 $0x13000  }
0x4: {  	s19 =	simm.s32 $0x16000;
	s20 =	simm.s32 $0x16800;
	s21 =	simm.s32 $0x17000  }
0x5: {  	s22 =	simm.s32 $0x17800;
	s23 =	simm.s32 $0x18000;
	s28 =	simm.s32 $0x1A000  }
0x6: {  	s30 =	simm.s32 $0x1A800;
	s31 =	simm.s32 $0x1B000;
	s9 =	simm.s32 $0x2  }
0x7: {  	s10 =	simm.s32 $0x3;
	s11 =	simm.s32 $0x4;
	s13 =	simm.s32 $0x5  }
0x8: {  	s15 =	simm.s32 $0x0;
	[smem:$0x7FF] =	sst s1;
	s3 =	sadd.s32 $0x31200, s0  }
0x9: {  	s2 =	sand.u32 $0x1, s2;
	s4 =	sshll.u32 s5, $0xC;
	s5 =	smul.u32 $0x9C400, s5  }
0xa: {  	_ =	strace $0x80000050;
	s6 =	sshll.u32 s2, $0xB;
	s7 =	ssub.s32 $0x2, s2  }
0xb: {  	s2 =	smul.u32 $0x4E200, s2;
	s4 =	sor.u32 s6, s4;
	s24 =	sshrl.u32 s7, $0x1  }
0xc: {  	s5 =	sadd.s32 s5, s0;
	s0 =	sadd.s32 s4, s0;
	s25 =	ssub.s32 s7, s24  }
.Ltmp0:
0xd: {  	s2 =	sadd.s32 s2, s5;
	s7 =	simm.s32 $0x6;
	(pc) =	sbr.rel .LBB2_1-.Ltmp0, $4  }
0xe: {  	s24 =	simm.s32 $0x18800;
	s4 =	simm.s32 $0x1C800;
	s5 =	simm.s32 $0x1  }
0xf: {  	v2 =	vlaneseq.u32;
	s0 =	sadd.s32 $0x21200, s0;
	s26 =	smax.u32 s25, $0x1;
	s6 =	sadd.s32 $0x7F400, s2  }
0x10: {  	vm0 =	vmmov $0xffff;
	v1 =	vshrl.u32 v2, $0x3;
	s25 =	simm.s32 $0x19000;
	s2 =	simm.s32 $0x1C000;
	[dreg:$0x2] =	wrdreg s0  }
0x11: {  	v0 =	vand.u32 $0x7, v2;
	v2 =	vor.u32 $0x8, v2;
	v1 =	vmul.u32 $0x8, v1;
	[dreg:$0x3] =	wrdreg s26;
	s26 =	simm.s32 $0x19800;
	s0 =	simm.s32 $0x1B800  }
.LBB2_12:
0x12: {  	s15 =	rddreg [dreg:$0x4]  }
0x13: {  	s14 =	rddreg [dreg:$0x3];
	s15 =	sadd.s32 $0x1, s15  }
0x14: {  	p0 =	sne.s32 s15, s14  }
.Ltmp1:
0x15: {  	_ = 	snop;
	(pc) =	sbr.rel @!p0 .LBB2_13-.Ltmp1, $1  }
0x16: {  	_ =	sdelay $0x3  }
.LBB2_1:
0x17: {  	[dreg:$0x4] =	wrdreg s15  }
0x18: {  	s14 =	rddreg [dreg:$0x2]  }
0x19: {  	[tilespmem:s1], [sflag:$0x6] =	stream.linear.gather [hbm4b:s14+s1], $0x3E80, $0x38;
	[tilespmem:$0x1D000] =	vst v63  }
0x1a: {  	_ =	swait.ge [sflag:s7], $0x3E80  }
0x1b: {  	[sflag:s7] =	ssyncset.done $0x0  }
0x1c: {  	[sflag:s7] =	ssyncadd.s32 $0xFFFFC180  }
0x1d: {  	v3 =	vld [tilespmem:$0x0];
	_ =	sdelay $0x4  }
0x1e: {  	v4 =	vshll.u32 v3, $0x1  }
0x1f: {  	v3 =	vand.u32 $0x7, v3;
	v4 =	vand.u32 $0xFFFFFFF0, v4  }
0x20: {  	v3 =	vor.u32 v3, v4  }
0x21: {  	v4 =	vperm.xlane v3, v0;
	_ =	sdelay $0x1  }
0x22: {  	v3 =	vperm.xlane v3, v2;
	v4 =	vadd.s32 v1, v4;
	_ =	sdelay $0x1  }
0x23: {  	v3 =	vadd.s32 v1, v3;
	_ =	sdelay $0x2  }
0x24: {  	[tilespmem:s8], [sflag:$0x1] =	stream.indirect_vreg.gather [hbm4b:s3+s1], $0x80, v4, vm0, $0xb8;
	[tilespmem:$0x1D000] =	vst v63  }
0x25: {  	s16 =	simm.s32 $0x4800  }
0x26: {  	[tilespmem:s16], [sflag:$0x1] =	stream.indirect_vreg.gather [hbm4b:s3+s1], $0x80, v3, vm0, $0xb8;
	[tilespmem:$0x1D000] =	vst v63  }
0x27: {  	v3 =	vld [tilespmem:$0x10];
	_ =	sdelay $0x4  }
0x28: {  	v40 =	vshll.u32 v3, $0x1  }
0x29: {  	v3 =	vand.u32 $0x7, v3;
	v4 =	vand.u32 $0xFFFFFFF0, v40  }
0x2a: {  	v3 =	vor.u32 v3, v4  }
0x2b: {  	v4 =	vperm.xlane v3, v0;
	_ =	sdelay $0x1  }
0x2c: {  	v3 =	vperm.xlane v3, v2;
	v4 =	vadd.s32 v1, v4;
	_ =	sdelay $0x1  }
0x2d: {  	v3 =	vadd.s32 v1, v3;
	_ =	sdelay $0x1  }
0x2e: {  	s17 =	simm.s32 $0x5000  }
0x2f: {  	[tilespmem:s17], [sflag:$0x1] =	stream.indirect_vreg.gather [hbm4b:s3+s1], $0x80, v4, vm0, $0xb8;
	[tilespmem:$0x1D000] =	vst v63  }
0x30: {  	s15 =	simm.s32 $0x5800  }
0x31: {  	[tilespmem:s15], [sflag:$0x1] =	stream.indirect_vreg.gather [hbm4b:s3+s1], $0x80, v3, vm0, $0xb8;
	[tilespmem:$0x1D000] =	vst v63  }
0x32: {  	v3 =	vld [tilespmem:$0x20];
	_ =	sdelay $0x4  }
0x33: {  	v41 =	vshll.u32 v3, $0x1  }
0x34: {  	v3 =	vand.u32 $0x7, v3;
	v4 =	vand.u32 $0xFFFFFFF0, v41  }
0x35: {  	v3 =	vor.u32 v3, v4  }
0x36: {  	v4 =	vperm.xlane v3, v0;
	_ =	sdelay $0x1  }
0x37: {  	v3 =	vperm.xlane v3, v2;
	v4 =	vadd.s32 v1, v4;
	_ =	sdelay $0x1  }
0x38: {  	v3 =	vadd.s32 v1, v3;
	_ =	sdelay $0x1  }
0x39: {  	s16 =	simm.s32 $0x6000  }
0x3a: {  	[tilespmem:s16], [sflag:$0x1] =	stream.indirect_vreg.gather [hbm4b:s3+s1], $0x80, v4, vm0, $0xb8;
	[tilespmem:$0x1D000] =	vst v63  }
0x3b: {  	s17 =	simm.s32 $0x6800  }
0x3c: {  	[tilespmem:s17], [sflag:$0x1] =	stream.indirect_vreg.gather [hbm4b:s3+s1], $0x80, v3, vm0, $0xb8;
	[tilespmem:$0x1D000] =	vst v63  }
0x3d: {  	v3 =	vld [tilespmem:$0x30];
	_ =	sdelay $0x4  }
0x3e: {  	v42 =	vshll.u32 v3, $0x1  }
0x3f: {  	v3 =	vand.u32 $0x7, v3;
	v4 =	vand.u32 $0xFFFFFFF0, v42  }
0x40: {  	v3 =	vor.u32 v3, v4  }
0x41: {  	v4 =	vperm.xlane v3, v0;
	_ =	sdelay $0x1  }
0x42: {  	v3 =	vperm.xlane v3, v2;
	v4 =	vadd.s32 v1, v4;
	_ =	sdelay $0x1  }
0x43: {  	v3 =	vadd.s32 v1, v3;
	_ =	sdelay $0x1  }
0x44: {  	s15 =	simm.s32 $0x7000  }
0x45: {  	[tilespmem:s15], [sflag:$0x1] =	stream.indirect_vreg.gather [hbm4b:s3+s1], $0x80, v4, vm0, $0xb8;
	[tilespmem:$0x1D000] =	vst v63  }
0x46: {  	s16 =	simm.s32 $0x7800  }
0x47: {  	[tilespmem:s16], [sflag:$0x1] =	stream.indirect_vreg.gather [hbm4b:s3+s1], $0x80, v3, vm0, $0xb8;
	[tilespmem:$0x1D000] =	vst v63  }
0x48: {  	v3 =	vld [tilespmem:$0x40];
	_ =	sdelay $0x4  }
0x49: {  	v43 =	vshll.u32 v3, $0x1  }
0x4a: {  	v3 =	vand.u32 $0x7, v3;
	v4 =	vand.u32 $0xFFFFFFF0, v43  }
0x4b: {  	v3 =	vor.u32 v3, v4  }
0x4c: {  	v4 =	vperm.xlane v3, v0;
	_ =	sdelay $0x1  }
0x4d: {  	v3 =	vperm.xlane v3, v2;
	v4 =	vadd.s32 v1, v4;
	_ =	sdelay $0x1  }
0x4e: {  	v3 =	vadd.s32 v1, v3;
	_ =	sdelay $0x1  }
0x4f: {  	s17 =	simm.s32 $0x8000  }
0x50: {  	[tilespmem:s17], [sflag:$0x1] =	stream.indirect_vreg.gather [hbm4b:s3+s1], $0x80, v4, vm0, $0xb8;
	[tilespmem:$0x1D000] =	vst v63  }
0x51: {  	s15 =	simm.s32 $0x8800  }
0x52: {  	[tilespmem:s15], [sflag:$0x1] =	stream.indirect_vreg.gather [hbm4b:s3+s1], $0x80, v3, vm0, $0xb8;
	[tilespmem:$0x1D000] =	vst v63  }
0x53: {  	v3 =	vld [tilespmem:$0x80];
	_ =	sdelay $0x4  }
0x54: {  	v44 =	vshll.u32 v3, $0x1  }
0x55: {  	v3 =	vand.u32 $0x7, v3;
	v4 =	vand.u32 $0xFFFFFFF0, v44  }
0x56: {  	v3 =	vor.u32 v3, v4  }
0x57: {  	v4 =	vperm.xlane v3, v0;
	_ =	sdelay $0x1  }
0x58: {  	v3 =	vperm.xlane v3, v2;
	v4 =	vadd.s32 v1, v4;
	_ =	sdelay $0x1  }
0x59: {  	v3 =	vadd.s32 v1, v3;
	_ =	sdelay $0x2  }
0x5a: {  	[tilespmem:s18], [sflag:$0x2] =	stream.indirect_vreg.gather [hbm4b:s3+s1], $0x80, v4, vm0, $0xb8;
	[tilespmem:$0x1D000] =	vst v63  }
0x5b: {  	s16 =	simm.s32 $0x9800  }
0x5c: {  	[tilespmem:s16], [sflag:$0x2] =	stream.indirect_vreg.gather [hbm4b:s3+s1], $0x80, v3, vm0, $0xb8;
	[tilespmem:$0x1D000] =	vst v63  }
0x5d: {  	v3 =	vld [tilespmem:$0x90];
	_ =	sdelay $0x4  }
0x5e: {  	v45 =	vshll.u32 v3, $0x1  }
0x5f: {  	v3 =	vand.u32 $0x7, v3;
	v4 =	vand.u32 $0xFFFFFFF0, v45  }
0x60: {  	v3 =	vor.u32 v3, v4  }
0x61: {  	v4 =	vperm.xlane v3, v0;
	_ =	sdelay $0x1  }
0x62: {  	v3 =	vperm.xlane v3, v2;
	v4 =	vadd.s32 v1, v4;
	_ =	sdelay $0x1  }
0x63: {  	v3 =	vadd.s32 v1, v3;
	_ =	sdelay $0x1  }
0x64: {  	s17 =	simm.s32 $0xA000  }
0x65: {  	[tilespmem:s17], [sflag:$0x2] =	stream.indirect_vreg.gather [hbm4b:s3+s1], $0x80, v4, vm0, $0xb8;
	[tilespmem:$0x1D000] =	vst v63  }
0x66: {  	s15 =	simm.s32 $0xA800  }
0x67: {  	[tilespmem:s15], [sflag:$0x2] =	stream.indirect_vreg.gather [hbm4b:s3+s1], $0x80, v3, vm0, $0xb8;
	[tilespmem:$0x1D000] =	vst v63  }
0x68: {  	v3 =	vld [tilespmem:$0xA0];
	_ =	sdelay $0x4  }
0x69: {  	v46 =	vshll.u32 v3, $0x1  }
0x6a: {  	v3 =	vand.u32 $0x7, v3;
	v4 =	vand.u32 $0xFFFFFFF0, v46  }
0x6b: {  	v3 =	vor.u32 v3, v4  }
0x6c: {  	v4 =	vperm.xlane v3, v0;
	_ =	sdelay $0x1  }
0x6d: {  	v3 =	vperm.xlane v3, v2;
	v4 =	vadd.s32 v1, v4;
	_ =	sdelay $0x1  }
0x6e: {  	v3 =	vadd.s32 v1, v3;
	_ =	sdelay $0x1  }
0x6f: {  	s16 =	simm.s32 $0xB000  }
0x70: {  	[tilespmem:s16], [sflag:$0x2] =	stream.indirect_vreg.gather [hbm4b:s3+s1], $0x80, v4, vm0, $0xb8;
	[tilespmem:$0x1D000] =	vst v63  }
0x71: {  	s17 =	simm.s32 $0xB800  }
0x72: {  	[tilespmem:s17], [sflag:$0x2] =	stream.indirect_vreg.gather [hbm4b:s3+s1], $0x80, v3, vm0, $0xb8;
	[tilespmem:$0x1D000] =	vst v63  }
0x73: {  	v3 =	vld [tilespmem:$0xB0];
	_ =	sdelay $0x4  }
0x74: {  	v47 =	vshll.u32 v3, $0x1  }
0x75: {  	v3 =	vand.u32 $0x7, v3;
	v4 =	vand.u32 $0xFFFFFFF0, v47  }
0x76: {  	v3 =	vor.u32 v3, v4  }
0x77: {  	v4 =	vperm.xlane v3, v0;
	_ =	sdelay $0x1  }
0x78: {  	v3 =	vperm.xlane v3, v2;
	v4 =	vadd.s32 v1, v4;
	_ =	sdelay $0x1  }
0x79: {  	v3 =	vadd.s32 v1, v3;
	_ =	sdelay $0x1  }
0x7a: {  	s15 =	simm.s32 $0xC000  }
0x7b: {  	[tilespmem:s15], [sflag:$0x2] =	stream.indirect_vreg.gather [hbm4b:s3+s1], $0x80, v4, vm0, $0xb8;
	[tilespmem:$0x1D000] =	vst v63  }
0x7c: {  	s16 =	simm.s32 $0xC800  }
0x7d: {  	[tilespmem:s16], [sflag:$0x2] =	stream.indirect_vreg.gather [hbm4b:s3+s1], $0x80, v3, vm0, $0xb8;
	[tilespmem:$0x1D000] =	vst v63  }
0x7e: {  	v3 =	vld [tilespmem:$0xC0];
	_ =	sdelay $0x4  }
0x7f: {  	v48 =	vshll.u32 v3, $0x1  }
0x80: {  	v3 =	vand.u32 $0x7, v3;
	v4 =	vand.u32 $0xFFFFFFF0, v48  }
0x81: {  	v3 =	vor.u32 v3, v4  }
0x82: {  	v4 =	vperm.xlane v3, v0;
	_ =	sdelay $0x1  }
0x83: {  	v3 =	vperm.xlane v3, v2;
	v4 =	vadd.s32 v1, v4;
	_ =	sdelay $0x1  }
0x84: {  	v3 =	vadd.s32 v1, v3;
	_ =	sdelay $0x1  }
0x85: {  	s17 =	simm.s32 $0xD000  }
0x86: {  	[tilespmem:s17], [sflag:$0x2] =	stream.indirect_vreg.gather [hbm4b:s3+s1], $0x80, v4, vm0, $0xb8;
	[tilespmem:$0x1D000] =	vst v63  }
0x87: {  	s15 =	simm.s32 $0xD800  }
0x88: {  	[tilespmem:s15], [sflag:$0x2] =	stream.indirect_vreg.gather [hbm4b:s3+s1], $0x80, v3, vm0, $0xb8;
	[tilespmem:$0x1D000] =	vst v63  }
0x89: {  	v3 =	vld [tilespmem:$0x100];
	_ =	sdelay $0x4  }
0x8a: {  	v49 =	vshll.u32 v3, $0x1  }
0x8b: {  	v3 =	vand.u32 $0x7, v3;
	v4 =	vand.u32 $0xFFFFFFF0, v49  }
0x8c: {  	v3 =	vor.u32 v3, v4  }
0x8d: {  	v4 =	vperm.xlane v3, v0;
	_ =	sdelay $0x1  }
0x8e: {  	v3 =	vperm.xlane v3, v2;
	v4 =	vadd.s32 v1, v4;
	_ =	sdelay $0x1  }
0x8f: {  	v3 =	vadd.s32 v1, v3;
	_ =	sdelay $0x2  }
0x90: {  	[tilespmem:s29], [sflag:$0x3] =	stream.indirect_vreg.gather [hbm4b:s3+s1], $0x80, v4, vm0, $0xb8;
	[tilespmem:$0x1D000] =	vst v63  }
0x91: {  	s16 =	simm.s32 $0xE800  }
0x92: {  	[tilespmem:s16], [sflag:$0x3] =	stream.indirect_vreg.gather [hbm4b:s3+s1], $0x80, v3, vm0, $0xb8;
	[tilespmem:$0x1D000] =	vst v63  }
0x93: {  	v3 =	vld [tilespmem:$0x110];
	_ =	sdelay $0x4  }
0x94: {  	v50 =	vshll.u32 v3, $0x1  }
0x95: {  	v3 =	vand.u32 $0x7, v3;
	v4 =	vand.u32 $0xFFFFFFF0, v50  }
0x96: {  	v3 =	vor.u32 v3, v4  }
0x97: {  	v4 =	vperm.xlane v3, v0;
	_ =	sdelay $0x1  }
0x98: {  	v3 =	vperm.xlane v3, v2;
	v4 =	vadd.s32 v1, v4;
	_ =	sdelay $0x1  }
0x99: {  	v3 =	vadd.s32 v1, v3;
	_ =	sdelay $0x1  }
0x9a: {  	s17 =	simm.s32 $0xF000  }
0x9b: {  	[tilespmem:s17], [sflag:$0x3] =	stream.indirect_vreg.gather [hbm4b:s3+s1], $0x80, v4, vm0, $0xb8;
	[tilespmem:$0x1D000] =	vst v63  }
0x9c: {  	s15 =	simm.s32 $0xF800  }
0x9d: {  	[tilespmem:s15], [sflag:$0x3] =	stream.indirect_vreg.gather [hbm4b:s3+s1], $0x80, v3, vm0, $0xb8;
	[tilespmem:$0x1D000] =	vst v63  }
0x9e: {  	v3 =	vld [tilespmem:$0x120];
	_ =	sdelay $0x4  }
0x9f: {  	v51 =	vshll.u32 v3, $0x1  }
0xa0: {  	v3 =	vand.u32 $0x7, v3;
	v4 =	vand.u32 $0xFFFFFFF0, v51  }
0xa1: {  	v3 =	vor.u32 v3, v4  }
0xa2: {  	v4 =	vperm.xlane v3, v0;
	_ =	sdelay $0x1  }
0xa3: {  	v3 =	vperm.xlane v3, v2;
	v4 =	vadd.s32 v1, v4;
	_ =	sdelay $0x1  }
0xa4: {  	v3 =	vadd.s32 v1, v3;
	_ =	sdelay $0x1  }
0xa5: {  	s16 =	simm.s32 $0x10000  }
0xa6: {  	[tilespmem:s16], [sflag:$0x3] =	stream.indirect_vreg.gather [hbm4b:s3+s1], $0x80, v4, vm0, $0xb8;
	[tilespmem:$0x1D000] =	vst v63  }
0xa7: {  	s17 =	simm.s32 $0x10800  }
0xa8: {  	[tilespmem:s17], [sflag:$0x3] =	stream.indirect_vreg.gather [hbm4b:s3+s1], $0x80, v3, vm0, $0xb8;
	[tilespmem:$0x1D000] =	vst v63  }
0xa9: {  	v3 =	vld [tilespmem:$0x130];
	_ =	sdelay $0x4  }
0xaa: {  	v52 =	vshll.u32 v3, $0x1  }
0xab: {  	v3 =	vand.u32 $0x7, v3;
	v4 =	vand.u32 $0xFFFFFFF0, v52  }
0xac: {  	v3 =	vor.u32 v3, v4  }
0xad: {  	v4 =	vperm.xlane v3, v0;
	_ =	sdelay $0x1  }
0xae: {  	v3 =	vperm.xlane v3, v2;
	v4 =	vadd.s32 v1, v4;
	_ =	sdelay $0x1  }
0xaf: {  	v3 =	vadd.s32 v1, v3;
	_ =	sdelay $0x1  }
0xb0: {  	s15 =	simm.s32 $0x11000  }
0xb1: {  	[tilespmem:s15], [sflag:$0x3] =	stream.indirect_vreg.gather [hbm4b:s3+s1], $0x80, v4, vm0, $0xb8;
	[tilespmem:$0x1D000] =	vst v63  }
0xb2: {  	s16 =	simm.s32 $0x11800  }
0xb3: {  	[tilespmem:s16], [sflag:$0x3] =	stream.indirect_vreg.gather [hbm4b:s3+s1], $0x80, v3, vm0, $0xb8;
	[tilespmem:$0x1D000] =	vst v63  }
0xb4: {  	v3 =	vld [tilespmem:$0x140];
	_ =	sdelay $0x4  }
0xb5: {  	v53 =	vshll.u32 v3, $0x1  }
0xb6: {  	v3 =	vand.u32 $0x7, v3;
	v4 =	vand.u32 $0xFFFFFFF0, v53  }
0xb7: {  	v3 =	vor.u32 v3, v4  }
0xb8: {  	v4 =	vperm.xlane v3, v0;
	_ =	sdelay $0x1  }
0xb9: {  	v3 =	vperm.xlane v3, v2;
	v4 =	vadd.s32 v1, v4;
	_ =	sdelay $0x1  }
0xba: {  	v3 =	vadd.s32 v1, v3;
	_ =	sdelay $0x1  }
0xbb: {  	s17 =	simm.s32 $0x12000  }
0xbc: {  	[tilespmem:s17], [sflag:$0x3] =	stream.indirect_vreg.gather [hbm4b:s3+s1], $0x80, v4, vm0, $0xb8;
	[tilespmem:$0x1D000] =	vst v63  }
0xbd: {  	s15 =	simm.s32 $0x12800  }
0xbe: {  	[tilespmem:s15], [sflag:$0x3] =	stream.indirect_vreg.gather [hbm4b:s3+s1], $0x80, v3, vm0, $0xb8;
	[tilespmem:$0x1D000] =	vst v63  }
0xbf: {  	v3 =	vld [tilespmem:$0x180];
	_ =	sdelay $0x4  }
0xc0: {  	v54 =	vshll.u32 v3, $0x1  }
0xc1: {  	v3 =	vand.u32 $0x7, v3;
	v4 =	vand.u32 $0xFFFFFFF0, v54  }
0xc2: {  	v3 =	vor.u32 v3, v4  }
0xc3: {  	v4 =	vperm.xlane v3, v0;
	_ =	sdelay $0x1  }
0xc4: {  	v3 =	vperm.xlane v3, v2;
	v4 =	vadd.s32 v1, v4;
	_ =	sdelay $0x1  }
0xc5: {  	v3 =	vadd.s32 v1, v3;
	_ =	sdelay $0x2  }
0xc6: {  	[tilespmem:s12], [sflag:$0x4] =	stream.indirect_vreg.gather [hbm4b:s3+s1], $0x80, v4, vm0, $0xb8;
	[tilespmem:$0x1D000] =	vst v63  }
0xc7: {  	s16 =	simm.s32 $0x13800  }
0xc8: {  	[tilespmem:s16], [sflag:$0x4] =	stream.indirect_vreg.gather [hbm4b:s3+s1], $0x80, v3, vm0, $0xb8;
	[tilespmem:$0x1D000] =	vst v63  }
0xc9: {  	v3 =	vld [tilespmem:$0x190];
	_ =	sdelay $0x4  }
0xca: {  	v55 =	vshll.u32 v3, $0x1  }
0xcb: {  	v3 =	vand.u32 $0x7, v3;
	v4 =	vand.u32 $0xFFFFFFF0, v55  }
0xcc: {  	v3 =	vor.u32 v3, v4  }
0xcd: {  	v4 =	vperm.xlane v3, v0;
	_ =	sdelay $0x1  }
0xce: {  	v3 =	vperm.xlane v3, v2;
	v4 =	vadd.s32 v1, v4;
	_ =	sdelay $0x1  }
0xcf: {  	v3 =	vadd.s32 v1, v3;
	_ =	sdelay $0x1  }
0xd0: {  	s17 =	simm.s32 $0x14000  }
0xd1: {  	[tilespmem:s17], [sflag:$0x4] =	stream.indirect_vreg.gather [hbm4b:s3+s1], $0x80, v4, vm0, $0xb8;
	[tilespmem:$0x1D000] =	vst v63  }
0xd2: {  	s15 =	simm.s32 $0x14800  }
0xd3: {  	[tilespmem:s15], [sflag:$0x4] =	stream.indirect_vreg.gather [hbm4b:s3+s1], $0x80, v3, vm0, $0xb8;
	[tilespmem:$0x1D000] =	vst v63  }
0xd4: {  	v3 =	vld [tilespmem:$0x1A0];
	_ =	sdelay $0x4  }
0xd5: {  	v56 =	vshll.u32 v3, $0x1  }
0xd6: {  	v3 =	vand.u32 $0x7, v3;
	v4 =	vand.u32 $0xFFFFFFF0, v56  }
0xd7: {  	v3 =	vor.u32 v3, v4  }
0xd8: {  	v4 =	vperm.xlane v3, v0;
	_ =	sdelay $0x1  }
0xd9: {  	v3 =	vperm.xlane v3, v2;
	v4 =	vadd.s32 v1, v4;
	_ =	sdelay $0x1  }
0xda: {  	v3 =	vadd.s32 v1, v3;
	_ =	sdelay $0x1  }
0xdb: {  	s16 =	simm.s32 $0x15000  }
0xdc: {  	[tilespmem:s16], [sflag:$0x4] =	stream.indirect_vreg.gather [hbm4b:s3+s1], $0x80, v4, vm0, $0xb8;
	[tilespmem:$0x1D000] =	vst v63  }
0xdd: {  	s17 =	simm.s32 $0x15800  }
0xde: {  	[tilespmem:s17], [sflag:$0x4] =	stream.indirect_vreg.gather [hbm4b:s3+s1], $0x80, v3, vm0, $0xb8;
	[tilespmem:$0x1D000] =	vst v63  }
0xdf: {  	v3 =	vld [tilespmem:$0x1B0];
	_ =	sdelay $0x4  }
0xe0: {  	v57 =	vshll.u32 v3, $0x1  }
0xe1: {  	v3 =	vand.u32 $0x7, v3;
	v4 =	vand.u32 $0xFFFFFFF0, v57  }
0xe2: {  	v3 =	vor.u32 v3, v4  }
0xe3: {  	v4 =	vperm.xlane v3, v0;
	_ =	sdelay $0x1  }
0xe4: {  	v3 =	vperm.xlane v3, v2;
	v4 =	vadd.s32 v1, v4;
	_ =	sdelay $0x1  }
0xe5: {  	v3 =	vadd.s32 v1, v3;
	_ =	sdelay $0x2  }
0xe6: {  	[tilespmem:s19], [sflag:$0x4] =	stream.indirect_vreg.gather [hbm4b:s3+s1], $0x80, v4, vm0, $0xb8;
	[tilespmem:$0x1D000] =	vst v63  }
0xe7: {  	_ = 	snop  }
0xe8: {  	[tilespmem:s20], [sflag:$0x4] =	stream.indirect_vreg.gather [hbm4b:s3+s1], $0x80, v3, vm0, $0xb8;
	[tilespmem:$0x1D000] =	vst v63  }
0xe9: {  	v3 =	vld [tilespmem:$0x1C0];
	_ =	sdelay $0x4  }
0xea: {  	v58 =	vshll.u32 v3, $0x1  }
0xeb: {  	v3 =	vand.u32 $0x7, v3;
	v4 =	vand.u32 $0xFFFFFFF0, v58  }
0xec: {  	v3 =	vor.u32 v3, v4  }
0xed: {  	v4 =	vperm.xlane v3, v0;
	_ =	sdelay $0x1  }
0xee: {  	v3 =	vperm.xlane v3, v2;
	v4 =	vadd.s32 v1, v4;
	_ =	sdelay $0x1  }
0xef: {  	v3 =	vadd.s32 v1, v3;
	_ =	sdelay $0x2  }
0xf0: {  	[tilespmem:s21], [sflag:$0x4] =	stream.indirect_vreg.gather [hbm4b:s3+s1], $0x80, v4, vm0, $0xb8;
	[tilespmem:$0x1D000] =	vst v63  }
0xf1: {  	_ = 	snop  }
0xf2: {  	[tilespmem:s22], [sflag:$0x4] =	stream.indirect_vreg.gather [hbm4b:s3+s1], $0x80, v3, vm0, $0xb8;
	[tilespmem:$0x1D000] =	vst v63  }
0xf3: {  	v3 =	vld [tilespmem:$0x200];
	_ =	sdelay $0x4  }
0xf4: {  	v59 =	vshll.u32 v3, $0x1  }
0xf5: {  	v3 =	vand.u32 $0x7, v3;
	v4 =	vand.u32 $0xFFFFFFF0, v59  }
0xf6: {  	v3 =	vor.u32 v3, v4  }
0xf7: {  	v4 =	vperm.xlane v3, v0;
	_ =	sdelay $0x1  }
0xf8: {  	v3 =	vperm.xlane v3, v2;
	v4 =	vadd.s32 v1, v4;
	_ =	sdelay $0x1  }
0xf9: {  	v3 =	vadd.s32 v1, v3;
	_ =	sdelay $0x2  }
0xfa: {  	[tilespmem:s23], [sflag:$0x5] =	stream.indirect_vreg.gather [hbm4b:s3+s1], $0x80, v4, vm0, $0xb8;
	[tilespmem:$0x1D000] =	vst v63  }
0xfb: {  	_ = 	snop  }
0xfc: {  	[tilespmem:s24], [sflag:$0x5] =	stream.indirect_vreg.gather [hbm4b:s3+s1], $0x80, v3, vm0, $0xb8;
	[tilespmem:$0x1D000] =	vst v63  }
0xfd: {  	v3 =	vld [tilespmem:$0x210];
	_ =	sdelay $0x4  }
0xfe: {  	v60 =	vshll.u32 v3, $0x1  }
0xff: {  	v3 =	vand.u32 $0x7, v3;
	v4 =	vand.u32 $0xFFFFFFF0, v60  }
0x100: {  	v3 =	vor.u32 v3, v4  }
0x101: {  	v4 =	vperm.xlane v3, v0;
	_ =	sdelay $0x1  }
0x102: {  	v3 =	vperm.xlane v3, v2;
	v4 =	vadd.s32 v1, v4;
	_ =	sdelay $0x1  }
0x103: {  	v3 =	vadd.s32 v1, v3;
	_ =	sdelay $0x2  }
0x104: {  	[tilespmem:s25], [sflag:$0x5] =	stream.indirect_vreg.gather [hbm4b:s3+s1], $0x80, v4, vm0, $0xb8;
	[tilespmem:$0x1D000] =	vst v63  }
0x105: {  	_ = 	snop  }
0x106: {  	[tilespmem:s26], [sflag:$0x5] =	stream.indirect_vreg.gather [hbm4b:s3+s1], $0x80, v3, vm0, $0xb8;
	[tilespmem:$0x1D000] =	vst v63  }
0x107: {  	v3 =	vld [tilespmem:$0x220];
	_ =	sdelay $0x4  }
0x108: {  	v61 =	vshll.u32 v3, $0x1  }
0x109: {  	v3 =	vand.u32 $0x7, v3;
	v4 =	vand.u32 $0xFFFFFFF0, v61  }
0x10a: {  	v3 =	vor.u32 v3, v4  }
0x10b: {  	v4 =	vperm.xlane v3, v0;
	_ =	sdelay $0x1  }
0x10c: {  	v3 =	vperm.xlane v3, v2;
	v4 =	vadd.s32 v1, v4;
	_ =	sdelay $0x1  }
0x10d: {  	v3 =	vadd.s32 v1, v3;
	_ =	sdelay $0x2  }
0x10e: {  	[tilespmem:s28], [sflag:$0x5] =	stream.indirect_vreg.gather [hbm4b:s3+s1], $0x80, v4, vm0, $0xb8;
	[tilespmem:$0x1D000] =	vst v63  }
0x10f: {  	_ = 	snop  }
0x110: {  	[tilespmem:s30], [sflag:$0x5] =	stream.indirect_vreg.gather [hbm4b:s3+s1], $0x80, v3, vm0, $0xb8;
	[tilespmem:$0x1D000] =	vst v63  }
0x111: {  	v3 =	vld [tilespmem:$0x230];
	_ =	sdelay $0x4  }
0x112: {  	v62 =	vshll.u32 v3, $0x1  }
0x113: {  	v3 =	vand.u32 $0x7, v3;
	v4 =	vand.u32 $0xFFFFFFF0, v62  }
0x114: {  	v3 =	vor.u32 v3, v4  }
0x115: {  	v4 =	vperm.xlane v3, v0;
	_ =	sdelay $0x1  }
0x116: {  	v3 =	vperm.xlane v3, v2;
	v4 =	vadd.s32 v1, v4;
	_ =	sdelay $0x1  }
0x117: {  	v3 =	vadd.s32 v1, v3;
	_ =	sdelay $0x2  }
0x118: {  	[tilespmem:s31], [sflag:$0x5] =	stream.indirect_vreg.gather [hbm4b:s3+s1], $0x80, v4, vm0, $0xb8;
	[tilespmem:$0x1D000] =	vst v63  }
0x119: {  	_ = 	snop  }
0x11a: {  	[tilespmem:s0], [sflag:$0x5] =	stream.indirect_vreg.gather [hbm4b:s3+s1], $0x80, v3, vm0, $0xb8;
	[tilespmem:$0x1D000] =	vst v63  }
0x11b: {  	v3 =	vld [tilespmem:$0x240];
	_ =	sdelay $0x4  }
0x11c: {  	v63 =	vshll.u32 v3, $0x1  }
0x11d: {  	v3 =	vand.u32 $0x7, v3;
	v4 =	vand.u32 $0xFFFFFFF0, v63  }
0x11e: {  	v3 =	vor.u32 v3, v4  }
0x11f: {  	v4 =	vperm.xlane v3, v0;
	_ =	sdelay $0x1  }
0x120: {  	v3 =	vperm.xlane v3, v2;
	v4 =	vadd.s32 v1, v4;
	_ =	sdelay $0x1  }
0x121: {  	v3 =	vadd.s32 v1, v3;
	_ =	sdelay $0x2  }
0x122: {  	[tilespmem:s2], [sflag:$0x5] =	stream.indirect_vreg.gather [hbm4b:s3+s1], $0x80, v4, vm0, $0xb8;
	[tilespmem:$0x1D000] =	vst v63  }
0x123: {  	s14 =	simm.s32 $0x4C0;
	s15 =	simm.s32 $0x0  }
0x124: {  	[tilespmem:s4], [sflag:$0x5] =	stream.indirect_vreg.gather [hbm4b:s3+s1], $0x80, v3, vm0, $0xb8;
	[tilespmem:$0x1D000] =	vst v63  }
.LBB2_2:
0x125: {  	_ =	swait.ge [sflag:s5], $0x5000  }
0x126: {  	p0 =	seq.s32 s15, $0x4B000;
	[sflag:s5] =	ssyncset.done $0x0  }
.Ltmp2:
0x127: {  	s16 =	sadd.s32 s15, s6;
	[sflag:s5] =	ssyncadd.s32 $0xFFFFB000;
	(pc) =	sbr.rel @p0 .LBB2_4-.Ltmp2, $4  }
0x128: {  	[hbm4b:s16+s1] =	stream.linear.scatter [tilespmem:s8], [sflag:$0x6], $0x5000, $0x38;
	[tilespmem:$0x1D000] =	vst v63  }
0x129: {  	_ =	swait.ge [sflag:s7], $0x5000  }
0x12a: {  	[sflag:s7] =	ssyncset.done $0x0  }
0x12b: {  	[sflag:s7] =	ssyncadd.s32 $0xFFFFB000  }
0x12c: {  	v3 =	vld [tilespmem:s14+$0xFFFFFDC0];
	_ =	sdelay $0x4  }
0x12d: {  	v4 =	vshll.u32 v3, $0x1  }
0x12e: {  	v3 =	vand.u32 $0x7, v3;
	v4 =	vand.u32 $0xFFFFFFF0, v4  }
0x12f: {  	v3 =	vor.u32 v3, v4  }
0x130: {  	v4 =	vperm.xlane v3, v0;
	_ =	sdelay $0x1  }
0x131: {  	v3 =	vperm.xlane v3, v2;
	v4 =	vadd.s32 v1, v4;
	_ =	sdelay $0x1  }
0x132: {  	v3 =	vadd.s32 v1, v3;
	_ =	sdelay $0x2  }
0x133: {  	[tilespmem:s8], [sflag:$0x1] =	stream.indirect_vreg.gather [hbm4b:s3+s1], $0x80, v4, vm0, $0xb8;
	[tilespmem:$0x1D000] =	vst v63  }
0x134: {  	s17 =	simm.s32 $0x4800  }
0x135: {  	[tilespmem:s17], [sflag:$0x1] =	stream.indirect_vreg.gather [hbm4b:s3+s1], $0x80, v3, vm0, $0xb8;
	[tilespmem:$0x1D000] =	vst v63  }
0x136: {  	v3 =	vld [tilespmem:s14+$0xFFFFFDD0];
	_ =	sdelay $0x4  }
0x137: {  	v60 =	vshll.u32 v3, $0x1  }
0x138: {  	v3 =	vand.u32 $0x7, v3;
	v4 =	vand.u32 $0xFFFFFFF0, v60  }
0x139: {  	v3 =	vor.u32 v3, v4  }
0x13a: {  	v4 =	vperm.xlane v3, v0;
	_ =	sdelay $0x1  }
0x13b: {  	v3 =	vperm.xlane v3, v2;
	v4 =	vadd.s32 v1, v4;
	_ =	sdelay $0x1  }
0x13c: {  	v3 =	vadd.s32 v1, v3;
	_ =	sdelay $0x1  }
0x13d: {  	s17 =	simm.s32 $0x5000  }
0x13e: {  	[tilespmem:s17], [sflag:$0x1] =	stream.indirect_vreg.gather [hbm4b:s3+s1], $0x80, v4, vm0, $0xb8;
	[tilespmem:$0x1D000] =	vst v63  }
0x13f: {  	s17 =	simm.s32 $0x5800  }
0x140: {  	[tilespmem:s17], [sflag:$0x1] =	stream.indirect_vreg.gather [hbm4b:s3+s1], $0x80, v3, vm0, $0xb8;
	[tilespmem:$0x1D000] =	vst v63  }
0x141: {  	v3 =	vld [tilespmem:s14+$0xFFFFFDE0];
	_ =	sdelay $0x4  }
0x142: {  	v61 =	vshll.u32 v3, $0x1  }
0x143: {  	v3 =	vand.u32 $0x7, v3;
	v4 =	vand.u32 $0xFFFFFFF0, v61  }
0x144: {  	v3 =	vor.u32 v3, v4  }
0x145: {  	v4 =	vperm.xlane v3, v0;
	_ =	sdelay $0x1  }
0x146: {  	v3 =	vperm.xlane v3, v2;
	v4 =	vadd.s32 v1, v4;
	_ =	sdelay $0x1  }
0x147: {  	v3 =	vadd.s32 v1, v3;
	_ =	sdelay $0x1  }
0x148: {  	s17 =	simm.s32 $0x6000  }
0x149: {  	[tilespmem:s17], [sflag:$0x1] =	stream.indirect_vreg.gather [hbm4b:s3+s1], $0x80, v4, vm0, $0xb8;
	[tilespmem:$0x1D000] =	vst v63  }
0x14a: {  	s17 =	simm.s32 $0x6800  }
0x14b: {  	[tilespmem:s17], [sflag:$0x1] =	stream.indirect_vreg.gather [hbm4b:s3+s1], $0x80, v3, vm0, $0xb8;
	[tilespmem:$0x1D000] =	vst v63  }
0x14c: {  	v3 =	vld [tilespmem:s14+$0xFFFFFDF0];
	_ =	sdelay $0x4  }
0x14d: {  	v62 =	vshll.u32 v3, $0x1  }
0x14e: {  	v3 =	vand.u32 $0x7, v3;
	v4 =	vand.u32 $0xFFFFFFF0, v62  }
0x14f: {  	v3 =	vor.u32 v3, v4  }
0x150: {  	v4 =	vperm.xlane v3, v0;
	_ =	sdelay $0x1  }
0x151: {  	v3 =	vperm.xlane v3, v2;
	v4 =	vadd.s32 v1, v4;
	_ =	sdelay $0x1  }
0x152: {  	v3 =	vadd.s32 v1, v3;
	_ =	sdelay $0x1  }
0x153: {  	s17 =	simm.s32 $0x7000  }
0x154: {  	[tilespmem:s17], [sflag:$0x1] =	stream.indirect_vreg.gather [hbm4b:s3+s1], $0x80, v4, vm0, $0xb8;
	[tilespmem:$0x1D000] =	vst v63  }
0x155: {  	s17 =	simm.s32 $0x7800  }
0x156: {  	[tilespmem:s17], [sflag:$0x1] =	stream.indirect_vreg.gather [hbm4b:s3+s1], $0x80, v3, vm0, $0xb8;
	[tilespmem:$0x1D000] =	vst v63  }
0x157: {  	v3 =	vld [tilespmem:s14+$0xFFFFFE00];
	_ =	sdelay $0x4  }
0x158: {  	v63 =	vshll.u32 v3, $0x1  }
0x159: {  	v3 =	vand.u32 $0x7, v3;
	v4 =	vand.u32 $0xFFFFFFF0, v63  }
0x15a: {  	v3 =	vor.u32 v3, v4  }
0x15b: {  	v4 =	vperm.xlane v3, v0;
	_ =	sdelay $0x1  }
0x15c: {  	v3 =	vperm.xlane v3, v2;
	v4 =	vadd.s32 v1, v4;
	_ =	sdelay $0x1  }
0x15d: {  	v3 =	vadd.s32 v1, v3;
	_ =	sdelay $0x1  }
0x15e: {  	s17 =	simm.s32 $0x8000  }
0x15f: {  	[tilespmem:s17], [sflag:$0x1] =	stream.indirect_vreg.gather [hbm4b:s3+s1], $0x80, v4, vm0, $0xb8;
	[tilespmem:$0x1D000] =	vst v63  }
0x160: {  	s17 =	simm.s32 $0x8800  }
0x161: {  	[tilespmem:s17], [sflag:$0x1] =	stream.indirect_vreg.gather [hbm4b:s3+s1], $0x80, v3, vm0, $0xb8;
	[tilespmem:$0x1D000] =	vst v63  }
.LBB2_4:
0x162: {  	_ =	swait.ge [sflag:s9], $0x5000  }
0x163: {  	[sflag:s9] =	ssyncset.done $0x0  }
.Ltmp3:
0x164: {  	s17 =	sadd.s32 $0xA00, s16;
	[sflag:s9] =	ssyncadd.s32 $0xFFFFB000;
	(pc) =	sbr.rel @p0 .LBB2_6-.Ltmp3, $4  }
0x165: {  	[hbm4b:s17+s1] =	stream.linear.scatter [tilespmem:s18], [sflag:$0x6], $0x5000, $0x38;
	[tilespmem:$0x1D000] =	vst v63  }
0x166: {  	_ =	swait.ge [sflag:s7], $0x5000  }
0x167: {  	[sflag:s7] =	ssyncset.done $0x0  }
0x168: {  	[sflag:s7] =	ssyncadd.s32 $0xFFFFB000  }
0x169: {  	v3 =	vld [tilespmem:s14+$0xFFFFFE40];
	_ =	sdelay $0x4  }
0x16a: {  	v4 =	vshll.u32 v3, $0x1  }
0x16b: {  	v3 =	vand.u32 $0x7, v3;
	v4 =	vand.u32 $0xFFFFFFF0, v4  }
0x16c: {  	v3 =	vor.u32 v3, v4  }
0x16d: {  	v4 =	vperm.xlane v3, v0;
	_ =	sdelay $0x1  }
0x16e: {  	v3 =	vperm.xlane v3, v2;
	v4 =	vadd.s32 v1, v4;
	_ =	sdelay $0x1  }
0x16f: {  	v3 =	vadd.s32 v1, v3;
	_ =	sdelay $0x2  }
0x170: {  	[tilespmem:s18], [sflag:$0x2] =	stream.indirect_vreg.gather [hbm4b:s3+s1], $0x80, v4, vm0, $0xb8;
	[tilespmem:$0x1D000] =	vst v63  }
0x171: {  	s17 =	simm.s32 $0x9800  }
0x172: {  	[tilespmem:s17], [sflag:$0x2] =	stream.indirect_vreg.gather [hbm4b:s3+s1], $0x80, v3, vm0, $0xb8;
	[tilespmem:$0x1D000] =	vst v63  }
0x173: {  	v3 =	vld [tilespmem:s14+$0xFFFFFE50];
	_ =	sdelay $0x4  }
0x174: {  	v60 =	vshll.u32 v3, $0x1  }
0x175: {  	v3 =	vand.u32 $0x7, v3;
	v4 =	vand.u32 $0xFFFFFFF0, v60  }
0x176: {  	v3 =	vor.u32 v3, v4  }
0x177: {  	v4 =	vperm.xlane v3, v0;
	_ =	sdelay $0x1  }
0x178: {  	v3 =	vperm.xlane v3, v2;
	v4 =	vadd.s32 v1, v4;
	_ =	sdelay $0x1  }
0x179: {  	v3 =	vadd.s32 v1, v3;
	_ =	sdelay $0x1  }
0x17a: {  	s17 =	simm.s32 $0xA000  }
0x17b: {  	[tilespmem:s17], [sflag:$0x2] =	stream.indirect_vreg.gather [hbm4b:s3+s1], $0x80, v4, vm0, $0xb8;
	[tilespmem:$0x1D000] =	vst v63  }
0x17c: {  	s17 =	simm.s32 $0xA800  }
0x17d: {  	[tilespmem:s17], [sflag:$0x2] =	stream.indirect_vreg.gather [hbm4b:s3+s1], $0x80, v3, vm0, $0xb8;
	[tilespmem:$0x1D000] =	vst v63  }
0x17e: {  	v3 =	vld [tilespmem:s14+$0xFFFFFE60];
	_ =	sdelay $0x4  }
0x17f: {  	v61 =	vshll.u32 v3, $0x1  }
0x180: {  	v3 =	vand.u32 $0x7, v3;
	v4 =	vand.u32 $0xFFFFFFF0, v61  }
0x181: {  	v3 =	vor.u32 v3, v4  }
0x182: {  	v4 =	vperm.xlane v3, v0;
	_ =	sdelay $0x1  }
0x183: {  	v3 =	vperm.xlane v3, v2;
	v4 =	vadd.s32 v1, v4;
	_ =	sdelay $0x1  }
0x184: {  	v3 =	vadd.s32 v1, v3;
	_ =	sdelay $0x1  }
0x185: {  	s17 =	simm.s32 $0xB000  }
0x186: {  	[tilespmem:s17], [sflag:$0x2] =	stream.indirect_vreg.gather [hbm4b:s3+s1], $0x80, v4, vm0, $0xb8;
	[tilespmem:$0x1D000] =	vst v63  }
0x187: {  	s17 =	simm.s32 $0xB800  }
0x188: {  	[tilespmem:s17], [sflag:$0x2] =	stream.indirect_vreg.gather [hbm4b:s3+s1], $0x80, v3, vm0, $0xb8;
	[tilespmem:$0x1D000] =	vst v63  }
0x189: {  	v3 =	vld [tilespmem:s14+$0xFFFFFE70];
	_ =	sdelay $0x4  }
0x18a: {  	v62 =	vshll.u32 v3, $0x1  }
0x18b: {  	v3 =	vand.u32 $0x7, v3;
	v4 =	vand.u32 $0xFFFFFFF0, v62  }
0x18c: {  	v3 =	vor.u32 v3, v4  }
0x18d: {  	v4 =	vperm.xlane v3, v0;
	_ =	sdelay $0x1  }
0x18e: {  	v3 =	vperm.xlane v3, v2;
	v4 =	vadd.s32 v1, v4;
	_ =	sdelay $0x1  }
0x18f: {  	v3 =	vadd.s32 v1, v3;
	_ =	sdelay $0x1  }
0x190: {  	s17 =	simm.s32 $0xC000  }
0x191: {  	[tilespmem:s17], [sflag:$0x2] =	stream.indirect_vreg.gather [hbm4b:s3+s1], $0x80, v4, vm0, $0xb8;
	[tilespmem:$0x1D000] =	vst v63  }
0x192: {  	s17 =	simm.s32 $0xC800  }
0x193: {  	[tilespmem:s17], [sflag:$0x2] =	stream.indirect_vreg.gather [hbm4b:s3+s1], $0x80, v3, vm0, $0xb8;
	[tilespmem:$0x1D000] =	vst v63  }
0x194: {  	v3 =	vld [tilespmem:s14+$0xFFFFFE80];
	_ =	sdelay $0x4  }
0x195: {  	v63 =	vshll.u32 v3, $0x1  }
0x196: {  	v3 =	vand.u32 $0x7, v3;
	v4 =	vand.u32 $0xFFFFFFF0, v63  }
0x197: {  	v3 =	vor.u32 v3, v4  }
0x198: {  	v4 =	vperm.xlane v3, v0;
	_ =	sdelay $0x1  }
0x199: {  	v3 =	vperm.xlane v3, v2;
	v4 =	vadd.s32 v1, v4;
	_ =	sdelay $0x1  }
0x19a: {  	v3 =	vadd.s32 v1, v3;
	_ =	sdelay $0x1  }
0x19b: {  	s17 =	simm.s32 $0xD000  }
0x19c: {  	[tilespmem:s17], [sflag:$0x2] =	stream.indirect_vreg.gather [hbm4b:s3+s1], $0x80, v4, vm0, $0xb8;
	[tilespmem:$0x1D000] =	vst v63  }
0x19d: {  	s17 =	simm.s32 $0xD800  }
0x19e: {  	[tilespmem:s17], [sflag:$0x2] =	stream.indirect_vreg.gather [hbm4b:s3+s1], $0x80, v3, vm0, $0xb8;
	[tilespmem:$0x1D000] =	vst v63  }
.LBB2_6:
0x19f: {  	_ =	swait.ge [sflag:s10], $0x5000  }
0x1a0: {  	[sflag:s10] =	ssyncset.done $0x0  }
.Ltmp4:
0x1a1: {  	s17 =	sadd.s32 $0x1400, s16;
	[sflag:s10] =	ssyncadd.s32 $0xFFFFB000;
	(pc) =	sbr.rel @p0 .LBB2_8-.Ltmp4, $4  }
0x1a2: {  	[hbm4b:s17+s1] =	stream.linear.scatter [tilespmem:s29], [sflag:$0x6], $0x5000, $0x38;
	[tilespmem:$0x1D000] =	vst v63  }
0x1a3: {  	_ =	swait.ge [sflag:s7], $0x5000  }
0x1a4: {  	[sflag:s7] =	ssyncset.done $0x0  }
0x1a5: {  	[sflag:s7] =	ssyncadd.s32 $0xFFFFB000  }
0x1a6: {  	v3 =	vld [tilespmem:s14+$0xFFFFFEC0];
	_ =	sdelay $0x4  }
0x1a7: {  	v4 =	vshll.u32 v3, $0x1  }
0x1a8: {  	v3 =	vand.u32 $0x7, v3;
	v4 =	vand.u32 $0xFFFFFFF0, v4  }
0x1a9: {  	v3 =	vor.u32 v3, v4  }
0x1aa: {  	v4 =	vperm.xlane v3, v0;
	_ =	sdelay $0x1  }
0x1ab: {  	v3 =	vperm.xlane v3, v2;
	v4 =	vadd.s32 v1, v4;
	_ =	sdelay $0x1  }
0x1ac: {  	v3 =	vadd.s32 v1, v3;
	_ =	sdelay $0x2  }
0x1ad: {  	[tilespmem:s29], [sflag:$0x3] =	stream.indirect_vreg.gather [hbm4b:s3+s1], $0x80, v4, vm0, $0xb8;
	[tilespmem:$0x1D000] =	vst v63  }
0x1ae: {  	s17 =	simm.s32 $0xE800  }
0x1af: {  	[tilespmem:s17], [sflag:$0x3] =	stream.indirect_vreg.gather [hbm4b:s3+s1], $0x80, v3, vm0, $0xb8;
	[tilespmem:$0x1D000] =	vst v63  }
0x1b0: {  	v3 =	vld [tilespmem:s14+$0xFFFFFED0];
	_ =	sdelay $0x4  }
0x1b1: {  	v60 =	vshll.u32 v3, $0x1  }
0x1b2: {  	v3 =	vand.u32 $0x7, v3;
	v4 =	vand.u32 $0xFFFFFFF0, v60  }
0x1b3: {  	v3 =	vor.u32 v3, v4  }
0x1b4: {  	v4 =	vperm.xlane v3, v0;
	_ =	sdelay $0x1  }
0x1b5: {  	v3 =	vperm.xlane v3, v2;
	v4 =	vadd.s32 v1, v4;
	_ =	sdelay $0x1  }
0x1b6: {  	v3 =	vadd.s32 v1, v3;
	_ =	sdelay $0x1  }
0x1b7: {  	s17 =	simm.s32 $0xF000  }
0x1b8: {  	[tilespmem:s17], [sflag:$0x3] =	stream.indirect_vreg.gather [hbm4b:s3+s1], $0x80, v4, vm0, $0xb8;
	[tilespmem:$0x1D000] =	vst v63  }
0x1b9: {  	s17 =	simm.s32 $0xF800  }
0x1ba: {  	[tilespmem:s17], [sflag:$0x3] =	stream.indirect_vreg.gather [hbm4b:s3+s1], $0x80, v3, vm0, $0xb8;
	[tilespmem:$0x1D000] =	vst v63  }
0x1bb: {  	v3 =	vld [tilespmem:s14+$0xFFFFFEE0];
	_ =	sdelay $0x4  }
0x1bc: {  	v61 =	vshll.u32 v3, $0x1  }
0x1bd: {  	v3 =	vand.u32 $0x7, v3;
	v4 =	vand.u32 $0xFFFFFFF0, v61  }
0x1be: {  	v3 =	vor.u32 v3, v4  }
0x1bf: {  	v4 =	vperm.xlane v3, v0;
	_ =	sdelay $0x1  }
0x1c0: {  	v3 =	vperm.xlane v3, v2;
	v4 =	vadd.s32 v1, v4;
	_ =	sdelay $0x1  }
0x1c1: {  	v3 =	vadd.s32 v1, v3;
	_ =	sdelay $0x1  }
0x1c2: {  	s17 =	simm.s32 $0x10000  }
0x1c3: {  	[tilespmem:s17], [sflag:$0x3] =	stream.indirect_vreg.gather [hbm4b:s3+s1], $0x80, v4, vm0, $0xb8;
	[tilespmem:$0x1D000] =	vst v63  }
0x1c4: {  	s17 =	simm.s32 $0x10800  }
0x1c5: {  	[tilespmem:s17], [sflag:$0x3] =	stream.indirect_vreg.gather [hbm4b:s3+s1], $0x80, v3, vm0, $0xb8;
	[tilespmem:$0x1D000] =	vst v63  }
0x1c6: {  	v3 =	vld [tilespmem:s14+$0xFFFFFEF0];
	_ =	sdelay $0x4  }
0x1c7: {  	v62 =	vshll.u32 v3, $0x1  }
0x1c8: {  	v3 =	vand.u32 $0x7, v3;
	v4 =	vand.u32 $0xFFFFFFF0, v62  }
0x1c9: {  	v3 =	vor.u32 v3, v4  }
0x1ca: {  	v4 =	vperm.xlane v3, v0;
	_ =	sdelay $0x1  }
0x1cb: {  	v3 =	vperm.xlane v3, v2;
	v4 =	vadd.s32 v1, v4;
	_ =	sdelay $0x1  }
0x1cc: {  	v3 =	vadd.s32 v1, v3;
	_ =	sdelay $0x1  }
0x1cd: {  	s17 =	simm.s32 $0x11000  }
0x1ce: {  	[tilespmem:s17], [sflag:$0x3] =	stream.indirect_vreg.gather [hbm4b:s3+s1], $0x80, v4, vm0, $0xb8;
	[tilespmem:$0x1D000] =	vst v63  }
0x1cf: {  	s17 =	simm.s32 $0x11800  }
0x1d0: {  	[tilespmem:s17], [sflag:$0x3] =	stream.indirect_vreg.gather [hbm4b:s3+s1], $0x80, v3, vm0, $0xb8;
	[tilespmem:$0x1D000] =	vst v63  }
0x1d1: {  	v3 =	vld [tilespmem:s14+$0xFFFFFF00];
	_ =	sdelay $0x4  }
0x1d2: {  	v63 =	vshll.u32 v3, $0x1  }
0x1d3: {  	v3 =	vand.u32 $0x7, v3;
	v4 =	vand.u32 $0xFFFFFFF0, v63  }
0x1d4: {  	v3 =	vor.u32 v3, v4  }
0x1d5: {  	v4 =	vperm.xlane v3, v0;
	_ =	sdelay $0x1  }
0x1d6: {  	v3 =	vperm.xlane v3, v2;
	v4 =	vadd.s32 v1, v4;
	_ =	sdelay $0x1  }
0x1d7: {  	v3 =	vadd.s32 v1, v3;
	_ =	sdelay $0x1  }
0x1d8: {  	s17 =	simm.s32 $0x12000  }
0x1d9: {  	[tilespmem:s17], [sflag:$0x3] =	stream.indirect_vreg.gather [hbm4b:s3+s1], $0x80, v4, vm0, $0xb8;
	[tilespmem:$0x1D000] =	vst v63  }
0x1da: {  	s17 =	simm.s32 $0x12800  }
0x1db: {  	[tilespmem:s17], [sflag:$0x3] =	stream.indirect_vreg.gather [hbm4b:s3+s1], $0x80, v3, vm0, $0xb8;
	[tilespmem:$0x1D000] =	vst v63  }
.LBB2_8:
0x1dc: {  	_ =	swait.ge [sflag:s11], $0x5000  }
0x1dd: {  	[sflag:s11] =	ssyncset.done $0x0  }
.Ltmp5:
0x1de: {  	s17 =	sadd.s32 $0x1E00, s16;
	[sflag:s11] =	ssyncadd.s32 $0xFFFFB000;
	(pc) =	sbr.rel @p0 .LBB2_10-.Ltmp5, $4  }
0x1df: {  	[hbm4b:s17+s1] =	stream.linear.scatter [tilespmem:s12], [sflag:$0x6], $0x5000, $0x38;
	[tilespmem:$0x1D000] =	vst v63  }
0x1e0: {  	_ =	swait.ge [sflag:s7], $0x5000  }
0x1e1: {  	[sflag:s7] =	ssyncset.done $0x0  }
0x1e2: {  	[sflag:s7] =	ssyncadd.s32 $0xFFFFB000  }
0x1e3: {  	v3 =	vld [tilespmem:s14+$0xFFFFFF40];
	_ =	sdelay $0x4  }
0x1e4: {  	v4 =	vshll.u32 v3, $0x1  }
0x1e5: {  	v3 =	vand.u32 $0x7, v3;
	v4 =	vand.u32 $0xFFFFFFF0, v4  }
0x1e6: {  	v3 =	vor.u32 v3, v4  }
0x1e7: {  	v4 =	vperm.xlane v3, v0;
	_ =	sdelay $0x1  }
0x1e8: {  	v3 =	vperm.xlane v3, v2;
	v4 =	vadd.s32 v1, v4;
	_ =	sdelay $0x1  }
0x1e9: {  	v3 =	vadd.s32 v1, v3;
	_ =	sdelay $0x2  }
0x1ea: {  	[tilespmem:s12], [sflag:$0x4] =	stream.indirect_vreg.gather [hbm4b:s3+s1], $0x80, v4, vm0, $0xb8;
	[tilespmem:$0x1D000] =	vst v63  }
0x1eb: {  	s17 =	simm.s32 $0x13800  }
0x1ec: {  	[tilespmem:s17], [sflag:$0x4] =	stream.indirect_vreg.gather [hbm4b:s3+s1], $0x80, v3, vm0, $0xb8;
	[tilespmem:$0x1D000] =	vst v63  }
0x1ed: {  	v3 =	vld [tilespmem:s14+$0xFFFFFF50];
	_ =	sdelay $0x4  }
0x1ee: {  	v60 =	vshll.u32 v3, $0x1  }
0x1ef: {  	v3 =	vand.u32 $0x7, v3;
	v4 =	vand.u32 $0xFFFFFFF0, v60  }
0x1f0: {  	v3 =	vor.u32 v3, v4  }
0x1f1: {  	v4 =	vperm.xlane v3, v0;
	_ =	sdelay $0x1  }
0x1f2: {  	v3 =	vperm.xlane v3, v2;
	v4 =	vadd.s32 v1, v4;
	_ =	sdelay $0x1  }
0x1f3: {  	v3 =	vadd.s32 v1, v3;
	_ =	sdelay $0x1  }
0x1f4: {  	s17 =	simm.s32 $0x14000  }
0x1f5: {  	[tilespmem:s17], [sflag:$0x4] =	stream.indirect_vreg.gather [hbm4b:s3+s1], $0x80, v4, vm0, $0xb8;
	[tilespmem:$0x1D000] =	vst v63  }
0x1f6: {  	s17 =	simm.s32 $0x14800  }
0x1f7: {  	[tilespmem:s17], [sflag:$0x4] =	stream.indirect_vreg.gather [hbm4b:s3+s1], $0x80, v3, vm0, $0xb8;
	[tilespmem:$0x1D000] =	vst v63  }
0x1f8: {  	v3 =	vld [tilespmem:s14+$0xFFFFFF60];
	_ =	sdelay $0x4  }
0x1f9: {  	v61 =	vshll.u32 v3, $0x1  }
0x1fa: {  	v3 =	vand.u32 $0x7, v3;
	v4 =	vand.u32 $0xFFFFFFF0, v61  }
0x1fb: {  	v3 =	vor.u32 v3, v4  }
0x1fc: {  	v4 =	vperm.xlane v3, v0;
	_ =	sdelay $0x1  }
0x1fd: {  	v3 =	vperm.xlane v3, v2;
	v4 =	vadd.s32 v1, v4;
	_ =	sdelay $0x1  }
0x1fe: {  	v3 =	vadd.s32 v1, v3;
	_ =	sdelay $0x1  }
0x1ff: {  	s17 =	simm.s32 $0x15000  }
0x200: {  	[tilespmem:s17], [sflag:$0x4] =	stream.indirect_vreg.gather [hbm4b:s3+s1], $0x80, v4, vm0, $0xb8;
	[tilespmem:$0x1D000] =	vst v63  }
0x201: {  	s17 =	simm.s32 $0x15800  }
0x202: {  	[tilespmem:s17], [sflag:$0x4] =	stream.indirect_vreg.gather [hbm4b:s3+s1], $0x80, v3, vm0, $0xb8;
	[tilespmem:$0x1D000] =	vst v63  }
0x203: {  	v3 =	vld [tilespmem:s14+$0xFFFFFF70];
	_ =	sdelay $0x4  }
0x204: {  	v62 =	vshll.u32 v3, $0x1  }
0x205: {  	v3 =	vand.u32 $0x7, v3;
	v4 =	vand.u32 $0xFFFFFFF0, v62  }
0x206: {  	v3 =	vor.u32 v3, v4  }
0x207: {  	v4 =	vperm.xlane v3, v0;
	_ =	sdelay $0x1  }
0x208: {  	v3 =	vperm.xlane v3, v2;
	v4 =	vadd.s32 v1, v4;
	_ =	sdelay $0x1  }
0x209: {  	v3 =	vadd.s32 v1, v3;
	_ =	sdelay $0x2  }
0x20a: {  	[tilespmem:s19], [sflag:$0x4] =	stream.indirect_vreg.gather [hbm4b:s3+s1], $0x80, v4, vm0, $0xb8;
	[tilespmem:$0x1D000] =	vst v63  }
0x20b: {  	_ = 	snop  }
0x20c: {  	[tilespmem:s20], [sflag:$0x4] =	stream.indirect_vreg.gather [hbm4b:s3+s1], $0x80, v3, vm0, $0xb8;
	[tilespmem:$0x1D000] =	vst v63  }
0x20d: {  	v3 =	vld [tilespmem:s14+$0xFFFFFF80];
	_ =	sdelay $0x4  }
0x20e: {  	v63 =	vshll.u32 v3, $0x1  }
0x20f: {  	v3 =	vand.u32 $0x7, v3;
	v4 =	vand.u32 $0xFFFFFFF0, v63  }
0x210: {  	v3 =	vor.u32 v3, v4  }
0x211: {  	v4 =	vperm.xlane v3, v0;
	_ =	sdelay $0x1  }
0x212: {  	v3 =	vperm.xlane v3, v2;
	v4 =	vadd.s32 v1, v4;
	_ =	sdelay $0x1  }
0x213: {  	v3 =	vadd.s32 v1, v3;
	_ =	sdelay $0x2  }
0x214: {  	[tilespmem:s21], [sflag:$0x4] =	stream.indirect_vreg.gather [hbm4b:s3+s1], $0x80, v4, vm0, $0xb8;
	[tilespmem:$0x1D000] =	vst v63  }
0x215: {  	_ = 	snop  }
0x216: {  	[tilespmem:s22], [sflag:$0x4] =	stream.indirect_vreg.gather [hbm4b:s3+s1], $0x80, v3, vm0, $0xb8;
	[tilespmem:$0x1D000] =	vst v63  }
.LBB2_10:
0x217: {  	_ =	swait.ge [sflag:s13], $0x5000  }
0x218: {  	[sflag:s13] =	ssyncset.done $0x0  }
.Ltmp6:
0x219: {  	s16 =	sadd.s32 $0x2800, s16;
	[sflag:s13] =	ssyncadd.s32 $0xFFFFB000;
	(pc) =	sbr.rel @p0 .LBB2_12-.Ltmp6, $4  }
0x21a: {  	[hbm4b:s16+s1] =	stream.linear.scatter [tilespmem:s23], [sflag:$0x6], $0x5000, $0x38;
	[tilespmem:$0x1D000] =	vst v63  }
0x21b: {  	_ =	swait.ge [sflag:s7], $0x5000  }
0x21c: {  	[sflag:s7] =	ssyncset.done $0x0  }
0x21d: {  	[sflag:s7] =	ssyncadd.s32 $0xFFFFB000  }
0x21e: {  	v3 =	vld [tilespmem:s14+$0xFFFFFFC0];
	_ =	sdelay $0x4  }
0x21f: {  	v4 =	vshll.u32 v3, $0x1  }
0x220: {  	v3 =	vand.u32 $0x7, v3;
	v4 =	vand.u32 $0xFFFFFFF0, v4  }
0x221: {  	v3 =	vor.u32 v3, v4  }
0x222: {  	v4 =	vperm.xlane v3, v0;
	_ =	sdelay $0x1  }
0x223: {  	v3 =	vperm.xlane v3, v2;
	v4 =	vadd.s32 v1, v4;
	_ =	sdelay $0x1  }
0x224: {  	v3 =	vadd.s32 v1, v3;
	_ =	sdelay $0x2  }
0x225: {  	[tilespmem:s23], [sflag:$0x5] =	stream.indirect_vreg.gather [hbm4b:s3+s1], $0x80, v4, vm0, $0xb8;
	[tilespmem:$0x1D000] =	vst v63  }
0x226: {  	_ = 	snop  }
0x227: {  	[tilespmem:s24], [sflag:$0x5] =	stream.indirect_vreg.gather [hbm4b:s3+s1], $0x80, v3, vm0, $0xb8;
	[tilespmem:$0x1D000] =	vst v63  }
0x228: {  	v3 =	vld [tilespmem:s14+$0xFFFFFFD0];
	_ =	sdelay $0x4  }
0x229: {  	v60 =	vshll.u32 v3, $0x1  }
0x22a: {  	v3 =	vand.u32 $0x7, v3;
	v4 =	vand.u32 $0xFFFFFFF0, v60  }
0x22b: {  	v3 =	vor.u32 v3, v4  }
0x22c: {  	v4 =	vperm.xlane v3, v0;
	_ =	sdelay $0x1  }
0x22d: {  	v3 =	vperm.xlane v3, v2;
	v4 =	vadd.s32 v1, v4;
	_ =	sdelay $0x1  }
0x22e: {  	v3 =	vadd.s32 v1, v3;
	_ =	sdelay $0x2  }
0x22f: {  	[tilespmem:s25], [sflag:$0x5] =	stream.indirect_vreg.gather [hbm4b:s3+s1], $0x80, v4, vm0, $0xb8;
	[tilespmem:$0x1D000] =	vst v63  }
0x230: {  	_ = 	snop  }
0x231: {  	[tilespmem:s26], [sflag:$0x5] =	stream.indirect_vreg.gather [hbm4b:s3+s1], $0x80, v3, vm0, $0xb8;
	[tilespmem:$0x1D000] =	vst v63  }
0x232: {  	v3 =	vld [tilespmem:s14+$0xFFFFFFE0];
	_ =	sdelay $0x4  }
0x233: {  	v61 =	vshll.u32 v3, $0x1  }
0x234: {  	v3 =	vand.u32 $0x7, v3;
	v4 =	vand.u32 $0xFFFFFFF0, v61  }
0x235: {  	v3 =	vor.u32 v3, v4  }
0x236: {  	v4 =	vperm.xlane v3, v0;
	_ =	sdelay $0x1  }
0x237: {  	v3 =	vperm.xlane v3, v2;
	v4 =	vadd.s32 v1, v4;
	_ =	sdelay $0x1  }
0x238: {  	v3 =	vadd.s32 v1, v3;
	_ =	sdelay $0x2  }
0x239: {  	[tilespmem:s28], [sflag:$0x5] =	stream.indirect_vreg.gather [hbm4b:s3+s1], $0x80, v4, vm0, $0xb8;
	[tilespmem:$0x1D000] =	vst v63  }
0x23a: {  	_ = 	snop  }
0x23b: {  	[tilespmem:s30], [sflag:$0x5] =	stream.indirect_vreg.gather [hbm4b:s3+s1], $0x80, v3, vm0, $0xb8;
	[tilespmem:$0x1D000] =	vst v63  }
0x23c: {  	v3 =	vld [tilespmem:s14+$0xFFFFFFF0];
	_ =	sdelay $0x4  }
0x23d: {  	v62 =	vshll.u32 v3, $0x1  }
0x23e: {  	v3 =	vand.u32 $0x7, v3;
	v4 =	vand.u32 $0xFFFFFFF0, v62  }
0x23f: {  	v3 =	vor.u32 v3, v4  }
0x240: {  	v4 =	vperm.xlane v3, v0;
	_ =	sdelay $0x1  }
0x241: {  	v3 =	vperm.xlane v3, v2;
	v4 =	vadd.s32 v1, v4;
	_ =	sdelay $0x1  }
0x242: {  	v3 =	vadd.s32 v1, v3;
	_ =	sdelay $0x2  }
0x243: {  	[tilespmem:s31], [sflag:$0x5] =	stream.indirect_vreg.gather [hbm4b:s3+s1], $0x80, v4, vm0, $0xb8;
	[tilespmem:$0x1D000] =	vst v63  }
0x244: {  	_ = 	snop  }
0x245: {  	[tilespmem:s0], [sflag:$0x5] =	stream.indirect_vreg.gather [hbm4b:s3+s1], $0x80, v3, vm0, $0xb8;
	[tilespmem:$0x1D000] =	vst v63  }
0x246: {  	v3 =	vld [tilespmem:s14+$0x0];
	_ =	sdelay $0x4  }
0x247: {  	v63 =	vshll.u32 v3, $0x1  }
0x248: {  	v3 =	vand.u32 $0x7, v3;
	v4 =	vand.u32 $0xFFFFFFF0, v63  }
0x249: {  	v3 =	vor.u32 v3, v4  }
0x24a: {  	v4 =	vperm.xlane v3, v0;
	_ =	sdelay $0x1  }
0x24b: {  	v3 =	vperm.xlane v3, v2;
	v4 =	vadd.s32 v1, v4;
	_ =	sdelay $0x1  }
0x24c: {  	v3 =	vadd.s32 v1, v3  }
.Ltmp7:
0x24d: {  	_ = 	snop;
	(pc) =	sbr.rel .LBB2_2-.Ltmp7, $4  }
0x24e: {  	_ = 	snop  }
0x24f: {  	[tilespmem:s2], [sflag:$0x5] =	stream.indirect_vreg.gather [hbm4b:s3+s1], $0x80, v4, vm0, $0xb8;
	[tilespmem:$0x1D000] =	vst v63  }
0x250: {  	s15 =	sadd.s32 $0x3200, s15;
	s14 =	sadd.s32 $0x280, s14  }
0x251: {  	[tilespmem:s4], [sflag:$0x5] =	stream.indirect_vreg.gather [hbm4b:s3+s1], $0x80, v3, vm0, $0xb8;
	[tilespmem:$0x1D000] =	vst v63  }
.LBB2_13:
0x252: {  	_ =	sfence.sel $0x180000  }
0x253: {  	[bflag:$0x0] =	sbarrier.arrive $0xFFFF  }
0x254: {  	_ =	strace $0x90000050  }
0x255: {  	s0 =	stileid.u32;
	[bflag:$0x2] =	sbarrier.arrive $0xFFFF  }
0x256: {  	p0 =	sne.s32 s0, $0x0;
	s0 =	rddreg [dreg:$0x1]  }
0x257: {  	s0 =	sadd.s32 @!p0 $0x100000, s0  }
0x258: {  	[sflag:s0] =	ssyncadd.tile.s32 @!p0 $0x1;
	_ =	shalt  }
.Lfunc_end2:
_tile_overlayer_lowered:
.L_overlay_start_2:
0x259: {  	(tag) =	ssettag $0x2  }
0x25a: {  	s0 =	rddreg [dreg:$0x0];
	s2 =	stileid.u32  }
0x25b: {  	s1 =	rddreg [dreg:$0x1];
	p0 =	sne.s32 s2, $0x0  }
0x25c: {  	s3 =	rddreg [dreg:$0x2];
	[bflag:$0x3] =	sbarrier.arrive $0xFFFF;
	s2 =	simm.s32 @!p0 $0x1C06  }
0x25d: {  	[timem:s3], [sflag:s2] =	dma.local @!p0 [hbm:s0], s1  }
0x25e: {  	s0 =	simm.s32 @!p0 $0x6  }
0x25f: {  	_ =	swait.ge @!p0 [sflag:s0], s1  }
0x260: {  	s1 =	ssub.s32 @!p0 $0x0, s1;
	[sflag:s0] =	ssyncset.done @!p0 $0x0  }
0x261: {  	[sflag:s0] =	ssyncadd.s32 @!p0 s1  }
0x262: {  	[bflag:$0x3] =	sbarrier.arrive $0xFFFF  }
0x263: {  	_ =	shalt  }

// kernel: kernel.5.cloned.1.call-start
scs
__scs_entry_jumppad:
0x0: {  	(pc) =	sbr.rel $0x88, $3  }
0x1: {  	(tag) =	ssettag $0x0;
	lr =	simm.s32 $0x1  }
0x2: {  	[smem:$0x3F94] =	sst lr;
	_ =	strace $0xD0000000  }
0x3: {  	_ = 	snop  }
0x4: {  	_ = 	snop  }
0x5: {  	_ = 	snop  }
0x6: {  	_ = 	snop  }
0x7: {  	_ = 	snop  }
__scs_overlays_trampoline_lowered:
0x8: {  	[smem:$0x3FA3] =	sst s0  }
0x9: {  	[smem:$0x3FA4] =	sst s1  }
0xa: {  	[smem:$0x3FA5] =	sst s2  }
0xb: {  	[smem:$0x3FA6] =	sst s3  }
0xc: {  	[smem:$0x3FA7] =	sst s4  }
0xd: {  	[smem:$0x3FA8] =	sst s5  }
0xe: {  	[smem:$0x3FA9] =	sst s6  }
0xf: {  	[smem:$0x3FAA] =	sst s7  }
0x10: {  	[smem:$0x3FAB] =	sst s8  }
0x11: {  	[smem:$0x3FAC] =	sst s9;
	s0 =	simm.s32 @!p0 $0x0  }
0x12: {  	s1 =	sld [smem:$0x3F92];
	s0 =	simm.s32 @p0 $0x1  }
0x13: {  	[smem:$0x3FAD] =	sst s0;
	s0 =	simm.s32 @!p1 $0x0  }
0x14: {  	s2 =	sld [smem:$0x3F91];
	s0 =	simm.s32 @p1 $0x1  }
0x15: {  	[smem:$0x3FAE] =	sst s0;
	s0 =	simm.s32 @!p2 $0x0  }
0x16: {  	s3 =	sld [smem:$0x3FDB];
	s0 =	simm.s32 @p2 $0x1  }
0x17: {  	s4 =	simm.s32 $0x1BF5;
	[smem:$0x3FB0] =	sst s0  }
0x18: {  	s0 =	sld [smem:$0x3F93];
	_ =	swait.ge [sflag:s4], $0x0  }
0x19: {  	s7 =	sld [smem:$0x3F94]  }
0x1a: {  	s8 =	sadd.s32 $0xFFFFE003, lr  }
0x1b: {  	s9 =	sadd.s32 $0xFFFFFEF7, lr;
	s5 =	simm.s32 $0xFFFFFFFF;
	p2 =	slt.u32 s8, $0xFFFFF086  }
0x1c: {  	p1 =	slt.u32 s9, $0xF7A;
	s5 =	simm.s32 @!p2 $0x0  }
0x1d: {  	s5 =	simm.s32 @p1 $0x1;
	p0 =	seq.s32 s7, s2  }
0x1e: {  	s7 =	smul.u32 @!p0 $0xF7A, s2;
	p2 =	seq.s32 @!p0 s5, $0x0  }
0x1f: {  	s9 =	smul.u32 $0xF7A, s1;
	s8 =	simm.s32 @!p0 $0x1BF5;
	p2 =	por !p2, p0  }
0x20: {  	[sflag:s8] =	ssyncset.s32 @!p0 $0xFFFFF086;
	s6 =	sadd.s32 @!p0 s3, s7;
	s7 =	simm.s32 @!p0 $0x108  }
0x21: {  	s3 =	sadd.s32 s3, s9;
	s6 =	sadd.s32 @!p0 $0x88, s6;
	s7 =	simm.s32 @p2 $0x1082  }
0x22: {  	[simem:s7], [sflag:s8] =	dma.local @!p0 [hbm:s6], $0xF7A  }
0x23: {  	s9 =	sor.u32 $0xD0000000, s2;
	s6 =	simm.s32 $0x108;
	_ =	swait.ge @!p0 [sflag:s8], $0x0  }
0x24: {  	s3 =	sadd.s32 $0x88, s3;
	s6 =	simm.s32 @!p1 $0x1082;
	[sflag:s4] =	ssyncset.s32 $0xFFFFF086  }
0x25: {  	[simem:s6], [sflag:s4] =	dma.local [hbm:s3], $0xF7A  }
0x26: {  	[smem:$0x3F94] =	sst s1;
	(tag) =	ssettag s2;
	_ =	strace s9  }
0x27: {  	s1 =	sld [smem:$0x3FA4]  }
0x28: {  	s2 =	sld [smem:$0x3FA5]  }
0x29: {  	s4 =	sld [smem:$0x3FA7]  }
0x2a: {  	p0 =	seq.s32 s5, $0x0;
	s5 =	sld [smem:$0x3FA8]  }
0x2b: {  	s6 =	sld [smem:$0x3FA9]  }
0x2c: {  	s7 =	sld [smem:$0x3FAA]  }
0x2d: {  	s3 =	simm.s32 $0x108;
	s8 =	sld [smem:$0x3FAB]  }
0x2e: {  	s3 =	simm.s32 @!p0 $0x1082;
	s9 =	sld [smem:$0x3FAC]  }
0x2f: {  	lr =	sadd.s32 s0, s3;
	s0 =	sld [smem:$0x3FA3]  }
0x30: {  	s3 =	sld [smem:$0x3FA6]  }
0x31: {  	[smem:$0x3FAF] =	sst s10  }
0x32: {  	s10 =	sld [smem:$0x3FAD];
	_ =	sdelay $0x3  }
0x33: {  	p0 =	seq.s32 s10, $0x1;
	s10 =	sld [smem:$0x3FAF];
	_ =	sdelay $0x3  }
0x34: {  	[smem:$0x3FAF] =	sst s10  }
0x35: {  	s10 =	sld [smem:$0x3FAE];
	_ =	sdelay $0x3  }
0x36: {  	p1 =	seq.s32 s10, $0x1;
	s10 =	sld [smem:$0x3FAF];
	_ =	sdelay $0x3  }
0x37: {  	[smem:$0x3FAF] =	sst s10  }
0x38: {  	s10 =	sld [smem:$0x3FB0]  }
0x39: {  	_ = 	snop;
	(pc) =	sbr.ind lr, $3  }
0x3a: {  	_ = 	snop  }
0x3b: {  	_ = 	snop  }
0x3c: {  	p2 =	seq.s32 s10, $0x1;
	s10 =	sld [smem:$0x3FAF]  }
0x3d: {  	_ =	shalt  }
0x3e: {  	_ =	shalt  }
0x3f: {  	_ =	shalt  }
0x40: {  	_ =	shalt  }
0x41: {  	_ =	shalt  }
0x42: {  	_ =	shalt  }
0x43: {  	_ =	shalt  }
0x44: {  	_ =	shalt  }
0x45: {  	_ =	shalt  }
0x46: {  	_ =	shalt  }
0x47: {  	_ =	shalt  }
0x48: {  	_ =	shalt  }
0x49: {  	_ =	shalt  }
0x4a: {  	_ =	shalt  }
0x4b: {  	_ =	shalt  }
0x4c: {  	_ =	shalt  }
0x4d: {  	_ =	shalt  }
0x4e: {  	_ =	shalt  }
0x4f: {  	_ =	shalt  }
0x50: {  	_ =	shalt  }
0x51: {  	_ =	shalt  }
0x52: {  	_ =	shalt  }
0x53: {  	_ =	shalt  }
0x54: {  	_ =	shalt  }
0x55: {  	_ =	shalt  }
0x56: {  	_ =	shalt  }
0x57: {  	_ =	shalt  }
0x58: {  	_ =	shalt  }
0x59: {  	_ =	shalt  }
0x5a: {  	_ =	shalt  }
0x5b: {  	_ =	shalt  }
0x5c: {  	_ =	shalt  }
0x5d: {  	_ =	shalt  }
0x5e: {  	_ =	shalt  }
0x5f: {  	_ =	shalt  }
0x60: {  	_ =	shalt  }
0x61: {  	_ =	shalt  }
0x62: {  	_ =	shalt  }
0x63: {  	_ =	shalt  }
0x64: {  	_ =	shalt  }
0x65: {  	_ =	shalt  }
0x66: {  	_ =	shalt  }
0x67: {  	_ =	shalt  }
0x68: {  	_ =	shalt  }
0x69: {  	_ =	shalt  }
0x6a: {  	_ =	shalt  }
0x6b: {  	_ =	shalt  }
0x6c: {  	_ =	shalt  }
0x6d: {  	_ =	shalt  }
0x6e: {  	_ =	shalt  }
0x6f: {  	_ =	shalt  }
0x70: {  	_ =	shalt  }
0x71: {  	_ =	shalt  }
0x72: {  	_ =	shalt  }
0x73: {  	_ =	shalt  }
0x74: {  	_ =	shalt  }
0x75: {  	_ =	shalt  }
0x76: {  	_ =	shalt  }
0x77: {  	_ =	shalt  }
0x78: {  	_ =	shalt  }
0x79: {  	_ =	shalt  }
0x7a: {  	_ =	shalt  }
0x7b: {  	_ =	shalt  }
0x7c: {  	_ =	shalt  }
0x7d: {  	_ =	shalt  }
0x7e: {  	_ =	shalt  }
0x7f: {  	_ =	shalt  }
0x80: {  	_ =	shalt  }
0x81: {  	_ =	shalt  }
0x82: {  	_ =	shalt  }
0x83: {  	_ =	shalt  }
0x84: {  	_ =	shalt  }
0x85: {  	_ =	shalt  }
0x86: {  	_ =	shalt  }
0x87: {  	_ =	shalt  }
.Lfunc_end0:
.L_simem_size_0:
called_computation.2_lowered:
.L_overlay_start_0:
0x88: {  	s2 =	sld [smem:$0x3FD9]  }
0x89: {  	s3 =	sld [smem:$0x3FFE];
	_ =	sdelay $0x1  }
0x8a: {  	s1 =	srdreg.scid  }
0x8b: {  	s0 =	sand.u32 $0x1, s1  }
0x8c: {  	s16 =	sshll.u32 s0, $0xA;
	s2 =	sadd.s32 s3, s2  }
0x8d: {  	s2 =	sadd.s32 s2, s16  }
0x8e: {  	[smem:$0x3FBB] =	sst s2  }
0x8f: {  	_ = 	snop  }
0x90: {  	(tm) =	ssettm $0x1  }
0x91: {  	s17 =	sld [smem:$0x3FFB];
	_ =	sdelay $0x3  }
0x92: {  	_ =	strace s17  }
0x93: {  	s2 =	sld [smem:$0x3FFC];
	_ =	sdelay $0x3  }
0x94: {  	_ =	strace s2  }
0x95: {  	s2 =	sld [smem:$0x3FFD];
	_ =	sdelay $0x3  }
0x96: {  	_ =	strace s2  }
0x97: {  	_ =	strace $0x8FFFFFFF  }
0x98: {  	s18 =	sld [smem:$0x3FDB];
	_ =	sdelay $0x1  }
0x99: {  	s19 =	simm.s32 $_scs_section_size  }
0x9a: {  	s4 =	simm.s32 $_size__tile_overlayer_lowered;
	s5 =	simm.s32 $_tile_overlayer_lowered  }
0x9b: {  	s22 =	simm.s32 $0x1BFF;
	s21 =	sshll.u32 s5, $0x1;
	s2 =	sadd.s32 s19, s18  }
0x9c: {  	s6 =	simm.s32 $0x0;
	s20 =	sshll.u32 s4, $0x1;
	s4 =	sadd.s32 s21, s2  }
0x9d: {  	[timem:s6], [sflag:s22] =	dma.local [hbm:s4], s20  }
0x9e: {  	_ =	swait.ge [sflag:s22], s20  }
0x9f: {  	s3 =	ssub.s32 $0x0, s20;
	[sflag:s22] =	ssyncset.done $0x0  }
0xa0: {  	[sflag:s22] =	ssyncadd.s32 s3;
	_ =	sdelay $0x1  }
0xa1: {  	s23 =	simm.s32 $0x1B8B  }
0xa2: {  	_ =	swait.ge [sflag:s23], $0x1  }
0xa3: {  	[sflag:s23] =	ssyncset.done $0x0  }
0xa4: {  	s25 =	simm.s32 $0x1B8E;
	s24 =	sld [smem:$0x3FFE];
	[sflag:s23] =	ssyncadd.s32 $0xFFFFFFFF  }
0xa5: {  	s26 =	simm.s32 $execute0_lowered;
	[smem:$0x3FD2] =	sst s25  }
0xa6: {  	s4 =	sshll.u32 s26, $0x1;
	_ =	strace $0x80000046;
	[dreg:$0x1] =	wrdreg $0xFFFFFFFF  }
0xa7: {  	s28 =	simm.s32 $_size_execute0_lowered;
	s2 =	sadd.s32 s2, s4;
	[dreg:$0x0] =	wrdreg $0x0  }
0xa8: {  	s4 =	sshll.u32 s28, $0x1;
	[dreg:$0x2] =	wrdreg s2  }
0xa9: {  	[dreg:$0x3] =	wrdreg s4  }
0xaa: {  	[dreg:$0x4] =	wrdreg $0xC0  }
0xab: {  	_ =	task [dreg:s6], $0x5FFFF  }
0xac: {  	[dreg:$0x1] =	wrdreg $0xFFFFFFFF  }
0xad: {  	[dreg:$0x0] =	wrdreg $0x60  }
0xae: {  	[dreg:$0x2] =	wrdreg s24  }
0xaf: {  	[dreg:$0x3] =	wrdreg $0x80800  }
0xb0: {  	[dreg:$0x4] =	wrdreg $0x9  }
0xb1: {  	_ =	task.clear_ibuf [dreg:s6], $0x5FFFF;
	_ =	strace $0x90000046  }
0xb2: {  	s29 =	simm.s32 $0x9;
	_ =	strace $0x80000048  }
0xb3: {  	_ =	swait.ge [sflag:s29], $0x1  }
0xb4: {  	[sflag:s29] =	ssyncadd.s32 $0xFFFFFFFF  }
0xb5: {  	_ =	strace $0x90000048  }
0xb6: {  	_ =	sfence  }
0xb7: {  	s30 =	sld [smem:$0x0];
	_ =	sdelay $0x2  }
0xb8: {  	s31 =	sshll.u32 s1, $0xD;
	s1 =	sshrl.u32 s1, $0x2  }
0xb9: {  	s3 =	sand.u32 $0x4000, s31;
	s1 =	sadd.s32 s1, s30  }
0xba: {  	s0 =	sor.u32 s3, s0;
	s1 =	sshll.u32 s1, $0x11  }
0xbb: {  	s0 =	sor.u32 s1, s0  }
0xbc: {  	s0 =	sadd.s32 $0x8F2B, s0  }
0xbd: {  	[sflag:s0] =	ssyncadd.remote.s32 $0x1  }
0xbe: {  	_ =	sfence.sel $0xFFFF  }
0xbf: {  	[dreg:$0x0] =	wrdreg $0xFFFFFFFF;
	(pc) =	sbr.abs _section_cstart, $3  }
0xc0: {  	[dreg:$0x1] =	wrdreg $0xFFFFFFFF  }
0xc1: {  	_ =	task.clear_ibuf [dreg:s6], $0x2FFFF;
	_ =	strace $0x9FFFFFFF  }
0xc2: {  	(tm) =	ssettm $0x7FFFFFFF  }
0xc3: {  	_ =	shalt  }
tec
execute0_lowered:
.L_overlay_start_1:
0x0: {  	(tag) =	ssettag $0x1  }
0x1: {  	s6 =	rddreg [dreg:$0x0]  }
0x2: {  	s1 =	rddreg [dreg:$0x1]  }
0x3: {  	s0 =	rddreg [dreg:$0x2];
	s2 =	simm.s32 $0x0  }
0x4: {  	s3 =	srdreg.scid;
	s11 =	stileid.u32;
	s12 =	simm.s32 $0x1  }
0x5: {  	s13 =	simm.s32 $0x2;
	s14 =	simm.s32 $0x0;
	[smem:$0x7FF] =	sst s2  }
0x6: {  	s5 =	sand.u32 $0x1, s3;
	s7 =	sadd.s32 $0x10000, s6;
	s3 =	sadd.s32 $0x20000, s6  }
0x7: {  	s9 =	sadd.s32 $0x20600, s6;
	s4 =	sadd.s32 $0x20C00, s6;
	s31 =	sshll.u32 s11, $0xC  }
0x8: {  	_ =	strace $0x80000047;
	s8 =	ssub.s32 $0x2, s5;
	p0 =	seq.s32 s5, $0x0  }
0x9: {  	s10 =	sshrl.u32 s8, $0x1;
	s7 =	smov.u32 @p0 s6;
	s4 =	smov.u32 @p0 s9  }
0xa: {  	p0 =	sne.s32 s11, $0x0;
	s9 =	simm.s32 $0x50;
	s11 =	simm.s32 $0x80  }
0xb: {  	s8 =	ssub.s32 s8, s10;
	s6 =	sadd.s32 s7, s31;
	s7 =	simm.s32 $0x3  }
0xc: {  	v0 =	vimm.s32 $0x1;
	s10 =	simm.s32 $0x8000;
	s5 =	smax.u32 s8, $0x1;
	s8 =	sshrl.u32 @!p0 s1, $0x3  }
.LBB2_1:
0xd: {  	[tilespmem:$0x8000] =	vst v0  }
0xe: {  	[tilespmem:$0x8010] =	vst v0  }
0xf: {  	[tilespmem:$0x8020] =	vst v0  }
0x10: {  	[tilespmem:$0x8030] =	vst v0  }
0x11: {  	[tilespmem:$0x8040] =	vst v0  }
0x12: {  	[tilespmem:s2], [sflag:$0x3] =	stream.linear.gather [hbm4b:s6+s2], $0x7D00, $0x38;
	[tilespmem:$0x82F8] =	vst v63  }
0x13: {  	_ =	swait.ge [sflag:s7], $0x7D00  }
0x14: {  	[sflag:s7] =	ssyncset.done $0x0  }
0x15: {  	s15 =	simm.s32 @!p0 $0x1C03;
	[sflag:s7] =	ssyncadd.s32 $0xFFFF8300  }
0x16: {  	[spmem:s8], [sflag:s15] =	dma.local @!p0 [hbm:s3], $0x4F0  }
0x17: {  	s15 =	simm.s32 @!p0 $0x3  }
0x18: {  	_ =	swait.ge @!p0 [sflag:s15], $0x4F0  }
0x19: {  	[sflag:s15] =	ssyncset.done @!p0 $0x0  }
0x1a: {  	[sflag:s15] =	ssyncadd.s32 @!p0 $0xFFFFFB10  }
0x1b: {  	[bflag:$0x0] =	sbarrier.arrive $0xFFFF  }
0x1c: {  	[spmem:s1] =	stream.indirect.scatter.add.s32 [tilespmem:s10], [sflag:$0x1], $0x1, s2, s9, $0xb8;
	[tilespmem:$0x82F8] =	vst v63  }
0x1d: {  	_ = 	snop  }
0x1e: {  	[spmem:s1] =	stream.indirect.scatter.add.s32 [tilespmem:s10], [sflag:$0x2], $0x1, s11, s9, $0xb8;
	[tilespmem:$0x82F8] =	vst v63  }
0x1f: {  	_ =	swait.ge [sflag:s12], $0x50  }
0x20: {  	[sflag:s12] =	ssyncset.done $0x0  }
0x21: {  	s31 =	simm.s32 $0x100;
	[sflag:s12] =	ssyncadd.s32 $0xFFFFFFB0  }
0x22: {  	[spmem:s1] =	stream.indirect.scatter.add.s32 [tilespmem:s10], [sflag:$0x1], $0x1, s31, s9, $0xb8;
	[tilespmem:$0x82F8] =	vst v63  }
0x23: {  	_ =	swait.ge [sflag:s13], $0x50  }
0x24: {  	[sflag:s13] =	ssyncset.done $0x0  }
0x25: {  	s16 =	simm.s32 $0x180;
	s15 =	simm.s32 $0xFFFE1400;
	[sflag:s13] =	ssyncadd.s32 $0xFFFFFFB0  }
.LBB2_2:
0x26: {  	[spmem:s1] =	stream.indirect.scatter.add.s32 [tilespmem:s10], [sflag:$0x2], $0x1, s16, s9, $0xb8;
	[tilespmem:$0x82F8] =	vst v63  }
0x27: {  	s16 =	smov.u32 s15  }
0x28: {  	p1 =	sne.s32 s15, $0xFFFFFC00;
	s15 =	sadd.s32 $0x400, s15;
	_ =	swait.ge [sflag:s12], $0x50  }
0x29: {  	s16 =	sshra.s32 s16, $0x2;
	[sflag:s12] =	ssyncset.done $0x0  }
.Ltmp0:
0x2a: {  	s17 =	sadd.s32 $0x7D00, s16;
	[sflag:s12] =	ssyncadd.s32 $0xFFFFFFB0;
	(pc) =	sbr.rel @p1 .LBB2_2-.Ltmp0, $4  }
0x2b: {  	[spmem:s1] =	stream.indirect.scatter.add.s32 [tilespmem:s10], [sflag:$0x1], $0x1, s17, s9, $0xb8;
	[tilespmem:$0x82F8] =	vst v63  }
0x2c: {  	_ =	swait.ge [sflag:s13], $0x50  }
0x2d: {  	[sflag:s13] =	ssyncset.done $0x0  }
0x2e: {  	s16 =	sadd.s32 $0x7D80, s16;
	[sflag:s13] =	ssyncadd.s32 $0xFFFFFFB0  }
0x2f: {  	[spmem:s1] =	stream.indirect.scatter.add.s32 [tilespmem:s10], [sflag:$0x2], $0x1, s16, s9, $0xb8;
	[tilespmem:$0x82F8] =	vst v63  }
0x30: {  	_ =	swait.ge [sflag:s12], $0x50  }
0x31: {  	[sflag:s12] =	ssyncset.done $0x0  }
0x32: {  	[sflag:s12] =	ssyncadd.s32 $0xFFFFFFB0  }
0x33: {  	_ =	swait.ge [sflag:s13], $0x50  }
0x34: {  	[sflag:s13] =	ssyncset.done $0x0  }
0x35: {  	s14 =	sadd.s32 $0x1, s14;
	[sflag:s13] =	ssyncadd.s32 $0xFFFFFFB0  }
0x36: {  	s15 =	simm.s32 @!p0 $0x1C03;
	p1 =	sne.s32 s14, s5;
	[bflag:$0x0] =	sbarrier.arrive $0xFFFF  }
0x37: {  	[hbm:s4], [sflag:s15] =	dma.local @!p0 [spmem:s8], $0x4F0  }
.Ltmp1:
0x38: {  	_ = 	snop;
	(pc) =	sbr.rel @p1 .LBB2_1-.Ltmp1, $4  }
0x39: {  	s15 =	simm.s32 @!p0 $0x3  }
0x3a: {  	_ =	swait.ge @!p0 [sflag:s15], $0x4F0  }
0x3b: {  	[sflag:s15] =	ssyncset.done @!p0 $0x0  }
0x3c: {  	[sflag:s15] =	ssyncadd.s32 @!p0 $0xFFFFFB10  }
0x3d: {  	_ =	sfence.sel $0x180000  }
0x3e: {  	[bflag:$0x0] =	sbarrier.arrive $0xFFFF  }
0x3f: {  	_ =	strace $0x90000047  }
0x40: {  	s0 =	sadd.s32 @!p0 $0x100000, s0;
	[bflag:$0x2] =	sbarrier.arrive $0xFFFF  }
0x41: {  	[sflag:s0] =	ssyncadd.tile.s32 @!p0 $0x1;
	_ =	shalt  }
.Lfunc_end2:
_tile_overlayer_lowered:
.L_overlay_start_2:
0x42: {  	(tag) =	ssettag $0x2  }
0x43: {  	s0 =	rddreg [dreg:$0x0];
	s2 =	stileid.u32  }
0x44: {  	s1 =	rddreg [dreg:$0x1];
	p0 =	sne.s32 s2, $0x0  }
0x45: {  	s3 =	rddreg [dreg:$0x2];
	[bflag:$0x3] =	sbarrier.arrive $0xFFFF;
	s2 =	simm.s32 @!p0 $0x1C03  }
0x46: {  	[timem:s3], [sflag:s2] =	dma.local @!p0 [hbm:s0], s1  }
0x47: {  	s0 =	simm.s32 @!p0 $0x3  }
0x48: {  	_ =	swait.ge @!p0 [sflag:s0], s1  }
0x49: {  	s1 =	ssub.s32 @!p0 $0x0, s1;
	[sflag:s0] =	ssyncset.done @!p0 $0x0  }
0x4a: {  	[sflag:s0] =	ssyncadd.s32 @!p0 s1  }
0x4b: {  	[bflag:$0x3] =	sbarrier.arrive $0xFFFF  }
0x4c: {  	_ =	shalt  }

// kernel: kernel.8.cloned.1.call-start
scs
__scs_entry_jumppad:
0x0: {  	(pc) =	sbr.rel $0x88, $3  }
0x1: {  	(tag) =	ssettag $0x0;
	lr =	simm.s32 $0x1  }
0x2: {  	[smem:$0x3F94] =	sst lr;
	_ =	strace $0xD0000000  }
0x3: {  	_ = 	snop  }
0x4: {  	_ = 	snop  }
0x5: {  	_ = 	snop  }
0x6: {  	_ = 	snop  }
0x7: {  	_ = 	snop  }
__scs_overlays_trampoline_lowered:
0x8: {  	[smem:$0x3FA3] =	sst s0  }
0x9: {  	[smem:$0x3FA4] =	sst s1  }
0xa: {  	[smem:$0x3FA5] =	sst s2  }
0xb: {  	[smem:$0x3FA6] =	sst s3  }
0xc: {  	[smem:$0x3FA7] =	sst s4  }
0xd: {  	[smem:$0x3FA8] =	sst s5  }
0xe: {  	[smem:$0x3FA9] =	sst s6  }
0xf: {  	[smem:$0x3FAA] =	sst s7  }
0x10: {  	[smem:$0x3FAB] =	sst s8  }
0x11: {  	[smem:$0x3FAC] =	sst s9;
	s0 =	simm.s32 @!p0 $0x0  }
0x12: {  	s1 =	sld [smem:$0x3F92];
	s0 =	simm.s32 @p0 $0x1  }
0x13: {  	[smem:$0x3FAD] =	sst s0;
	s0 =	simm.s32 @!p1 $0x0  }
0x14: {  	s2 =	sld [smem:$0x3F91];
	s0 =	simm.s32 @p1 $0x1  }
0x15: {  	[smem:$0x3FAE] =	sst s0;
	s0 =	simm.s32 @!p2 $0x0  }
0x16: {  	s3 =	sld [smem:$0x3FDB];
	s0 =	simm.s32 @p2 $0x1  }
0x17: {  	s4 =	simm.s32 $0x1BF5;
	[smem:$0x3FB0] =	sst s0  }
0x18: {  	s0 =	sld [smem:$0x3F93];
	_ =	swait.ge [sflag:s4], $0x0  }
0x19: {  	s7 =	sld [smem:$0x3F94]  }
0x1a: {  	s8 =	sadd.s32 $0xFFFFE003, lr  }
0x1b: {  	s9 =	sadd.s32 $0xFFFFFEF7, lr;
	s5 =	simm.s32 $0xFFFFFFFF;
	p2 =	slt.u32 s8, $0xFFFFF086  }
0x1c: {  	p1 =	slt.u32 s9, $0xF7A;
	s5 =	simm.s32 @!p2 $0x0  }
0x1d: {  	s5 =	simm.s32 @p1 $0x1;
	p0 =	seq.s32 s7, s2  }
0x1e: {  	s7 =	smul.u32 @!p0 $0xF7A, s2;
	p2 =	seq.s32 @!p0 s5, $0x0  }
0x1f: {  	s9 =	smul.u32 $0xF7A, s1;
	s8 =	simm.s32 @!p0 $0x1BF5;
	p2 =	por !p2, p0  }
0x20: {  	[sflag:s8] =	ssyncset.s32 @!p0 $0xFFFFF086;
	s6 =	sadd.s32 @!p0 s3, s7;
	s7 =	simm.s32 @!p0 $0x108  }
0x21: {  	s3 =	sadd.s32 s3, s9;
	s6 =	sadd.s32 @!p0 $0x88, s6;
	s7 =	simm.s32 @p2 $0x1082  }
0x22: {  	[simem:s7], [sflag:s8] =	dma.local @!p0 [hbm:s6], $0xF7A  }
0x23: {  	s9 =	sor.u32 $0xD0000000, s2;
	s6 =	simm.s32 $0x108;
	_ =	swait.ge @!p0 [sflag:s8], $0x0  }
0x24: {  	s3 =	sadd.s32 $0x88, s3;
	s6 =	simm.s32 @!p1 $0x1082;
	[sflag:s4] =	ssyncset.s32 $0xFFFFF086  }
0x25: {  	[simem:s6], [sflag:s4] =	dma.local [hbm:s3], $0xF7A  }
0x26: {  	[smem:$0x3F94] =	sst s1;
	(tag) =	ssettag s2;
	_ =	strace s9  }
0x27: {  	s1 =	sld [smem:$0x3FA4]  }
0x28: {  	s2 =	sld [smem:$0x3FA5]  }
0x29: {  	s4 =	sld [smem:$0x3FA7]  }
0x2a: {  	p0 =	seq.s32 s5, $0x0;
	s5 =	sld [smem:$0x3FA8]  }
0x2b: {  	s6 =	sld [smem:$0x3FA9]  }
0x2c: {  	s7 =	sld [smem:$0x3FAA]  }
0x2d: {  	s3 =	simm.s32 $0x108;
	s8 =	sld [smem:$0x3FAB]  }
0x2e: {  	s3 =	simm.s32 @!p0 $0x1082;
	s9 =	sld [smem:$0x3FAC]  }
0x2f: {  	lr =	sadd.s32 s0, s3;
	s0 =	sld [smem:$0x3FA3]  }
0x30: {  	s3 =	sld [smem:$0x3FA6]  }
0x31: {  	[smem:$0x3FAF] =	sst s10  }
0x32: {  	s10 =	sld [smem:$0x3FAD];
	_ =	sdelay $0x3  }
0x33: {  	p0 =	seq.s32 s10, $0x1;
	s10 =	sld [smem:$0x3FAF];
	_ =	sdelay $0x3  }
0x34: {  	[smem:$0x3FAF] =	sst s10  }
0x35: {  	s10 =	sld [smem:$0x3FAE];
	_ =	sdelay $0x3  }
0x36: {  	p1 =	seq.s32 s10, $0x1;
	s10 =	sld [smem:$0x3FAF];
	_ =	sdelay $0x3  }
0x37: {  	[smem:$0x3FAF] =	sst s10  }
0x38: {  	s10 =	sld [smem:$0x3FB0]  }
0x39: {  	_ = 	snop;
	(pc) =	sbr.ind lr, $3  }
0x3a: {  	_ = 	snop  }
0x3b: {  	_ = 	snop  }
0x3c: {  	p2 =	seq.s32 s10, $0x1;
	s10 =	sld [smem:$0x3FAF]  }
0x3d: {  	_ =	shalt  }
0x3e: {  	_ =	shalt  }
0x3f: {  	_ =	shalt  }
0x40: {  	_ =	shalt  }
0x41: {  	_ =	shalt  }
0x42: {  	_ =	shalt  }
0x43: {  	_ =	shalt  }
0x44: {  	_ =	shalt  }
0x45: {  	_ =	shalt  }
0x46: {  	_ =	shalt  }
0x47: {  	_ =	shalt  }
0x48: {  	_ =	shalt  }
0x49: {  	_ =	shalt  }
0x4a: {  	_ =	shalt  }
0x4b: {  	_ =	shalt  }
0x4c: {  	_ =	shalt  }
0x4d: {  	_ =	shalt  }
0x4e: {  	_ =	shalt  }
0x4f: {  	_ =	shalt  }
0x50: {  	_ =	shalt  }
0x51: {  	_ =	shalt  }
0x52: {  	_ =	shalt  }
0x53: {  	_ =	shalt  }
0x54: {  	_ =	shalt  }
0x55: {  	_ =	shalt  }
0x56: {  	_ =	shalt  }
0x57: {  	_ =	shalt  }
0x58: {  	_ =	shalt  }
0x59: {  	_ =	shalt  }
0x5a: {  	_ =	shalt  }
0x5b: {  	_ =	shalt  }
0x5c: {  	_ =	shalt  }
0x5d: {  	_ =	shalt  }
0x5e: {  	_ =	shalt  }
0x5f: {  	_ =	shalt  }
0x60: {  	_ =	shalt  }
0x61: {  	_ =	shalt  }
0x62: {  	_ =	shalt  }
0x63: {  	_ =	shalt  }
0x64: {  	_ =	shalt  }
0x65: {  	_ =	shalt  }
0x66: {  	_ =	shalt  }
0x67: {  	_ =	shalt  }
0x68: {  	_ =	shalt  }
0x69: {  	_ =	shalt  }
0x6a: {  	_ =	shalt  }
0x6b: {  	_ =	shalt  }
0x6c: {  	_ =	shalt  }
0x6d: {  	_ =	shalt  }
0x6e: {  	_ =	shalt  }
0x6f: {  	_ =	shalt  }
0x70: {  	_ =	shalt  }
0x71: {  	_ =	shalt  }
0x72: {  	_ =	shalt  }
0x73: {  	_ =	shalt  }
0x74: {  	_ =	shalt  }
0x75: {  	_ =	shalt  }
0x76: {  	_ =	shalt  }
0x77: {  	_ =	shalt  }
0x78: {  	_ =	shalt  }
0x79: {  	_ =	shalt  }
0x7a: {  	_ =	shalt  }
0x7b: {  	_ =	shalt  }
0x7c: {  	_ =	shalt  }
0x7d: {  	_ =	shalt  }
0x7e: {  	_ =	shalt  }
0x7f: {  	_ =	shalt  }
0x80: {  	_ =	shalt  }
0x81: {  	_ =	shalt  }
0x82: {  	_ =	shalt  }
0x83: {  	_ =	shalt  }
0x84: {  	_ =	shalt  }
0x85: {  	_ =	shalt  }
0x86: {  	_ =	shalt  }
0x87: {  	_ =	shalt  }
.Lfunc_end0:
.L_simem_size_0:
called_computation.3_lowered:
.L_overlay_start_0:
0x88: {  	s2 =	sld [smem:$0x3FD9]  }
0x89: {  	s3 =	sld [smem:$0x3FFE];
	_ =	sdelay $0x1  }
0x8a: {  	s1 =	srdreg.scid  }
0x8b: {  	s0 =	sand.u32 $0x1, s1  }
0x8c: {  	s16 =	sshll.u32 s0, $0xA;
	s2 =	sadd.s32 s3, s2  }
0x8d: {  	s2 =	sadd.s32 s2, s16  }
0x8e: {  	[smem:$0x3FBB] =	sst s2  }
0x8f: {  	_ = 	snop  }
0x90: {  	(tm) =	ssettm $0x1  }
0x91: {  	s17 =	sld [smem:$0x3FFB];
	_ =	sdelay $0x3  }
0x92: {  	_ =	strace s17  }
0x93: {  	s2 =	sld [smem:$0x3FFC];
	_ =	sdelay $0x3  }
0x94: {  	_ =	strace s2  }
0x95: {  	s2 =	sld [smem:$0x3FFD];
	_ =	sdelay $0x3  }
0x96: {  	_ =	strace s2  }
0x97: {  	_ =	strace $0x8FFFFFFF  }
0x98: {  	s18 =	sld [smem:$0x3FDB];
	_ =	sdelay $0x1  }
0x99: {  	s19 =	simm.s32 $_scs_section_size  }
0x9a: {  	s4 =	simm.s32 $_size__tile_overlayer_lowered;
	s5 =	simm.s32 $_tile_overlayer_lowered  }
0x9b: {  	s22 =	simm.s32 $0x1BFF;
	s21 =	sshll.u32 s5, $0x1;
	s2 =	sadd.s32 s19, s18  }
0x9c: {  	s6 =	simm.s32 $0x0;
	s20 =	sshll.u32 s4, $0x1;
	s4 =	sadd.s32 s21, s2  }
0x9d: {  	[timem:s6], [sflag:s22] =	dma.local [hbm:s4], s20  }
0x9e: {  	_ =	swait.ge [sflag:s22], s20  }
0x9f: {  	s3 =	ssub.s32 $0x0, s20;
	[sflag:s22] =	ssyncset.done $0x0  }
0xa0: {  	[sflag:s22] =	ssyncadd.s32 s3;
	_ =	sdelay $0x1  }
0xa1: {  	s23 =	simm.s32 $0x1B8B  }
0xa2: {  	_ =	swait.ge [sflag:s23], $0x1  }
0xa3: {  	[sflag:s23] =	ssyncset.done $0x0  }
0xa4: {  	s25 =	simm.s32 $0x1B8E;
	s24 =	sld [smem:$0x3FFE];
	[sflag:s23] =	ssyncadd.s32 $0xFFFFFFFF  }
0xa5: {  	s26 =	simm.s32 $execute0_lowered;
	[smem:$0x3FD2] =	sst s25  }
0xa6: {  	s4 =	sshll.u32 s26, $0x1;
	_ =	strace $0x80000049;
	[dreg:$0x1] =	wrdreg $0xFFFFFFFF  }
0xa7: {  	s28 =	simm.s32 $_size_execute0_lowered;
	s2 =	sadd.s32 s2, s4;
	[dreg:$0x0] =	wrdreg $0x0  }
0xa8: {  	s4 =	sshll.u32 s28, $0x1;
	[dreg:$0x2] =	wrdreg s2  }
0xa9: {  	[dreg:$0x3] =	wrdreg s4  }
0xaa: {  	[dreg:$0x4] =	wrdreg $0xC0  }
0xab: {  	_ =	task [dreg:s6], $0x5FFFF  }
0xac: {  	[dreg:$0x1] =	wrdreg $0xFFFFFFFF  }
0xad: {  	[dreg:$0x0] =	wrdreg $0x60  }
0xae: {  	[dreg:$0x2] =	wrdreg s24  }
0xaf: {  	[dreg:$0x3] =	wrdreg $0x9  }
0xb0: {  	_ =	task.clear_ibuf [dreg:s6], $0x4FFFF;
	_ =	strace $0x90000049  }
0xb1: {  	s29 =	simm.s32 $0x9;
	_ =	strace $0x8000004B  }
0xb2: {  	_ =	swait.ge [sflag:s29], $0x1  }
0xb3: {  	[sflag:s29] =	ssyncadd.s32 $0xFFFFFFFF  }
0xb4: {  	_ =	strace $0x9000004B  }
0xb5: {  	_ =	sfence  }
0xb6: {  	s30 =	sld [smem:$0x0];
	_ =	sdelay $0x2  }
0xb7: {  	s31 =	sshll.u32 s1, $0xD;
	s1 =	sshrl.u32 s1, $0x2  }
0xb8: {  	s3 =	sand.u32 $0x4000, s31;
	s1 =	sadd.s32 s1, s30  }
0xb9: {  	s0 =	sor.u32 s3, s0;
	s1 =	sshll.u32 s1, $0x11  }
0xba: {  	s0 =	sor.u32 s1, s0  }
0xbb: {  	s0 =	sadd.s32 $0x8F2B, s0  }
0xbc: {  	[sflag:s0] =	ssyncadd.remote.s32 $0x1  }
0xbd: {  	_ =	sfence.sel $0xFFFF  }
0xbe: {  	[dreg:$0x0] =	wrdreg $0xFFFFFFFF;
	(pc) =	sbr.abs _section_cstart, $3  }
0xbf: {  	[dreg:$0x1] =	wrdreg $0xFFFFFFFF  }
0xc0: {  	_ =	task.clear_ibuf [dreg:s6], $0x2FFFF;
	_ =	strace $0x9FFFFFFF  }
0xc1: {  	(tm) =	ssettm $0x7FFFFFFF  }
tec
execute0_lowered:
.L_overlay_start_1:
0x0: {  	(tag) =	ssettag $0x1  }
0x1: {  	s4 =	rddreg [dreg:$0x0]  }
0x2: {  	s0 =	rddreg [dreg:$0x1]  }
0x3: {  	s2 =	simm.s32 $0x0;
	s5 =	srdreg.scid;
	s1 =	stileid.u32  }
0x4: {  	s11 =	simm.s32 $0x6800;
	s12 =	simm.s32 $0x100;
	s13 =	simm.s32 $0x9000  }
0x5: {  	s14 =	simm.s32 $0x180;
	s15 =	simm.s32 $0xB800;
	s16 =	simm.s32 $0x200  }
0x6: {  	s17 =	simm.s32 $0xE000;
	s18 =	simm.s32 $0x1;
	s19 =	simm.s32 $0x2  }
0x7: {  	s20 =	simm.s32 $0x3;
	s21 =	simm.s32 $0x4;
	s22 =	simm.s32 $0x5  }
0x8: {  	s23 =	simm.s32 $0x0;
	[smem:$0x7FF] =	sst s2;
	s3 =	sadd.s32 $0x31200, s4  }
0x9: {  	s5 =	sand.u32 $0x1, s5;
	s6 =	sshll.u32 s1, $0xC;
	s8 =	smul.u32 $0x4E200, s1  }
0xa: {  	_ =	strace $0x8000004A;
	s7 =	sshll.u32 s5, $0xB;
	s10 =	smul.u32 $0x27100, s5  }
.Ltmp0:
0xb: {  	s9 =	ssub.s32 $0x2, s5;
	s6 =	sor.u32 s7, s6;
	(pc) =	sbr.rel .LBB2_1-.Ltmp0, $4  }
0xc: {  	s29 =	sshrl.u32 s9, $0x1;
	s31 =	sadd.s32 s8, s4;
	s8 =	simm.s32 $0x50  }
0xd: {  	s30 =	sadd.s32 s6, s4;
	s7 =	ssub.s32 s9, s29;
	s6 =	sadd.s32 s10, s31  }
0xe: {  	s9 =	simm.s32 $0x4000;
	s10 =	simm.s32 $0x80;
	s4 =	sadd.s32 $0x21200, s30  }
0xf: {  	s5 =	smax.u32 s7, $0x1;
	s6 =	sadd.s32 $0x59800, s6;
	s7 =	simm.s32 $0x6  }
.LBB2_4:
0x10: {  	s23 =	sadd.s32 $0x1, s23  }
0x11: {  	p0 =	sne.s32 s23, s5  }
.Ltmp1:
0x12: {  	_ = 	snop;
	(pc) =	sbr.rel @!p0 .LBB2_5-.Ltmp1, $1  }
0x13: {  	_ =	sdelay $0x3  }
.LBB2_1:
0x14: {  	[tilespmem:s2], [sflag:$0x6] =	stream.linear.gather [hbm4b:s4+s2], $0x3E80, $0x38;
	[tilespmem:$0x10800] =	vst v63  }
0x15: {  	_ =	swait.ge [sflag:s7], $0x3E80  }
0x16: {  	[sflag:s7] =	ssyncset.done $0x0  }
0x17: {  	[sflag:s7] =	ssyncadd.s32 $0xFFFFC180  }
0x18: {  	[tilespmem:s9], [sflag:$0x1] =	stream.indirect.gather [hbm4b:s3+s8], $0x80, s2, s8, $0xb8;
	[tilespmem:$0x10800] =	vst v63  }
0x19: {  	_ = 	snop  }
0x1a: {  	[tilespmem:s11], [sflag:$0x2] =	stream.indirect.gather [hbm4b:s3+s8], $0x80, s10, s8, $0xb8;
	[tilespmem:$0x10800] =	vst v63  }
0x1b: {  	_ = 	snop  }
0x1c: {  	[tilespmem:s13], [sflag:$0x3] =	stream.indirect.gather [hbm4b:s3+s8], $0x80, s12, s8, $0xb8;
	[tilespmem:$0x10800] =	vst v63  }
0x1d: {  	_ = 	snop  }
0x1e: {  	[tilespmem:s15], [sflag:$0x4] =	stream.indirect.gather [hbm4b:s3+s8], $0x80, s14, s8, $0xb8;
	[tilespmem:$0x10800] =	vst v63  }
0x1f: {  	s24 =	smov.u32 s6;
	s25 =	simm.s32 $0x0  }
0x20: {  	[tilespmem:s17], [sflag:$0x5] =	stream.indirect.gather [hbm4b:s3+s8], $0x80, s16, s8, $0xb8;
	[tilespmem:$0x10800] =	vst v63  }
.LBB2_2:
0x21: {  	_ =	swait.ge [sflag:s18], $0x2800  }
0x22: {  	[sflag:s18] =	ssyncset.done $0x0  }
0x23: {  	s26 =	sadd.s32 $0xFFFFEC00, s24;
	[sflag:s18] =	ssyncadd.s32 $0xFFFFD800  }
0x24: {  	[hbm4b:s26+s2] =	stream.linear.scatter [tilespmem:s9], [sflag:$0x6], $0x2800, $0x38;
	[tilespmem:$0x10800] =	vst v63  }
0x25: {  	p0 =	seq.s32 s25, $0xF000;
	_ =	swait.ge [sflag:s7], $0x2800  }
0x26: {  	s29 =	simm.s32 @!p0 $0x50;
	s26 =	sshra.s32 @!p0 s25, $0x2;
	[sflag:s7] =	ssyncset.done $0x0  }
0x27: {  	s30 =	simm.s32 @!p0 $0x4000;
	s28 =	sadd.s32 @!p0 $0x280, s26;
	[sflag:s7] =	ssyncadd.s32 $0xFFFFD800  }
0x28: {  	[tilespmem:s30], [sflag:$0x1] =	stream.indirect.gather @!p0 [hbm4b:s3+s29], $0x80, s28, s29, $0xb8;
	[tilespmem:$0x10800] =	vst v63  }
0x29: {  	_ =	swait.ge [sflag:s19], $0x2800  }
0x2a: {  	[sflag:s19] =	ssyncset.done $0x0  }
0x2b: {  	s31 =	sadd.s32 $0xFFFFF100, s24;
	[sflag:s19] =	ssyncadd.s32 $0xFFFFD800  }
0x2c: {  	[hbm4b:s31+s2] =	stream.linear.scatter [tilespmem:s11], [sflag:$0x6], $0x2800, $0x38;
	[tilespmem:$0x10800] =	vst v63  }
0x2d: {  	_ =	swait.ge [sflag:s7], $0x2800  }
0x2e: {  	[sflag:s7] =	ssyncset.done $0x0  }
0x2f: {  	s28 =	sadd.s32 @!p0 $0x300, s26;
	s30 =	simm.s32 @!p0 $0x6800;
	[sflag:s7] =	ssyncadd.s32 $0xFFFFD800  }
0x30: {  	[tilespmem:s30], [sflag:$0x2] =	stream.indirect.gather @!p0 [hbm4b:s3+s29], $0x80, s28, s29, $0xb8;
	[tilespmem:$0x10800] =	vst v63  }
0x31: {  	_ =	swait.ge [sflag:s20], $0x2800  }
0x32: {  	[sflag:s20] =	ssyncset.done $0x0  }
0x33: {  	s30 =	sadd.s32 $0xFFFFF600, s24;
	[sflag:s20] =	ssyncadd.s32 $0xFFFFD800  }
0x34: {  	[hbm4b:s30+s2] =	stream.linear.scatter [tilespmem:s13], [sflag:$0x6], $0x2800, $0x38;
	[tilespmem:$0x10800] =	vst v63  }
0x35: {  	_ =	swait.ge [sflag:s7], $0x2800  }
0x36: {  	[sflag:s7] =	ssyncset.done $0x0  }
0x37: {  	s28 =	sadd.s32 @!p0 $0x380, s26;
	s30 =	simm.s32 @!p0 $0x9000;
	[sflag:s7] =	ssyncadd.s32 $0xFFFFD800  }
0x38: {  	[tilespmem:s30], [sflag:$0x3] =	stream.indirect.gather @!p0 [hbm4b:s3+s29], $0x80, s28, s29, $0xb8;
	[tilespmem:$0x10800] =	vst v63  }
0x39: {  	_ =	swait.ge [sflag:s21], $0x2800  }
0x3a: {  	[sflag:s21] =	ssyncset.done $0x0  }
0x3b: {  	s31 =	sadd.s32 $0xFFFFFB00, s24;
	[sflag:s21] =	ssyncadd.s32 $0xFFFFD800  }
0x3c: {  	[hbm4b:s31+s2] =	stream.linear.scatter [tilespmem:s15], [sflag:$0x6], $0x2800, $0x38;
	[tilespmem:$0x10800] =	vst v63  }
0x3d: {  	_ =	swait.ge [sflag:s7], $0x2800  }
0x3e: {  	[sflag:s7] =	ssyncset.done $0x0  }
0x3f: {  	s26 =	sadd.s32 @!p0 $0x400, s26;
	s28 =	simm.s32 @!p0 $0xB800;
	[sflag:s7] =	ssyncadd.s32 $0xFFFFD800  }
0x40: {  	[tilespmem:s28], [sflag:$0x4] =	stream.indirect.gather @!p0 [hbm4b:s3+s29], $0x80, s26, s29, $0xb8;
	[tilespmem:$0x10800] =	vst v63  }
0x41: {  	_ =	swait.ge [sflag:s22], $0x2800  }
0x42: {  	[sflag:s22] =	ssyncset.done $0x0  }
.Ltmp2:
0x43: {  	[sflag:s22] =	ssyncadd.s32 $0xFFFFD800;
	(pc) =	sbr.rel @p0 .LBB2_4-.Ltmp2, $4  }
0x44: {  	[hbm4b:s24+s2] =	stream.linear.scatter [tilespmem:s17], [sflag:$0x6], $0x2800, $0x38;
	[tilespmem:$0x10800] =	vst v63  }
0x45: {  	_ =	swait.ge [sflag:s7], $0x2800  }
0x46: {  	[sflag:s7] =	ssyncset.done $0x0  }
0x47: {  	[sflag:s7] =	ssyncadd.s32 $0xFFFFD800  }
.Ltmp3:
0x48: {  	(pc) =	sbr.rel .LBB2_2-.Ltmp3, $4  }
0x49: {  	_ = 	snop  }
0x4a: {  	s26 =	sshra.s32 s25, $0x2  }
0x4b: {  	s25 =	sadd.s32 $0xA00, s25;
	s24 =	sadd.s32 $0x1900, s24;
	s26 =	sadd.s32 $0x480, s26  }
0x4c: {  	[tilespmem:s17], [sflag:$0x5] =	stream.indirect.gather [hbm4b:s3+s8], $0x80, s26, s8, $0xb8;
	[tilespmem:$0x10800] =	vst v63  }
.LBB2_5:
0x4d: {  	_ =	sfence.sel $0x180000  }
0x4e: {  	[bflag:$0x0] =	sbarrier.arrive $0xFFFF  }
0x4f: {  	p0 =	sne.s32 s1, $0x0;
	_ =	strace $0x9000004A  }
0x50: {  	s0 =	sadd.s32 @!p0 $0x100000, s0;
	[bflag:$0x2] =	sbarrier.arrive $0xFFFF  }
0x51: {  	[sflag:s0] =	ssyncadd.tile.s32 @!p0 $0x1;
	_ =	shalt  }
.Lfunc_end2:
_tile_overlayer_lowered:
.L_overlay_start_2:
0x52: {  	(tag) =	ssettag $0x2  }
0x53: {  	s0 =	rddreg [dreg:$0x0];
	s2 =	stileid.u32  }
0x54: {  	s1 =	rddreg [dreg:$0x1];
	p0 =	sne.s32 s2, $0x0  }
0x55: {  	s3 =	rddreg [dreg:$0x2];
	[bflag:$0x3] =	sbarrier.arrive $0xFFFF;
	s2 =	simm.s32 @!p0 $0x1C06  }
0x56: {  	[timem:s3], [sflag:s2] =	dma.local @!p0 [hbm:s0], s1  }
0x57: {  	s0 =	simm.s32 @!p0 $0x6  }
0x58: {  	_ =	swait.ge @!p0 [sflag:s0], s1  }
0x59: {  	s1 =	ssub.s32 @!p0 $0x0, s1;
	[sflag:s0] =	ssyncset.done @!p0 $0x0  }
0x5a: {  	[sflag:s0] =	ssyncadd.s32 @!p0 s1  }
0x5b: {  	[bflag:$0x3] =	sbarrier.arrive $0xFFFF  }
0x5c: {  	_ =	shalt  }

// kernel: scatter_offload_async_start.1
scs
__scs_entry_jumppad:
0x0: {  	(pc) =	sbr.rel $0x88, $3  }
0x1: {  	(tag) =	ssettag $0x0;
	lr =	simm.s32 $0x1  }
0x2: {  	[smem:$0x3F94] =	sst lr;
	_ =	strace $0xD0000000  }
0x3: {  	_ = 	snop  }
0x4: {  	_ = 	snop  }
0x5: {  	_ = 	snop  }
0x6: {  	_ = 	snop  }
0x7: {  	_ = 	snop  }
__scs_overlays_trampoline_lowered:
0x8: {  	[smem:$0x3FA3] =	sst s0  }
0x9: {  	[smem:$0x3FA4] =	sst s1  }
0xa: {  	[smem:$0x3FA5] =	sst s2  }
0xb: {  	[smem:$0x3FA6] =	sst s3  }
0xc: {  	[smem:$0x3FA7] =	sst s4  }
0xd: {  	[smem:$0x3FA8] =	sst s5  }
0xe: {  	[smem:$0x3FA9] =	sst s6  }
0xf: {  	[smem:$0x3FAA] =	sst s7  }
0x10: {  	[smem:$0x3FAB] =	sst s8  }
0x11: {  	[smem:$0x3FAC] =	sst s9;
	s0 =	simm.s32 @!p0 $0x0  }
0x12: {  	s1 =	sld [smem:$0x3F92];
	s0 =	simm.s32 @p0 $0x1  }
0x13: {  	[smem:$0x3FAD] =	sst s0;
	s0 =	simm.s32 @!p1 $0x0  }
0x14: {  	s2 =	sld [smem:$0x3F91];
	s0 =	simm.s32 @p1 $0x1  }
0x15: {  	[smem:$0x3FAE] =	sst s0;
	s0 =	simm.s32 @!p2 $0x0  }
0x16: {  	s3 =	sld [smem:$0x3FDB];
	s0 =	simm.s32 @p2 $0x1  }
0x17: {  	s4 =	simm.s32 $0x1BF5;
	[smem:$0x3FB0] =	sst s0  }
0x18: {  	s0 =	sld [smem:$0x3F93];
	_ =	swait.ge [sflag:s4], $0x0  }
0x19: {  	s7 =	sld [smem:$0x3F94]  }
0x1a: {  	s8 =	sadd.s32 $0xFFFFE003, lr  }
0x1b: {  	s9 =	sadd.s32 $0xFFFFFEF7, lr;
	s5 =	simm.s32 $0xFFFFFFFF;
	p2 =	slt.u32 s8, $0xFFFFF086  }
0x1c: {  	p1 =	slt.u32 s9, $0xF7A;
	s5 =	simm.s32 @!p2 $0x0  }
0x1d: {  	s5 =	simm.s32 @p1 $0x1;
	p0 =	seq.s32 s7, s2  }
0x1e: {  	s7 =	smul.u32 @!p0 $0xF7A, s2;
	p2 =	seq.s32 @!p0 s5, $0x0  }
0x1f: {  	s9 =	smul.u32 $0xF7A, s1;
	s8 =	simm.s32 @!p0 $0x1BF5;
	p2 =	por !p2, p0  }
0x20: {  	[sflag:s8] =	ssyncset.s32 @!p0 $0xFFFFF086;
	s6 =	sadd.s32 @!p0 s3, s7;
	s7 =	simm.s32 @!p0 $0x108  }
0x21: {  	s3 =	sadd.s32 s3, s9;
	s6 =	sadd.s32 @!p0 $0x88, s6;
	s7 =	simm.s32 @p2 $0x1082  }
0x22: {  	[simem:s7], [sflag:s8] =	dma.local @!p0 [hbm:s6], $0xF7A  }
0x23: {  	s9 =	sor.u32 $0xD0000000, s2;
	s6 =	simm.s32 $0x108;
	_ =	swait.ge @!p0 [sflag:s8], $0x0  }
0x24: {  	s3 =	sadd.s32 $0x88, s3;
	s6 =	simm.s32 @!p1 $0x1082;
	[sflag:s4] =	ssyncset.s32 $0xFFFFF086  }
0x25: {  	[simem:s6], [sflag:s4] =	dma.local [hbm:s3], $0xF7A  }
0x26: {  	[smem:$0x3F94] =	sst s1;
	(tag) =	ssettag s2;
	_ =	strace s9  }
0x27: {  	s1 =	sld [smem:$0x3FA4]  }
0x28: {  	s2 =	sld [smem:$0x3FA5]  }
0x29: {  	s4 =	sld [smem:$0x3FA7]  }
0x2a: {  	p0 =	seq.s32 s5, $0x0;
	s5 =	sld [smem:$0x3FA8]  }
0x2b: {  	s6 =	sld [smem:$0x3FA9]  }
0x2c: {  	s7 =	sld [smem:$0x3FAA]  }
0x2d: {  	s3 =	simm.s32 $0x108;
	s8 =	sld [smem:$0x3FAB]  }
0x2e: {  	s3 =	simm.s32 @!p0 $0x1082;
	s9 =	sld [smem:$0x3FAC]  }
0x2f: {  	lr =	sadd.s32 s0, s3;
	s0 =	sld [smem:$0x3FA3]  }
0x30: {  	s3 =	sld [smem:$0x3FA6]  }
0x31: {  	[smem:$0x3FAF] =	sst s10  }
0x32: {  	s10 =	sld [smem:$0x3FAD];
	_ =	sdelay $0x3  }
0x33: {  	p0 =	seq.s32 s10, $0x1;
	s10 =	sld [smem:$0x3FAF];
	_ =	sdelay $0x3  }
0x34: {  	[smem:$0x3FAF] =	sst s10  }
0x35: {  	s10 =	sld [smem:$0x3FAE];
	_ =	sdelay $0x3  }
0x36: {  	p1 =	seq.s32 s10, $0x1;
	s10 =	sld [smem:$0x3FAF];
	_ =	sdelay $0x3  }
0x37: {  	[smem:$0x3FAF] =	sst s10  }
0x38: {  	s10 =	sld [smem:$0x3FB0]  }
0x39: {  	_ = 	snop;
	(pc) =	sbr.ind lr, $3  }
0x3a: {  	_ = 	snop  }
0x3b: {  	_ = 	snop  }
0x3c: {  	p2 =	seq.s32 s10, $0x1;
	s10 =	sld [smem:$0x3FAF]  }
0x3d: {  	_ =	shalt  }
0x3e: {  	_ =	shalt  }
0x3f: {  	_ =	shalt  }
0x40: {  	_ =	shalt  }
0x41: {  	_ =	shalt  }
0x42: {  	_ =	shalt  }
0x43: {  	_ =	shalt  }
0x44: {  	_ =	shalt  }
0x45: {  	_ =	shalt  }
0x46: {  	_ =	shalt  }
0x47: {  	_ =	shalt  }
0x48: {  	_ =	shalt  }
0x49: {  	_ =	shalt  }
0x4a: {  	_ =	shalt  }
0x4b: {  	_ =	shalt  }
0x4c: {  	_ =	shalt  }
0x4d: {  	_ =	shalt  }
0x4e: {  	_ =	shalt  }
0x4f: {  	_ =	shalt  }
0x50: {  	_ =	shalt  }
0x51: {  	_ =	shalt  }
0x52: {  	_ =	shalt  }
0x53: {  	_ =	shalt  }
0x54: {  	_ =	shalt  }
0x55: {  	_ =	shalt  }
0x56: {  	_ =	shalt  }
0x57: {  	_ =	shalt  }
0x58: {  	_ =	shalt  }
0x59: {  	_ =	shalt  }
0x5a: {  	_ =	shalt  }
0x5b: {  	_ =	shalt  }
0x5c: {  	_ =	shalt  }
0x5d: {  	_ =	shalt  }
0x5e: {  	_ =	shalt  }
0x5f: {  	_ =	shalt  }
0x60: {  	_ =	shalt  }
0x61: {  	_ =	shalt  }
0x62: {  	_ =	shalt  }
0x63: {  	_ =	shalt  }
0x64: {  	_ =	shalt  }
0x65: {  	_ =	shalt  }
0x66: {  	_ =	shalt  }
0x67: {  	_ =	shalt  }
0x68: {  	_ =	shalt  }
0x69: {  	_ =	shalt  }
0x6a: {  	_ =	shalt  }
0x6b: {  	_ =	shalt  }
0x6c: {  	_ =	shalt  }
0x6d: {  	_ =	shalt  }
0x6e: {  	_ =	shalt  }
0x6f: {  	_ =	shalt  }
0x70: {  	_ =	shalt  }
0x71: {  	_ =	shalt  }
0x72: {  	_ =	shalt  }
0x73: {  	_ =	shalt  }
0x74: {  	_ =	shalt  }
0x75: {  	_ =	shalt  }
0x76: {  	_ =	shalt  }
0x77: {  	_ =	shalt  }
0x78: {  	_ =	shalt  }
0x79: {  	_ =	shalt  }
0x7a: {  	_ =	shalt  }
0x7b: {  	_ =	shalt  }
0x7c: {  	_ =	shalt  }
0x7d: {  	_ =	shalt  }
0x7e: {  	_ =	shalt  }
0x7f: {  	_ =	shalt  }
0x80: {  	_ =	shalt  }
0x81: {  	_ =	shalt  }
0x82: {  	_ =	shalt  }
0x83: {  	_ =	shalt  }
0x84: {  	_ =	shalt  }
0x85: {  	_ =	shalt  }
0x86: {  	_ =	shalt  }
0x87: {  	_ =	shalt  }
.Lfunc_end0:
.L_simem_size_0:
called_computation.1_lowered:
.L_overlay_start_0:
0x88: {  	s2 =	sld [smem:$0x3FD9]  }
0x89: {  	s3 =	sld [smem:$0x3FFE];
	_ =	sdelay $0x1  }
0x8a: {  	s1 =	srdreg.scid  }
0x8b: {  	s0 =	sand.u32 $0x1, s1  }
0x8c: {  	s15 =	sshll.u32 s0, $0xA;
	s2 =	sadd.s32 s3, s2  }
0x8d: {  	s2 =	sadd.s32 s2, s15  }
0x8e: {  	[smem:$0x3FBB] =	sst s2  }
0x8f: {  	_ = 	snop  }
0x90: {  	(tm) =	ssettm $0x1  }
0x91: {  	s16 =	sld [smem:$0x3FFB];
	_ =	sdelay $0x3  }
0x92: {  	_ =	strace s16  }
0x93: {  	s2 =	sld [smem:$0x3FFC];
	_ =	sdelay $0x3  }
0x94: {  	_ =	strace s2  }
0x95: {  	s2 =	sld [smem:$0x3FFD];
	_ =	sdelay $0x3  }
0x96: {  	_ =	strace s2  }
0x97: {  	_ =	strace $0x8FFFFFFF  }
0x98: {  	s17 =	sld [smem:$0x3FDB];
	_ =	sdelay $0x1  }
0x99: {  	s18 =	simm.s32 $_scs_section_size  }
0x9a: {  	s4 =	simm.s32 $_size__tile_overlayer_lowered;
	s5 =	simm.s32 $_tile_overlayer_lowered  }
0x9b: {  	s21 =	simm.s32 $0x1BFF;
	s20 =	sshll.u32 s5, $0x1;
	s2 =	sadd.s32 s18, s17  }
0x9c: {  	s6 =	simm.s32 $0x0;
	s19 =	sshll.u32 s4, $0x1;
	s4 =	sadd.s32 s20, s2  }
0x9d: {  	[timem:s6], [sflag:s21] =	dma.local [hbm:s4], s19  }
0x9e: {  	_ =	swait.ge [sflag:s21], s19  }
0x9f: {  	s3 =	ssub.s32 $0x0, s19;
	[sflag:s21] =	ssyncset.done $0x0  }
0xa0: {  	[sflag:s21] =	ssyncadd.s32 s3;
	_ =	sdelay $0x1  }
0xa1: {  	s22 =	simm.s32 $0x1B8B  }
0xa2: {  	_ =	swait.ge [sflag:s22], $0x1  }
0xa3: {  	[sflag:s22] =	ssyncset.done $0x0  }
0xa4: {  	s23 =	sld [smem:$0x3FFE];
	[sflag:s22] =	ssyncadd.s32 $0xFFFFFFFF  }
0xa5: {  	s25 =	simm.s32 $0x1B8E;
	s24 =	sld [smem:$0x0]  }
0xa6: {  	s26 =	simm.s32 $execute0_lowered;
	[smem:$0x3FD2] =	sst s25  }
0xa7: {  	s5 =	sshll.u32 s26, $0x1;
	_ =	strace $0x80000052;
	[dreg:$0x1] =	wrdreg $0xFFFFFFFF  }
0xa8: {  	s28 =	simm.s32 $_size_execute0_lowered;
	s2 =	sadd.s32 s2, s5;
	[dreg:$0x0] =	wrdreg $0x0  }
0xa9: {  	s5 =	sshll.u32 s28, $0x1;
	[dreg:$0x2] =	wrdreg s2  }
0xaa: {  	[dreg:$0x3] =	wrdreg s5  }
0xab: {  	[dreg:$0x4] =	wrdreg $0xC0  }
0xac: {  	_ =	task [dreg:s6], $0x5FFFF  }
0xad: {  	[dreg:$0x1] =	wrdreg $0xFFFFFFFF  }
0xae: {  	[dreg:$0x0] =	wrdreg $0x60  }
0xaf: {  	[dreg:$0x2] =	wrdreg s23  }
0xb0: {  	[dreg:$0x3] =	wrdreg s1  }
0xb1: {  	[dreg:$0x4] =	wrdreg s24  }
0xb2: {  	[dreg:$0x5] =	wrdreg $0x9  }
0xb3: {  	_ =	task.clear_ibuf [dreg:s6], $0x6FFFF;
	_ =	strace $0x90000052  }
0xb4: {  	s29 =	simm.s32 $0x9;
	_ =	strace $0x80000054  }
0xb5: {  	_ =	swait.ge [sflag:s29], $0x1  }
0xb6: {  	[sflag:s29] =	ssyncadd.s32 $0xFFFFFFFF  }
0xb7: {  	_ =	strace $0x90000054  }
0xb8: {  	_ =	sfence  }
0xb9: {  	s30 =	sld [smem:$0x0];
	_ =	sdelay $0x2  }
0xba: {  	s31 =	sshll.u32 s1, $0xD;
	s1 =	sshrl.u32 s1, $0x2  }
0xbb: {  	s3 =	sand.u32 $0x4000, s31;
	s1 =	sadd.s32 s1, s30  }
0xbc: {  	s0 =	sor.u32 s3, s0;
	s1 =	sshll.u32 s1, $0x11  }
0xbd: {  	s0 =	sor.u32 s1, s0  }
0xbe: {  	s0 =	sadd.s32 $0x8F2B, s0  }
0xbf: {  	[sflag:s0] =	ssyncadd.remote.s32 $0x1  }
0xc0: {  	_ =	sfence.sel $0xFFFF  }
0xc1: {  	[dreg:$0x0] =	wrdreg $0xFFFFFFFF;
	(pc) =	sbr.abs _section_cstart, $3  }
0xc2: {  	[dreg:$0x1] =	wrdreg $0xFFFFFFFF  }
0xc3: {  	_ =	task.clear_ibuf [dreg:s6], $0x2FFFF;
	_ =	strace $0x9FFFFFFF  }
0xc4: {  	(tm) =	ssettm $0x7FFFFFFF  }
0xc5: {  	_ =	shalt  }
tec
execute0_lowered:
.L_overlay_start_1:
0x0: {  	(tag) =	ssettag $0x1  }
0x1: {  	s2 =	rddreg [dreg:$0x0]  }
0x2: {  	s3 =	rddreg [dreg:$0x1];
	_ =	strace $0x80000053;
	s0 =	simm.s32 $0x1  }
0x3: {  	s5 =	simm.s32 $0x208;
	v0 =	vimm.s32 $0x0;
	[sflag:s0] =	ssyncpa.u1 $0x0  }
0x4: {  	[tilespmem:s5+$0x70] =	vst v0  }
0x5: {  	[tilespmem:s5+$0x60] =	vst v0  }
0x6: {  	[tilespmem:s5+$0x50] =	vst v0  }
0x7: {  	[tilespmem:s5+$0x40] =	vst v0  }
0x8: {  	[tilespmem:s5+$0x30] =	vst v0  }
0x9: {  	s1 =	sadd.s32 $0x14800, s2;
	s0 =	sadd.s32 $0xC00, s2;
	s6 =	sadd.s32 $0x7F400, s2;
	[tilespmem:s5+$0x20] =	vst v0  }
0xa: {  	s4 =	sadd.s32 $0xAA00, s2;
	s10 =	sand.u32 $0x1, s3;
	s2 =	simm.s32 $0x40;
	[tilespmem:s5+$0x10] =	vst v0  }
.LBB2_1:
0xb: {  	s2 =	sadd.s32 $0x40, s2;
	[tilespmem:s5+$0x0] =	vst v0;
	s5 =	sadd.s32 $0x80, s5  }
0xc: {  	p0 =	slt.u32 s2, $0x3880;
	[tilespmem:s5+$0x70] =	vst v0  }
0xd: {  	[tilespmem:s5+$0x60] =	vst v0  }
.Ltmp0:
0xe: {  	[tilespmem:s5+$0x50] =	vst v0;
	(pc) =	sbr.rel @p0 .LBB2_1-.Ltmp0, $4  }
0xf: {  	[tilespmem:s5+$0x40] =	vst v0  }
0x10: {  	[tilespmem:s5+$0x30] =	vst v0  }
0x11: {  	[tilespmem:s5+$0x20] =	vst v0  }
0x12: {  	[tilespmem:s5+$0x10] =	vst v0  }
0x13: {  	s11 =	stileid.u32  }
0x14: {  	s2 =	smul.u32 $0x59, s11  }
0x15: {  	s3 =	smin.u32 s11, $0x5  }
0x16: {  	s2 =	sadd.s32 s3, s2  }
0x17: {  	p0 =	slt.u32 s11, $0x5;
	s20 =	smul.u32 $0x70, s2;
	s2 =	simm.s32 $0x2760  }
0x18: {  	s2 =	simm.s32 @!p0 $0x26F0  }
0x19: {  	s2 =	sadd.s32 s2, s20  }
0x1a: {  	s8 =	smin.u32 s2, $0x27100  }
0x1b: {  	s26 =	simm.s32 $0x2;
	s2 =	ssub.s32 s8, s20  }
0x1c: {  	s9 =	simm.s32 $0x9;
	s29 =	simm.s32 $0xA;
	p0 =	sgt.s32 s2, $0x0  }
0x1d: {  	s30 =	simm.s32 $0xB;
	s31 =	smul.u32 $0x4E20, s10;
	s2 =	simm.s32 @!p0 $0x0  }
0x1e: {  	[dreg:$0x4] =	wrdreg s10;
	s12 =	simm.s32 $0x1;
	s25 =	smulhi.u32 $0x92492493, s2  }
0x1f: {  	s24 =	simm.s32 $0x0;
	p1 =	por $0x0, $0x0;
	s18 =	simm.s32 $0x80  }
0x20: {  	s19 =	simm.s32 $0x400;
	s17 =	simm.s32 $0xC;
	s3 =	sshrl.u32 s25, $0x6  }
0x21: {  	s21 =	simm.s32 $0x0;
	s23 =	simm.s32 $0x0;
	s28 =	smul.u32 $0x70, s3  }
.Ltmp1:
0x22: {  	[tilespmem:s5+$0x0] =	vst v0;
	v0 =	vimm.s32 $0xFFFFFFFF;
	[sflag:s26] =	ssyncpa.u1 $0x0;
	s16 =	sshll.u32 s11, $0x9;
	(pc) =	sbr.rel .LBB2_3-.Ltmp1, $4  }
0x23: {  	[tilespmem:$0xE408] =	vst v0;
	[sflag:s9] =	ssyncpa.u1 $0x0;
	p0 =	sne.s32 s2, s28;
	s2 =	simm.s32 $0x1  }
0x24: {  	s14 =	sadd.s32 s31, s4;
	[sflag:s29] =	ssyncpa.u1 $0x0;
	s2 =	simm.s32 @!p0 $0x0  }
0x25: {  	s15 =	sadd.s32 s31, s0;
	[sflag:s30] =	ssyncpa.u1 $0x0;
	s13 =	sadd.s32 s2, s3  }
0x26: {  	v0 =	vlaneseq.u32;
	s22 =	smov.u32 s20;
	p0 =	por $0x1, $0x1;
	s11 =	sadd.s32 $0x1, s13  }
.LBB2_24:
0x27: {  	s2 =	sshrl.u32 s4, $0x2  }
.LBB2_26:
0x28: {  	_ =	swait.ge [sflag:s17], s2  }
0x29: {  	s31 =	ssub.s32 $0x0, s2;
	v1 =	vmov s26;
	vm0 =	veq.s32 v0, $0x0;
	[sflag:s17] =	ssyncset.done $0x0  }
0x2a: {  	vm15 =	veq.s32 v0, $0x2;
	v1 =	vsel vm0, s0, v1;
	[sflag:s17] =	ssyncadd.s32 s31  }
0x2b: {  	v1 =	vsel vm15, s24, v1;
	[sflag:s17] =	ssyncpa.u1 $0x1  }
0x2c: {  	[tilespmem:$0xE408] =	vst v1  }
.LBB2_27:
0x2d: {  	s0 =	sadd.s32 $0x70, s22  }
0x2e: {  	s2 =	smov.u32 s20;
	p2 =	slt.s32 s0, s8  }
0x2f: {  	s2 =	smov.u32 @p2 s0;
	p2 =	sne.s32 s23, s11  }
.Ltmp2:
0x30: {  	_ = 	snop;
	(pc) =	sbr.rel @!p2 .LBB2_28-.Ltmp2, $4  }
0x31: {  	_ = 	snop  }
0x32: {  	s24 =	smov.u32 s21  }
0x33: {  	s31 =	sadd.s32 $0x1, s23;
	s21 =	smov.u32 s22;
	p0 =	por !p0, !p0  }
0x34: {  	p1 =	por !p1, !p1;
	s23 =	smov.u32 s31;
	s22 =	smov.u32 s2  }
.LBB2_3:
0x35: {  	p2 =	sge.u32 s23, s13  }
0x36: {  	s0 =	smulhi.u32 @!p2 $0xAAAAAAAB, s23  }
0x37: {  	s2 =	smov.u32 s22;
	p3 =	sgt.s32 @!p2 s22, $0x27090  }
0x38: {  	s3 =	sshra.s32 @!p2 s22, $0x1F;
	p3 =	por !p3, p2;
	s0 =	sshrl.u32 @!p2 s0, $0x1  }
0x39: {  	s3 =	sand.u32 @!p2 s3, s22;
	s2 =	simm.s32 @p3 $0x27090;
	s0 =	smul.u32 @!p2 $0x3, s0  }
0x3a: {  	s2 =	ssub.s32 @!p2 s2, s3  }
0x3b: {  	s2 =	sadd.s32 @!p2 $0xFFFD8F70, s2;
	s0 =	ssub.s32 @!p2 s23, s0  }
0x3c: {  	s3 =	sshll.u32 @!p2 s2, $0x2;
	p3 =	sgt.s32 @!p2 s2, $0x6F;
	s0 =	smul.u32 @!p2 $0x1C0, s0  }
0x3d: {  	s4 =	sand.u32 @!p2 $0x7, s22;
	s2 =	ssub.s32 @!p2 $0x1C0, s3;
	p3 =	por !p3, p2  }
0x3e: {  	s3 =	sshrl.u32 @!p2 s22, $0x3;
	s2 =	sshrl.u32 @!p2 s2, $0x2;
	s0 =	sshrl.u32 @!p2 s0, $0x2  }
0x3f: {  	s3 =	sadd.s32 @!p2 s3, s14;
	s2 =	simm.s32 @!p3 $0x0;
	s0 =	sadd.s32 @!p2 $0x10448, s0  }
0x40: {  	[tilespmem:s0], [sflag:$0xA] =	stream.linear.gather @!p2 [hbm4b:s3+s4], s2, $0x38;
	[tilespmem:$0x1E678] =	vst v63  }
0x41: {  	s2 =	sadd.s32 $0xFFFFFFFF, s23  }
0x42: {  	p2 =	sge.u32 s2, s13  }
0x43: {  	p3 =	sgt.s32 @!p2 s21, $0x27090  }
0x44: {  	s0 =	smov.u32 s21;
	s3 =	sshra.s32 @!p2 s21, $0x1F;
	p3 =	por !p3, p2  }
0x45: {  	s3 =	sand.u32 @!p2 s3, s21;
	s0 =	simm.s32 @p3 $0x27090  }
0x46: {  	s0 =	ssub.s32 @!p2 s0, s3  }
0x47: {  	s0 =	sadd.s32 @!p2 $0xFFFD8F70, s0  }
0x48: {  	s3 =	sshll.u32 @!p2 s0, $0x2  }
0x49: {  	p3 =	sgt.s32 @!p2 s0, $0x6F;
	s0 =	ssub.s32 @!p2 $0x1C0, s3  }
0x4a: {  	p3 =	por !p3, p2;
	s0 =	sshrl.u32 @!p2 s0, $0x2  }
0x4b: {  	s4 =	simm.s32 @!p2 $0xA;
	s3 =	sand.u32 @!p2 $0x1, s2;
	s0 =	simm.s32 @!p3 $0x0  }
0x4c: {  	s3 =	smul.u32 @!p2 $0x1C0, s3;
	_ =	swait.ge @!p2 [sflag:s4], s0  }
0x4d: {  	s5 =	ssub.s32 @!p2 $0x0, s0;
	[sflag:s4] =	ssyncset.done @!p2 $0x0  }
0x4e: {  	s3 =	sshrl.u32 @!p2 s3, $0x2;
	[sflag:s4] =	ssyncadd.s32 @!p2 s5;
	s4 =	sshrl.u32 @!p2 s21, $0x3  }
0x4f: {  	s3 =	sadd.s32 @!p2 $0x10598, s3;
	s5 =	sand.u32 @!p2 $0x7, s21;
	s4 =	sadd.s32 @!p2 s4, s15  }
0x50: {  	[tilespmem:s3], [sflag:$0xB] =	stream.linear.gather @!p2 [hbm4b:s4+s5], s0, $0x38;
	[tilespmem:$0x1E678] =	vst v63  }
0x51: {  	s0 =	ssub.s32 @!p2 $0x27100, s21  }
0x52: {  	p3 =	slt.s32 @!p2 s0, $0x1  }
0x53: {  	p3 =	por p2, p3  }
.Ltmp3:
0x54: {  	_ = 	snop;
	(pc) =	sbr.rel @p3 .LBB2_9-.Ltmp3, $1  }
0x55: {  	_ =	sdelay $0x3  }
0x56: {  	s3 =	smulhi.u32 $0xAAAAAAAB, s2;
	_ =	sdelay $0x1  }
0x57: {  	s3 =	sshrl.u32 s3, $0x1  }
0x58: {  	s3 =	smul.u32 $0x3, s3;
	_ =	sdelay $0x1  }
0x59: {  	s30 =	ssub.s32 s2, s3  }
0x5a: {  	s4 =	simm.s32 $0x1;
	s2 =	smul.u32 $0x1C0, s30  }
.Ltmp4:
0x5b: {  	s4 =	simm.s32 @!p0 $0x0;
	(pc) =	sbr.rel .LBB2_6-.Ltmp4, $4  }
0x5c: {  	s31 =	smul.u32 $0x1C000, s4  }
0x5d: {  	p3 =	slt.s32 @!p2 s0, $0x70;
	s2 =	sshrl.u32 s2, $0x2  }
0x5e: {  	p2 =	por !p3, p2;
	s3 =	sshrl.u32 s31, $0x2;
	s5 =	sadd.s32 $0x10448, s2  }
0x5f: {  	s0 =	simm.s32 @p2 $0x70;
	s4 =	sor.u32 $0x10678, s3;
	s2 =	simm.s32 $0x0;
	v1 =	vmov s5  }
.LBB2_5:
0x60: {  	p2 =	sge.s32 s2, s0  }
.Ltmp5:
0x61: {  	_ = 	snop;
	(pc) =	sbr.rel @p2 .LBB2_9-.Ltmp5, $2  }
0x62: {  	_ =	sdelay $0x2  }
0x63: {  	s4 =	sadd.s32 $0x1000, s4  }
.LBB2_6:
0x64: {  	p2 =	sle.s32 s0, s2  }
.Ltmp6:
0x65: {  	_ = 	snop;
	(pc) =	sbr.rel @p2 .LBB2_5-.Ltmp6, $2  }
0x66: {  	_ =	sdelay $0x2  }
0x67: {  	s5 =	smov.u32 s2;
	s2 =	sadd.s32 $0x10, s2  }
0x68: {  	s3 =	ssub.s32 s0, s5  }
0x69: {  	p2 =	slt.s32 s3, $0x10  }
0x6a: {  	s3 =	simm.s32 @!p2 $0x10  }
0x6b: {  	v2 =	vmov s3  }
0x6c: {  	vm0 =	vgt.s32 v2, v0;
	_ =	sdelay $0x5  }
0x6d: {  	v2 =	vld.idx.msk [tilespmem:v1+s5+$0x0 ss:$0x1], vm0;
	_ =	sdelay $0x2  }
0x6e: {  	p2 =	slt.s32 s2, s0;
	s3 =	smov.u32 s0  }
0x6f: {  	s9 =	smov.u32 s4;
	s25 =	simm.s32 $0x0;
	s3 =	smov.u32 @p2 s2  }
.LBB2_8:
0x70: {  	(v2sf) =	vpush v2, s25;
	_ =	sdelay $0xe  }
0x71: {  	s25 =	sadd.s32 $0x1, s25;
	s10 =	spop (v2sf)  }
0x72: {  	s31 =	sadd.s32 s25, s5;
	s26 =	sshll.u32 s10, $0x8;
	s10 =	sshll.u32 s10, $0x7  }
0x73: {  	p2 =	slt.s32 s31, s3;
	s26 =	sand.u32 $0xFFFFF800, s26;
	s10 =	sand.u32 $0x380, s10  }
.Ltmp7:
0x74: {  	s10 =	sor.u32 s10, s26;
	(pc) =	sbr.rel @p2 .LBB2_8-.Ltmp7, $4  }
0x75: {  	s10 =	sshrl.u32 s10, $0x3  }
0x76: {  	s10 =	sadd.s32 s6, s10  }
0x77: {  	[tilespmem:s9], [sflag:$0x9] =	stream.strided.gather [hbm4b:s10+s18], $0x100, s19, s18, $0x38;
	[tilespmem:$0x1E678] =	vst v63  }
0x78: {  	s9 =	sadd.s32 $0x100, s9  }
.Ltmp8:
0x79: {  	_ = 	snop;
	(pc) =	sbr.rel .LBB2_5-.Ltmp8, $1  }
0x7a: {  	_ =	sdelay $0x3  }
.LBB2_9:
0x7b: {  	p2 =	slt.u32 s23, $0x2  }
.Ltmp9:
0x7c: {  	_ = 	snop;
	(pc) =	sbr.rel @p2 .LBB2_27-.Ltmp9, $1  }
0x7d: {  	_ =	sdelay $0x3  }
0x7e: {  	p2 =	sgt.s32 s24, $0x27090  }
0x7f: {  	s0 =	smov.u32 s24;
	s2 =	sshra.s32 s24, $0x1F;
	s3 =	ssub.s32 $0x27100, s24  }
0x80: {  	s0 =	simm.s32 @!p2 $0x27090;
	s2 =	sand.u32 s2, s24;
	p2 =	slt.s32 s3, $0x70  }
0x81: {  	s0 =	ssub.s32 s0, s2;
	s3 =	simm.s32 @!p2 $0x70  }
0x82: {  	s0 =	sadd.s32 $0xFFFD8F70, s0;
	s9 =	sshll.u32 s3, $0x8  }
0x83: {  	s26 =	simm.s32 $0x9;
	s10 =	sshll.u32 s0, $0x2;
	s2 =	sand.u32 $0x3FFFFF00, s9  }
0x84: {  	p2 =	sgt.s32 s0, $0x6F;
	s25 =	ssub.s32 $0x1C0, s10;
	_ =	swait.ge [sflag:s26], s2  }
0x85: {  	s2 =	ssub.s32 $0x0, s2;
	[sflag:s26] =	ssyncset.done $0x0;
	s0 =	sshrl.u32 s25, $0x2  }
0x86: {  	s29 =	simm.s32 $0xB;
	[sflag:s26] =	ssyncadd.s32 s2;
	s0 =	simm.s32 @p2 $0x0  }
0x87: {  	_ =	swait.ge [sflag:s29], s0  }
0x88: {  	s0 =	ssub.s32 $0x0, s0;
	[sflag:s29] =	ssyncset.done $0x0  }
0x89: {  	[sflag:s29] =	ssyncadd.s32 s0  }
0x8a: {  	v1 =	vld [tilespmem:$0xE408];
	_ =	sdelay $0x4  }
0x8b: {  	(v2sf) =	vpush v1, $0x0  }
0x8c: {  	(v2sf) =	vpush v1, $0x1  }
0x8d: {  	(v2sf) =	vpush v1, $0x2;
	_ =	sdelay $0x3  }
0x8e: {  	s0 =	sadd.s32 $0x70, s24  }
0x8f: {  	s2 =	ssub.s32 $0x4E200, s24;
	p2 =	slt.s32 s8, s0  }
0x90: {  	s0 =	smov.u32 @p2 s8;
	p2 =	sgt.s32 s2, $0x0  }
0x91: {  	s0 =	ssub.s32 s0, s24;
	s2 =	simm.s32 @!p2 $0x0  }
0x92: {  	p2 =	slt.s32 s2, s0  }
0x93: {  	s0 =	smov.u32 @p2 s2  }
0x94: {  	s4 =	simm.s32 $0x1;
	p2 =	slt.s32 s0, $0x1  }
.Ltmp10:
0x95: {  	s4 =	simm.s32 @!p1 $0x0;
	(pc) =	sbr.rel @p2 .LBB2_14-.Ltmp10, $4  }
0x96: {  	s30 =	smul.u32 $0x1C0, s4  }
0x97: {  	s5 =	spop (v2sf)  }
0x98: {  	s31 =	sshrl.u32 s30, $0x2;
	s28 =	spop (v2sf)  }
0x99: {  	s25 =	sadd.s32 $0x10598, s31;
	s24 =	spop (v2sf)  }
0x9a: {  	s2 =	smin.u32 s0, $0x10  }
0x9b: {  	v1 =	vmov s2  }
0x9c: {  	vm1 =	vgt.u32 v1, v0  }
0x9d: {  	p3 =	sgt.s32 s0, $0x10  }
.Ltmp11:
0x9e: {  	_ = 	snop;
	(pc) =	sbr.rel @!p3 .LBB2_13-.Ltmp11, $2  }
0x9f: {  	_ =	sdelay $0x2  }
0xa0: {  	s26 =	simm.s32 $0x10;
	s29 =	sadd.s32 $0xFFFFFFF0, s0;
	s2 =	smov.u32 s25;
	vm0 =	vmmov vm1;
	v1 =	vld.msk [tilespmem:s25+$0x0 ss:$0x1], vm1  }
.LBB2_12:
0xa1: {  	s3 =	smin.u32 s29, $0x10;
	s26 =	sadd.s32 $0x10, s26  }
0xa2: {  	v2 =	vmov s3;
	p3 =	slt.s32 s26, s0  }
0xa3: {  	vm1 =	vgt.u32 v2, v0;
	_ =	sdelay $0x1  }
0xa4: {  	v2 =	vshll.u32 v1, $0x5;
	v1 =	vshll.u32 v1, $0x4  }
.Ltmp12:
0xa5: {  	v2 =	vand.u32 $0xFFFFFF00, v2;
	v1 =	vand.u32 $0x70, v1;
	(pc) =	sbr.rel @p3 .LBB2_12-.Ltmp12, $4  }
0xa6: {  	v1 =	vor.u32 v1, v2  }
0xa7: {  	[tilespmem:s2+$0x0] =	vst.msk vm0, v1;
	s2 =	sadd.s32 $0x10, s2;
	vm0 =	vmmov vm1  }
0xa8: {  	v1 =	vld.msk [tilespmem:s2+$0x0 ss:$0x1], vm1  }
0xa9: {  	s29 =	sadd.s32 $0xFFFFFFF0, s29  }
.LBB2_13:
0xaa: {  	_ =	sdelay $0x3  }
0xab: {  	v2 =	vshll.u32 v1, $0x5;
	v1 =	vshll.u32 v1, $0x4  }
0xac: {  	v2 =	vand.u32 $0xFFFFFF00, v2;
	v1 =	vand.u32 $0x70, v1  }
0xad: {  	v1 =	vor.u32 v1, v2  }
0xae: {  	[tilespmem:s2+$0x0] =	vst.msk vm0, v1  }
.LBB2_14:
0xaf: {  	s2 =	sand.u32 $0x1, s23  }
0xb0: {  	s2 =	smul.u32 $0x70, s2  }
0xb1: {  	p3 =	sne.s32 s28, $0xFFFFFFFF  }
0xb2: {  	v1 =	vld.msk @!p3 [tilespmem:s2+$0x10598], $0x1;
	_ =	sdelay $0x4  }
0xb3: {  	(v2sf) =	vpush @!p3 v1, $0x0;
	_ =	sdelay $0xc  }
.Ltmp13:
0xb4: {  	_ = 	snop;
	(pc) =	sbr.rel @p2 .LBB2_25-.Ltmp13, $4  }
0xb5: {  	_ = 	snop  }
0xb6: {  	s31 =	spop @!p3 (v2sf)  }
0xb7: {  	s24 =	simm.s32 @!p3 $0x0;
	s26 =	smov.u32 s31  }
0xb8: {  	[sflag:s17] =	ssyncpa.u1 $0x0;
	s31 =	smov.u32 @p3 s5;
	s26 =	smov.u32 @p3 s28  }
0xb9: {  	v1 =	vld.msk [tilespmem:s25+$0x0], $0x1;
	_ =	sdelay $0x4  }
0xba: {  	(v2sf) =	vpush v1, $0x0;
	_ =	sdelay $0xe  }
0xbb: {  	s7 =	smov.u32 s11;
	s5 =	spop (v2sf)  }
0xbc: {  	s17 =	smov.u32 s15;
	s2 =	smul.u32 $0x1C000, s4;
	p2 =	seq.s32 s31, s5  }
0xbd: {  	s3 =	smov.u32 s31;
	s29 =	ssub.s32 $0x0, s0;
	p3 =	sgt.s32 @!p2 s31, $0x0  }
0xbe: {  	s30 =	simm.s32 $0x0;
	s2 =	sshrl.u32 s2, $0x2;
	p3 =	por !p3, p2  }
0xbf: {  	s0 =	sadd.s32 $0x1, s29;
	s28 =	sor.u32 $0x106F8, s2;
	s3 =	simm.s32 @p3 $0x0  }
0xc0: {  	s2 =	simm.s32 @!p2 $0x1;
	p3 =	seq.s32 s0, $0x0;
	s3 =	smin.u32 @!p2 s3, $0x4E170  }
.Ltmp14:
0xc1: {  	s4 =	simm.s32 @!p2 $0x7308;
	s9 =	sand.u32 @!p2 $0x7FFF8, s3;
	(pc) =	sbr.rel @p3 .LBB2_17-.Ltmp14, $4  }
0xc2: {  	s10 =	sadd.s32 @!p2 $0x80, s3;
	s11 =	sadd.s32 @!p2 s1, s9;
	s9 =	sand.u32 @!p2 $0x7, s3  }
0xc3: {  	[tilespmem:s4], [sflag:$0x2] =	stream.linear.gather @!p2 [hbm4b:s11+s9], $0x80, $0x38;
	[tilespmem:$0x1E678] =	vst v63  }
0xc4: {  	s15 =	smov.u32 s14;
	s2 =	smov.u32 @p2 s30;
	s4 =	sand.u32 @!p2 $0xFFFF8, s10  }
0xc5: {  	s3 =	simm.s32 @!p2 $0x7388;
	s10 =	sadd.s32 @!p2 s1, s4;
	s4 =	sadd.s32 $0x1, s25  }
.LBB2_16:
0xc6: {  	s11 =	smov.u32 s2  }
0xc7: {  	[tilespmem:s3], [sflag:$0x2] =	stream.linear.gather @!p2 [hbm4b:s10+s9], $0x80, $0x38;
	[tilespmem:$0x1E678] =	vst v63  }
0xc8: {  	s0 =	sadd.s32 $0x1, s0;
	s9 =	smov.u32 s5;
	v1 =	vld.msk [tilespmem:s4+$0x0], $0x1  }
0xc9: {  	p3 =	seq.s32 s0, $0x0;
	_ =	sdelay $0x3  }
0xca: {  	(v2sf) =	vpush v1, $0x0;
	_ =	sdelay $0xe  }
0xcb: {  	s5 =	spop (v2sf)  }
0xcc: {  	p2 =	seq.s32 s9, s5  }
0xcd: {  	p4 =	sgt.s32 @!p2 s9, $0x0;
	s3 =	sshll.u32 @!p2 s2, $0xA;
	s2 =	sadd.s32 @!p2 $0x1, s2  }
0xce: {  	p4 =	por !p4, p2;
	s3 =	sshra.s32 @!p2 s3, $0x2;
	s2 =	smov.u32 @p2 s11  }
0xcf: {  	s9 =	simm.s32 @p4 $0x0;
	s10 =	sadd.s32 @!p2 $0x7308, s3;
	s3 =	sadd.s32 @!p2 $0x7388, s3  }
.Ltmp15:
0xd0: {  	s9 =	smin.u32 @!p2 s9, $0x4E170;
	(pc) =	sbr.rel @!p3 .LBB2_16-.Ltmp15, $4  }
0xd1: {  	s11 =	sand.u32 @!p2 $0x7FFF8, s9;
	s14 =	sadd.s32 @!p2 $0x80, s9  }
0xd2: {  	s9 =	sand.u32 @!p2 $0x7, s9;
	s11 =	sadd.s32 @!p2 s1, s11;
	s14 =	sand.u32 @!p2 $0xFFFF8, s14  }
0xd3: {  	[tilespmem:s10], [sflag:$0x2] =	stream.linear.gather @!p2 [hbm4b:s11+s9], $0x80, $0x38;
	[tilespmem:$0x1E678] =	vst v63  }
0xd4: {  	s4 =	sadd.s32 $0x1, s4;
	s10 =	sadd.s32 @!p2 s1, s14  }
.LBB2_17:
0xd5: {  	[tilespmem:s3], [sflag:$0x2] =	stream.linear.gather @!p2 [hbm4b:s10+s9], $0x80, $0x38;
	[tilespmem:$0x1E678] =	vst v63  }
0xd6: {  	s0 =	sshll.u32 s2, $0x8  }
.Ltmp16:
0xd7: {  	s14 =	simm.s32 $0x2;
	s0 =	sand.u32 $0x3FFFFF00, s0;
	(pc) =	sbr.rel .LBB2_18-.Ltmp16, $4  }
0xd8: {  	_ =	swait.ge [sflag:s14], s0  }
0xd9: {  	s0 =	ssub.s32 $0x0, s0;
	[sflag:s14] =	ssyncset.done $0x0  }
0xda: {  	s4 =	simm.s32 $0x0;
	s11 =	smov.u32 s7;
	[sflag:s14] =	ssyncadd.s32 s0  }
0xdb: {  	s14 =	smov.u32 s15;
	s15 =	smov.u32 s17;
	s17 =	simm.s32 $0xC  }
.LBB2_19:
0xdc: {  	v1 =	vld [tilespmem:s28+$0xFFFFFF80];
	_ =	sdelay $0x4  }
0xdd: {  	[tilespmem:s5+$0x208] =	vst.add.f32.msk $0xffff, v1  }
0xde: {  	v1 =	vld [tilespmem:s28+$0xFFFFFF90];
	_ =	sdelay $0x4  }
0xdf: {  	[tilespmem:s5+$0x218] =	vst.add.f32.msk $0xffff, v1  }
0xe0: {  	v1 =	vld [tilespmem:s28+$0xFFFFFFA0];
	_ =	sdelay $0x4  }
0xe1: {  	[tilespmem:s5+$0x228] =	vst.add.f32.msk $0xffff, v1  }
0xe2: {  	v1 =	vld [tilespmem:s28+$0xFFFFFFB0];
	_ =	sdelay $0x4  }
0xe3: {  	[tilespmem:s5+$0x238] =	vst.add.f32.msk $0xffff, v1  }
0xe4: {  	v1 =	vld [tilespmem:s28+$0xFFFFFFC0];
	_ =	sdelay $0x4  }
0xe5: {  	[tilespmem:s5+$0x248] =	vst.add.f32.msk $0xffff, v1  }
0xe6: {  	v1 =	vld [tilespmem:s28+$0xFFFFFFD0];
	_ =	sdelay $0x4  }
0xe7: {  	[tilespmem:s5+$0x258] =	vst.add.f32.msk $0xffff, v1  }
0xe8: {  	v1 =	vld [tilespmem:s28+$0xFFFFFFE0];
	_ =	sdelay $0x4  }
0xe9: {  	[tilespmem:s5+$0x268] =	vst.add.f32.msk $0xffff, v1  }
0xea: {  	v1 =	vld [tilespmem:s28+$0xFFFFFFF0];
	_ =	sdelay $0x4  }
0xeb: {  	[tilespmem:s5+$0x278] =	vst.add.f32.msk $0xffff, v1  }
0xec: {  	v1 =	vld [tilespmem:s28+$0x0];
	_ =	sdelay $0x4  }
0xed: {  	[tilespmem:s5+$0x288] =	vst.add.f32.msk $0xffff, v1  }
0xee: {  	v1 =	vld [tilespmem:s28+$0x10];
	_ =	sdelay $0x4  }
0xef: {  	[tilespmem:s5+$0x298] =	vst.add.f32.msk $0xffff, v1  }
0xf0: {  	v1 =	vld [tilespmem:s28+$0x20];
	_ =	sdelay $0x4  }
0xf1: {  	[tilespmem:s5+$0x2A8] =	vst.add.f32.msk $0xffff, v1  }
0xf2: {  	v1 =	vld [tilespmem:s28+$0x30];
	_ =	sdelay $0x4  }
0xf3: {  	[tilespmem:s5+$0x2B8] =	vst.add.f32.msk $0xffff, v1  }
0xf4: {  	v1 =	vld [tilespmem:s28+$0x40];
	_ =	sdelay $0x4  }
0xf5: {  	[tilespmem:s5+$0x2C8] =	vst.add.f32.msk $0xffff, v1  }
0xf6: {  	v1 =	vld [tilespmem:s28+$0x50];
	_ =	sdelay $0x4  }
0xf7: {  	[tilespmem:s5+$0x2D8] =	vst.add.f32.msk $0xffff, v1  }
0xf8: {  	v1 =	vld [tilespmem:s28+$0x60];
	_ =	sdelay $0x4  }
0xf9: {  	[tilespmem:s5+$0x2E8] =	vst.add.f32.msk $0xffff, v1  }
0xfa: {  	v1 =	vld [tilespmem:s28+$0x70];
	_ =	sdelay $0x4  }
0xfb: {  	[tilespmem:s5+$0x2F8] =	vst.add.f32.msk $0xffff, v1  }
.LBB2_23:
0xfc: {  	s29 =	sadd.s32 $0x1, s29  }
0xfd: {  	p2 =	seq.s32 s29, $0x0  }
.Ltmp17:
0xfe: {  	_ = 	snop;
	(pc) =	sbr.rel @p2 .LBB2_24-.Ltmp17, $2  }
0xff: {  	_ =	sdelay $0x2  }
0x100: {  	s25 =	sadd.s32 $0x1, s25;
	s28 =	sadd.s32 $0x100, s28;
	s31 =	smov.u32 s0  }
.LBB2_18:
0x101: {  	v1 =	vld.msk [tilespmem:s25+$0x0], $0x1;
	_ =	sdelay $0x4  }
0x102: {  	(v2sf) =	vpush v1, $0x0;
	_ =	sdelay $0xe  }
0x103: {  	s0 =	spop (v2sf)  }
0x104: {  	p2 =	sne.s32 s31, s0  }
.Ltmp18:
0x105: {  	_ = 	snop;
	(pc) =	sbr.rel @!p2 .LBB2_19-.Ltmp18, $3  }
0x106: {  	_ =	sdelay $0x1  }
0x107: {  	s2 =	sshll.u32 s24, $0xA  }
0x108: {  	s5 =	sshra.s32 s2, $0x2  }
0x109: {  	p2 =	seq.s32 s31, s26  }
.Ltmp19:
0x10a: {  	_ = 	snop;
	(pc) =	sbr.rel @!p2 .LBB2_21-.Ltmp19, $1  }
0x10b: {  	_ =	sdelay $0x3  }
.Ltmp20:
0x10c: {  	s2 =	sadd.s32 $0x208, s5;
	(pc) =	sbr.rel .LBB2_22-.Ltmp20, $4  }
0x10d: {  	[spmem:s16] =	stream.linear.scatter [tilespmem:s2], [sflag:$0x1], $0x100, $0x38;
	[tilespmem:$0x1E678] =	vst v63  }
0x10e: {  	_ =	swait.ge [sflag:s12], $0x100  }
0x10f: {  	[sflag:s12] =	ssyncset.done $0x0  }
0x110: {  	[sflag:s12] =	ssyncadd.s32 $0xFFFFFF00  }
.LBB2_21:
0x111: {  	s2 =	sshll.u32 s30, $0xA  }
0x112: {  	s2 =	sshra.s32 s2, $0x2  }
0x113: {  	v1 =	vld [tilespmem:s2+$0x7308];
	_ =	sdelay $0x4  }
0x114: {  	[tilespmem:s5+$0x208] =	vst.add.f32.msk $0xffff, v1  }
0x115: {  	v1 =	vld [tilespmem:s2+$0x7318];
	_ =	sdelay $0x4  }
0x116: {  	[tilespmem:s5+$0x218] =	vst.add.f32.msk $0xffff, v1  }
0x117: {  	v1 =	vld [tilespmem:s2+$0x7328];
	_ =	sdelay $0x4  }
0x118: {  	[tilespmem:s5+$0x228] =	vst.add.f32.msk $0xffff, v1  }
0x119: {  	v1 =	vld [tilespmem:s2+$0x7338];
	_ =	sdelay $0x4  }
0x11a: {  	[tilespmem:s5+$0x238] =	vst.add.f32.msk $0xffff, v1  }
0x11b: {  	v1 =	vld [tilespmem:s2+$0x7348];
	_ =	sdelay $0x4  }
0x11c: {  	[tilespmem:s5+$0x248] =	vst.add.f32.msk $0xffff, v1  }
0x11d: {  	v1 =	vld [tilespmem:s2+$0x7358];
	_ =	sdelay $0x4  }
0x11e: {  	[tilespmem:s5+$0x258] =	vst.add.f32.msk $0xffff, v1  }
0x11f: {  	v1 =	vld [tilespmem:s2+$0x7368];
	_ =	sdelay $0x4  }
0x120: {  	[tilespmem:s5+$0x268] =	vst.add.f32.msk $0xffff, v1  }
0x121: {  	v1 =	vld [tilespmem:s2+$0x7378];
	_ =	sdelay $0x4  }
0x122: {  	[tilespmem:s5+$0x278] =	vst.add.f32.msk $0xffff, v1  }
0x123: {  	v1 =	vld [tilespmem:s2+$0x7388];
	_ =	sdelay $0x4  }
0x124: {  	[tilespmem:s5+$0x288] =	vst.add.f32.msk $0xffff, v1  }
0x125: {  	v1 =	vld [tilespmem:s2+$0x7398];
	_ =	sdelay $0x4  }
0x126: {  	[tilespmem:s5+$0x298] =	vst.add.f32.msk $0xffff, v1  }
0x127: {  	v1 =	vld [tilespmem:s2+$0x73A8];
	_ =	sdelay $0x4  }
0x128: {  	[tilespmem:s5+$0x2A8] =	vst.add.f32.msk $0xffff, v1  }
0x129: {  	v1 =	vld [tilespmem:s2+$0x73B8];
	_ =	sdelay $0x4  }
0x12a: {  	[tilespmem:s5+$0x2B8] =	vst.add.f32.msk $0xffff, v1  }
0x12b: {  	v1 =	vld [tilespmem:s2+$0x73C8];
	_ =	sdelay $0x4  }
0x12c: {  	[tilespmem:s5+$0x2C8] =	vst.add.f32.msk $0xffff, v1  }
0x12d: {  	v1 =	vld [tilespmem:s2+$0x73D8];
	_ =	sdelay $0x4  }
0x12e: {  	[tilespmem:s5+$0x2D8] =	vst.add.f32.msk $0xffff, v1  }
0x12f: {  	v1 =	vld [tilespmem:s2+$0x73E8];
	_ =	sdelay $0x4  }
0x130: {  	[tilespmem:s5+$0x2E8] =	vst.add.f32.msk $0xffff, v1  }
0x131: {  	v1 =	vld [tilespmem:s2+$0x73F8];
	_ =	sdelay $0x2  }
0x132: {  	p2 =	sgt.u32 s31, $0x4E170  }
0x133: {  	s2 =	sand.u32 @!p2 $0x7FFF8, s31  }
0x134: {  	s3 =	sadd.s32 $0x208, s5;
	s9 =	sand.u32 @!p2 $0x7, s31;
	s2 =	sadd.s32 @!p2 s1, s2;
	[tilespmem:s5+$0x2F8] =	vst.add.f32.msk $0xffff, v1  }
0x135: {  	[hbm4b:s2+s9] =	stream.linear.scatter @!p2 [tilespmem:s3], [sflag:$0xC], $0x80, $0x38;
	[tilespmem:$0x1E678] =	vst v63  }
0x136: {  	s2 =	sadd.s32 @!p2 $0x80, s31  }
0x137: {  	s2 =	sand.u32 @!p2 $0xFFFF8, s2  }
0x138: {  	s3 =	sadd.s32 $0x288, s5;
	s2 =	sadd.s32 @!p2 s1, s2  }
0x139: {  	[hbm4b:s2+s9] =	stream.linear.scatter @!p2 [tilespmem:s3], [sflag:$0xC], $0x80, $0x38;
	[tilespmem:$0x1E678] =	vst v63  }
0x13a: {  	s2 =	simm.s32 $0x0  }
0x13b: {  	s2 =	simm.s32 @!p2 $0x400  }
0x13c: {  	s4 =	sadd.s32 s2, s4  }
.LBB2_22:
0x13d: {  	s2 =	sadd.s32 $0x1, s24  }
0x13e: {  	s3 =	sshrl.u32 s2, $0x4  }
0x13f: {  	s3 =	smulhi.u32 $0x24924925, s3  }
0x140: {  	v1 =	vld [tilespmem:s28+$0xFFFFFF80]  }
0x141: {  	s3 =	smul.u32 $0x70, s3;
	_ =	sdelay $0x1  }
0x142: {  	s24 =	ssub.s32 s2, s3  }
0x143: {  	s2 =	sshll.u32 s24, $0x8  }
0x144: {  	[tilespmem:s2+$0x208] =	vst v1  }
0x145: {  	v1 =	vld [tilespmem:s28+$0xFFFFFF90];
	_ =	sdelay $0x4  }
0x146: {  	[tilespmem:s2+$0x218] =	vst v1  }
0x147: {  	v1 =	vld [tilespmem:s28+$0xFFFFFFA0];
	_ =	sdelay $0x4  }
0x148: {  	[tilespmem:s2+$0x228] =	vst v1  }
0x149: {  	v1 =	vld [tilespmem:s28+$0xFFFFFFB0];
	_ =	sdelay $0x4  }
0x14a: {  	[tilespmem:s2+$0x238] =	vst v1  }
0x14b: {  	v1 =	vld [tilespmem:s28+$0xFFFFFFC0];
	_ =	sdelay $0x4  }
0x14c: {  	[tilespmem:s2+$0x248] =	vst v1  }
0x14d: {  	v1 =	vld [tilespmem:s28+$0xFFFFFFD0];
	_ =	sdelay $0x4  }
0x14e: {  	[tilespmem:s2+$0x258] =	vst v1  }
0x14f: {  	v1 =	vld [tilespmem:s28+$0xFFFFFFE0];
	_ =	sdelay $0x4  }
0x150: {  	[tilespmem:s2+$0x268] =	vst v1  }
0x151: {  	v1 =	vld [tilespmem:s28+$0xFFFFFFF0];
	_ =	sdelay $0x4  }
0x152: {  	[tilespmem:s2+$0x278] =	vst v1  }
0x153: {  	v1 =	vld [tilespmem:s28+$0x0];
	_ =	sdelay $0x4  }
0x154: {  	[tilespmem:s2+$0x288] =	vst v1  }
0x155: {  	v1 =	vld [tilespmem:s28+$0x10];
	_ =	sdelay $0x4  }
0x156: {  	[tilespmem:s2+$0x298] =	vst v1  }
0x157: {  	v1 =	vld [tilespmem:s28+$0x20];
	_ =	sdelay $0x4  }
0x158: {  	[tilespmem:s2+$0x2A8] =	vst v1  }
0x159: {  	v1 =	vld [tilespmem:s28+$0x30];
	_ =	sdelay $0x4  }
0x15a: {  	[tilespmem:s2+$0x2B8] =	vst v1  }
0x15b: {  	v1 =	vld [tilespmem:s28+$0x40];
	_ =	sdelay $0x4  }
0x15c: {  	[tilespmem:s2+$0x2C8] =	vst v1  }
0x15d: {  	v1 =	vld [tilespmem:s28+$0x50];
	_ =	sdelay $0x4  }
0x15e: {  	[tilespmem:s2+$0x2D8] =	vst v1  }
0x15f: {  	v1 =	vld [tilespmem:s28+$0x60];
	_ =	sdelay $0x4  }
0x160: {  	[tilespmem:s2+$0x2E8] =	vst v1  }
0x161: {  	v1 =	vld [tilespmem:s28+$0x70]  }
.Ltmp21:
0x162: {  	_ = 	snop;
	(pc) =	sbr.rel .LBB2_23-.Ltmp21, $2  }
0x163: {  	_ =	sdelay $0x2  }
0x164: {  	s30 =	sadd.s32 $0x1, s30;
	[tilespmem:s2+$0x2F8] =	vst v1  }
.LBB2_25:
.Ltmp22:
0x165: {  	(pc) =	sbr.rel .LBB2_26-.Ltmp22, $4  }
0x166: {  	_ = 	snop  }
0x167: {  	s0 =	simm.s32 $0x2  }
0x168: {  	_ =	swait.ge [sflag:s0], $0x0  }
0x169: {  	s2 =	simm.s32 $0x0;
	[sflag:s0] =	ssyncset.done $0x0;
	s0 =	smov.u32 s31  }
.LBB2_28:
0x16a: {  	_ =	sfence.sel $0x180000  }
0x16b: {  	s0 =	simm.s32 $0x9;
	[bflag:$0x0] =	sbarrier.arrive $0xFFFF  }
0x16c: {  	s24 =	simm.s32 $0xA;
	[sflag:s0] =	ssyncpa.u1 $0x1  }
0x16d: {  	s25 =	simm.s32 $0xB;
	[sflag:s24] =	ssyncpa.u1 $0x1  }
0x16e: {  	s26 =	simm.s32 $0x2;
	[sflag:s25] =	ssyncpa.u1 $0x1  }
0x16f: {  	[sflag:s26] =	ssyncpa.u1 $0x1  }
0x170: {  	v0 =	vld [tilespmem:$0xE408];
	_ =	sdelay $0x4  }
0x171: {  	(v2sf) =	vpush v0, $0x0  }
0x172: {  	(v2sf) =	vpush v0, $0x1;
	_ =	sdelay $0x1  }
0x173: {  	(v2sf) =	vpush v0, $0x2;
	_ =	sdelay $0xb  }
0x174: {  	s0 =	spop (v2sf)  }
0x175: {  	s2 =	spop (v2sf)  }
0x176: {  	s3 =	smov.u32 s0;
	p0 =	sne.s32 s0, s2  }
0x177: {  	s4 =	spop (v2sf);
	s3 =	simm.s32 @!p0 $0xFFFFFFFF  }
0x178: {  	v2 =	vimm.s32 $0x1;
	v3 =	vlaneseq.u32;
	p0 =	seq.s32 s4, $0xFFFFFFFF;
	v1 =	vmov s3  }
0x179: {  	s15 =	stileid.u32;
	v0 =	vperm.xlane v0, v2;
	p1 =	sne.s32 @!p0 s0, s2;
	v1 =	vperm.xlane v1, v3  }
0x17a: {  	vm0 =	vcmask $0x3F04;
	s6 =	simm.s32 $0xE408;
	s0 =	simm.s32 @!p0 $0x1;
	p1 =	por !p1, p0  }
0x17b: {  	s3 =	sshll.u32 s15, $0x1;
	s2 =	sshll.u32 @!p0 s4, $0xA;
	s0 =	simm.s32 @p1 $0x0;
	v0 =	vsel vm0, v1, v0  }
0x17c: {  	s5 =	sor.u32 $0x2000, s3;
	s2 =	sshra.s32 @!p0 s2, $0x2;
	s0 =	sor.u32 @!p0 s0, s3;
	[tilespmem:$0xE408] =	vst v0  }
0x17d: {  	[spmem:s5] =	stream.linear.scatter [tilespmem:s6], [sflag:$0x1], $0x2, $0x38;
	[tilespmem:$0x1E678] =	vst v63  }
0x17e: {  	s2 =	sadd.s32 @!p0 $0x208, s2;
	s0 =	sshll.u32 @!p0 s0, $0x8  }
0x17f: {  	[spmem:s0] =	stream.linear.scatter @!p0 [tilespmem:s2], [sflag:$0x1], $0x100, $0x38;
	[tilespmem:$0x1E678] =	vst v63  }
0x180: {  	s0 =	simm.s32 @!p0 $0x102  }
0x181: {  	s28 =	simm.s32 $0x1;
	s0 =	simm.s32 @p0 $0x2  }
0x182: {  	_ =	swait.ge [sflag:s28], s0  }
0x183: {  	s0 =	ssub.s32 $0x0, s0;
	[sflag:s28] =	ssyncset.done $0x0  }
0x184: {  	p0 =	sne.s32 s15, $0x0;
	[sflag:s28] =	ssyncadd.s32 s0  }
.Ltmp23:
0x185: {  	_ =	sfence.stream.spmem;
	(pc) =	sbr.rel @p0 .LBB2_45-.Ltmp23, $4  }
0x186: {  	s29 =	simm.s32 $0x3;
	[bflag:$0x0] =	sbarrier.arrive $0xFFFF  }
0x187: {  	s30 =	simm.s32 $0x4;
	[sflag:s29] =	ssyncpa.u1 $0x1  }
0x188: {  	s31 =	simm.s32 $0x3C;
	[sflag:s30] =	ssyncpa.u1 $0x1  }
0x189: {  	s14 =	rddreg [dreg:$0x4];
	[sflag:s31] =	ssyncpa.u1 $0x1  }
0x18a: {  	_ =	sfence.stream.spmem;
	s0 =	simm.s32 $0x5  }
0x18b: {  	s2 =	simm.s32 $0x2000;
	s3 =	simm.s32 $0xE418;
	[sflag:s0] =	ssyncpa.u1 $0x0  }
0x18c: {  	[tilespmem:s3], [sflag:$0x5] =	stream.linear.gather [spmem:s2], $0x20, $0x38;
	[tilespmem:$0x1E678] =	vst v63  }
0x18d: {  	s26 =	simm.s32 $0x0;
	s28 =	simm.s32 $0xE438  }
0x18e: {  	[tilespmem:s28], [sflag:$0x5] =	stream.linear.gather [spmem:s26], $0x2000, $0x38;
	[tilespmem:$0x1E678] =	vst v63  }
0x18f: {  	_ =	swait.ge [sflag:s0], $0x2020  }
0x190: {  	[sflag:s0] =	ssyncset.done $0x0  }
0x191: {  	s29 =	simm.s32 $0x0;
	[sflag:s0] =	ssyncadd.s32 $0xFFFFDFE0  }
0x192: {  	v0 =	vld.msk [tilespmem:s29+$0xE418], $0x1;
	_ =	sdelay $0x1  }
0x193: {  	s30 =	simm.s32 $0x1  }
0x194: {  	v1 =	vld.msk [tilespmem:s30+$0xE418], $0x1;
	_ =	sdelay $0x1  }
0x195: {  	(v2sf) =	vpush v0, $0x0;
	_ =	sdelay $0x2  }
0x196: {  	(v2sf) =	vpush v1, $0x0;
	_ =	sdelay $0x2  }
0x197: {  	s31 =	simm.s32 $0x2  }
0x198: {  	v0 =	vld.msk [tilespmem:s31+$0xE418], $0x1;
	_ =	sdelay $0x2  }
0x199: {  	s2 =	simm.s32 $0xFFFFFFFF;
	s3 =	simm.s32 $0xFFFFFFFF;
	s0 =	simm.s32 $0xC  }
.LBB2_30:
0x19a: {  	s4 =	smov.u32 s3;
	s5 =	smov.u32 s2  }
0x19b: {  	s2 =	sshra.s32 s0, $0x2;
	p1 =	sne.s32 s0, $0x7C;
	s0 =	sadd.s32 $0x4, s0;
	(v2sf) =	vpush v0, $0x0  }
0x19c: {  	v0 =	vld.msk [tilespmem:s2+$0xE418], $0x1  }
.Ltmp24:
0x19d: {  	(pc) =	sbr.rel @p1 .LBB2_30-.Ltmp24, $4  }
0x19e: {  	s3 =	spop (v2sf)  }
0x19f: {  	p2 =	sne.s32 s5, $0xFFFFFFFF;
	s2 =	smov.u32 s3  }
0x1a0: {  	p3 =	seq.s32 s3, $0xFFFFFFFF;
	s2 =	smov.u32 @p2 s5  }
0x1a1: {  	s3 =	smov.u32 @p3 s4;
	s2 =	smov.u32 @p3 s5  }
0x1a2: {  	(v2sf) =	vpush v0, $0x0;
	_ =	sdelay $0x8  }
0x1a3: {  	s0 =	spop (v2sf)  }
0x1a4: {  	p1 =	sne.s32 s2, $0xFFFFFFFF;
	s9 =	simm.s32 $0x6;
	s4 =	smov.u32 s0  }
0x1a5: {  	s6 =	simm.s32 $0x0;
	p2 =	seq.s32 s0, $0xFFFFFFFF;
	s4 =	smov.u32 @p1 s2  }
0x1a6: {  	s10 =	simm.s32 $0xE308;
	s4 =	smov.u32 @p2 s2;
	s2 =	spop (v2sf)  }
0x1a7: {  	s0 =	smov.u32 @p2 s3;
	p1 =	sne.s32 s4, $0xFFFFFFFF;
	s5 =	smov.u32 s2  }
.Ltmp25:
0x1a8: {  	p2 =	seq.s32 s2, $0xFFFFFFFF;
	s5 =	smov.u32 @p1 s4;
	(pc) =	sbr.rel .LBB2_32-.Ltmp25, $4  }
0x1a9: {  	s11 =	simm.s32 $0xE388;
	s5 =	smov.u32 @p2 s4;
	s7 =	spop (v2sf)  }
0x1aa: {  	s12 =	simm.s32 $0x0;
	p1 =	sne.s32 s5, $0xFFFFFFFF;
	s8 =	smov.u32 s7  }
0x1ab: {  	s2 =	smov.u32 @p2 s0;
	p2 =	seq.s32 s7, $0xFFFFFFFF;
	s8 =	smov.u32 @p1 s5  }
0x1ac: {  	[sflag:s9] =	ssyncpa.u1 $0x0;
	s7 =	smov.u32 @p2 s2;
	s8 =	smov.u32 @p2 s5  }
.LBB2_38:
0x1ad: {  	p1 =	sgt.u32 s0, $0x4E170  }
0x1ae: {  	p2 =	seq.s32 @!p1 s0, s8  }
0x1af: {  	p1 =	por p1, p2  }
0x1b0: {  	p2 =	sne.s32 @!p1 s0, s7  }
0x1b1: {  	p1 =	por p1, !p2  }
0x1b2: {  	s0 =	sshll.u32 @p1 s12, $0xA  }
0x1b3: {  	s2 =	sand.u32 @!p1 $0x7FFF8, s0;
	s3 =	sand.u32 @!p1 $0x7, s0;
	s0 =	sadd.s32 @!p1 $0x80, s0  }
0x1b4: {  	s2 =	sadd.s32 @!p1 s1, s2;
	s0 =	sand.u32 @!p1 $0xFFFF8, s0  }
0x1b5: {  	[tilespmem:s10], [sflag:$0x6] =	stream.linear.gather @!p1 [hbm4b:s2+s3], $0x80, $0x38;
	[tilespmem:$0x1E678] =	vst v63  }
0x1b6: {  	s0 =	sadd.s32 @!p1 s1, s0  }
0x1b7: {  	[tilespmem:s11], [sflag:$0x6] =	stream.linear.gather @!p1 [hbm4b:s0+s3], $0x80, $0x38;
	[tilespmem:$0x1E678] =	vst v63  }
0x1b8: {  	_ =	swait.ge @!p1 [sflag:s9], $0x100  }
0x1b9: {  	[sflag:s9] =	ssyncset.done @!p1 $0x0  }
0x1ba: {  	[sflag:s9] =	ssyncadd.s32 @!p1 $0xFFFFFF00  }
0x1bb: {  	v1 =	vld @!p1 [tilespmem:$0xE308];
	_ =	sdelay $0x2  }
0x1bc: {  	s0 =	sshll.u32 @!p1 s12, $0xA  }
0x1bd: {  	s2 =	sshrl.u32 @!p1 s0, $0x2  }
0x1be: {  	[tilespmem:s2+$0xE438] =	vst.add.f32.msk @!p1 $0xffff, v1  }
0x1bf: {  	v1 =	vld @!p1 [tilespmem:$0xE318];
	_ =	sdelay $0x4  }
0x1c0: {  	[tilespmem:s2+$0xE448] =	vst.add.f32.msk @!p1 $0xffff, v1  }
0x1c1: {  	v1 =	vld @!p1 [tilespmem:$0xE328];
	_ =	sdelay $0x4  }
0x1c2: {  	[tilespmem:s2+$0xE458] =	vst.add.f32.msk @!p1 $0xffff, v1  }
0x1c3: {  	v1 =	vld @!p1 [tilespmem:$0xE338];
	_ =	sdelay $0x4  }
0x1c4: {  	[tilespmem:s2+$0xE468] =	vst.add.f32.msk @!p1 $0xffff, v1  }
0x1c5: {  	v1 =	vld @!p1 [tilespmem:$0xE348];
	_ =	sdelay $0x4  }
0x1c6: {  	[tilespmem:s2+$0xE478] =	vst.add.f32.msk @!p1 $0xffff, v1  }
0x1c7: {  	v1 =	vld @!p1 [tilespmem:$0xE358];
	_ =	sdelay $0x4  }
0x1c8: {  	[tilespmem:s2+$0xE488] =	vst.add.f32.msk @!p1 $0xffff, v1  }
0x1c9: {  	v1 =	vld @!p1 [tilespmem:$0xE368];
	_ =	sdelay $0x4  }
0x1ca: {  	[tilespmem:s2+$0xE498] =	vst.add.f32.msk @!p1 $0xffff, v1  }
0x1cb: {  	v1 =	vld @!p1 [tilespmem:$0xE378];
	_ =	sdelay $0x4  }
0x1cc: {  	[tilespmem:s2+$0xE4A8] =	vst.add.f32.msk @!p1 $0xffff, v1  }
0x1cd: {  	v1 =	vld @!p1 [tilespmem:$0xE388];
	_ =	sdelay $0x4  }
0x1ce: {  	[tilespmem:s2+$0xE4B8] =	vst.add.f32.msk @!p1 $0xffff, v1  }
0x1cf: {  	v1 =	vld @!p1 [tilespmem:$0xE398];
	_ =	sdelay $0x4  }
0x1d0: {  	[tilespmem:s2+$0xE4C8] =	vst.add.f32.msk @!p1 $0xffff, v1  }
0x1d1: {  	v1 =	vld @!p1 [tilespmem:$0xE3A8];
	_ =	sdelay $0x4  }
0x1d2: {  	[tilespmem:s2+$0xE4D8] =	vst.add.f32.msk @!p1 $0xffff, v1  }
0x1d3: {  	v1 =	vld @!p1 [tilespmem:$0xE3B8];
	_ =	sdelay $0x4  }
0x1d4: {  	[tilespmem:s2+$0xE4E8] =	vst.add.f32.msk @!p1 $0xffff, v1  }
0x1d5: {  	v1 =	vld @!p1 [tilespmem:$0xE3C8];
	_ =	sdelay $0x4  }
0x1d6: {  	[tilespmem:s2+$0xE4F8] =	vst.add.f32.msk @!p1 $0xffff, v1  }
0x1d7: {  	v1 =	vld @!p1 [tilespmem:$0xE3D8];
	_ =	sdelay $0x4  }
0x1d8: {  	[tilespmem:s2+$0xE508] =	vst.add.f32.msk @!p1 $0xffff, v1  }
0x1d9: {  	v1 =	vld @!p1 [tilespmem:$0xE3E8];
	_ =	sdelay $0x4  }
0x1da: {  	[tilespmem:s2+$0xE518] =	vst.add.f32.msk @!p1 $0xffff, v1  }
0x1db: {  	v1 =	vld @!p1 [tilespmem:$0xE3F8];
	_ =	sdelay $0x4  }
0x1dc: {  	[tilespmem:s2+$0xE528] =	vst.add.f32.msk @!p1 $0xffff, v1  }
0x1dd: {  	s0 =	sshrl.u32 s0, $0x2;
	[tilespmem:s6+$0xE418] =	vst.msk $0x1, v0  }
0x1de: {  	v0 =	vld [tilespmem:s0+$0xE438];
	_ =	sdelay $0x2  }
0x1df: {  	s31 =	sshll.u32 s6, $0xA  }
0x1e0: {  	s2 =	sshra.s32 s31, $0x2  }
0x1e1: {  	[tilespmem:s2+$0xE438] =	vst v0  }
0x1e2: {  	v0 =	vld [tilespmem:s0+$0xE448];
	_ =	sdelay $0x4  }
0x1e3: {  	[tilespmem:s2+$0xE448] =	vst v0  }
0x1e4: {  	v0 =	vld [tilespmem:s0+$0xE458];
	_ =	sdelay $0x4  }
0x1e5: {  	[tilespmem:s2+$0xE458] =	vst v0  }
0x1e6: {  	v0 =	vld [tilespmem:s0+$0xE468];
	_ =	sdelay $0x4  }
0x1e7: {  	[tilespmem:s2+$0xE468] =	vst v0  }
0x1e8: {  	v0 =	vld [tilespmem:s0+$0xE478];
	_ =	sdelay $0x4  }
0x1e9: {  	[tilespmem:s2+$0xE478] =	vst v0  }
0x1ea: {  	v0 =	vld [tilespmem:s0+$0xE488];
	_ =	sdelay $0x4  }
0x1eb: {  	[tilespmem:s2+$0xE488] =	vst v0  }
0x1ec: {  	v0 =	vld [tilespmem:s0+$0xE498];
	_ =	sdelay $0x4  }
0x1ed: {  	[tilespmem:s2+$0xE498] =	vst v0  }
0x1ee: {  	v0 =	vld [tilespmem:s0+$0xE4A8];
	_ =	sdelay $0x4  }
0x1ef: {  	[tilespmem:s2+$0xE4A8] =	vst v0  }
0x1f0: {  	v0 =	vld [tilespmem:s0+$0xE4B8];
	_ =	sdelay $0x4  }
0x1f1: {  	[tilespmem:s2+$0xE4B8] =	vst v0  }
0x1f2: {  	v0 =	vld [tilespmem:s0+$0xE4C8];
	_ =	sdelay $0x4  }
0x1f3: {  	[tilespmem:s2+$0xE4C8] =	vst v0  }
0x1f4: {  	v0 =	vld [tilespmem:s0+$0xE4D8];
	_ =	sdelay $0x4  }
0x1f5: {  	[tilespmem:s2+$0xE4D8] =	vst v0  }
0x1f6: {  	v0 =	vld [tilespmem:s0+$0xE4E8];
	_ =	sdelay $0x4  }
0x1f7: {  	[tilespmem:s2+$0xE4E8] =	vst v0  }
0x1f8: {  	v0 =	vld [tilespmem:s0+$0xE4F8];
	_ =	sdelay $0x4  }
0x1f9: {  	[tilespmem:s2+$0xE4F8] =	vst v0  }
0x1fa: {  	v0 =	vld [tilespmem:s0+$0xE508];
	_ =	sdelay $0x4  }
0x1fb: {  	[tilespmem:s2+$0xE508] =	vst v0  }
0x1fc: {  	v0 =	vld [tilespmem:s0+$0xE518];
	_ =	sdelay $0x4  }
0x1fd: {  	[tilespmem:s2+$0xE518] =	vst v0  }
0x1fe: {  	v0 =	vld [tilespmem:s0+$0xE528];
	_ =	sdelay $0x4  }
0x1ff: {  	s6 =	sadd.s32 $0x1, s6;
	[tilespmem:s2+$0xE528] =	vst v0  }
.LBB2_39:
0x200: {  	s12 =	sadd.s32 $0x1, s12  }
0x201: {  	p1 =	sne.s32 s12, $0x20  }
.Ltmp26:
0x202: {  	_ = 	snop;
	(pc) =	sbr.rel @!p1 .LBB2_40-.Ltmp26, $1  }
0x203: {  	_ =	sdelay $0x3  }
.LBB2_32:
0x204: {  	v0 =	vld.msk [tilespmem:s12+$0xE418], $0x1;
	_ =	sdelay $0x4  }
0x205: {  	(v2sf) =	vpush v0, $0x0;
	_ =	sdelay $0xe  }
0x206: {  	s0 =	spop (v2sf)  }
0x207: {  	p1 =	seq.s32 s0, $0xFFFFFFFF  }
.Ltmp27:
0x208: {  	_ = 	snop;
	(pc) =	sbr.rel @p1 .LBB2_39-.Ltmp27, $1  }
0x209: {  	_ =	sdelay $0x3  }
0x20a: {  	p1 =	slt.s32 s6, $0x1  }
.Ltmp28:
0x20b: {  	_ = 	snop;
	(pc) =	sbr.rel @p1 .LBB2_38-.Ltmp28, $1  }
0x20c: {  	_ =	sdelay $0x3  }
0x20d: {  	s4 =	simm.s32 $0xE418;
	p1 =	por $0x0, $0x0  }
0x20e: {  	v1 =	vld.msk @!p1 [tilespmem:s4+$0x0], $0x1;
	_ =	sdelay $0x4  }
0x20f: {  	(v2sf) =	vpush @!p1 v1, $0x0;
	_ =	sdelay $0xd  }
0x210: {  	p3 =	sne.s32 s6, $0x1  }
.Ltmp29:
0x211: {  	s2 =	spop @!p1 (v2sf);
	(pc) =	sbr.rel @!p3 .LBB2_36-.Ltmp29, $4  }
0x212: {  	p2 =	seq.s32 @!p1 s0, s2  }
0x213: {  	s5 =	simm.s32 $0x0;
	p2 =	por !p2, p1  }
0x214: {  	s2 =	simm.s32 $0xFFFFFFFF;
	s5 =	simm.s32 @p2 $0xFFFFFFFF  }
0x215: {  	s13 =	simm.s32 $0x1;
	s5 =	smov.u32 @p1 s2  }
.LBB2_35:
0x216: {  	s2 =	smov.u32 s5;
	p1 =	sne.s32 s5, $0xFFFFFFFF  }
0x217: {  	s4 =	sadd.s32 $0x1, s4;
	s5 =	smov.u32 s13;
	s13 =	sadd.s32 $0x1, s13  }
0x218: {  	p2 =	sne.s32 s6, s13;
	v1 =	vld.msk @!p1 [tilespmem:s4+$0x0], $0x1;
	_ =	sdelay $0x4  }
0x219: {  	(v2sf) =	vpush @!p1 v1, $0x0;
	_ =	sdelay $0xe  }
.Ltmp30:
0x21a: {  	s3 =	spop @!p1 (v2sf);
	(pc) =	sbr.rel @p2 .LBB2_35-.Ltmp30, $4  }
0x21b: {  	p3 =	seq.s32 @!p1 s0, s3  }
0x21c: {  	p3 =	por !p3, p1  }
0x21d: {  	s5 =	simm.s32 @p3 $0xFFFFFFFF  }
0x21e: {  	s5 =	smov.u32 @p1 s2  }
.LBB2_36:
0x21f: {  	p1 =	seq.s32 s5, $0xFFFFFFFF  }
.Ltmp31:
0x220: {  	_ = 	snop;
	(pc) =	sbr.rel @p1 .LBB2_38-.Ltmp31, $1  }
0x221: {  	_ =	sdelay $0x3  }
0x222: {  	s0 =	sshll.u32 s12, $0x8  }
0x223: {  	s0 =	sand.u32 $0x3FFFFF00, s0  }
0x224: {  	v0 =	vld [tilespmem:s0+$0xE438];
	_ =	sdelay $0x2  }
0x225: {  	s2 =	sshll.u32 s5, $0xA  }
0x226: {  	s2 =	sshra.s32 s2, $0x2  }
0x227: {  	[tilespmem:s2+$0xE438] =	vst.add.f32.msk $0xffff, v0  }
0x228: {  	v0 =	vld [tilespmem:s0+$0xE448];
	_ =	sdelay $0x4  }
0x229: {  	[tilespmem:s2+$0xE448] =	vst.add.f32.msk $0xffff, v0  }
0x22a: {  	v0 =	vld [tilespmem:s0+$0xE458];
	_ =	sdelay $0x4  }
0x22b: {  	[tilespmem:s2+$0xE458] =	vst.add.f32.msk $0xffff, v0  }
0x22c: {  	v0 =	vld [tilespmem:s0+$0xE468];
	_ =	sdelay $0x4  }
0x22d: {  	[tilespmem:s2+$0xE468] =	vst.add.f32.msk $0xffff, v0  }
0x22e: {  	v0 =	vld [tilespmem:s0+$0xE478];
	_ =	sdelay $0x4  }
0x22f: {  	[tilespmem:s2+$0xE478] =	vst.add.f32.msk $0xffff, v0  }
0x230: {  	v0 =	vld [tilespmem:s0+$0xE488];
	_ =	sdelay $0x4  }
0x231: {  	[tilespmem:s2+$0xE488] =	vst.add.f32.msk $0xffff, v0  }
0x232: {  	v0 =	vld [tilespmem:s0+$0xE498];
	_ =	sdelay $0x4  }
0x233: {  	[tilespmem:s2+$0xE498] =	vst.add.f32.msk $0xffff, v0  }
0x234: {  	v0 =	vld [tilespmem:s0+$0xE4A8];
	_ =	sdelay $0x4  }
0x235: {  	[tilespmem:s2+$0xE4A8] =	vst.add.f32.msk $0xffff, v0  }
0x236: {  	v0 =	vld [tilespmem:s0+$0xE4B8];
	_ =	sdelay $0x4  }
0x237: {  	[tilespmem:s2+$0xE4B8] =	vst.add.f32.msk $0xffff, v0  }
0x238: {  	v0 =	vld [tilespmem:s0+$0xE4C8];
	_ =	sdelay $0x4  }
0x239: {  	[tilespmem:s2+$0xE4C8] =	vst.add.f32.msk $0xffff, v0  }
0x23a: {  	v0 =	vld [tilespmem:s0+$0xE4D8];
	_ =	sdelay $0x4  }
0x23b: {  	[tilespmem:s2+$0xE4D8] =	vst.add.f32.msk $0xffff, v0  }
0x23c: {  	v0 =	vld [tilespmem:s0+$0xE4E8];
	_ =	sdelay $0x4  }
0x23d: {  	[tilespmem:s2+$0xE4E8] =	vst.add.f32.msk $0xffff, v0  }
0x23e: {  	v0 =	vld [tilespmem:s0+$0xE4F8];
	_ =	sdelay $0x4  }
0x23f: {  	[tilespmem:s2+$0xE4F8] =	vst.add.f32.msk $0xffff, v0  }
0x240: {  	v0 =	vld [tilespmem:s0+$0xE508];
	_ =	sdelay $0x4  }
0x241: {  	[tilespmem:s2+$0xE508] =	vst.add.f32.msk $0xffff, v0  }
0x242: {  	v0 =	vld [tilespmem:s0+$0xE518];
	_ =	sdelay $0x4  }
0x243: {  	[tilespmem:s2+$0xE518] =	vst.add.f32.msk $0xffff, v0  }
0x244: {  	v0 =	vld [tilespmem:s0+$0xE528]  }
.Ltmp32:
0x245: {  	_ = 	snop;
	(pc) =	sbr.rel .LBB2_39-.Ltmp32, $2  }
0x246: {  	_ =	sdelay $0x2  }
0x247: {  	[tilespmem:s2+$0xE528] =	vst.add.f32.msk $0xffff, v0  }
.LBB2_40:
0x248: {  	s0 =	simm.s32 $0x6;
	p1 =	seq.s32 s6, $0x0  }
0x249: {  	[sflag:s0] =	ssyncpa.u1 $0x1;
	v0 =	vimm.s32 @p1 $0xFFFFFFFF  }
0x24a: {  	s0 =	sadd.s32 $0xFFFFFFFF, s6;
	[tilespmem:$0x10438] =	vst @p1 v0  }
0x24b: {  	v0 =	vld.msk @!p1 [tilespmem:s0+$0xE418], $0x1;
	_ =	sdelay $0x1  }
0x24c: {  	v1 =	vld.msk @!p1 [tilespmem:$0xE418], $0x1;
	_ =	sdelay $0x2  }
0x24d: {  	p2 =	seq.s32 @!p1 s0, $0x0;
	v0 =	vbroadcast @!p1 v0, $0x0  }
0x24e: {  	vm0 =	vmmov @!p1 $0x1;
	p2 =	por !p2, p1  }
0x24f: {  	v1 =	vnsel @!p1 vm0, $0xFFFFFFFF, v1;
	vm0 =	vcmask @!p1 $0x308;
	v0 =	vpsel !p2, $0xFFFFFFFF, v0  }
0x250: {  	p2 =	sne.s32 @!p1 s8, s7;
	v0 =	vsel @!p1 vm0, v1, v0  }
0x251: {  	s2 =	simm.s32 @!p1 $0xE438;
	s3 =	simm.s32 @!p1 $0x0;
	p3 =	por !p2, p1;
	[tilespmem:$0x10438] =	vst @!p1 v0  }
0x252: {  	[spmem:s3] =	stream.linear.scatter @!p1 [tilespmem:s2], [sflag:$0x1], $0x100, $0x38;
	[tilespmem:$0x1E678] =	vst v63  }
0x253: {  	s2 =	sshll.u32 @!p3 s0, $0xA  }
0x254: {  	s2 =	sshra.s32 @!p3 s2, $0x2  }
0x255: {  	s3 =	simm.s32 @!p3 $0x100;
	s2 =	sadd.s32 @!p3 $0xE438, s2  }
0x256: {  	[spmem:s3] =	stream.linear.scatter @!p3 [tilespmem:s2], [sflag:$0x1], $0x100, $0x38;
	[tilespmem:$0x1E678] =	vst v63  }
0x257: {  	s2 =	simm.s32 @!p3 $0x1  }
0x258: {  	_ =	swait.ge @!p3 [sflag:s2], $0x200  }
0x259: {  	p1 =	por p2, p1;
	[sflag:s2] =	ssyncset.done @!p3 $0x0  }
0x25a: {  	[sflag:s2] =	ssyncadd.s32 @!p3 $0xFFFFFE00;
	s2 =	simm.s32 @!p1 $0x1  }
0x25b: {  	_ =	swait.ge @!p1 [sflag:s2], $0x100  }
0x25c: {  	s29 =	simm.s32 $0x10438;
	[sflag:s2] =	ssyncset.done @!p1 $0x0  }
0x25d: {  	s30 =	simm.s32 $0x2000;
	s31 =	simm.s32 $0x1;
	[sflag:s2] =	ssyncadd.s32 @!p1 $0xFFFFFF00  }
0x25e: {  	[spmem:s30] =	stream.linear.scatter [tilespmem:s29], [sflag:$0x1], $0x10, $0x38;
	[tilespmem:$0x1E678] =	vst v63  }
0x25f: {  	_ =	swait.ge [sflag:s31], $0x10  }
0x260: {  	[sflag:s31] =	ssyncset.done $0x0  }
0x261: {  	p1 =	seq.s32 s14, $0x0;
	s9 =	rddreg [dreg:$0x1];
	[sflag:s31] =	ssyncadd.s32 $0xFFFFFFF0  }
0x262: {  	s3 =	sshll.u32 @p1 s9, $0xE;
	s8 =	rddreg [dreg:$0x2]  }
0x263: {  	s2 =	sadd.s32 @p1 $0x15C3C, s3;
	s3 =	sshll.u32 @p1 s8, $0x11  }
0x264: {  	_ =	sfence.stream.spmem;
	s2 =	sor.u32 @p1 s3, s2  }
0x265: {  	[sflag:s2] =	ssyncadd.remote.s32 @p1 $0x1;
	s2 =	simm.s32 @p1 $0x4  }
0x266: {  	s4 =	simm.s32 @!p1 $0x3C;
	s3 =	sand.u32 $0xFFFFFFFE, s9;
	_ =	swait.ge @p1 [sflag:s2], $0x42  }
0x267: {  	s5 =	simm.s32 @!p1 $0x0;
	s3 =	sadd.s32 @!p1 $0x4, s3;
	[sflag:s2] =	ssyncset.done @p1 $0x0  }
0x268: {  	s7 =	simm.s32 @!p1 $0x200;
	[sflag:s2] =	ssyncadd.s32 @p1 $0xFFFFFFBE;
	s2 =	sshll.u32 @!p1 s3, $0x1A  }
0x269: {  	s3 =	sshll.u32 @!p1 s3, $0xD;
	s2 =	sor.u32 @!p1 s2, s8;
	_ =	swait.eq @!p1 [sflag:s4], $0x1  }
0x26a: {  	s3 =	sor.u32 @!p1 $0x1C04, s3;
	s4 =	simm.s32 @!p1 $0x1C03;
	s2 =	sor.u32 @!p1 $0x80004000, s2  }
0x26b: {  	[spmem:s7], [sflag:s3] =	dma.general @!p1 [spmem:s5], [sflag:s4], length:$0x40, [dreg:$0x0], stride_count:$0x0, ici_dest:s2, dma_misc:DstOpCode:WRITE  }
0x26c: {  	p2 =	slt.s32 s0, $0x2;
	s5 =	simm.s32 @!p1 $0x400;
	s7 =	simm.s32 @!p1 $0x402  }
0x26d: {  	[spmem:s7], [sflag:s3] =	dma.general @!p1 [spmem:s5], [sflag:s4], length:$0x2, [dreg:$0x0], stride_count:$0x0, ici_dest:s2, dma_misc:DstOpCode:WRITE  }
.Ltmp33:
0x26e: {  	s2 =	simm.s32 @!p1 $0x3;
	(pc) =	sbr.rel @p2 .LBB2_44-.Ltmp33, $4  }
0x26f: {  	s3 =	sshll.u32 @!p1 s9, $0xE;
	_ =	swait.ge @!p1 [sflag:s2], $0x42  }
0x270: {  	s4 =	sshll.u32 @!p1 s8, $0x11;
	s3 =	sadd.s32 @!p1 $0x11C3C, s3;
	[sflag:s2] =	ssyncset.done @!p1 $0x0  }
0x271: {  	[sflag:s2] =	ssyncadd.s32 @!p1 $0xFFFFFFBE;
	s2 =	sor.u32 @!p1 s4, s3  }
0x272: {  	s0 =	simm.s32 $0x0;
	[sflag:s2] =	ssyncadd.remote.s32 @!p1 $0xFFFFFFFF  }
0x273: {  	s0 =	simm.s32 $0xE419  }
0x274: {  	v0 =	vld.msk [tilespmem:s0+$0x0], $0x1;
	_ =	sdelay $0x4  }
0x275: {  	(v2sf) =	vpush v0, $0x0;
	_ =	sdelay $0xd  }
0x276: {  	s31 =	sadd.s32 $0xFFFFFFFE, s6  }
0x277: {  	s6 =	simm.s32 $0x0;
	s0 =	sadd.s32 $0xFFFFFFFF, s31;
	s2 =	spop (v2sf)  }
0x278: {  	s3 =	simm.s32 $0xE538;
	p1 =	sne.s32 s0, $0x0;
	p2 =	sgt.u32 s2, $0x4E170  }
.Ltmp34:
0x279: {  	s4 =	simm.s32 $0xE638;
	s5 =	sand.u32 @!p2 $0x7FFF8, s2;
	(pc) =	sbr.rel @!p1 .LBB2_43-.Ltmp34, $4  }
0x27a: {  	s7 =	sadd.s32 @!p2 $0x80, s2;
	s2 =	sand.u32 @!p2 $0x7, s2;
	s6 =	simm.s32 @!p2 $0x400  }
0x27b: {  	s5 =	sadd.s32 @!p2 s1, s5;
	s7 =	sand.u32 @!p2 $0xFFFF8, s7;
	s6 =	sadd.s32 $0x0, s6  }
0x27c: {  	[hbm4b:s5+s2] =	stream.linear.scatter @!p2 [tilespmem:s3], [sflag:$0x5], $0x80, $0x38;
	[tilespmem:$0x1E678] =	vst v63  }
0x27d: {  	s5 =	simm.s32 $0xE41A;
	s3 =	simm.s32 @!p2 $0xE5B8;
	s7 =	sadd.s32 @!p2 s1, s7  }
.LBB2_42:
0x27e: {  	[hbm4b:s7+s2] =	stream.linear.scatter @!p2 [tilespmem:s3], [sflag:$0x5], $0x80, $0x38;
	[tilespmem:$0x1E678] =	vst v63  }
0x27f: {  	s0 =	sadd.s32 $0xFFFFFFFF, s0;
	s3 =	smov.u32 s4;
	v0 =	vld.msk [tilespmem:s5+$0x0], $0x1  }
0x280: {  	p1 =	sne.s32 s0, $0x0;
	_ =	sdelay $0x3  }
0x281: {  	(v2sf) =	vpush v0, $0x0;
	_ =	sdelay $0xe  }
0x282: {  	s4 =	sadd.s32 $0x100, s4;
	s8 =	simm.s32 $0x0;
	s2 =	spop (v2sf)  }
.Ltmp35:
0x283: {  	s5 =	sadd.s32 $0x1, s5;
	p2 =	sgt.u32 s2, $0x4E170;
	(pc) =	sbr.rel @p1 .LBB2_42-.Ltmp35, $4  }
0x284: {  	s8 =	simm.s32 @!p2 $0x400;
	s7 =	sand.u32 @!p2 $0x7FFF8, s2;
	s9 =	sadd.s32 @!p2 $0x80, s2  }
0x285: {  	s2 =	sand.u32 @!p2 $0x7, s2;
	s7 =	sadd.s32 @!p2 s1, s7;
	s9 =	sand.u32 @!p2 $0xFFFF8, s9  }
0x286: {  	[hbm4b:s7+s2] =	stream.linear.scatter @!p2 [tilespmem:s3], [sflag:$0x5], $0x80, $0x38;
	[tilespmem:$0x1E678] =	vst v63  }
0x287: {  	s6 =	sadd.s32 s6, s8;
	s3 =	sadd.s32 @!p2 $0x80, s3;
	s7 =	sadd.s32 @!p2 s1, s9  }
.LBB2_43:
0x288: {  	[hbm4b:s7+s2] =	stream.linear.scatter @!p2 [tilespmem:s3], [sflag:$0x5], $0x80, $0x38;
	[tilespmem:$0x1E678] =	vst v63  }
0x289: {  	s0 =	sshrl.u32 s6, $0x2  }
.LBB2_44:
0x28a: {  	s2 =	simm.s32 $0x5  }
0x28b: {  	_ =	swait.ge [sflag:s2], s0  }
0x28c: {  	s31 =	ssub.s32 $0x0, s0;
	[sflag:s2] =	ssyncset.done $0x0  }
0x28d: {  	[sflag:s2] =	ssyncadd.s32 s31  }
0x28e: {  	[sflag:s2] =	ssyncpa.u1 $0x1  }
.LBB2_45:
0x28f: {  	s0 =	sor.u32 s14, s15  }
0x290: {  	p1 =	sne.s32 s0, $0x0  }
.Ltmp36:
0x291: {  	_ = 	snop;
	(pc) =	sbr.rel @p1 .LBB2_60-.Ltmp36, $3  }
0x292: {  	_ =	sdelay $0x1  }
0x293: {  	[bflag:$0x0] =	sbarrier.arrive $0xFFFF  }
0x294: {  	_ =	sfence  }
0x295: {  	s0 =	simm.s32 $0x7  }
0x296: {  	s2 =	simm.s32 $0x2000;
	s3 =	simm.s32 $0xE418;
	[sflag:s0] =	ssyncpa.u1 $0x0  }
0x297: {  	[tilespmem:s3], [sflag:$0x7] =	stream.linear.gather [spmem:s2], $0x20, $0x38;
	[tilespmem:$0x1E678] =	vst v63  }
0x298: {  	s30 =	simm.s32 $0xE438;
	s2 =	simm.s32 $0x0  }
0x299: {  	[tilespmem:s30], [sflag:$0x7] =	stream.linear.gather [spmem:s2], $0x2000, $0x38;
	[tilespmem:$0x1E678] =	vst v63  }
.Ltmp37:
0x29a: {  	_ = 	snop;
	(pc) =	sbr.rel .LBB2_47-.Ltmp37, $4  }
0x29b: {  	_ =	swait.ge [sflag:s0], $0x2020  }
0x29c: {  	[sflag:s0] =	ssyncset.done $0x0  }
0x29d: {  	s31 =	simm.s32 $0x8;
	[sflag:s0] =	ssyncadd.s32 $0xFFFFDFE0  }
0x29e: {  	s3 =	simm.s32 $0x0;
	[sflag:s31] =	ssyncpa.u1 $0x0  }
.LBB2_53:
0x29f: {  	p1 =	slt.u32 s0, $0x4E171  }
0x2a0: {  	s4 =	sand.u32 @p1 $0x7FFF8, s0;
	s5 =	sand.u32 @p1 $0x7, s0;
	s0 =	sadd.s32 @p1 $0x80, s0  }
0x2a1: {  	s6 =	simm.s32 @p1 $0xE308;
	s4 =	sadd.s32 @p1 s1, s4;
	s0 =	sand.u32 @p1 $0xFFFF8, s0  }
0x2a2: {  	[tilespmem:s6], [sflag:$0x8] =	stream.linear.gather @p1 [hbm4b:s4+s5], $0x80, $0x38;
	[tilespmem:$0x1E678] =	vst v63  }
0x2a3: {  	s0 =	sadd.s32 @p1 s1, s0;
	s4 =	simm.s32 @p1 $0xE388  }
0x2a4: {  	[tilespmem:s4], [sflag:$0x8] =	stream.linear.gather @p1 [hbm4b:s0+s5], $0x80, $0x38;
	[tilespmem:$0x1E678] =	vst v63  }
0x2a5: {  	s0 =	simm.s32 @p1 $0x8  }
0x2a6: {  	_ =	swait.ge @p1 [sflag:s0], $0x100  }
0x2a7: {  	[sflag:s0] =	ssyncset.done @p1 $0x0  }
0x2a8: {  	[sflag:s0] =	ssyncadd.s32 @p1 $0xFFFFFF00  }
0x2a9: {  	v1 =	vld @p1 [tilespmem:$0xE308];
	_ =	sdelay $0x2  }
0x2aa: {  	s0 =	sshll.u32 @p1 s3, $0xA  }
0x2ab: {  	s4 =	sshrl.u32 @p1 s0, $0x2  }
0x2ac: {  	[tilespmem:s4+$0xE438] =	vst.add.f32.msk @p1 $0xffff, v1  }
0x2ad: {  	v1 =	vld @p1 [tilespmem:$0xE318];
	_ =	sdelay $0x4  }
0x2ae: {  	[tilespmem:s4+$0xE448] =	vst.add.f32.msk @p1 $0xffff, v1  }
0x2af: {  	v1 =	vld @p1 [tilespmem:$0xE328];
	_ =	sdelay $0x4  }
0x2b0: {  	[tilespmem:s4+$0xE458] =	vst.add.f32.msk @p1 $0xffff, v1  }
0x2b1: {  	v1 =	vld @p1 [tilespmem:$0xE338];
	_ =	sdelay $0x4  }
0x2b2: {  	[tilespmem:s4+$0xE468] =	vst.add.f32.msk @p1 $0xffff, v1  }
0x2b3: {  	v1 =	vld @p1 [tilespmem:$0xE348];
	_ =	sdelay $0x4  }
0x2b4: {  	[tilespmem:s4+$0xE478] =	vst.add.f32.msk @p1 $0xffff, v1  }
0x2b5: {  	v1 =	vld @p1 [tilespmem:$0xE358];
	_ =	sdelay $0x4  }
0x2b6: {  	[tilespmem:s4+$0xE488] =	vst.add.f32.msk @p1 $0xffff, v1  }
0x2b7: {  	v1 =	vld @p1 [tilespmem:$0xE368];
	_ =	sdelay $0x4  }
0x2b8: {  	[tilespmem:s4+$0xE498] =	vst.add.f32.msk @p1 $0xffff, v1  }
0x2b9: {  	v1 =	vld @p1 [tilespmem:$0xE378];
	_ =	sdelay $0x4  }
0x2ba: {  	[tilespmem:s4+$0xE4A8] =	vst.add.f32.msk @p1 $0xffff, v1  }
0x2bb: {  	v1 =	vld @p1 [tilespmem:$0xE388];
	_ =	sdelay $0x4  }
0x2bc: {  	[tilespmem:s4+$0xE4B8] =	vst.add.f32.msk @p1 $0xffff, v1  }
0x2bd: {  	v1 =	vld @p1 [tilespmem:$0xE398];
	_ =	sdelay $0x4  }
0x2be: {  	[tilespmem:s4+$0xE4C8] =	vst.add.f32.msk @p1 $0xffff, v1  }
0x2bf: {  	v1 =	vld @p1 [tilespmem:$0xE3A8];
	_ =	sdelay $0x4  }
0x2c0: {  	[tilespmem:s4+$0xE4D8] =	vst.add.f32.msk @p1 $0xffff, v1  }
0x2c1: {  	v1 =	vld @p1 [tilespmem:$0xE3B8];
	_ =	sdelay $0x4  }
0x2c2: {  	[tilespmem:s4+$0xE4E8] =	vst.add.f32.msk @p1 $0xffff, v1  }
0x2c3: {  	v1 =	vld @p1 [tilespmem:$0xE3C8];
	_ =	sdelay $0x4  }
0x2c4: {  	[tilespmem:s4+$0xE4F8] =	vst.add.f32.msk @p1 $0xffff, v1  }
0x2c5: {  	v1 =	vld @p1 [tilespmem:$0xE3D8];
	_ =	sdelay $0x4  }
0x2c6: {  	[tilespmem:s4+$0xE508] =	vst.add.f32.msk @p1 $0xffff, v1  }
0x2c7: {  	v1 =	vld @p1 [tilespmem:$0xE3E8];
	_ =	sdelay $0x4  }
0x2c8: {  	[tilespmem:s4+$0xE518] =	vst.add.f32.msk @p1 $0xffff, v1  }
0x2c9: {  	v1 =	vld @p1 [tilespmem:$0xE3F8];
	_ =	sdelay $0x3  }
0x2ca: {  	s5 =	sshll.u32 @!p1 s3, $0xA  }
0x2cb: {  	s5 =	smov.u32 @p1 s0;
	[tilespmem:s4+$0xE528] =	vst.add.f32.msk @p1 $0xffff, v1  }
0x2cc: {  	s0 =	sshrl.u32 s5, $0x2;
	[tilespmem:s2+$0xE418] =	vst.msk $0x1, v0  }
0x2cd: {  	v0 =	vld [tilespmem:s0+$0xE438];
	_ =	sdelay $0x2  }
0x2ce: {  	s31 =	sshll.u32 s2, $0xA  }
0x2cf: {  	s4 =	sshra.s32 s31, $0x2  }
0x2d0: {  	[tilespmem:s4+$0xE438] =	vst v0  }
0x2d1: {  	v0 =	vld [tilespmem:s0+$0xE448];
	_ =	sdelay $0x4  }
0x2d2: {  	[tilespmem:s4+$0xE448] =	vst v0  }
0x2d3: {  	v0 =	vld [tilespmem:s0+$0xE458];
	_ =	sdelay $0x4  }
0x2d4: {  	[tilespmem:s4+$0xE458] =	vst v0  }
0x2d5: {  	v0 =	vld [tilespmem:s0+$0xE468];
	_ =	sdelay $0x4  }
0x2d6: {  	[tilespmem:s4+$0xE468] =	vst v0  }
0x2d7: {  	v0 =	vld [tilespmem:s0+$0xE478];
	_ =	sdelay $0x4  }
0x2d8: {  	[tilespmem:s4+$0xE478] =	vst v0  }
0x2d9: {  	v0 =	vld [tilespmem:s0+$0xE488];
	_ =	sdelay $0x4  }
0x2da: {  	[tilespmem:s4+$0xE488] =	vst v0  }
0x2db: {  	v0 =	vld [tilespmem:s0+$0xE498];
	_ =	sdelay $0x4  }
0x2dc: {  	[tilespmem:s4+$0xE498] =	vst v0  }
0x2dd: {  	v0 =	vld [tilespmem:s0+$0xE4A8];
	_ =	sdelay $0x4  }
0x2de: {  	[tilespmem:s4+$0xE4A8] =	vst v0  }
0x2df: {  	v0 =	vld [tilespmem:s0+$0xE4B8];
	_ =	sdelay $0x4  }
0x2e0: {  	[tilespmem:s4+$0xE4B8] =	vst v0  }
0x2e1: {  	v0 =	vld [tilespmem:s0+$0xE4C8];
	_ =	sdelay $0x4  }
0x2e2: {  	[tilespmem:s4+$0xE4C8] =	vst v0  }
0x2e3: {  	v0 =	vld [tilespmem:s0+$0xE4D8];
	_ =	sdelay $0x4  }
0x2e4: {  	[tilespmem:s4+$0xE4D8] =	vst v0  }
0x2e5: {  	v0 =	vld [tilespmem:s0+$0xE4E8];
	_ =	sdelay $0x4  }
0x2e6: {  	[tilespmem:s4+$0xE4E8] =	vst v0  }
0x2e7: {  	v0 =	vld [tilespmem:s0+$0xE4F8];
	_ =	sdelay $0x4  }
0x2e8: {  	[tilespmem:s4+$0xE4F8] =	vst v0  }
0x2e9: {  	v0 =	vld [tilespmem:s0+$0xE508];
	_ =	sdelay $0x4  }
0x2ea: {  	[tilespmem:s4+$0xE508] =	vst v0  }
0x2eb: {  	v0 =	vld [tilespmem:s0+$0xE518];
	_ =	sdelay $0x4  }
0x2ec: {  	[tilespmem:s4+$0xE518] =	vst v0  }
0x2ed: {  	v0 =	vld [tilespmem:s0+$0xE528];
	_ =	sdelay $0x4  }
0x2ee: {  	s2 =	sadd.s32 $0x1, s2;
	[tilespmem:s4+$0xE528] =	vst v0  }
.LBB2_54:
0x2ef: {  	s3 =	sadd.s32 $0x1, s3  }
0x2f0: {  	p1 =	sne.s32 s3, $0x20  }
.Ltmp38:
0x2f1: {  	_ = 	snop;
	(pc) =	sbr.rel @!p1 .LBB2_55-.Ltmp38, $1  }
0x2f2: {  	_ =	sdelay $0x3  }
.LBB2_47:
0x2f3: {  	v0 =	vld.msk [tilespmem:s3+$0xE418], $0x1;
	_ =	sdelay $0x4  }
0x2f4: {  	(v2sf) =	vpush v0, $0x0;
	_ =	sdelay $0xe  }
0x2f5: {  	s0 =	spop (v2sf)  }
0x2f6: {  	p1 =	seq.s32 s0, $0xFFFFFFFF  }
.Ltmp39:
0x2f7: {  	_ = 	snop;
	(pc) =	sbr.rel @p1 .LBB2_54-.Ltmp39, $1  }
0x2f8: {  	_ =	sdelay $0x3  }
0x2f9: {  	p1 =	slt.s32 s2, $0x1  }
.Ltmp40:
0x2fa: {  	_ = 	snop;
	(pc) =	sbr.rel @p1 .LBB2_53-.Ltmp40, $1  }
0x2fb: {  	_ =	sdelay $0x3  }
0x2fc: {  	s4 =	simm.s32 $0xE418;
	p1 =	por $0x0, $0x0  }
0x2fd: {  	v1 =	vld.msk @!p1 [tilespmem:s4+$0x0], $0x1;
	_ =	sdelay $0x4  }
0x2fe: {  	(v2sf) =	vpush @!p1 v1, $0x0;
	_ =	sdelay $0xd  }
0x2ff: {  	p3 =	sne.s32 s2, $0x1  }
.Ltmp41:
0x300: {  	s5 =	spop @!p1 (v2sf);
	(pc) =	sbr.rel @!p3 .LBB2_51-.Ltmp41, $4  }
0x301: {  	p2 =	seq.s32 @!p1 s0, s5  }
0x302: {  	s5 =	simm.s32 $0x0;
	p2 =	por !p2, p1  }
0x303: {  	s7 =	simm.s32 $0xFFFFFFFF;
	s5 =	simm.s32 @p2 $0xFFFFFFFF  }
0x304: {  	s6 =	simm.s32 $0x1;
	s5 =	smov.u32 @p1 s7  }
.LBB2_50:
0x305: {  	s7 =	smov.u32 s5;
	p1 =	sne.s32 s5, $0xFFFFFFFF  }
0x306: {  	s4 =	sadd.s32 $0x1, s4;
	s5 =	smov.u32 s6;
	s6 =	sadd.s32 $0x1, s6  }
0x307: {  	p2 =	sne.s32 s2, s6;
	v1 =	vld.msk @!p1 [tilespmem:s4+$0x0], $0x1;
	_ =	sdelay $0x4  }
0x308: {  	(v2sf) =	vpush @!p1 v1, $0x0;
	_ =	sdelay $0xe  }
.Ltmp42:
0x309: {  	s8 =	spop @!p1 (v2sf);
	(pc) =	sbr.rel @p2 .LBB2_50-.Ltmp42, $4  }
0x30a: {  	p3 =	seq.s32 @!p1 s0, s8  }
0x30b: {  	p3 =	por !p3, p1  }
0x30c: {  	s5 =	simm.s32 @p3 $0xFFFFFFFF  }
0x30d: {  	s5 =	smov.u32 @p1 s7  }
.LBB2_51:
0x30e: {  	p1 =	seq.s32 s5, $0xFFFFFFFF  }
.Ltmp43:
0x30f: {  	_ = 	snop;
	(pc) =	sbr.rel @p1 .LBB2_53-.Ltmp43, $1  }
0x310: {  	_ =	sdelay $0x3  }
0x311: {  	s0 =	sshll.u32 s3, $0x8  }
0x312: {  	s0 =	sand.u32 $0x3FFFFF00, s0  }
0x313: {  	v0 =	vld [tilespmem:s0+$0xE438];
	_ =	sdelay $0x2  }
0x314: {  	s4 =	sshll.u32 s5, $0xA  }
0x315: {  	s4 =	sshra.s32 s4, $0x2  }
0x316: {  	[tilespmem:s4+$0xE438] =	vst.add.f32.msk $0xffff, v0  }
0x317: {  	v0 =	vld [tilespmem:s0+$0xE448];
	_ =	sdelay $0x4  }
0x318: {  	[tilespmem:s4+$0xE448] =	vst.add.f32.msk $0xffff, v0  }
0x319: {  	v0 =	vld [tilespmem:s0+$0xE458];
	_ =	sdelay $0x4  }
0x31a: {  	[tilespmem:s4+$0xE458] =	vst.add.f32.msk $0xffff, v0  }
0x31b: {  	v0 =	vld [tilespmem:s0+$0xE468];
	_ =	sdelay $0x4  }
0x31c: {  	[tilespmem:s4+$0xE468] =	vst.add.f32.msk $0xffff, v0  }
0x31d: {  	v0 =	vld [tilespmem:s0+$0xE478];
	_ =	sdelay $0x4  }
0x31e: {  	[tilespmem:s4+$0xE478] =	vst.add.f32.msk $0xffff, v0  }
0x31f: {  	v0 =	vld [tilespmem:s0+$0xE488];
	_ =	sdelay $0x4  }
0x320: {  	[tilespmem:s4+$0xE488] =	vst.add.f32.msk $0xffff, v0  }
0x321: {  	v0 =	vld [tilespmem:s0+$0xE498];
	_ =	sdelay $0x4  }
0x322: {  	[tilespmem:s4+$0xE498] =	vst.add.f32.msk $0xffff, v0  }
0x323: {  	v0 =	vld [tilespmem:s0+$0xE4A8];
	_ =	sdelay $0x4  }
0x324: {  	[tilespmem:s4+$0xE4A8] =	vst.add.f32.msk $0xffff, v0  }
0x325: {  	v0 =	vld [tilespmem:s0+$0xE4B8];
	_ =	sdelay $0x4  }
0x326: {  	[tilespmem:s4+$0xE4B8] =	vst.add.f32.msk $0xffff, v0  }
0x327: {  	v0 =	vld [tilespmem:s0+$0xE4C8];
	_ =	sdelay $0x4  }
0x328: {  	[tilespmem:s4+$0xE4C8] =	vst.add.f32.msk $0xffff, v0  }
0x329: {  	v0 =	vld [tilespmem:s0+$0xE4D8];
	_ =	sdelay $0x4  }
0x32a: {  	[tilespmem:s4+$0xE4D8] =	vst.add.f32.msk $0xffff, v0  }
0x32b: {  	v0 =	vld [tilespmem:s0+$0xE4E8];
	_ =	sdelay $0x4  }
0x32c: {  	[tilespmem:s4+$0xE4E8] =	vst.add.f32.msk $0xffff, v0  }
0x32d: {  	v0 =	vld [tilespmem:s0+$0xE4F8];
	_ =	sdelay $0x4  }
0x32e: {  	[tilespmem:s4+$0xE4F8] =	vst.add.f32.msk $0xffff, v0  }
0x32f: {  	v0 =	vld [tilespmem:s0+$0xE508];
	_ =	sdelay $0x4  }
0x330: {  	[tilespmem:s4+$0xE508] =	vst.add.f32.msk $0xffff, v0  }
0x331: {  	v0 =	vld [tilespmem:s0+$0xE518];
	_ =	sdelay $0x4  }
0x332: {  	[tilespmem:s4+$0xE518] =	vst.add.f32.msk $0xffff, v0  }
0x333: {  	v0 =	vld [tilespmem:s0+$0xE528]  }
.Ltmp44:
0x334: {  	_ = 	snop;
	(pc) =	sbr.rel .LBB2_54-.Ltmp44, $2  }
0x335: {  	_ =	sdelay $0x2  }
0x336: {  	[tilespmem:s4+$0xE528] =	vst.add.f32.msk $0xffff, v0  }
.LBB2_55:
0x337: {  	p1 =	slt.s32 s2, $0x1  }
.Ltmp45:
0x338: {  	_ = 	snop;
	(pc) =	sbr.rel @p1 .LBB2_59-.Ltmp45, $3  }
0x339: {  	_ =	sdelay $0x1  }
0x33a: {  	s0 =	simm.s32 $0x8  }
0x33b: {  	s4 =	simm.s32 $0x0;
	[sflag:s0] =	ssyncpa.u1 $0x1  }
0x33c: {  	s0 =	simm.s32 $0xE418  }
0x33d: {  	v0 =	vld.msk [tilespmem:s0+$0x0], $0x1;
	_ =	sdelay $0x4  }
0x33e: {  	(v2sf) =	vpush v0, $0x0;
	_ =	sdelay $0xe  }
0x33f: {  	s0 =	sadd.s32 $0xFFFFFFFF, s2;
	s3 =	spop (v2sf)  }
0x340: {  	s6 =	simm.s32 $0xE438;
	p1 =	sne.s32 s0, $0x0;
	p2 =	sgt.u32 s3, $0x4E170  }
.Ltmp46:
0x341: {  	s2 =	simm.s32 $0xE538;
	s5 =	sand.u32 @!p2 $0x7FFF8, s3;
	(pc) =	sbr.rel @!p1 .LBB2_58-.Ltmp46, $4  }
0x342: {  	s7 =	sadd.s32 @!p2 $0x80, s3;
	s4 =	simm.s32 @!p2 $0x400;
	s8 =	sadd.s32 @!p2 s1, s5  }
0x343: {  	s5 =	sand.u32 @!p2 $0x7, s3;
	s3 =	simm.s32 $0xE419;
	s7 =	sand.u32 @!p2 $0xFFFF8, s7  }
0x344: {  	[hbm4b:s8+s5] =	stream.linear.scatter @!p2 [tilespmem:s6], [sflag:$0x7], $0x80, $0x38;
	[tilespmem:$0x1E678] =	vst v63  }
0x345: {  	s4 =	sadd.s32 $0x0, s4;
	s6 =	simm.s32 @!p2 $0xE4B8;
	s7 =	sadd.s32 @!p2 s1, s7  }
.LBB2_57:
0x346: {  	[hbm4b:s7+s5] =	stream.linear.scatter @!p2 [tilespmem:s6], [sflag:$0x7], $0x80, $0x38;
	[tilespmem:$0x1E678] =	vst v63  }
0x347: {  	s0 =	sadd.s32 $0xFFFFFFFF, s0;
	s6 =	smov.u32 s2;
	v0 =	vld.msk [tilespmem:s3+$0x0], $0x1  }
0x348: {  	p1 =	sne.s32 s0, $0x0;
	_ =	sdelay $0x3  }
0x349: {  	(v2sf) =	vpush v0, $0x0;
	_ =	sdelay $0xe  }
0x34a: {  	s2 =	sadd.s32 $0x100, s2;
	s8 =	simm.s32 $0x0;
	s5 =	spop (v2sf)  }
.Ltmp47:
0x34b: {  	s3 =	sadd.s32 $0x1, s3;
	p2 =	sgt.u32 s5, $0x4E170;
	(pc) =	sbr.rel @p1 .LBB2_57-.Ltmp47, $4  }
0x34c: {  	s8 =	simm.s32 @!p2 $0x400;
	s7 =	sand.u32 @!p2 $0x7FFF8, s5;
	s9 =	sadd.s32 @!p2 $0x80, s5  }
0x34d: {  	s5 =	sand.u32 @!p2 $0x7, s5;
	s7 =	sadd.s32 @!p2 s1, s7;
	s9 =	sand.u32 @!p2 $0xFFFF8, s9  }
0x34e: {  	[hbm4b:s7+s5] =	stream.linear.scatter @!p2 [tilespmem:s6], [sflag:$0x7], $0x80, $0x38;
	[tilespmem:$0x1E678] =	vst v63  }
0x34f: {  	s4 =	sadd.s32 s4, s8;
	s6 =	sadd.s32 @!p2 $0x80, s6;
	s7 =	sadd.s32 @!p2 s1, s9  }
.LBB2_58:
0x350: {  	[hbm4b:s7+s5] =	stream.linear.scatter @!p2 [tilespmem:s6], [sflag:$0x7], $0x80, $0x38;
	[tilespmem:$0x1E678] =	vst v63  }
0x351: {  	s4 =	sshrl.u32 s4, $0x2  }
.LBB2_59:
0x352: {  	s0 =	simm.s32 $0x7  }
0x353: {  	_ =	swait.ge [sflag:s0], s4  }
0x354: {  	s1 =	ssub.s32 $0x0, s4;
	[sflag:s0] =	ssyncset.done $0x0  }
0x355: {  	[sflag:s0] =	ssyncadd.s32 s1  }
0x356: {  	[sflag:s0] =	ssyncpa.u1 $0x1  }
.LBB2_60:
0x357: {  	_ =	sfence;
	s0 =	simm.s32 $0x1  }
0x358: {  	[sflag:s0] =	ssyncpa.u1 $0x1  }
0x359: {  	_ =	strace $0x90000053  }
0x35a: {  	[bflag:$0x2] =	sbarrier.arrive $0xFFFF  }
0x35b: {  	s0 =	rddreg [dreg:$0x3]  }
0x35c: {  	s0 =	sadd.s32 @!p0 $0x100000, s0  }
0x35d: {  	[sflag:s0] =	ssyncadd.tile.s32 @!p0 $0x1;
	_ =	shalt  }
.Lfunc_end2:
_tile_overlayer_lowered:
.L_overlay_start_2:
0x35e: {  	(tag) =	ssettag $0x2  }
0x35f: {  	s0 =	rddreg [dreg:$0x0];
	s2 =	stileid.u32  }
0x360: {  	s1 =	rddreg [dreg:$0x1];
	p0 =	sne.s32 s2, $0x0  }
0x361: {  	s3 =	rddreg [dreg:$0x2];
	[bflag:$0x3] =	sbarrier.arrive $0xFFFF;
	s2 =	simm.s32 @!p0 $0x1C01  }
0x362: {  	[timem:s3], [sflag:s2] =	dma.local @!p0 [hbm:s0], s1  }
0x363: {  	s0 =	simm.s32 @!p0 $0x1  }
0x364: {  	_ =	swait.ge @!p0 [sflag:s0], s1  }
0x365: {  	s1 =	ssub.s32 @!p0 $0x0, s1;
	[sflag:s0] =	ssyncset.done @!p0 $0x0  }
0x366: {  	[sflag:s0] =	ssyncadd.s32 @!p0 s1  }
0x367: {  	[bflag:$0x3] =	sbarrier.arrive $0xFFFF  }
0x368: {  	_ =	shalt  }

// kernel: scatter_offload_async_start
scs
__scs_entry_jumppad:
0x0: {  	(pc) =	sbr.rel $0x88, $3  }
0x1: {  	(tag) =	ssettag $0x0;
	lr =	simm.s32 $0x1  }
0x2: {  	[smem:$0x3F94] =	sst lr;
	_ =	strace $0xD0000000  }
0x3: {  	_ = 	snop  }
0x4: {  	_ = 	snop  }
0x5: {  	_ = 	snop  }
0x6: {  	_ = 	snop  }
0x7: {  	_ = 	snop  }
__scs_overlays_trampoline_lowered:
0x8: {  	[smem:$0x3FA3] =	sst s0  }
0x9: {  	[smem:$0x3FA4] =	sst s1  }
0xa: {  	[smem:$0x3FA5] =	sst s2  }
0xb: {  	[smem:$0x3FA6] =	sst s3  }
0xc: {  	[smem:$0x3FA7] =	sst s4  }
0xd: {  	[smem:$0x3FA8] =	sst s5  }
0xe: {  	[smem:$0x3FA9] =	sst s6  }
0xf: {  	[smem:$0x3FAA] =	sst s7  }
0x10: {  	[smem:$0x3FAB] =	sst s8  }
0x11: {  	[smem:$0x3FAC] =	sst s9;
	s0 =	simm.s32 @!p0 $0x0  }
0x12: {  	s1 =	sld [smem:$0x3F92];
	s0 =	simm.s32 @p0 $0x1  }
0x13: {  	[smem:$0x3FAD] =	sst s0;
	s0 =	simm.s32 @!p1 $0x0  }
0x14: {  	s2 =	sld [smem:$0x3F91];
	s0 =	simm.s32 @p1 $0x1  }
0x15: {  	[smem:$0x3FAE] =	sst s0;
	s0 =	simm.s32 @!p2 $0x0  }
0x16: {  	s3 =	sld [smem:$0x3FDB];
	s0 =	simm.s32 @p2 $0x1  }
0x17: {  	s4 =	simm.s32 $0x1BF5;
	[smem:$0x3FB0] =	sst s0  }
0x18: {  	s0 =	sld [smem:$0x3F93];
	_ =	swait.ge [sflag:s4], $0x0  }
0x19: {  	s7 =	sld [smem:$0x3F94]  }
0x1a: {  	s8 =	sadd.s32 $0xFFFFE003, lr  }
0x1b: {  	s9 =	sadd.s32 $0xFFFFFEF7, lr;
	s5 =	simm.s32 $0xFFFFFFFF;
	p2 =	slt.u32 s8, $0xFFFFF086  }
0x1c: {  	p1 =	slt.u32 s9, $0xF7A;
	s5 =	simm.s32 @!p2 $0x0  }
0x1d: {  	s5 =	simm.s32 @p1 $0x1;
	p0 =	seq.s32 s7, s2  }
0x1e: {  	s7 =	smul.u32 @!p0 $0xF7A, s2;
	p2 =	seq.s32 @!p0 s5, $0x0  }
0x1f: {  	s9 =	smul.u32 $0xF7A, s1;
	s8 =	simm.s32 @!p0 $0x1BF5;
	p2 =	por !p2, p0  }
0x20: {  	[sflag:s8] =	ssyncset.s32 @!p0 $0xFFFFF086;
	s6 =	sadd.s32 @!p0 s3, s7;
	s7 =	simm.s32 @!p0 $0x108  }
0x21: {  	s3 =	sadd.s32 s3, s9;
	s6 =	sadd.s32 @!p0 $0x88, s6;
	s7 =	simm.s32 @p2 $0x1082  }
0x22: {  	[simem:s7], [sflag:s8] =	dma.local @!p0 [hbm:s6], $0xF7A  }
0x23: {  	s9 =	sor.u32 $0xD0000000, s2;
	s6 =	simm.s32 $0x108;
	_ =	swait.ge @!p0 [sflag:s8], $0x0  }
0x24: {  	s3 =	sadd.s32 $0x88, s3;
	s6 =	simm.s32 @!p1 $0x1082;
	[sflag:s4] =	ssyncset.s32 $0xFFFFF086  }
0x25: {  	[simem:s6], [sflag:s4] =	dma.local [hbm:s3], $0xF7A  }
0x26: {  	[smem:$0x3F94] =	sst s1;
	(tag) =	ssettag s2;
	_ =	strace s9  }
0x27: {  	s1 =	sld [smem:$0x3FA4]  }
0x28: {  	s2 =	sld [smem:$0x3FA5]  }
0x29: {  	s4 =	sld [smem:$0x3FA7]  }
0x2a: {  	p0 =	seq.s32 s5, $0x0;
	s5 =	sld [smem:$0x3FA8]  }
0x2b: {  	s6 =	sld [smem:$0x3FA9]  }
0x2c: {  	s7 =	sld [smem:$0x3FAA]  }
0x2d: {  	s3 =	simm.s32 $0x108;
	s8 =	sld [smem:$0x3FAB]  }
0x2e: {  	s3 =	simm.s32 @!p0 $0x1082;
	s9 =	sld [smem:$0x3FAC]  }
0x2f: {  	lr =	sadd.s32 s0, s3;
	s0 =	sld [smem:$0x3FA3]  }
0x30: {  	s3 =	sld [smem:$0x3FA6]  }
0x31: {  	[smem:$0x3FAF] =	sst s10  }
0x32: {  	s10 =	sld [smem:$0x3FAD];
	_ =	sdelay $0x3  }
0x33: {  	p0 =	seq.s32 s10, $0x1;
	s10 =	sld [smem:$0x3FAF];
	_ =	sdelay $0x3  }
0x34: {  	[smem:$0x3FAF] =	sst s10  }
0x35: {  	s10 =	sld [smem:$0x3FAE];
	_ =	sdelay $0x3  }
0x36: {  	p1 =	seq.s32 s10, $0x1;
	s10 =	sld [smem:$0x3FAF];
	_ =	sdelay $0x3  }
0x37: {  	[smem:$0x3FAF] =	sst s10  }
0x38: {  	s10 =	sld [smem:$0x3FB0]  }
0x39: {  	_ = 	snop;
	(pc) =	sbr.ind lr, $3  }
0x3a: {  	_ = 	snop  }
0x3b: {  	_ = 	snop  }
0x3c: {  	p2 =	seq.s32 s10, $0x1;
	s10 =	sld [smem:$0x3FAF]  }
0x3d: {  	_ =	shalt  }
0x3e: {  	_ =	shalt  }
0x3f: {  	_ =	shalt  }
0x40: {  	_ =	shalt  }
0x41: {  	_ =	shalt  }
0x42: {  	_ =	shalt  }
0x43: {  	_ =	shalt  }
0x44: {  	_ =	shalt  }
0x45: {  	_ =	shalt  }
0x46: {  	_ =	shalt  }
0x47: {  	_ =	shalt  }
0x48: {  	_ =	shalt  }
0x49: {  	_ =	shalt  }
0x4a: {  	_ =	shalt  }
0x4b: {  	_ =	shalt  }
0x4c: {  	_ =	shalt  }
0x4d: {  	_ =	shalt  }
0x4e: {  	_ =	shalt  }
0x4f: {  	_ =	shalt  }
0x50: {  	_ =	shalt  }
0x51: {  	_ =	shalt  }
0x52: {  	_ =	shalt  }
0x53: {  	_ =	shalt  }
0x54: {  	_ =	shalt  }
0x55: {  	_ =	shalt  }
0x56: {  	_ =	shalt  }
0x57: {  	_ =	shalt  }
0x58: {  	_ =	shalt  }
0x59: {  	_ =	shalt  }
0x5a: {  	_ =	shalt  }
0x5b: {  	_ =	shalt  }
0x5c: {  	_ =	shalt  }
0x5d: {  	_ =	shalt  }
0x5e: {  	_ =	shalt  }
0x5f: {  	_ =	shalt  }
0x60: {  	_ =	shalt  }
0x61: {  	_ =	shalt  }
0x62: {  	_ =	shalt  }
0x63: {  	_ =	shalt  }
0x64: {  	_ =	shalt  }
0x65: {  	_ =	shalt  }
0x66: {  	_ =	shalt  }
0x67: {  	_ =	shalt  }
0x68: {  	_ =	shalt  }
0x69: {  	_ =	shalt  }
0x6a: {  	_ =	shalt  }
0x6b: {  	_ =	shalt  }
0x6c: {  	_ =	shalt  }
0x6d: {  	_ =	shalt  }
0x6e: {  	_ =	shalt  }
0x6f: {  	_ =	shalt  }
0x70: {  	_ =	shalt  }
0x71: {  	_ =	shalt  }
0x72: {  	_ =	shalt  }
0x73: {  	_ =	shalt  }
0x74: {  	_ =	shalt  }
0x75: {  	_ =	shalt  }
0x76: {  	_ =	shalt  }
0x77: {  	_ =	shalt  }
0x78: {  	_ =	shalt  }
0x79: {  	_ =	shalt  }
0x7a: {  	_ =	shalt  }
0x7b: {  	_ =	shalt  }
0x7c: {  	_ =	shalt  }
0x7d: {  	_ =	shalt  }
0x7e: {  	_ =	shalt  }
0x7f: {  	_ =	shalt  }
0x80: {  	_ =	shalt  }
0x81: {  	_ =	shalt  }
0x82: {  	_ =	shalt  }
0x83: {  	_ =	shalt  }
0x84: {  	_ =	shalt  }
0x85: {  	_ =	shalt  }
0x86: {  	_ =	shalt  }
0x87: {  	_ =	shalt  }
.Lfunc_end0:
.L_simem_size_0:
called_computation_lowered:
.L_overlay_start_0:
0x88: {  	s2 =	sld [smem:$0x3FD9]  }
0x89: {  	s3 =	sld [smem:$0x3FFE];
	_ =	sdelay $0x1  }
0x8a: {  	s1 =	srdreg.scid  }
0x8b: {  	s0 =	sand.u32 $0x1, s1  }
0x8c: {  	s15 =	sshll.u32 s0, $0xA;
	s2 =	sadd.s32 s3, s2  }
0x8d: {  	s2 =	sadd.s32 s2, s15  }
0x8e: {  	[smem:$0x3FBB] =	sst s2  }
0x8f: {  	_ = 	snop  }
0x90: {  	(tm) =	ssettm $0x1  }
0x91: {  	s16 =	sld [smem:$0x3FFB];
	_ =	sdelay $0x3  }
0x92: {  	_ =	strace s16  }
0x93: {  	s2 =	sld [smem:$0x3FFC];
	_ =	sdelay $0x3  }
0x94: {  	_ =	strace s2  }
0x95: {  	s2 =	sld [smem:$0x3FFD];
	_ =	sdelay $0x3  }
0x96: {  	_ =	strace s2  }
0x97: {  	_ =	strace $0x8FFFFFFF  }
0x98: {  	s17 =	sld [smem:$0x3FDB];
	_ =	sdelay $0x1  }
0x99: {  	s18 =	simm.s32 $_scs_section_size  }
0x9a: {  	s4 =	simm.s32 $_size__tile_overlayer_lowered;
	s5 =	simm.s32 $_tile_overlayer_lowered  }
0x9b: {  	s21 =	simm.s32 $0x1BFF;
	s20 =	sshll.u32 s5, $0x1;
	s2 =	sadd.s32 s18, s17  }
0x9c: {  	s6 =	simm.s32 $0x0;
	s19 =	sshll.u32 s4, $0x1;
	s4 =	sadd.s32 s20, s2  }
0x9d: {  	[timem:s6], [sflag:s21] =	dma.local [hbm:s4], s19  }
0x9e: {  	_ =	swait.ge [sflag:s21], s19  }
0x9f: {  	s3 =	ssub.s32 $0x0, s19;
	[sflag:s21] =	ssyncset.done $0x0  }
0xa0: {  	[sflag:s21] =	ssyncadd.s32 s3;
	_ =	sdelay $0x1  }
0xa1: {  	s22 =	simm.s32 $0x1B8B  }
0xa2: {  	_ =	swait.ge [sflag:s22], $0x1  }
0xa3: {  	[sflag:s22] =	ssyncset.done $0x0  }
0xa4: {  	s23 =	sld [smem:$0x3FFE];
	[sflag:s22] =	ssyncadd.s32 $0xFFFFFFFF  }
0xa5: {  	s25 =	simm.s32 $0x1B8E;
	s24 =	sld [smem:$0x0]  }
0xa6: {  	s26 =	simm.s32 $execute0_lowered;
	[smem:$0x3FD2] =	sst s25  }
0xa7: {  	s5 =	sshll.u32 s26, $0x1;
	_ =	strace $0x8000004C;
	[dreg:$0x1] =	wrdreg $0xFFFFFFFF  }
0xa8: {  	s28 =	simm.s32 $_size_execute0_lowered;
	s2 =	sadd.s32 s2, s5;
	[dreg:$0x0] =	wrdreg $0x0  }
0xa9: {  	s5 =	sshll.u32 s28, $0x1;
	[dreg:$0x2] =	wrdreg s2  }
0xaa: {  	[dreg:$0x3] =	wrdreg s5  }
0xab: {  	[dreg:$0x4] =	wrdreg $0xC0  }
0xac: {  	_ =	task [dreg:s6], $0x5FFFF  }
0xad: {  	[dreg:$0x1] =	wrdreg $0xFFFFFFFF  }
0xae: {  	[dreg:$0x0] =	wrdreg $0x60  }
0xaf: {  	[dreg:$0x2] =	wrdreg s23  }
0xb0: {  	[dreg:$0x3] =	wrdreg s1  }
0xb1: {  	[dreg:$0x4] =	wrdreg s24  }
0xb2: {  	[dreg:$0x5] =	wrdreg $0x9  }
0xb3: {  	_ =	task.clear_ibuf [dreg:s6], $0x6FFFF;
	_ =	strace $0x9000004C  }
0xb4: {  	s29 =	simm.s32 $0x9;
	_ =	strace $0x8000004E  }
0xb5: {  	_ =	swait.ge [sflag:s29], $0x1  }
0xb6: {  	[sflag:s29] =	ssyncadd.s32 $0xFFFFFFFF  }
0xb7: {  	_ =	strace $0x9000004E  }
0xb8: {  	_ =	sfence  }
0xb9: {  	s30 =	sld [smem:$0x0];
	_ =	sdelay $0x2  }
0xba: {  	s31 =	sshll.u32 s1, $0xD;
	s1 =	sshrl.u32 s1, $0x2  }
0xbb: {  	s3 =	sand.u32 $0x4000, s31;
	s1 =	sadd.s32 s1, s30  }
0xbc: {  	s0 =	sor.u32 s3, s0;
	s1 =	sshll.u32 s1, $0x11  }
0xbd: {  	s0 =	sor.u32 s1, s0  }
0xbe: {  	s0 =	sadd.s32 $0x8F2B, s0  }
0xbf: {  	[sflag:s0] =	ssyncadd.remote.s32 $0x1  }
0xc0: {  	_ =	sfence.sel $0xFFFF  }
0xc1: {  	[dreg:$0x0] =	wrdreg $0xFFFFFFFF;
	(pc) =	sbr.abs _section_cstart, $3  }
0xc2: {  	[dreg:$0x1] =	wrdreg $0xFFFFFFFF  }
0xc3: {  	_ =	task.clear_ibuf [dreg:s6], $0x2FFFF;
	_ =	strace $0x9FFFFFFF  }
0xc4: {  	(tm) =	ssettm $0x7FFFFFFF  }
0xc5: {  	_ =	shalt  }
tec
execute0_lowered:
.L_overlay_start_1:
0x0: {  	(tag) =	ssettag $0x1  }
0x1: {  	s2 =	rddreg [dreg:$0x0]  }
0x2: {  	s3 =	rddreg [dreg:$0x1];
	_ =	strace $0x8000004D;
	s0 =	simm.s32 $0x1  }
0x3: {  	v0 =	vimm.s32 $0x0;
	[sflag:s0] =	ssyncpa.u1 $0x0;
	s0 =	simm.s32 $0x108  }
0x4: {  	[tilespmem:s0+$0x70] =	vst v0  }
0x5: {  	[tilespmem:s0+$0x60] =	vst v0  }
0x6: {  	[tilespmem:s0+$0x50] =	vst v0  }
0x7: {  	[tilespmem:s0+$0x40] =	vst v0  }
0x8: {  	[tilespmem:s0+$0x30] =	vst v0  }
0x9: {  	s1 =	sadd.s32 $0x31200, s2;
	s15 =	sadd.s32 $0xC00, s2;
	s6 =	sadd.s32 $0x58400, s2;
	[tilespmem:s0+$0x20] =	vst v0  }
0xa: {  	s14 =	sadd.s32 $0xAA00, s2;
	s5 =	sand.u32 $0x1, s3;
	s3 =	simm.s32 $0x40;
	[tilespmem:s0+$0x10] =	vst v0  }
.LBB2_1:
0xb: {  	s3 =	sadd.s32 $0x40, s3;
	[tilespmem:s0+$0x0] =	vst v0;
	s0 =	sadd.s32 $0x80, s0  }
0xc: {  	p0 =	slt.u32 s3, $0x3C40;
	[tilespmem:s0+$0x70] =	vst v0  }
0xd: {  	[tilespmem:s0+$0x60] =	vst v0  }
.Ltmp0:
0xe: {  	[tilespmem:s0+$0x50] =	vst v0;
	(pc) =	sbr.rel @p0 .LBB2_1-.Ltmp0, $4  }
0xf: {  	[tilespmem:s0+$0x40] =	vst v0  }
0x10: {  	[tilespmem:s0+$0x30] =	vst v0  }
0x11: {  	[tilespmem:s0+$0x20] =	vst v0  }
0x12: {  	[tilespmem:s0+$0x10] =	vst v0  }
0x13: {  	s9 =	stileid.u32  }
0x14: {  	s2 =	smul.u32 $0x29, s9  }
0x15: {  	s3 =	smin.u32 s9, $0xB  }
0x16: {  	s2 =	sadd.s32 s3, s2  }
0x17: {  	p0 =	slt.u32 s9, $0xB;
	s7 =	smul.u32 $0xF0, s2;
	s2 =	simm.s32 $0x2760  }
0x18: {  	s2 =	simm.s32 @!p0 $0x2670  }
0x19: {  	s2 =	sadd.s32 s2, s7  }
0x1a: {  	s8 =	smin.u32 s2, $0x27100  }
0x1b: {  	s2 =	ssub.s32 s8, s7  }
0x1c: {  	p0 =	sgt.s32 s2, $0x0  }
0x1d: {  	s29 =	simm.s32 $0x2;
	s10 =	simm.s32 $0x9;
	s2 =	simm.s32 @!p0 $0x0  }
0x1e: {  	s4 =	simm.s32 $0xA;
	s11 =	simm.s32 $0xB;
	s28 =	smulhi.u32 $0x88888889, s2  }
0x1f: {  	[dreg:$0x4] =	wrdreg s5;
	s31 =	smul.u32 $0x4E20, s5;
	s12 =	simm.s32 $0x1  }
0x20: {  	s22 =	simm.s32 $0x0;
	s18 =	simm.s32 $0xC;
	s30 =	sshrl.u32 s28, $0x7  }
0x21: {  	s20 =	simm.s32 $0x0;
	s21 =	simm.s32 $0x0;
	s3 =	smul.u32 $0xF0, s30  }
.Ltmp1:
0x22: {  	[tilespmem:s0+$0x0] =	vst v0;
	v0 =	vimm.s32 $0xFFFFFFFF;
	[sflag:s29] =	ssyncpa.u1 $0x0;
	s16 =	sshll.u32 s9, $0x8;
	(pc) =	sbr.rel .LBB2_3-.Ltmp1, $4  }
0x23: {  	[tilespmem:$0xF208] =	vst v0;
	[sflag:s10] =	ssyncpa.u1 $0x0;
	p0 =	sne.s32 s2, s3;
	s2 =	simm.s32 $0x1  }
0x24: {  	s14 =	sadd.s32 s31, s14;
	[sflag:s4] =	ssyncpa.u1 $0x0;
	s2 =	simm.s32 @!p0 $0x0  }
0x25: {  	s15 =	sadd.s32 s31, s15;
	[sflag:s11] =	ssyncpa.u1 $0x0;
	s13 =	sadd.s32 s2, s30  }
0x26: {  	v0 =	vlaneseq.u32;
	s19 =	smov.u32 s7;
	p0 =	por $0x0, $0x0;
	s17 =	sadd.s32 $0x1, s13  }
.LBB2_18:
0x27: {  	s0 =	sshrl.u32 s31, $0x2  }
.LBB2_20:
0x28: {  	_ =	swait.ge [sflag:s18], s0  }
0x29: {  	s31 =	ssub.s32 $0x0, s0;
	v1 =	vmov s24;
	vm0 =	veq.s32 v0, $0x0;
	[sflag:s18] =	ssyncset.done $0x0  }
0x2a: {  	vm15 =	veq.s32 v0, $0x2;
	v1 =	vsel vm0, s30, v1;
	[sflag:s18] =	ssyncadd.s32 s31  }
0x2b: {  	v1 =	vsel vm15, s22, v1;
	[sflag:s18] =	ssyncpa.u1 $0x1  }
0x2c: {  	[tilespmem:$0xF208] =	vst v1  }
.LBB2_21:
0x2d: {  	s0 =	sadd.s32 $0xF0, s19  }
0x2e: {  	s2 =	smov.u32 s7;
	p1 =	slt.s32 s0, s8  }
0x2f: {  	s2 =	smov.u32 @p1 s0;
	p1 =	sne.s32 s21, s17  }
.Ltmp2:
0x30: {  	_ = 	snop;
	(pc) =	sbr.rel @!p1 .LBB2_22-.Ltmp2, $3  }
0x31: {  	_ =	sdelay $0x1  }
0x32: {  	s22 =	smov.u32 s20;
	s31 =	sadd.s32 $0x1, s21;
	s20 =	smov.u32 s19  }
0x33: {  	p0 =	por !p0, !p0;
	s21 =	smov.u32 s31;
	s19 =	smov.u32 s2  }
.LBB2_3:
0x34: {  	p1 =	sge.u32 s21, s13  }
0x35: {  	s0 =	smulhi.u32 @!p1 $0xAAAAAAAB, s21  }
0x36: {  	s2 =	smov.u32 s19;
	p2 =	sgt.s32 @!p1 s19, $0x27010  }
0x37: {  	s3 =	sshra.s32 @!p1 s19, $0x1F;
	p2 =	por !p2, p1;
	s0 =	sshrl.u32 @!p1 s0, $0x1  }
0x38: {  	s3 =	sand.u32 @!p1 s3, s19;
	s2 =	simm.s32 @p2 $0x27010;
	s0 =	smul.u32 @!p1 $0x3, s0  }
0x39: {  	s2 =	ssub.s32 @!p1 s2, s3  }
0x3a: {  	s2 =	sadd.s32 @!p1 $0xFFFD8FF0, s2;
	s0 =	ssub.s32 @!p1 s21, s0  }
0x3b: {  	s3 =	sshll.u32 @!p1 s2, $0x2;
	p2 =	sgt.s32 @!p1 s2, $0xEF;
	s0 =	smul.u32 @!p1 $0x3C0, s0  }
0x3c: {  	s4 =	sand.u32 @!p1 $0x7, s19;
	s2 =	ssub.s32 @!p1 $0x3C0, s3;
	p2 =	por !p2, p1  }
0x3d: {  	s3 =	sshrl.u32 @!p1 s19, $0x3;
	s2 =	sshrl.u32 @!p1 s2, $0x2;
	s0 =	sshrl.u32 @!p1 s0, $0x2  }
0x3e: {  	s3 =	sadd.s32 @!p1 s3, s14;
	s2 =	simm.s32 @!p2 $0x0;
	s0 =	sadd.s32 @!p1 $0x10248, s0  }
0x3f: {  	[tilespmem:s0], [sflag:$0xA] =	stream.linear.gather @!p1 [hbm4b:s3+s4], s2, $0x38;
	[tilespmem:$0x1F6F8] =	vst v63  }
0x40: {  	s0 =	sadd.s32 $0xFFFFFFFF, s21  }
0x41: {  	p1 =	sge.u32 s0, s13  }
0x42: {  	p2 =	sgt.s32 @!p1 s20, $0x27010  }
0x43: {  	s2 =	smov.u32 s20;
	s3 =	sshra.s32 @!p1 s20, $0x1F;
	p2 =	por !p2, p1  }
0x44: {  	s3 =	sand.u32 @!p1 s3, s20;
	s2 =	simm.s32 @p2 $0x27010  }
0x45: {  	s2 =	ssub.s32 @!p1 s2, s3  }
0x46: {  	s2 =	sadd.s32 @!p1 $0xFFFD8FF0, s2  }
0x47: {  	s4 =	sand.u32 @!p1 $0x1, s0;
	s3 =	sshll.u32 @!p1 s2, $0x2  }
0x48: {  	p2 =	sgt.s32 @!p1 s2, $0xEF;
	s2 =	ssub.s32 @!p1 $0x3C0, s3;
	s3 =	smulhi.u32 @!p1 $0xAAAAAAAB, s0  }
0x49: {  	s23 =	smul.u32 @!p1 $0x3C0, s4;
	p2 =	por !p2, p1;
	s2 =	sshrl.u32 @!p1 s2, $0x2  }
0x4a: {  	s5 =	simm.s32 @!p1 $0xA;
	s2 =	simm.s32 @!p2 $0x0;
	s3 =	sshrl.u32 @!p1 s3, $0x1  }
0x4b: {  	s23 =	sshrl.u32 @!p1 s23, $0x2;
	_ =	swait.ge @!p1 [sflag:s5], s2;
	s3 =	smul.u32 @!p1 $0x3, s3  }
0x4c: {  	s23 =	sadd.s32 @!p1 $0x10518, s23;
	s24 =	ssub.s32 @!p1 $0x0, s2;
	[sflag:s5] =	ssyncset.done @!p1 $0x0  }
0x4d: {  	[sflag:s5] =	ssyncadd.s32 @!p1 s24;
	s5 =	sshrl.u32 @!p1 s20, $0x3;
	s0 =	ssub.s32 @!p1 s0, s3  }
0x4e: {  	s24 =	sand.u32 @!p1 $0x7, s20;
	s5 =	sadd.s32 @!p1 s5, s15;
	s0 =	smul.u32 @!p1 $0x3C0, s0  }
0x4f: {  	[tilespmem:s23], [sflag:$0xB] =	stream.linear.gather @!p1 [hbm4b:s5+s24], s2, $0x38;
	[tilespmem:$0x1F6F8] =	vst v63  }
0x50: {  	s3 =	ssub.s32 @!p1 $0x27100, s20;
	s2 =	smul.u32 @!p1 $0x1E000, s4  }
0x51: {  	p2 =	slt.s32 @!p1 s3, $0xF0  }
0x52: {  	p2 =	por !p2, p1;
	s0 =	sshrl.u32 @!p1 s0, $0x2;
	s2 =	sshrl.u32 @!p1 s2, $0x2  }
0x53: {  	s3 =	simm.s32 @p2 $0xF0;
	s0 =	sadd.s32 @!p1 $0x10248, s0;
	s2 =	sor.u32 @!p1 $0x106F8, s2  }
0x54: {  	[tilespmem:s2], [sflag:$0x9] =	stream.indirect.gather @!p1 [hbm4b:s6+s3], $0x80, s0, s3, $0xb8;
	[tilespmem:$0x1F6F8] =	vst v63  }
0x55: {  	p1 =	slt.u32 s21, $0x2  }
.Ltmp3:
0x56: {  	_ = 	snop;
	(pc) =	sbr.rel @p1 .LBB2_21-.Ltmp3, $1  }
0x57: {  	_ =	sdelay $0x3  }
0x58: {  	p1 =	sgt.s32 s22, $0x27010  }
0x59: {  	s0 =	smov.u32 s22;
	s2 =	sshra.s32 s22, $0x1F;
	s3 =	ssub.s32 $0x27100, s22  }
0x5a: {  	s0 =	simm.s32 @!p1 $0x27010;
	s2 =	sand.u32 s2, s22;
	p1 =	slt.s32 s3, $0xF0  }
0x5b: {  	s0 =	ssub.s32 s0, s2;
	s3 =	simm.s32 @!p1 $0xF0  }
0x5c: {  	s0 =	sadd.s32 $0xFFFD8FF0, s0;
	s25 =	sshll.u32 s3, $0x7  }
0x5d: {  	s26 =	sshll.u32 s0, $0x2;
	s2 =	sand.u32 $0x3FFFFF80, s25  }
0x5e: {  	p1 =	sgt.s32 s0, $0xEF;
	s29 =	ssub.s32 $0x3C0, s26;
	_ =	swait.ge [sflag:s10], s2  }
0x5f: {  	s2 =	ssub.s32 $0x0, s2;
	[sflag:s10] =	ssyncset.done $0x0;
	s0 =	sshrl.u32 s29, $0x2  }
0x60: {  	[sflag:s10] =	ssyncadd.s32 s2;
	s0 =	simm.s32 @p1 $0x0  }
0x61: {  	_ =	swait.ge [sflag:s11], s0  }
0x62: {  	s0 =	ssub.s32 $0x0, s0;
	[sflag:s11] =	ssyncset.done $0x0  }
0x63: {  	[sflag:s11] =	ssyncadd.s32 s0  }
0x64: {  	v1 =	vld [tilespmem:$0xF208];
	_ =	sdelay $0x4  }
0x65: {  	(v2sf) =	vpush v1, $0x0  }
0x66: {  	(v2sf) =	vpush v1, $0x1  }
0x67: {  	(v2sf) =	vpush v1, $0x2;
	_ =	sdelay $0x3  }
0x68: {  	s0 =	sadd.s32 $0xF0, s22  }
0x69: {  	s2 =	ssub.s32 $0x4E200, s22;
	p1 =	slt.s32 s8, s0  }
0x6a: {  	s0 =	smov.u32 @p1 s8;
	p1 =	sgt.s32 s2, $0x0  }
0x6b: {  	s26 =	ssub.s32 s0, s22;
	s2 =	simm.s32 @!p1 $0x0  }
0x6c: {  	p1 =	slt.s32 s2, s26  }
0x6d: {  	s26 =	smov.u32 @p1 s2  }
0x6e: {  	s25 =	simm.s32 $0x1;
	p1 =	slt.s32 s26, $0x1  }
.Ltmp4:
0x6f: {  	s25 =	simm.s32 @!p0 $0x0;
	(pc) =	sbr.rel @p1 .LBB2_8-.Ltmp4, $4  }
0x70: {  	s31 =	smul.u32 $0x3C0, s25  }
0x71: {  	s28 =	spop (v2sf)  }
0x72: {  	s0 =	sshrl.u32 s31, $0x2;
	s30 =	spop (v2sf)  }
0x73: {  	s23 =	sadd.s32 $0x10518, s0;
	s22 =	spop (v2sf)  }
0x74: {  	s0 =	smin.u32 s26, $0x10  }
0x75: {  	v1 =	vmov s0  }
0x76: {  	p2 =	sgt.s32 s26, $0x10;
	vm1 =	vgt.u32 v1, v0  }
.Ltmp5:
0x77: {  	_ = 	snop;
	(pc) =	sbr.rel @!p2 .LBB2_7-.Ltmp5, $2  }
0x78: {  	_ =	sdelay $0x2  }
0x79: {  	s4 =	simm.s32 $0x10;
	s24 =	sadd.s32 $0xFFFFFFF0, s26;
	s0 =	smov.u32 s23;
	vm0 =	vmmov vm1  }
.LBB2_6:
0x7a: {  	s2 =	smin.u32 s24, $0x10;
	s4 =	sadd.s32 $0x10, s4;
	v1 =	vld.msk [tilespmem:s0+$0x0 ss:$0x1], vm1  }
0x7b: {  	v2 =	vmov s2;
	p2 =	slt.s32 s4, s26  }
0x7c: {  	vm1 =	vgt.u32 v2, v0  }
.Ltmp6:
0x7d: {  	(pc) =	sbr.rel @p2 .LBB2_6-.Ltmp6, $3  }
0x7e: {  	_ =	sdelay $0x1  }
0x7f: {  	v1 =	vshll.u32 v1, $0x4  }
0x80: {  	s24 =	sadd.s32 $0xFFFFFFF0, s24;
	[tilespmem:s0+$0x0] =	vst.msk vm0, v1;
	s0 =	sadd.s32 $0x10, s0;
	vm0 =	vmmov vm1  }
.LBB2_7:
0x81: {  	_ =	sdelay $0x4  }
0x82: {  	v1 =	vld.msk [tilespmem:s0+$0x0 ss:$0x1], vm1;
	_ =	sdelay $0x4  }
0x83: {  	v1 =	vshll.u32 v1, $0x4  }
0x84: {  	[tilespmem:s0+$0x0] =	vst.msk vm0, v1  }
.LBB2_8:
0x85: {  	s0 =	sand.u32 $0x1, s21  }
0x86: {  	s0 =	smul.u32 $0xF0, s0  }
0x87: {  	p2 =	sne.s32 s30, $0xFFFFFFFF  }
0x88: {  	v1 =	vld.msk @!p2 [tilespmem:s0+$0x10518], $0x1;
	_ =	sdelay $0x4  }
0x89: {  	(v2sf) =	vpush @!p2 v1, $0x0;
	_ =	sdelay $0xc  }
.Ltmp7:
0x8a: {  	_ = 	snop;
	(pc) =	sbr.rel @p1 .LBB2_19-.Ltmp7, $4  }
0x8b: {  	_ = 	snop  }
0x8c: {  	s29 =	spop @!p2 (v2sf)  }
0x8d: {  	s22 =	simm.s32 @!p2 $0x0;
	s24 =	smov.u32 s29  }
0x8e: {  	[sflag:s18] =	ssyncpa.u1 $0x0;
	s29 =	smov.u32 @p2 s28;
	s24 =	smov.u32 @p2 s30  }
0x8f: {  	v1 =	vld.msk [tilespmem:s23+$0x0], $0x1;
	_ =	sdelay $0x4  }
0x90: {  	(v2sf) =	vpush v1, $0x0;
	_ =	sdelay $0xe  }
0x91: {  	s2 =	smul.u32 $0x1E000, s25;
	s0 =	spop (v2sf)  }
0x92: {  	s26 =	ssub.s32 $0x0, s26;
	p1 =	seq.s32 s29, s0  }
0x93: {  	s30 =	sadd.s32 $0x1, s26;
	s2 =	sshrl.u32 s2, $0x2;
	p2 =	sgt.s32 @!p1 s29, $0x0  }
0x94: {  	s25 =	sor.u32 $0x10738, s2;
	s2 =	smov.u32 s29;
	p2 =	por !p2, p1  }
0x95: {  	s2 =	simm.s32 @p2 $0x0;
	p2 =	seq.s32 s30, $0x0  }
.Ltmp8:
0x96: {  	_ = 	snop;
	(pc) =	sbr.rel @p2 .LBB2_11-.Ltmp8, $4  }
0x97: {  	_ = 	snop  }
0x98: {  	s28 =	simm.s32 $0x0;
	s31 =	sadd.s32 $0x1, s23;
	s2 =	smin.u32 @!p1 s2, $0x270F0  }
0x99: {  	s4 =	simm.s32 @!p1 $0x1;
	s5 =	simm.s32 @!p1 $0x7988;
	s3 =	sand.u32 @!p1 $0x3FFF8, s2  }
0x9a: {  	s4 =	smov.u32 @p1 s28;
	s2 =	sand.u32 @!p1 $0x7, s2;
	s3 =	sadd.s32 @!p1 s1, s3  }
.LBB2_10:
0x9b: {  	s9 =	smov.u32 s4  }
0x9c: {  	[tilespmem:s5], [sflag:$0x2] =	stream.linear.gather @!p1 [hbm4b:s3+s2], $0x80, $0x38;
	[tilespmem:$0x1F6F8] =	vst v63  }
0x9d: {  	s30 =	sadd.s32 $0x1, s30;
	s2 =	smov.u32 s0;
	v1 =	vld.msk [tilespmem:s31+$0x0], $0x1  }
0x9e: {  	p2 =	seq.s32 s30, $0x0;
	_ =	sdelay $0x3  }
0x9f: {  	(v2sf) =	vpush v1, $0x0;
	_ =	sdelay $0xe  }
0xa0: {  	s0 =	spop (v2sf)  }
0xa1: {  	p1 =	seq.s32 s2, s0  }
0xa2: {  	p3 =	sgt.s32 @!p1 s2, $0x0;
	s3 =	sshll.u32 @!p1 s4, $0x9;
	s4 =	sadd.s32 @!p1 $0x1, s4  }
.Ltmp9:
0xa3: {  	p3 =	por !p3, p1;
	s3 =	sshra.s32 @!p1 s3, $0x2;
	(pc) =	sbr.rel @!p2 .LBB2_10-.Ltmp9, $4  }
0xa4: {  	s4 =	smov.u32 @p1 s9;
	s2 =	simm.s32 @p3 $0x0;
	s5 =	sadd.s32 @!p1 $0x7988, s3  }
0xa5: {  	s2 =	smin.u32 @!p1 s2, $0x270F0  }
0xa6: {  	s3 =	sand.u32 @!p1 $0x3FFF8, s2;
	s2 =	sand.u32 @!p1 $0x7, s2  }
0xa7: {  	s31 =	sadd.s32 $0x1, s31;
	s3 =	sadd.s32 @!p1 s1, s3  }
.LBB2_11:
0xa8: {  	[tilespmem:s5], [sflag:$0x2] =	stream.linear.gather @!p1 [hbm4b:s3+s2], $0x80, $0x38;
	[tilespmem:$0x1F6F8] =	vst v63  }
.Ltmp10:
0xa9: {  	s0 =	sshll.u32 s4, $0x7;
	(pc) =	sbr.rel .LBB2_12-.Ltmp10, $4  }
0xaa: {  	s30 =	simm.s32 $0x2;
	s0 =	sand.u32 $0x3FFFFF80, s0  }
0xab: {  	_ =	swait.ge [sflag:s30], s0  }
0xac: {  	s0 =	ssub.s32 $0x0, s0;
	[sflag:s30] =	ssyncset.done $0x0  }
0xad: {  	s31 =	simm.s32 $0x0;
	[sflag:s30] =	ssyncadd.s32 s0  }
.LBB2_13:
0xae: {  	v1 =	vld [tilespmem:s25+$0xFFFFFFC0];
	_ =	sdelay $0x3  }
0xaf: {  	s0 =	sshra.s32 s0, $0x2  }
0xb0: {  	[tilespmem:s0+$0x108] =	vst.add.f32.msk $0xffff, v1  }
0xb1: {  	v1 =	vld [tilespmem:s25+$0xFFFFFFD0];
	_ =	sdelay $0x4  }
0xb2: {  	[tilespmem:s0+$0x118] =	vst.add.f32.msk $0xffff, v1  }
0xb3: {  	v1 =	vld [tilespmem:s25+$0xFFFFFFE0];
	_ =	sdelay $0x4  }
0xb4: {  	[tilespmem:s0+$0x128] =	vst.add.f32.msk $0xffff, v1  }
0xb5: {  	v1 =	vld [tilespmem:s25+$0xFFFFFFF0];
	_ =	sdelay $0x4  }
0xb6: {  	[tilespmem:s0+$0x138] =	vst.add.f32.msk $0xffff, v1  }
0xb7: {  	v1 =	vld [tilespmem:s25+$0x0];
	_ =	sdelay $0x4  }
0xb8: {  	[tilespmem:s0+$0x148] =	vst.add.f32.msk $0xffff, v1  }
0xb9: {  	v1 =	vld [tilespmem:s25+$0x10];
	_ =	sdelay $0x4  }
0xba: {  	[tilespmem:s0+$0x158] =	vst.add.f32.msk $0xffff, v1  }
0xbb: {  	v1 =	vld [tilespmem:s25+$0x20];
	_ =	sdelay $0x4  }
0xbc: {  	[tilespmem:s0+$0x168] =	vst.add.f32.msk $0xffff, v1  }
0xbd: {  	v1 =	vld [tilespmem:s25+$0x30];
	_ =	sdelay $0x4  }
0xbe: {  	[tilespmem:s0+$0x178] =	vst.add.f32.msk $0xffff, v1  }
.LBB2_17:
0xbf: {  	s26 =	sadd.s32 $0x1, s26  }
0xc0: {  	p1 =	seq.s32 s26, $0x0  }
.Ltmp11:
0xc1: {  	_ = 	snop;
	(pc) =	sbr.rel @p1 .LBB2_18-.Ltmp11, $2  }
0xc2: {  	_ =	sdelay $0x2  }
0xc3: {  	s23 =	sadd.s32 $0x1, s23;
	s25 =	sadd.s32 $0x80, s25;
	s29 =	smov.u32 s30  }
.LBB2_12:
0xc4: {  	v1 =	vld.msk [tilespmem:s23+$0x0], $0x1;
	_ =	sdelay $0x4  }
0xc5: {  	(v2sf) =	vpush v1, $0x0;
	_ =	sdelay $0xe  }
0xc6: {  	s30 =	spop (v2sf)  }
0xc7: {  	p1 =	sne.s32 s29, s30  }
.Ltmp12:
0xc8: {  	_ = 	snop;
	(pc) =	sbr.rel @!p1 .LBB2_13-.Ltmp12, $2  }
0xc9: {  	_ =	sdelay $0x2  }
0xca: {  	s0 =	sshll.u32 s22, $0x9  }
0xcb: {  	p1 =	seq.s32 s29, s24  }
.Ltmp13:
0xcc: {  	_ = 	snop;
	(pc) =	sbr.rel @!p1 .LBB2_15-.Ltmp13, $1  }
0xcd: {  	_ =	sdelay $0x3  }
0xce: {  	s0 =	sshra.s32 s0, $0x2  }
.Ltmp14:
0xcf: {  	s0 =	sadd.s32 $0x108, s0;
	(pc) =	sbr.rel .LBB2_16-.Ltmp14, $4  }
0xd0: {  	[spmem:s16] =	stream.linear.scatter [tilespmem:s0], [sflag:$0x1], $0x80, $0x38;
	[tilespmem:$0x1F6F8] =	vst v63  }
0xd1: {  	_ =	swait.ge [sflag:s12], $0x80  }
0xd2: {  	[sflag:s12] =	ssyncset.done $0x0  }
0xd3: {  	[sflag:s12] =	ssyncadd.s32 $0xFFFFFF80  }
.LBB2_15:
0xd4: {  	s2 =	sshll.u32 s28, $0x9  }
0xd5: {  	s2 =	sshra.s32 s2, $0x2  }
0xd6: {  	v1 =	vld [tilespmem:s2+$0x7988];
	_ =	sdelay $0x3  }
0xd7: {  	s0 =	sshra.s32 s0, $0x2  }
0xd8: {  	[tilespmem:s0+$0x108] =	vst.add.f32.msk $0xffff, v1  }
0xd9: {  	v1 =	vld [tilespmem:s2+$0x7998];
	_ =	sdelay $0x4  }
0xda: {  	[tilespmem:s0+$0x118] =	vst.add.f32.msk $0xffff, v1  }
0xdb: {  	v1 =	vld [tilespmem:s2+$0x79A8];
	_ =	sdelay $0x4  }
0xdc: {  	[tilespmem:s0+$0x128] =	vst.add.f32.msk $0xffff, v1  }
0xdd: {  	v1 =	vld [tilespmem:s2+$0x79B8];
	_ =	sdelay $0x4  }
0xde: {  	[tilespmem:s0+$0x138] =	vst.add.f32.msk $0xffff, v1  }
0xdf: {  	v1 =	vld [tilespmem:s2+$0x79C8];
	_ =	sdelay $0x4  }
0xe0: {  	[tilespmem:s0+$0x148] =	vst.add.f32.msk $0xffff, v1  }
0xe1: {  	v1 =	vld [tilespmem:s2+$0x79D8];
	_ =	sdelay $0x4  }
0xe2: {  	[tilespmem:s0+$0x158] =	vst.add.f32.msk $0xffff, v1  }
0xe3: {  	v1 =	vld [tilespmem:s2+$0x79E8];
	_ =	sdelay $0x4  }
0xe4: {  	[tilespmem:s0+$0x168] =	vst.add.f32.msk $0xffff, v1  }
0xe5: {  	v1 =	vld [tilespmem:s2+$0x79F8];
	_ =	sdelay $0x2  }
0xe6: {  	p1 =	sgt.u32 s29, $0x270F0  }
0xe7: {  	s2 =	sand.u32 @!p1 $0x3FFF8, s29  }
0xe8: {  	s3 =	sadd.s32 $0x108, s0;
	[tilespmem:s0+$0x178] =	vst.add.f32.msk $0xffff, v1;
	s0 =	sadd.s32 @!p1 s1, s2;
	s2 =	sand.u32 @!p1 $0x7, s29  }
0xe9: {  	[hbm4b:s0+s2] =	stream.linear.scatter @!p1 [tilespmem:s3], [sflag:$0xC], $0x80, $0x38;
	[tilespmem:$0x1F6F8] =	vst v63  }
0xea: {  	s0 =	simm.s32 $0x0  }
0xeb: {  	s0 =	simm.s32 @!p1 $0x200  }
0xec: {  	s31 =	sadd.s32 s0, s31  }
.LBB2_16:
0xed: {  	s0 =	sadd.s32 $0x1, s22  }
0xee: {  	s2 =	smulhi.u32 $0x88888889, s0;
	_ =	sdelay $0x1  }
0xef: {  	v1 =	vld [tilespmem:s25+$0xFFFFFFC0];
	s2 =	sshrl.u32 s2, $0x7  }
0xf0: {  	s2 =	smul.u32 $0xF0, s2;
	_ =	sdelay $0x1  }
0xf1: {  	s22 =	ssub.s32 s0, s2  }
0xf2: {  	s0 =	sshll.u32 s22, $0x7  }
0xf3: {  	[tilespmem:s0+$0x108] =	vst v1  }
0xf4: {  	v1 =	vld [tilespmem:s25+$0xFFFFFFD0];
	_ =	sdelay $0x4  }
0xf5: {  	[tilespmem:s0+$0x118] =	vst v1  }
0xf6: {  	v1 =	vld [tilespmem:s25+$0xFFFFFFE0];
	_ =	sdelay $0x4  }
0xf7: {  	[tilespmem:s0+$0x128] =	vst v1  }
0xf8: {  	v1 =	vld [tilespmem:s25+$0xFFFFFFF0];
	_ =	sdelay $0x4  }
0xf9: {  	[tilespmem:s0+$0x138] =	vst v1  }
0xfa: {  	v1 =	vld [tilespmem:s25+$0x0];
	_ =	sdelay $0x4  }
0xfb: {  	[tilespmem:s0+$0x148] =	vst v1  }
0xfc: {  	v1 =	vld [tilespmem:s25+$0x10];
	_ =	sdelay $0x4  }
0xfd: {  	[tilespmem:s0+$0x158] =	vst v1  }
0xfe: {  	v1 =	vld [tilespmem:s25+$0x20];
	_ =	sdelay $0x4  }
0xff: {  	[tilespmem:s0+$0x168] =	vst v1  }
0x100: {  	v1 =	vld [tilespmem:s25+$0x30]  }
.Ltmp15:
0x101: {  	_ = 	snop;
	(pc) =	sbr.rel .LBB2_17-.Ltmp15, $2  }
0x102: {  	_ =	sdelay $0x2  }
0x103: {  	s28 =	sadd.s32 $0x1, s28;
	[tilespmem:s0+$0x178] =	vst v1  }
.LBB2_19:
.Ltmp16:
0x104: {  	(pc) =	sbr.rel .LBB2_20-.Ltmp16, $4  }
0x105: {  	_ = 	snop  }
0x106: {  	s0 =	simm.s32 $0x2  }
0x107: {  	_ =	swait.ge [sflag:s0], $0x0  }
0x108: {  	s30 =	smov.u32 s29;
	[sflag:s0] =	ssyncset.done $0x0;
	s0 =	simm.s32 $0x0  }
.LBB2_22:
0x109: {  	_ =	sfence.sel $0x180000  }
0x10a: {  	s0 =	simm.s32 $0x9;
	[bflag:$0x0] =	sbarrier.arrive $0xFFFF  }
0x10b: {  	s24 =	simm.s32 $0xA;
	[sflag:s0] =	ssyncpa.u1 $0x1  }
0x10c: {  	s25 =	simm.s32 $0xB;
	[sflag:s24] =	ssyncpa.u1 $0x1  }
0x10d: {  	s26 =	simm.s32 $0x2;
	[sflag:s25] =	ssyncpa.u1 $0x1  }
0x10e: {  	[sflag:s26] =	ssyncpa.u1 $0x1  }
0x10f: {  	v0 =	vld [tilespmem:$0xF208];
	_ =	sdelay $0x4  }
0x110: {  	(v2sf) =	vpush v0, $0x0  }
0x111: {  	(v2sf) =	vpush v0, $0x1;
	_ =	sdelay $0x1  }
0x112: {  	(v2sf) =	vpush v0, $0x2;
	_ =	sdelay $0xb  }
0x113: {  	s0 =	spop (v2sf)  }
0x114: {  	s2 =	spop (v2sf)  }
0x115: {  	s3 =	smov.u32 s0;
	p0 =	sne.s32 s0, s2  }
0x116: {  	s4 =	spop (v2sf);
	s3 =	simm.s32 @!p0 $0xFFFFFFFF  }
0x117: {  	v2 =	vimm.s32 $0x1;
	v3 =	vlaneseq.u32;
	p0 =	seq.s32 s4, $0xFFFFFFFF;
	v1 =	vmov s3  }
0x118: {  	s16 =	stileid.u32;
	v0 =	vperm.xlane v0, v2;
	p1 =	sne.s32 @!p0 s0, s2;
	v1 =	vperm.xlane v1, v3  }
0x119: {  	vm0 =	vcmask $0x3F04;
	s6 =	simm.s32 $0xF208;
	s0 =	simm.s32 @!p0 $0x1;
	p1 =	por !p1, p0  }
0x11a: {  	s3 =	sshll.u32 s16, $0x1;
	s2 =	sshll.u32 @!p0 s4, $0x9;
	s0 =	simm.s32 @p1 $0x0;
	v0 =	vsel vm0, v1, v0  }
0x11b: {  	s5 =	sor.u32 $0x1000, s3;
	s2 =	sshra.s32 @!p0 s2, $0x2;
	s0 =	sor.u32 @!p0 s0, s3;
	[tilespmem:$0xF208] =	vst v0  }
0x11c: {  	[spmem:s5] =	stream.linear.scatter [tilespmem:s6], [sflag:$0x1], $0x2, $0x38;
	[tilespmem:$0x1F6F8] =	vst v63  }
0x11d: {  	s2 =	sadd.s32 @!p0 $0x108, s2;
	s0 =	sshll.u32 @!p0 s0, $0x7  }
0x11e: {  	[spmem:s0] =	stream.linear.scatter @!p0 [tilespmem:s2], [sflag:$0x1], $0x80, $0x38;
	[tilespmem:$0x1F6F8] =	vst v63  }
0x11f: {  	s0 =	simm.s32 @!p0 $0x82  }
0x120: {  	s28 =	simm.s32 $0x1;
	s0 =	simm.s32 @p0 $0x2  }
0x121: {  	_ =	swait.ge [sflag:s28], s0  }
0x122: {  	s0 =	ssub.s32 $0x0, s0;
	[sflag:s28] =	ssyncset.done $0x0  }
0x123: {  	p0 =	sne.s32 s16, $0x0;
	[sflag:s28] =	ssyncadd.s32 s0  }
.Ltmp17:
0x124: {  	_ =	sfence.stream.spmem;
	(pc) =	sbr.rel @p0 .LBB2_39-.Ltmp17, $4  }
0x125: {  	s29 =	simm.s32 $0x3;
	[bflag:$0x0] =	sbarrier.arrive $0xFFFF  }
0x126: {  	s30 =	simm.s32 $0x4;
	[sflag:s29] =	ssyncpa.u1 $0x1  }
0x127: {  	s31 =	simm.s32 $0x3C;
	[sflag:s30] =	ssyncpa.u1 $0x1  }
0x128: {  	s15 =	rddreg [dreg:$0x4];
	[sflag:s31] =	ssyncpa.u1 $0x1  }
0x129: {  	_ =	sfence.stream.spmem;
	s0 =	simm.s32 $0x5  }
0x12a: {  	s2 =	simm.s32 $0x1000;
	s3 =	simm.s32 $0xF218;
	[sflag:s0] =	ssyncpa.u1 $0x0  }
0x12b: {  	[tilespmem:s3], [sflag:$0x5] =	stream.linear.gather [spmem:s2], $0x20, $0x38;
	[tilespmem:$0x1F6F8] =	vst v63  }
0x12c: {  	s26 =	simm.s32 $0x0;
	s28 =	simm.s32 $0xF238  }
0x12d: {  	[tilespmem:s28], [sflag:$0x5] =	stream.linear.gather [spmem:s26], $0x1000, $0x38;
	[tilespmem:$0x1F6F8] =	vst v63  }
0x12e: {  	_ =	swait.ge [sflag:s0], $0x1020  }
0x12f: {  	[sflag:s0] =	ssyncset.done $0x0  }
0x130: {  	s29 =	simm.s32 $0x0;
	[sflag:s0] =	ssyncadd.s32 $0xFFFFEFE0  }
0x131: {  	v0 =	vld.msk [tilespmem:s29+$0xF218], $0x1;
	_ =	sdelay $0x1  }
0x132: {  	s30 =	simm.s32 $0x1  }
0x133: {  	v1 =	vld.msk [tilespmem:s30+$0xF218], $0x1;
	_ =	sdelay $0x1  }
0x134: {  	(v2sf) =	vpush v0, $0x0;
	_ =	sdelay $0x2  }
0x135: {  	(v2sf) =	vpush v1, $0x0;
	_ =	sdelay $0x2  }
0x136: {  	s31 =	simm.s32 $0x2  }
0x137: {  	v0 =	vld.msk [tilespmem:s31+$0xF218], $0x1;
	_ =	sdelay $0x2  }
0x138: {  	s4 =	simm.s32 $0xFFFFFFFF;
	s5 =	simm.s32 $0xFFFFFFFF;
	s0 =	simm.s32 $0xC  }
.LBB2_24:
0x139: {  	s2 =	smov.u32 s5;
	s3 =	smov.u32 s4  }
0x13a: {  	s4 =	sshra.s32 s0, $0x2;
	p1 =	sne.s32 s0, $0x7C;
	s0 =	sadd.s32 $0x4, s0;
	(v2sf) =	vpush v0, $0x0  }
0x13b: {  	v0 =	vld.msk [tilespmem:s4+$0xF218], $0x1  }
.Ltmp18:
0x13c: {  	(pc) =	sbr.rel @p1 .LBB2_24-.Ltmp18, $4  }
0x13d: {  	s5 =	spop (v2sf)  }
0x13e: {  	p2 =	sne.s32 s3, $0xFFFFFFFF;
	s4 =	smov.u32 s5  }
0x13f: {  	p3 =	seq.s32 s5, $0xFFFFFFFF;
	s4 =	smov.u32 @p2 s3  }
0x140: {  	s5 =	smov.u32 @p3 s2;
	s4 =	smov.u32 @p3 s3  }
0x141: {  	(v2sf) =	vpush v0, $0x0;
	_ =	sdelay $0x8  }
0x142: {  	s0 =	spop (v2sf)  }
0x143: {  	p1 =	sne.s32 s4, $0xFFFFFFFF;
	s2 =	smov.u32 s0  }
0x144: {  	s9 =	simm.s32 $0x6;
	p2 =	seq.s32 s0, $0xFFFFFFFF;
	s2 =	smov.u32 @p1 s4  }
0x145: {  	s6 =	simm.s32 $0x0;
	s2 =	smov.u32 @p2 s4;
	s3 =	spop (v2sf)  }
0x146: {  	s0 =	smov.u32 @p2 s5;
	p1 =	sne.s32 s2, $0xFFFFFFFF;
	s4 =	smov.u32 s3  }
.Ltmp19:
0x147: {  	p2 =	seq.s32 s3, $0xFFFFFFFF;
	s4 =	smov.u32 @p1 s2;
	(pc) =	sbr.rel .LBB2_26-.Ltmp19, $4  }
0x148: {  	s10 =	simm.s32 $0xF188;
	s4 =	smov.u32 @p2 s2;
	s7 =	spop (v2sf)  }
0x149: {  	s11 =	simm.s32 $0x0;
	p1 =	sne.s32 s4, $0xFFFFFFFF;
	s8 =	smov.u32 s7  }
0x14a: {  	s3 =	smov.u32 @p2 s0;
	p2 =	seq.s32 s7, $0xFFFFFFFF;
	s8 =	smov.u32 @p1 s4  }
0x14b: {  	[sflag:s9] =	ssyncpa.u1 $0x0;
	s7 =	smov.u32 @p2 s3;
	s8 =	smov.u32 @p2 s4  }
.LBB2_32:
0x14c: {  	p1 =	sgt.u32 s12, $0x270F0  }
0x14d: {  	p2 =	seq.s32 @!p1 s12, s8  }
0x14e: {  	p1 =	por p1, p2  }
0x14f: {  	p2 =	sne.s32 @!p1 s12, s7  }
0x150: {  	p1 =	por p1, !p2  }
0x151: {  	s0 =	sshll.u32 @p1 s11, $0x9  }
0x152: {  	s0 =	sand.u32 @!p1 $0x3FFF8, s12  }
0x153: {  	s2 =	sand.u32 @!p1 $0x7, s12;
	s0 =	sadd.s32 @!p1 s1, s0  }
0x154: {  	[tilespmem:s10], [sflag:$0x6] =	stream.linear.gather @!p1 [hbm4b:s0+s2], $0x80, $0x38;
	[tilespmem:$0x1F6F8] =	vst v63  }
0x155: {  	_ =	swait.ge @!p1 [sflag:s9], $0x80  }
0x156: {  	[sflag:s9] =	ssyncset.done @!p1 $0x0  }
0x157: {  	[sflag:s9] =	ssyncadd.s32 @!p1 $0xFFFFFF80  }
0x158: {  	v1 =	vld @!p1 [tilespmem:$0xF188];
	_ =	sdelay $0x2  }
0x159: {  	s0 =	sshll.u32 @!p1 s11, $0x9  }
0x15a: {  	s2 =	sshrl.u32 @!p1 s0, $0x2  }
0x15b: {  	[tilespmem:s2+$0xF238] =	vst.add.f32.msk @!p1 $0xffff, v1  }
0x15c: {  	v1 =	vld @!p1 [tilespmem:$0xF198];
	_ =	sdelay $0x4  }
0x15d: {  	[tilespmem:s2+$0xF248] =	vst.add.f32.msk @!p1 $0xffff, v1  }
0x15e: {  	v1 =	vld @!p1 [tilespmem:$0xF1A8];
	_ =	sdelay $0x4  }
0x15f: {  	[tilespmem:s2+$0xF258] =	vst.add.f32.msk @!p1 $0xffff, v1  }
0x160: {  	v1 =	vld @!p1 [tilespmem:$0xF1B8];
	_ =	sdelay $0x4  }
0x161: {  	[tilespmem:s2+$0xF268] =	vst.add.f32.msk @!p1 $0xffff, v1  }
0x162: {  	v1 =	vld @!p1 [tilespmem:$0xF1C8];
	_ =	sdelay $0x4  }
0x163: {  	[tilespmem:s2+$0xF278] =	vst.add.f32.msk @!p1 $0xffff, v1  }
0x164: {  	v1 =	vld @!p1 [tilespmem:$0xF1D8];
	_ =	sdelay $0x4  }
0x165: {  	[tilespmem:s2+$0xF288] =	vst.add.f32.msk @!p1 $0xffff, v1  }
0x166: {  	v1 =	vld @!p1 [tilespmem:$0xF1E8];
	_ =	sdelay $0x4  }
0x167: {  	[tilespmem:s2+$0xF298] =	vst.add.f32.msk @!p1 $0xffff, v1  }
0x168: {  	v1 =	vld @!p1 [tilespmem:$0xF1F8];
	_ =	sdelay $0x4  }
0x169: {  	[tilespmem:s2+$0xF2A8] =	vst.add.f32.msk @!p1 $0xffff, v1  }
0x16a: {  	s0 =	sshrl.u32 s0, $0x2;
	[tilespmem:s6+$0xF218] =	vst.msk $0x1, v0  }
0x16b: {  	v0 =	vld [tilespmem:s0+$0xF238];
	_ =	sdelay $0x2  }
0x16c: {  	s31 =	sshll.u32 s6, $0x9  }
0x16d: {  	s2 =	sshra.s32 s31, $0x2  }
0x16e: {  	[tilespmem:s2+$0xF238] =	vst v0  }
0x16f: {  	v0 =	vld [tilespmem:s0+$0xF248];
	_ =	sdelay $0x4  }
0x170: {  	[tilespmem:s2+$0xF248] =	vst v0  }
0x171: {  	v0 =	vld [tilespmem:s0+$0xF258];
	_ =	sdelay $0x4  }
0x172: {  	[tilespmem:s2+$0xF258] =	vst v0  }
0x173: {  	v0 =	vld [tilespmem:s0+$0xF268];
	_ =	sdelay $0x4  }
0x174: {  	[tilespmem:s2+$0xF268] =	vst v0  }
0x175: {  	v0 =	vld [tilespmem:s0+$0xF278];
	_ =	sdelay $0x4  }
0x176: {  	[tilespmem:s2+$0xF278] =	vst v0  }
0x177: {  	v0 =	vld [tilespmem:s0+$0xF288];
	_ =	sdelay $0x4  }
0x178: {  	[tilespmem:s2+$0xF288] =	vst v0  }
0x179: {  	v0 =	vld [tilespmem:s0+$0xF298];
	_ =	sdelay $0x4  }
0x17a: {  	[tilespmem:s2+$0xF298] =	vst v0  }
0x17b: {  	v0 =	vld [tilespmem:s0+$0xF2A8];
	_ =	sdelay $0x4  }
0x17c: {  	s6 =	sadd.s32 $0x1, s6;
	[tilespmem:s2+$0xF2A8] =	vst v0  }
.LBB2_33:
0x17d: {  	s11 =	sadd.s32 $0x1, s11  }
0x17e: {  	p1 =	sne.s32 s11, $0x20  }
.Ltmp20:
0x17f: {  	_ = 	snop;
	(pc) =	sbr.rel @!p1 .LBB2_34-.Ltmp20, $1  }
0x180: {  	_ =	sdelay $0x3  }
.LBB2_26:
0x181: {  	v0 =	vld.msk [tilespmem:s11+$0xF218], $0x1;
	_ =	sdelay $0x4  }
0x182: {  	(v2sf) =	vpush v0, $0x0;
	_ =	sdelay $0xe  }
0x183: {  	s12 =	spop (v2sf)  }
0x184: {  	p1 =	seq.s32 s12, $0xFFFFFFFF  }
.Ltmp21:
0x185: {  	_ = 	snop;
	(pc) =	sbr.rel @p1 .LBB2_33-.Ltmp21, $1  }
0x186: {  	_ =	sdelay $0x3  }
0x187: {  	p1 =	slt.s32 s6, $0x1  }
.Ltmp22:
0x188: {  	_ = 	snop;
	(pc) =	sbr.rel @p1 .LBB2_32-.Ltmp22, $1  }
0x189: {  	_ =	sdelay $0x3  }
0x18a: {  	s13 =	simm.s32 $0xF218;
	p1 =	por $0x0, $0x0  }
0x18b: {  	v1 =	vld.msk @!p1 [tilespmem:s13+$0x0], $0x1;
	_ =	sdelay $0x4  }
0x18c: {  	(v2sf) =	vpush @!p1 v1, $0x0;
	_ =	sdelay $0xd  }
0x18d: {  	p3 =	sne.s32 s6, $0x1  }
.Ltmp23:
0x18e: {  	s0 =	spop @!p1 (v2sf);
	(pc) =	sbr.rel @!p3 .LBB2_30-.Ltmp23, $4  }
0x18f: {  	p2 =	seq.s32 @!p1 s12, s0  }
0x190: {  	s14 =	simm.s32 $0x0;
	p2 =	por !p2, p1  }
0x191: {  	s2 =	simm.s32 $0xFFFFFFFF;
	s14 =	simm.s32 @p2 $0xFFFFFFFF  }
0x192: {  	s0 =	simm.s32 $0x1;
	s14 =	smov.u32 @p1 s2  }
.LBB2_29:
0x193: {  	s2 =	smov.u32 s14;
	p1 =	sne.s32 s14, $0xFFFFFFFF  }
0x194: {  	s13 =	sadd.s32 $0x1, s13;
	s14 =	smov.u32 s0;
	s0 =	sadd.s32 $0x1, s0  }
0x195: {  	p2 =	sne.s32 s6, s0;
	v1 =	vld.msk @!p1 [tilespmem:s13+$0x0], $0x1;
	_ =	sdelay $0x4  }
0x196: {  	(v2sf) =	vpush @!p1 v1, $0x0;
	_ =	sdelay $0xe  }
.Ltmp24:
0x197: {  	s3 =	spop @!p1 (v2sf);
	(pc) =	sbr.rel @p2 .LBB2_29-.Ltmp24, $4  }
0x198: {  	p3 =	seq.s32 @!p1 s12, s3  }
0x199: {  	p3 =	por !p3, p1  }
0x19a: {  	s14 =	simm.s32 @p3 $0xFFFFFFFF  }
0x19b: {  	s14 =	smov.u32 @p1 s2  }
.LBB2_30:
0x19c: {  	p1 =	seq.s32 s14, $0xFFFFFFFF  }
.Ltmp25:
0x19d: {  	_ = 	snop;
	(pc) =	sbr.rel @p1 .LBB2_32-.Ltmp25, $1  }
0x19e: {  	_ =	sdelay $0x3  }
0x19f: {  	s0 =	sshll.u32 s11, $0x7  }
0x1a0: {  	s0 =	sand.u32 $0x3FFFFF80, s0  }
0x1a1: {  	v0 =	vld [tilespmem:s0+$0xF238];
	_ =	sdelay $0x2  }
0x1a2: {  	s2 =	sshll.u32 s14, $0x9  }
0x1a3: {  	s2 =	sshra.s32 s2, $0x2  }
0x1a4: {  	[tilespmem:s2+$0xF238] =	vst.add.f32.msk $0xffff, v0  }
0x1a5: {  	v0 =	vld [tilespmem:s0+$0xF248];
	_ =	sdelay $0x4  }
0x1a6: {  	[tilespmem:s2+$0xF248] =	vst.add.f32.msk $0xffff, v0  }
0x1a7: {  	v0 =	vld [tilespmem:s0+$0xF258];
	_ =	sdelay $0x4  }
0x1a8: {  	[tilespmem:s2+$0xF258] =	vst.add.f32.msk $0xffff, v0  }
0x1a9: {  	v0 =	vld [tilespmem:s0+$0xF268];
	_ =	sdelay $0x4  }
0x1aa: {  	[tilespmem:s2+$0xF268] =	vst.add.f32.msk $0xffff, v0  }
0x1ab: {  	v0 =	vld [tilespmem:s0+$0xF278];
	_ =	sdelay $0x4  }
0x1ac: {  	[tilespmem:s2+$0xF278] =	vst.add.f32.msk $0xffff, v0  }
0x1ad: {  	v0 =	vld [tilespmem:s0+$0xF288];
	_ =	sdelay $0x4  }
0x1ae: {  	[tilespmem:s2+$0xF288] =	vst.add.f32.msk $0xffff, v0  }
0x1af: {  	v0 =	vld [tilespmem:s0+$0xF298];
	_ =	sdelay $0x4  }
0x1b0: {  	[tilespmem:s2+$0xF298] =	vst.add.f32.msk $0xffff, v0  }
0x1b1: {  	v0 =	vld [tilespmem:s0+$0xF2A8]  }
.Ltmp26:
0x1b2: {  	_ = 	snop;
	(pc) =	sbr.rel .LBB2_33-.Ltmp26, $2  }
0x1b3: {  	_ =	sdelay $0x2  }
0x1b4: {  	[tilespmem:s2+$0xF2A8] =	vst.add.f32.msk $0xffff, v0  }
.LBB2_34:
0x1b5: {  	s0 =	simm.s32 $0x6;
	p1 =	seq.s32 s6, $0x0  }
0x1b6: {  	[sflag:s0] =	ssyncpa.u1 $0x1;
	v0 =	vimm.s32 @p1 $0xFFFFFFFF  }
0x1b7: {  	s9 =	sadd.s32 $0xFFFFFFFF, s6;
	[tilespmem:$0x10238] =	vst @p1 v0  }
0x1b8: {  	v0 =	vld.msk @!p1 [tilespmem:s9+$0xF218], $0x1;
	_ =	sdelay $0x1  }
0x1b9: {  	v1 =	vld.msk @!p1 [tilespmem:$0xF218], $0x1;
	_ =	sdelay $0x2  }
0x1ba: {  	p2 =	seq.s32 @!p1 s9, $0x0;
	v0 =	vbroadcast @!p1 v0, $0x0  }
0x1bb: {  	vm0 =	vmmov @!p1 $0x1;
	p2 =	por !p2, p1  }
0x1bc: {  	v1 =	vnsel @!p1 vm0, $0xFFFFFFFF, v1;
	vm0 =	vcmask @!p1 $0x308;
	v0 =	vpsel !p2, $0xFFFFFFFF, v0  }
0x1bd: {  	p2 =	sne.s32 @!p1 s8, s7;
	v0 =	vsel @!p1 vm0, v1, v0  }
0x1be: {  	s0 =	simm.s32 @!p1 $0xF238;
	s2 =	simm.s32 @!p1 $0x0;
	p3 =	por !p2, p1;
	[tilespmem:$0x10238] =	vst @!p1 v0  }
0x1bf: {  	[spmem:s2] =	stream.linear.scatter @!p1 [tilespmem:s0], [sflag:$0x1], $0x80, $0x38;
	[tilespmem:$0x1F6F8] =	vst v63  }
0x1c0: {  	s0 =	sshll.u32 @!p3 s9, $0x9  }
0x1c1: {  	s0 =	sshra.s32 @!p3 s0, $0x2  }
0x1c2: {  	s2 =	simm.s32 @!p3 $0x80;
	s0 =	sadd.s32 @!p3 $0xF238, s0  }
0x1c3: {  	[spmem:s2] =	stream.linear.scatter @!p3 [tilespmem:s0], [sflag:$0x1], $0x80, $0x38;
	[tilespmem:$0x1F6F8] =	vst v63  }
0x1c4: {  	s0 =	simm.s32 @!p3 $0x1  }
0x1c5: {  	_ =	swait.ge @!p3 [sflag:s0], $0x100  }
0x1c6: {  	p1 =	por p2, p1;
	[sflag:s0] =	ssyncset.done @!p3 $0x0  }
0x1c7: {  	[sflag:s0] =	ssyncadd.s32 @!p3 $0xFFFFFF00;
	s0 =	simm.s32 @!p1 $0x1  }
0x1c8: {  	_ =	swait.ge @!p1 [sflag:s0], $0x80  }
0x1c9: {  	s29 =	simm.s32 $0x10238;
	[sflag:s0] =	ssyncset.done @!p1 $0x0  }
0x1ca: {  	s30 =	simm.s32 $0x1000;
	s31 =	simm.s32 $0x1;
	[sflag:s0] =	ssyncadd.s32 @!p1 $0xFFFFFF80  }
0x1cb: {  	[spmem:s30] =	stream.linear.scatter [tilespmem:s29], [sflag:$0x1], $0x10, $0x38;
	[tilespmem:$0x1F6F8] =	vst v63  }
0x1cc: {  	_ =	swait.ge [sflag:s31], $0x10  }
0x1cd: {  	[sflag:s31] =	ssyncset.done $0x0  }
0x1ce: {  	p1 =	seq.s32 s15, $0x0;
	s8 =	rddreg [dreg:$0x1];
	[sflag:s31] =	ssyncadd.s32 $0xFFFFFFF0  }
0x1cf: {  	s2 =	sshll.u32 @p1 s8, $0xE;
	s7 =	rddreg [dreg:$0x2]  }
0x1d0: {  	s0 =	sadd.s32 @p1 $0x15C3C, s2;
	s2 =	sshll.u32 @p1 s7, $0x11  }
0x1d1: {  	_ =	sfence.stream.spmem;
	s0 =	sor.u32 @p1 s2, s0  }
0x1d2: {  	[sflag:s0] =	ssyncadd.remote.s32 @p1 $0x1;
	s0 =	simm.s32 @p1 $0x4  }
0x1d3: {  	s3 =	simm.s32 @!p1 $0x3C;
	s2 =	sand.u32 $0xFFFFFFFE, s8;
	_ =	swait.ge @p1 [sflag:s0], $0x22  }
0x1d4: {  	s4 =	simm.s32 @!p1 $0x0;
	s2 =	sadd.s32 @!p1 $0x4, s2;
	[sflag:s0] =	ssyncset.done @p1 $0x0  }
0x1d5: {  	s5 =	simm.s32 @!p1 $0x100;
	[sflag:s0] =	ssyncadd.s32 @p1 $0xFFFFFFDE;
	s0 =	sshll.u32 @!p1 s2, $0x1A  }
0x1d6: {  	s2 =	sshll.u32 @!p1 s2, $0xD;
	s0 =	sor.u32 @!p1 s0, s7;
	_ =	swait.eq @!p1 [sflag:s3], $0x1  }
0x1d7: {  	s2 =	sor.u32 @!p1 $0x1C04, s2;
	s3 =	simm.s32 @!p1 $0x1C03;
	s0 =	sor.u32 @!p1 $0x80004000, s0  }
0x1d8: {  	[spmem:s5], [sflag:s2] =	dma.general @!p1 [spmem:s4], [sflag:s3], length:$0x20, [dreg:$0x0], stride_count:$0x0, ici_dest:s0, dma_misc:DstOpCode:WRITE  }
0x1d9: {  	p2 =	slt.s32 s9, $0x2;
	s4 =	simm.s32 @!p1 $0x200;
	s5 =	simm.s32 @!p1 $0x202  }
0x1da: {  	[spmem:s5], [sflag:s2] =	dma.general @!p1 [spmem:s4], [sflag:s3], length:$0x2, [dreg:$0x0], stride_count:$0x0, ici_dest:s0, dma_misc:DstOpCode:WRITE  }
.Ltmp27:
0x1db: {  	s0 =	simm.s32 @!p1 $0x3;
	(pc) =	sbr.rel @p2 .LBB2_38-.Ltmp27, $4  }
0x1dc: {  	s2 =	sshll.u32 @!p1 s8, $0xE;
	_ =	swait.ge @!p1 [sflag:s0], $0x22  }
0x1dd: {  	s3 =	sshll.u32 @!p1 s7, $0x11;
	s2 =	sadd.s32 @!p1 $0x11C3C, s2;
	[sflag:s0] =	ssyncset.done @!p1 $0x0  }
0x1de: {  	[sflag:s0] =	ssyncadd.s32 @!p1 $0xFFFFFFDE;
	s0 =	sor.u32 @!p1 s3, s2  }
0x1df: {  	[sflag:s0] =	ssyncadd.remote.s32 @!p1 $0xFFFFFFFF;
	s0 =	simm.s32 $0x0  }
0x1e0: {  	s0 =	simm.s32 $0xF219  }
0x1e1: {  	v0 =	vld.msk [tilespmem:s0+$0x0], $0x1;
	_ =	sdelay $0x4  }
0x1e2: {  	(v2sf) =	vpush v0, $0x0;
	_ =	sdelay $0xb  }
0x1e3: {  	s31 =	sadd.s32 $0xFFFFFFFE, s6  }
0x1e4: {  	s0 =	sadd.s32 $0xFFFFFFFF, s31  }
0x1e5: {  	p2 =	sne.s32 s0, $0x0  }
.Ltmp28:
0x1e6: {  	s2 =	spop (v2sf);
	(pc) =	sbr.rel @!p2 .LBB2_37-.Ltmp28, $4  }
0x1e7: {  	s4 =	simm.s32 $0xF2B8;
	s7 =	simm.s32 $0x0;
	p1 =	sgt.u32 s2, $0x270F0  }
0x1e8: {  	s5 =	simm.s32 $0x0;
	s6 =	simm.s32 $0xF21A;
	s3 =	sand.u32 @!p1 $0x3FFF8, s2  }
0x1e9: {  	s2 =	sand.u32 @!p1 $0x7, s2;
	s7 =	simm.s32 @!p1 $0x200;
	s3 =	sadd.s32 @!p1 s1, s3  }
0x1ea: {  	[hbm4b:s3+s2] =	stream.linear.scatter @!p1 [tilespmem:s4], [sflag:$0x5], $0x80, $0x38;
	[tilespmem:$0x1F6F8] =	vst v63  }
.LBB2_36:
0x1eb: {  	v0 =	vld.msk [tilespmem:s6+$0x0], $0x1;
	s0 =	sadd.s32 $0xFFFFFFFF, s0;
	s5 =	sadd.s32 s5, s7  }
0x1ec: {  	p1 =	sne.s32 s0, $0x0;
	_ =	sdelay $0x3  }
0x1ed: {  	(v2sf) =	vpush v0, $0x0;
	_ =	sdelay $0xe  }
.Ltmp29:
0x1ee: {  	s2 =	spop (v2sf);
	(pc) =	sbr.rel @p1 .LBB2_36-.Ltmp29, $4  }
0x1ef: {  	s7 =	simm.s32 $0x0;
	p2 =	sgt.u32 s2, $0x270F0  }
0x1f0: {  	s4 =	sadd.s32 $0x80, s4;
	s7 =	simm.s32 @!p2 $0x200;
	s3 =	sand.u32 @!p2 $0x3FFF8, s2  }
0x1f1: {  	s6 =	sadd.s32 $0x1, s6;
	s2 =	sand.u32 @!p2 $0x7, s2;
	s3 =	sadd.s32 @!p2 s1, s3  }
0x1f2: {  	[hbm4b:s3+s2] =	stream.linear.scatter @!p2 [tilespmem:s4], [sflag:$0x5], $0x80, $0x38;
	[tilespmem:$0x1F6F8] =	vst v63  }
.LBB2_37:
0x1f3: {  	s0 =	sadd.s32 s5, s7  }
0x1f4: {  	s0 =	sshrl.u32 s0, $0x2  }
.LBB2_38:
0x1f5: {  	s2 =	simm.s32 $0x5  }
0x1f6: {  	_ =	swait.ge [sflag:s2], s0  }
0x1f7: {  	s31 =	ssub.s32 $0x0, s0;
	[sflag:s2] =	ssyncset.done $0x0  }
0x1f8: {  	[sflag:s2] =	ssyncadd.s32 s31  }
0x1f9: {  	[sflag:s2] =	ssyncpa.u1 $0x1  }
.LBB2_39:
0x1fa: {  	s0 =	sor.u32 s15, s16  }
0x1fb: {  	p1 =	sne.s32 s0, $0x0  }
.Ltmp30:
0x1fc: {  	_ = 	snop;
	(pc) =	sbr.rel @p1 .LBB2_54-.Ltmp30, $3  }
0x1fd: {  	_ =	sdelay $0x1  }
0x1fe: {  	[bflag:$0x0] =	sbarrier.arrive $0xFFFF  }
0x1ff: {  	_ =	sfence  }
0x200: {  	s0 =	simm.s32 $0x7  }
0x201: {  	s2 =	simm.s32 $0x1000;
	s3 =	simm.s32 $0xF218;
	[sflag:s0] =	ssyncpa.u1 $0x0  }
0x202: {  	[tilespmem:s3], [sflag:$0x7] =	stream.linear.gather [spmem:s2], $0x20, $0x38;
	[tilespmem:$0x1F6F8] =	vst v63  }
0x203: {  	s30 =	simm.s32 $0xF238;
	s2 =	simm.s32 $0x0  }
0x204: {  	[tilespmem:s30], [sflag:$0x7] =	stream.linear.gather [spmem:s2], $0x1000, $0x38;
	[tilespmem:$0x1F6F8] =	vst v63  }
.Ltmp31:
0x205: {  	_ = 	snop;
	(pc) =	sbr.rel .LBB2_41-.Ltmp31, $4  }
0x206: {  	_ =	swait.ge [sflag:s0], $0x1020  }
0x207: {  	[sflag:s0] =	ssyncset.done $0x0  }
0x208: {  	s31 =	simm.s32 $0x8;
	[sflag:s0] =	ssyncadd.s32 $0xFFFFEFE0  }
0x209: {  	s3 =	simm.s32 $0x0;
	[sflag:s31] =	ssyncpa.u1 $0x0  }
.LBB2_47:
0x20a: {  	p1 =	slt.u32 s4, $0x270F1  }
0x20b: {  	s0 =	sand.u32 @p1 $0x3FFF8, s4  }
0x20c: {  	s4 =	sand.u32 @p1 $0x7, s4;
	s5 =	simm.s32 @p1 $0xF188;
	s0 =	sadd.s32 @p1 s1, s0  }
0x20d: {  	[tilespmem:s5], [sflag:$0x8] =	stream.linear.gather @p1 [hbm4b:s0+s4], $0x80, $0x38;
	[tilespmem:$0x1F6F8] =	vst v63  }
0x20e: {  	s0 =	simm.s32 @p1 $0x8  }
0x20f: {  	_ =	swait.ge @p1 [sflag:s0], $0x80  }
0x210: {  	[sflag:s0] =	ssyncset.done @p1 $0x0  }
0x211: {  	[sflag:s0] =	ssyncadd.s32 @p1 $0xFFFFFF80  }
0x212: {  	v1 =	vld @p1 [tilespmem:$0xF188];
	_ =	sdelay $0x2  }
0x213: {  	s0 =	sshll.u32 @p1 s3, $0x9  }
0x214: {  	s4 =	sshrl.u32 @p1 s0, $0x2  }
0x215: {  	[tilespmem:s4+$0xF238] =	vst.add.f32.msk @p1 $0xffff, v1  }
0x216: {  	v1 =	vld @p1 [tilespmem:$0xF198];
	_ =	sdelay $0x4  }
0x217: {  	[tilespmem:s4+$0xF248] =	vst.add.f32.msk @p1 $0xffff, v1  }
0x218: {  	v1 =	vld @p1 [tilespmem:$0xF1A8];
	_ =	sdelay $0x4  }
0x219: {  	[tilespmem:s4+$0xF258] =	vst.add.f32.msk @p1 $0xffff, v1  }
0x21a: {  	v1 =	vld @p1 [tilespmem:$0xF1B8];
	_ =	sdelay $0x4  }
0x21b: {  	[tilespmem:s4+$0xF268] =	vst.add.f32.msk @p1 $0xffff, v1  }
0x21c: {  	v1 =	vld @p1 [tilespmem:$0xF1C8];
	_ =	sdelay $0x4  }
0x21d: {  	[tilespmem:s4+$0xF278] =	vst.add.f32.msk @p1 $0xffff, v1  }
0x21e: {  	v1 =	vld @p1 [tilespmem:$0xF1D8];
	_ =	sdelay $0x4  }
0x21f: {  	[tilespmem:s4+$0xF288] =	vst.add.f32.msk @p1 $0xffff, v1  }
0x220: {  	v1 =	vld @p1 [tilespmem:$0xF1E8];
	_ =	sdelay $0x4  }
0x221: {  	[tilespmem:s4+$0xF298] =	vst.add.f32.msk @p1 $0xffff, v1  }
0x222: {  	v1 =	vld @p1 [tilespmem:$0xF1F8];
	_ =	sdelay $0x3  }
0x223: {  	s5 =	sshll.u32 @!p1 s3, $0x9  }
0x224: {  	s5 =	smov.u32 @p1 s0;
	[tilespmem:s4+$0xF2A8] =	vst.add.f32.msk @p1 $0xffff, v1  }
0x225: {  	s0 =	sshrl.u32 s5, $0x2;
	[tilespmem:s2+$0xF218] =	vst.msk $0x1, v0  }
0x226: {  	v0 =	vld [tilespmem:s0+$0xF238];
	_ =	sdelay $0x2  }
0x227: {  	s31 =	sshll.u32 s2, $0x9  }
0x228: {  	s4 =	sshra.s32 s31, $0x2  }
0x229: {  	[tilespmem:s4+$0xF238] =	vst v0  }
0x22a: {  	v0 =	vld [tilespmem:s0+$0xF248];
	_ =	sdelay $0x4  }
0x22b: {  	[tilespmem:s4+$0xF248] =	vst v0  }
0x22c: {  	v0 =	vld [tilespmem:s0+$0xF258];
	_ =	sdelay $0x4  }
0x22d: {  	[tilespmem:s4+$0xF258] =	vst v0  }
0x22e: {  	v0 =	vld [tilespmem:s0+$0xF268];
	_ =	sdelay $0x4  }
0x22f: {  	[tilespmem:s4+$0xF268] =	vst v0  }
0x230: {  	v0 =	vld [tilespmem:s0+$0xF278];
	_ =	sdelay $0x4  }
0x231: {  	[tilespmem:s4+$0xF278] =	vst v0  }
0x232: {  	v0 =	vld [tilespmem:s0+$0xF288];
	_ =	sdelay $0x4  }
0x233: {  	[tilespmem:s4+$0xF288] =	vst v0  }
0x234: {  	v0 =	vld [tilespmem:s0+$0xF298];
	_ =	sdelay $0x4  }
0x235: {  	[tilespmem:s4+$0xF298] =	vst v0  }
0x236: {  	v0 =	vld [tilespmem:s0+$0xF2A8];
	_ =	sdelay $0x4  }
0x237: {  	s2 =	sadd.s32 $0x1, s2;
	[tilespmem:s4+$0xF2A8] =	vst v0  }
.LBB2_48:
0x238: {  	s3 =	sadd.s32 $0x1, s3  }
0x239: {  	p1 =	sne.s32 s3, $0x20  }
.Ltmp32:
0x23a: {  	_ = 	snop;
	(pc) =	sbr.rel @!p1 .LBB2_49-.Ltmp32, $1  }
0x23b: {  	_ =	sdelay $0x3  }
.LBB2_41:
0x23c: {  	v0 =	vld.msk [tilespmem:s3+$0xF218], $0x1;
	_ =	sdelay $0x4  }
0x23d: {  	(v2sf) =	vpush v0, $0x0;
	_ =	sdelay $0xe  }
0x23e: {  	s4 =	spop (v2sf)  }
0x23f: {  	p1 =	seq.s32 s4, $0xFFFFFFFF  }
.Ltmp33:
0x240: {  	_ = 	snop;
	(pc) =	sbr.rel @p1 .LBB2_48-.Ltmp33, $1  }
0x241: {  	_ =	sdelay $0x3  }
0x242: {  	p1 =	slt.s32 s2, $0x1  }
.Ltmp34:
0x243: {  	_ = 	snop;
	(pc) =	sbr.rel @p1 .LBB2_47-.Ltmp34, $1  }
0x244: {  	_ =	sdelay $0x3  }
0x245: {  	s5 =	simm.s32 $0xF218;
	p1 =	por $0x0, $0x0  }
0x246: {  	v1 =	vld.msk @!p1 [tilespmem:s5+$0x0], $0x1;
	_ =	sdelay $0x4  }
0x247: {  	(v2sf) =	vpush @!p1 v1, $0x0;
	_ =	sdelay $0xd  }
0x248: {  	p3 =	sne.s32 s2, $0x1  }
.Ltmp35:
0x249: {  	s0 =	spop @!p1 (v2sf);
	(pc) =	sbr.rel @!p3 .LBB2_45-.Ltmp35, $4  }
0x24a: {  	p2 =	seq.s32 @!p1 s4, s0  }
0x24b: {  	s6 =	simm.s32 $0x0;
	p2 =	por !p2, p1  }
0x24c: {  	s7 =	simm.s32 $0xFFFFFFFF;
	s6 =	simm.s32 @p2 $0xFFFFFFFF  }
0x24d: {  	s0 =	simm.s32 $0x1;
	s6 =	smov.u32 @p1 s7  }
.LBB2_44:
0x24e: {  	s7 =	smov.u32 s6;
	p1 =	sne.s32 s6, $0xFFFFFFFF  }
0x24f: {  	s5 =	sadd.s32 $0x1, s5;
	s6 =	smov.u32 s0;
	s0 =	sadd.s32 $0x1, s0  }
0x250: {  	p2 =	sne.s32 s2, s0;
	v1 =	vld.msk @!p1 [tilespmem:s5+$0x0], $0x1;
	_ =	sdelay $0x4  }
0x251: {  	(v2sf) =	vpush @!p1 v1, $0x0;
	_ =	sdelay $0xe  }
.Ltmp36:
0x252: {  	s8 =	spop @!p1 (v2sf);
	(pc) =	sbr.rel @p2 .LBB2_44-.Ltmp36, $4  }
0x253: {  	p3 =	seq.s32 @!p1 s4, s8  }
0x254: {  	p3 =	por !p3, p1  }
0x255: {  	s6 =	simm.s32 @p3 $0xFFFFFFFF  }
0x256: {  	s6 =	smov.u32 @p1 s7  }
.LBB2_45:
0x257: {  	p1 =	seq.s32 s6, $0xFFFFFFFF  }
.Ltmp37:
0x258: {  	_ = 	snop;
	(pc) =	sbr.rel @p1 .LBB2_47-.Ltmp37, $1  }
0x259: {  	_ =	sdelay $0x3  }
0x25a: {  	s0 =	sshll.u32 s3, $0x7  }
0x25b: {  	s0 =	sand.u32 $0x3FFFFF80, s0  }
0x25c: {  	v0 =	vld [tilespmem:s0+$0xF238];
	_ =	sdelay $0x2  }
0x25d: {  	s4 =	sshll.u32 s6, $0x9  }
0x25e: {  	s4 =	sshra.s32 s4, $0x2  }
0x25f: {  	[tilespmem:s4+$0xF238] =	vst.add.f32.msk $0xffff, v0  }
0x260: {  	v0 =	vld [tilespmem:s0+$0xF248];
	_ =	sdelay $0x4  }
0x261: {  	[tilespmem:s4+$0xF248] =	vst.add.f32.msk $0xffff, v0  }
0x262: {  	v0 =	vld [tilespmem:s0+$0xF258];
	_ =	sdelay $0x4  }
0x263: {  	[tilespmem:s4+$0xF258] =	vst.add.f32.msk $0xffff, v0  }
0x264: {  	v0 =	vld [tilespmem:s0+$0xF268];
	_ =	sdelay $0x4  }
0x265: {  	[tilespmem:s4+$0xF268] =	vst.add.f32.msk $0xffff, v0  }
0x266: {  	v0 =	vld [tilespmem:s0+$0xF278];
	_ =	sdelay $0x4  }
0x267: {  	[tilespmem:s4+$0xF278] =	vst.add.f32.msk $0xffff, v0  }
0x268: {  	v0 =	vld [tilespmem:s0+$0xF288];
	_ =	sdelay $0x4  }
0x269: {  	[tilespmem:s4+$0xF288] =	vst.add.f32.msk $0xffff, v0  }
0x26a: {  	v0 =	vld [tilespmem:s0+$0xF298];
	_ =	sdelay $0x4  }
0x26b: {  	[tilespmem:s4+$0xF298] =	vst.add.f32.msk $0xffff, v0  }
0x26c: {  	v0 =	vld [tilespmem:s0+$0xF2A8]  }
.Ltmp38:
0x26d: {  	_ = 	snop;
	(pc) =	sbr.rel .LBB2_48-.Ltmp38, $2  }
0x26e: {  	_ =	sdelay $0x2  }
0x26f: {  	[tilespmem:s4+$0xF2A8] =	vst.add.f32.msk $0xffff, v0  }
.LBB2_49:
0x270: {  	p1 =	slt.s32 s2, $0x1  }
.Ltmp39:
0x271: {  	_ = 	snop;
	(pc) =	sbr.rel @p1 .LBB2_53-.Ltmp39, $3  }
0x272: {  	_ =	sdelay $0x1  }
0x273: {  	s0 =	simm.s32 $0x8  }
0x274: {  	s3 =	simm.s32 $0x0;
	[sflag:s0] =	ssyncpa.u1 $0x1  }
0x275: {  	s0 =	simm.s32 $0xF218  }
0x276: {  	v0 =	vld.msk [tilespmem:s0+$0x0], $0x1;
	_ =	sdelay $0x4  }
0x277: {  	(v2sf) =	vpush v0, $0x0;
	_ =	sdelay $0xe  }
0x278: {  	s0 =	sadd.s32 $0xFFFFFFFF, s2;
	s5 =	spop (v2sf)  }
0x279: {  	p2 =	sne.s32 s0, $0x0;
	p1 =	sgt.u32 s5, $0x270F0  }
.Ltmp40:
0x27a: {  	s6 =	sand.u32 @!p1 $0x3FFF8, s5;
	(pc) =	sbr.rel @!p2 .LBB2_52-.Ltmp40, $4  }
0x27b: {  	s4 =	simm.s32 $0xF238;
	s5 =	sand.u32 @!p1 $0x7, s5;
	s2 =	sadd.s32 @!p1 s1, s6  }
0x27c: {  	[hbm4b:s2+s5] =	stream.linear.scatter @!p1 [tilespmem:s4], [sflag:$0x7], $0x80, $0x38;
	[tilespmem:$0x1F6F8] =	vst v63  }
0x27d: {  	s5 =	simm.s32 $0x0  }
0x27e: {  	s2 =	simm.s32 $0xF219;
	s5 =	simm.s32 @!p1 $0x200  }
.LBB2_51:
0x27f: {  	v0 =	vld.msk [tilespmem:s2+$0x0], $0x1;
	s0 =	sadd.s32 $0xFFFFFFFF, s0;
	s3 =	sadd.s32 s3, s5  }
0x280: {  	p1 =	sne.s32 s0, $0x0;
	_ =	sdelay $0x3  }
0x281: {  	(v2sf) =	vpush v0, $0x0;
	_ =	sdelay $0xe  }
.Ltmp41:
0x282: {  	s6 =	spop (v2sf);
	(pc) =	sbr.rel @p1 .LBB2_51-.Ltmp41, $4  }
0x283: {  	s5 =	simm.s32 $0x0;
	p2 =	sgt.u32 s6, $0x270F0  }
0x284: {  	s4 =	sadd.s32 $0x80, s4;
	s5 =	simm.s32 @!p2 $0x200;
	s7 =	sand.u32 @!p2 $0x3FFF8, s6  }
0x285: {  	s2 =	sadd.s32 $0x1, s2;
	s6 =	sand.u32 @!p2 $0x7, s6;
	s7 =	sadd.s32 @!p2 s1, s7  }
0x286: {  	[hbm4b:s7+s6] =	stream.linear.scatter @!p2 [tilespmem:s4], [sflag:$0x7], $0x80, $0x38;
	[tilespmem:$0x1F6F8] =	vst v63  }
.LBB2_52:
0x287: {  	s0 =	sadd.s32 s3, s5  }
0x288: {  	s3 =	sshrl.u32 s0, $0x2  }
.LBB2_53:
0x289: {  	s0 =	simm.s32 $0x7  }
0x28a: {  	_ =	swait.ge [sflag:s0], s3  }
0x28b: {  	s1 =	ssub.s32 $0x0, s3;
	[sflag:s0] =	ssyncset.done $0x0  }
0x28c: {  	[sflag:s0] =	ssyncadd.s32 s1  }
0x28d: {  	[sflag:s0] =	ssyncpa.u1 $0x1  }
.LBB2_54:
0x28e: {  	_ =	sfence;
	s0 =	simm.s32 $0x1  }
0x28f: {  	[sflag:s0] =	ssyncpa.u1 $0x1  }
0x290: {  	_ =	strace $0x9000004D  }
0x291: {  	[bflag:$0x2] =	sbarrier.arrive $0xFFFF  }
0x292: {  	s0 =	rddreg [dreg:$0x3]  }
0x293: {  	s0 =	sadd.s32 @!p0 $0x100000, s0  }
0x294: {  	[sflag:s0] =	ssyncadd.tile.s32 @!p0 $0x1;
	_ =	shalt  }
.Lfunc_end2:
_tile_overlayer_lowered:
.L_overlay_start_2:
0x295: {  	(tag) =	ssettag $0x2  }
0x296: {  	s0 =	rddreg [dreg:$0x0];
	s2 =	stileid.u32  }
0x297: {  	s1 =	rddreg [dreg:$0x1];
	p0 =	sne.s32 s2, $0x0  }
0x298: {  	s3 =	rddreg [dreg:$0x2];
	[bflag:$0x3] =	sbarrier.arrive $0xFFFF;
	s2 =	simm.s32 @!p0 $0x1C01  }
0x299: {  	[timem:s3], [sflag:s2] =	dma.local @!p0 [hbm:s0], s1  }
0x29a: {  	s0 =	simm.s32 @!p0 $0x1  }
0x29b: {  	_ =	swait.ge @!p0 [sflag:s0], s1  }
0x29c: {  	s1 =	ssub.s32 @!p0 $0x0, s1;
	[sflag:s0] =	ssyncset.done @!p0 $0x0  }
0x29d: {  	[sflag:s0] =	ssyncadd.s32 @!p0 s1  }
0x29e: {  	[bflag:$0x3] =	sbarrier.arrive $0xFFFF  }
0x29f: {  	_ =	shalt  }

</sc_bundles>
